<compile_context>
chip_gen: v7x
topology: tpu7x:2x2x1
jax: 0.10.2.dev20260603
libtpu: 0.0.44.dev20260713+nightly
codegen_flags: <defaults>
</compile_context>

<pallas_src>
import jax
import jax.numpy as jnp
from jax import lax
from jax.experimental import pallas as pl
from jax.experimental.pallas import tpu as pltpu
from jax.experimental.pallas import tpu_sc as plsc

N = 10000
E = 160000
DIN = 256
DHID = 512
DOUT = 256

BLK = 400
NB = N // BLK

_NC = 2
_NS = 16
_NW = _NC * _NS
_EPW = E // _NW


def _k1_body(x_ref, w_ref, degp_ref, hs_ref, dinv_ref, cnti_ref):
    h = jnp.dot(x_ref[...], w_ref[...], preferred_element_type=jnp.float32)
    deg = jnp.sum(degp_ref[...], axis=1) + 1.0
    dinv = jax.lax.rsqrt(deg)
    hs_ref[...] = h * dinv[:, None]
    dinv_ref[...] = dinv[:, None]
    cnti_ref[...] = (1.0 / jnp.maximum(deg - 1.0, 1.0))[:, None]


def _run_k1(x, W1, degp):
    return pl.pallas_call(
        _k1_body,
        grid=(NB,),
        in_specs=[
            pl.BlockSpec((BLK, DIN), lambda i: (i, 0)),
            pl.BlockSpec((DIN, DHID), lambda i: (0, 0)),
            pl.BlockSpec((BLK, _NW), lambda i: (i, 0)),
        ],
        out_specs=[
            pl.BlockSpec((BLK, DHID), lambda i: (i, 0)),
            pl.BlockSpec((BLK, 1), lambda i: (i, 0)),
            pl.BlockSpec((BLK, 1), lambda i: (i, 0)),
        ],
        out_shape=[
            jax.ShapeDtypeStruct((N, DHID), jnp.float32),
            jax.ShapeDtypeStruct((N, 1), jnp.float32),
            jax.ShapeDtypeStruct((N, 1), jnp.float32),
        ],
    )(x, W1, degp)


def _k2a_body(s1_ref, hs_ref, dinv_ref, b1_ref, pre_ref, acc_ref):
    j = pl.program_id(0)
    pre = dinv_ref[...] * (s1_ref[...] + hs_ref[...]) + b1_ref[...]
    pre_ref[...] = pre

    @pl.when(j == 0)
    def _():
        acc_ref[...] = jnp.zeros_like(acc_ref)
    acc_ref[0, :] += jnp.sum(pre, axis=0)
    acc_ref[1, :] += jnp.sum(pre * pre, axis=0)


def _bn_body(pre_ref, acc_ref, g_ref, be_ref, out_ref):
    mean = acc_ref[0, :] / N
    var = acc_ref[1, :] / N - mean * mean
    h = (pre_ref[...] - mean) * jax.lax.rsqrt(var + 1e-5) * g_ref[0, :] \
        + be_ref[0, :]
    out_ref[...] = jnp.maximum(h, 0.0)


def _run_bn(pre, acc, g, be):
    d = pre.shape[1]
    vec = pl.BlockSpec((1, d), lambda j: (0, 0))
    return pl.pallas_call(
        _bn_body,
        grid=(NB,),
        in_specs=[pl.BlockSpec((BLK, d), lambda j: (j, 0)),
                  pl.BlockSpec((2, d), lambda j: (0, 0)),
                  vec, vec],
        out_specs=pl.BlockSpec((BLK, d), lambda j: (j, 0)),
        out_shape=jax.ShapeDtypeStruct((N, d), jnp.float32),
    )(pre, acc, g, be)


def _run_k2(s1, hs, dinv, b1, g1, be1):
    row = pl.BlockSpec((BLK, DHID), lambda j: (j, 0))
    vec = pl.BlockSpec((1, DHID), lambda j: (0, 0))
    pre, acc = pl.pallas_call(
        _k2a_body,
        grid=(NB,),
        in_specs=[row, row,
                  pl.BlockSpec((BLK, 1), lambda j: (j, 0)), vec],
        out_specs=[row, pl.BlockSpec((2, DHID), lambda j: (0, 0))],
        out_shape=[
            jax.ShapeDtypeStruct((N, DHID), jnp.float32),
            jax.ShapeDtypeStruct((2, DHID), jnp.float32),
        ],
    )(s1, hs, dinv, b1)
    return _run_bn(pre, acc, g1, be1)


def _k3a_body(s2_ref, h2_ref, cnti_ref, wl_ref, wr_ref, bl_ref,
              pre_ref, acc_ref):
    j = pl.program_id(0)
    agg = s2_ref[...] * cnti_ref[...]
    pre = (jnp.dot(agg, wl_ref[...], preferred_element_type=jnp.float32)
           + jnp.dot(h2_ref[...], wr_ref[...],
                     preferred_element_type=jnp.float32)
           + bl_ref[...])
    pre_ref[...] = pre

    @pl.when(j == 0)
    def _():
        acc_ref[...] = jnp.zeros_like(acc_ref)
    acc_ref[0, :] += jnp.sum(pre, axis=0)
    acc_ref[1, :] += jnp.sum(pre * pre, axis=0)


def _run_k3(s2, h2, cnti, Wl, Wr, bl, g2, be2):
    row = pl.BlockSpec((BLK, DHID), lambda j: (j, 0))
    vec = pl.BlockSpec((1, DOUT), lambda j: (0, 0))
    wspec = pl.BlockSpec((DHID, DOUT), lambda j: (0, 0))
    pre, acc = pl.pallas_call(
        _k3a_body,
        grid=(NB,),
        in_specs=[row, row,
                  pl.BlockSpec((BLK, 1), lambda j: (j, 0)),
                  wspec, wspec, vec],
        out_specs=[pl.BlockSpec((BLK, DOUT), lambda j: (j, 0)),
                   pl.BlockSpec((2, DOUT), lambda j: (0, 0))],
        out_shape=[
            jax.ShapeDtypeStruct((N, DOUT), jnp.float32),
            jax.ShapeDtypeStruct((2, DOUT), jnp.float32),
        ],
    )(s2, h2, cnti, Wl, Wr, bl)
    return _run_bn(pre, acc, g2, be2)


def _deg_sc_body(dst_hbm, out_hbm, dst_v, hist_v):
    c = lax.axis_index("c")
    s = lax.axis_index("s")
    wid = s * _NC + c

    pltpu.sync_copy(dst_hbm.at[pl.ds(wid * _EPW, _EPW)],
                    dst_v.at[pl.ds(0, _EPW)])

    def zbody(i, carry):
        hist_v[pl.ds(i * 16, 16)] = jnp.zeros((16,), jnp.float32)
        return carry
    lax.fori_loop(0, N // 16, zbody, 0)

    ones = jnp.full((16,), 1.0, jnp.float32)
    nfull = _EPW // 16

    def body(k, carry):
        idx = dst_v[pl.ds(k * 16, 16)]
        plsc.addupdate_scatter(hist_v, [idx], ones)
        return carry
    lax.fori_loop(0, nfull, body, 0)

    rem = _EPW - nfull * 16
    if rem:
        lane = lax.broadcasted_iota(jnp.int32, (16,), 0)
        idx = dst_v[pl.ds(nfull * 16, 16)]
        plsc.addupdate_scatter(hist_v, [idx], ones, mask=lane < rem)

    pltpu.sync_copy(hist_v, out_hbm.at[wid])


def _sc_degree(dst):
    mesh = plsc.VectorSubcoreMesh(core_axis_name="c", subcore_axis_name="s")
    return pl.kernel(
        _deg_sc_body,
        out_type=jax.ShapeDtypeStruct((_NW, N), jnp.float32),
        mesh=mesh,
        scratch_types=[
            pltpu.VMEM((_EPW + 16,), jnp.int32),
            pltpu.VMEM((N,), jnp.float32),
        ],
        compiler_params=pltpu.CompilerParams(needs_layout_passes=False),
    )(dst)


_CPT = 8
_CPW = _CPT // 2
_NG = DHID // _CPT
_NP = _NG // _NW
_EW = 4000
_NWIN = E // _EW
_UNR = 10


def _scat_sc_body(src_hbm, dst_hbm, tab_hbm, z_hbm, out_hbm,
                  stage, acc, sbuf, dbuf):
    c = lax.axis_index("c")
    s = lax.axis_index("s")
    wid = s * _NC + c
    rvw = [jnp.full((16,), w, jnp.int32) for w in range(_CPW)]
    rvc = [jnp.full((16,), cc, jnp.int32) for cc in range(_CPT)]

    for p in range(_NP):
        g = p * _NW + wid
        pltpu.sync_copy(tab_hbm.at[g], stage)
        pltpu.sync_copy(z_hbm, acc)

        def win(w, carry):
            pltpu.sync_copy(src_hbm.at[pl.ds(w * _EW, _EW)], sbuf)
            pltpu.sync_copy(dst_hbm.at[pl.ds(w * _EW, _EW)], dbuf)

            def chunk(k, carry2):
                sis = [sbuf[pl.ds((k * _UNR + u) * 16, 16)]
                       for u in range(_UNR)]
                dis = [dbuf[pl.ds((k * _UNR + u) * 16, 16)]
                       for u in range(_UNR)]
                for u in range(_UNR):
                    for w2 in range(_CPW):
                        wd = plsc.load_gather(stage, [rvw[w2], sis[u]])
                        ab = plsc.bitcast(wd, jnp.bfloat16)
                        va, vb = plsc.unpack(
                            ab, format=plsc.PackFormat.INTERLEAVED)
                        plsc.addupdate_scatter(
                            acc, [rvc[2 * w2], dis[u]],
                            va.astype(jnp.float32))
                        plsc.addupdate_scatter(
                            acc, [rvc[2 * w2 + 1], dis[u]],
                            vb.astype(jnp.float32))
                return carry2
            lax.fori_loop(0, _EW // 16 // _UNR, chunk, 0)
            return carry
        lax.fori_loop(0, _NWIN, win, 0)

        pltpu.sync_copy(acc, out_hbm.at[g])


def _sc_scatter(src, dst, tab_p3, z8):
    mesh = plsc.VectorSubcoreMesh(core_axis_name="c", subcore_axis_name="s")
    return pl.kernel(
        _scat_sc_body,
        out_type=jax.ShapeDtypeStruct((_NG, _CPT, N), jnp.float32),
        mesh=mesh,
        scratch_types=[
            pltpu.VMEM((_CPW, N), jnp.int32),
            pltpu.VMEM((_CPT, N), jnp.float32),
            pltpu.VMEM((_EW,), jnp.int32),
            pltpu.VMEM((_EW,), jnp.int32),
        ],
        compiler_params=pltpu.CompilerParams(needs_layout_passes=False),
    )(src, dst, tab_p3, z8)


def kernel(x, edge_index, W1, b1, g1, beta1, Wl, bl, Wr, g2, beta2):
    src = edge_index[0].astype(jnp.int32)
    dst = edge_index[1].astype(jnp.int32)
    z8 = jnp.zeros((_CPT, N), jnp.float32)

    def pack_t3(t):
        tb = t.astype(jnp.bfloat16).reshape(N, DHID // 2, 2)
        w = jax.lax.bitcast_convert_type(tb, jnp.int32)
        return w.T.reshape(_NG, _CPW, N)

    degp = _sc_degree(dst).T
    hs, dinv, cnti = _run_k1(x, W1, degp)
    s1 = _sc_scatter(src, dst, pack_t3(hs), z8).reshape(DHID, N).T
    h2 = _run_k2(s1, hs, dinv, b1.reshape(1, DHID),
                 g1.reshape(1, DHID), beta1.reshape(1, DHID))
    s2 = _sc_scatter(src, dst, pack_t3(h2), z8).reshape(DHID, N).T
    out = _run_k3(s2, h2, cnti, Wl, Wr, bl.reshape(1, DOUT),
                  g2.reshape(1, DOUT), beta2.reshape(1, DOUT))
    return out

# --- scband reference (transcript-rebuilt; emitter-appended) ---
"""Pipeline reference for scband-gcn-src-80582176407950 (READ-ONLY COPY).

The authoritative reference and input builder live on the scoring server;
editing this copy changes nothing except your own understanding.
"""

import jax, jax.numpy as jnp
import numpy as np

N = 10000
E = 160000
DIN = 256
DHID = 512  # input_bands * 2
DOUT = 256


def setup_inputs(seed: int = 0) -> dict:
    key = jax.random.key(seed)
    ks = jax.random.split(key, 12)
    x = jax.random.normal(ks[0], (N, DIN), dtype=jnp.float32)
    edge_index = jax.random.randint(ks[1], (2, E), 0, N, dtype=jnp.int32).astype(jnp.int64)
    # GCNConv params (in=DIN, out=DHID)
    W1 = jax.random.normal(ks[2], (DIN, DHID), dtype=jnp.float32) * (1.0 / np.sqrt(DIN))
    b1 = jnp.zeros((DHID,), dtype=jnp.float32)
    # BatchNorm1d(DHID)
    g1 = jnp.ones((DHID,), dtype=jnp.float32)
    beta1 = jnp.zeros((DHID,), dtype=jnp.float32)
    # SAGEConv params (in=DHID, out=DOUT): lin_l on aggregated neighbors (with bias), lin_r on root
    Wl = jax.random.normal(ks[3], (DHID, DOUT), dtype=jnp.float32) * (1.0 / np.sqrt(DHID))
    bl = jnp.zeros((DOUT,), dtype=jnp.float32)
    Wr = jax.random.normal(ks[4], (DHID, DOUT), dtype=jnp.float32) * (1.0 / np.sqrt(DHID))
    # BatchNorm1d(DOUT)
    g2 = jnp.ones((DOUT,), dtype=jnp.float32)
    beta2 = jnp.zeros((DOUT,), dtype=jnp.float32)
    return {"x": x, "edge_index": edge_index, "W1": W1, "b1": b1, "g1": g1,
            "beta1": beta1, "Wl": Wl, "bl": bl, "Wr": Wr, "g2": g2, "beta2": beta2}


def _gcn_conv(x, edge_index, W, b):
    n = x.shape[0]
    src = edge_index[0]
    dst = edge_index[1]
    loop = jnp.arange(n, dtype=src.dtype)
    src = jnp.concatenate([src, loop])
    dst = jnp.concatenate([dst, loop])
    ones = jnp.ones(src.shape[0], dtype=jnp.float32)
    deg = jnp.zeros((n,), dtype=jnp.float32).at[dst].add(ones)
    deg_inv_sqrt = jnp.where(deg > 0, 1.0 / jnp.sqrt(deg), 0.0)
    norm = deg_inv_sqrt[src] * deg_inv_sqrt[dst]
    h = x @ W
    msg = h[src] * norm[:, None]
    out = jnp.zeros((n, h.shape[1]), dtype=h.dtype).at[dst].add(msg)
    return out + b


def _sage_conv(x, edge_index, Wl, bl, Wr):
    n = x.shape[0]
    src = edge_index[0]
    dst = edge_index[1]
    agg_sum = jnp.zeros((n, x.shape[1]), dtype=x.dtype).at[dst].add(x[src])
    cnt = jnp.zeros((n,), dtype=jnp.float32).at[dst].add(jnp.ones(src.shape[0], dtype=jnp.float32))
    agg = agg_sum / jnp.clip(cnt, 1.0)[:, None]
    return agg @ Wl + bl + x @ Wr


def _batchnorm(h, gamma, beta, eps=1e-5):
    mu = jnp.mean(h, axis=0)
    var = jnp.var(h, axis=0)
    return (h - mu) / jnp.sqrt(var + eps) * gamma + beta


def reference(x, edge_index, W1, b1, g1, beta1, Wl, bl, Wr, g2, beta2):
    h = _gcn_conv(x, edge_index, W1, b1)
    h = _batchnorm(h, g1, beta1)
    h = jax.nn.relu(h)
    # dropout treated as identity (deterministic reference)
    h = _sage_conv(h, edge_index, Wl, bl, Wr)
    h = _batchnorm(h, g2, beta2)
    h = jax.nn.relu(h)
    return h

if __name__ == "__main__":
    import jax
    _d = setup_inputs()
    print(jax.jit(kernel)(*tuple(_d.values())))

</pallas_src>

<mosaic_0001>
#map = affine_map<(d0, d1) -> (0)>
#map1 = affine_map<(d0, d1) -> (0, 0, 0)>
#map2 = affine_map<(d0, d1) -> (0, 0)>
module attributes {stable_mosaic.version = 14 : i64} {
  func.func @_scat_sc_body(%arg0: i32, %arg1: i32, %arg2: memref<160000xi32, #tpu.memory_space<hbm>>, %arg3: memref<160000xi32, #tpu.memory_space<hbm>>, %arg4: memref<64x4x10000xi32, #tpu.memory_space<hbm>>, %arg5: memref<8x10000xf32, #tpu.memory_space<hbm>>, %arg6: memref<64x8x10000xf32, #tpu.memory_space<hbm>>, %arg7: memref<4x10000xi32, #tpu.memory_space<vmem>>, %arg8: memref<8x10000xf32, #tpu.memory_space<vmem>>, %arg9: memref<4000xi32, #tpu.memory_space<vmem>>, %arg10: memref<4000xi32, #tpu.memory_space<vmem>>) attributes {dimension_semantics = [#tpu.dimension_semantics<core_parallel>, #tpu.dimension_semantics<subcore_parallel>], iteration_bounds = array<i64: 2, 16>, scalar_prefetch = 0 : i64, scratch_operands = 4 : i64, tpu.core_type = #tpu.core_type<sc_vector_subcore>, window_params = [{transform_indices = #map}, {transform_indices = #map}, {transform_indices = #map1}, {transform_indices = #map2}, {transform_indices = #map1}]} {
    %mul3A = arith.constant 2 : i32
    %mul3A_0 = arith.muli %arg1, %mul3A : i32
    %add3A = arith.addi %mul3A_0, %arg0 : i32
    %broadcast_in_dim3A = arith.constant 0 : i32
    %broadcast_in_dim3A_1 = vector.broadcast %broadcast_in_dim3A : i32 to vector<16xi32>
    %broadcast_in_dim3A_2 = arith.constant 1 : i32
    %broadcast_in_dim3A_3 = vector.broadcast %broadcast_in_dim3A_2 : i32 to vector<16xi32>
    %broadcast_in_dim3A_4 = arith.constant 2 : i32
    %broadcast_in_dim3A_5 = vector.broadcast %broadcast_in_dim3A_4 : i32 to vector<16xi32>
    %broadcast_in_dim3A_6 = arith.constant 3 : i32
    %broadcast_in_dim3A_7 = vector.broadcast %broadcast_in_dim3A_6 : i32 to vector<16xi32>
    %broadcast_in_dim3A_8 = arith.constant 0 : i32
    %broadcast_in_dim3A_9 = vector.broadcast %broadcast_in_dim3A_8 : i32 to vector<16xi32>
    %broadcast_in_dim3A_10 = arith.constant 1 : i32
    %broadcast_in_dim3A_11 = vector.broadcast %broadcast_in_dim3A_10 : i32 to vector<16xi32>
    %broadcast_in_dim3A_12 = arith.constant 2 : i32
    %broadcast_in_dim3A_13 = vector.broadcast %broadcast_in_dim3A_12 : i32 to vector<16xi32>
    %broadcast_in_dim3A_14 = arith.constant 3 : i32
    %broadcast_in_dim3A_15 = vector.broadcast %broadcast_in_dim3A_14 : i32 to vector<16xi32>
    %broadcast_in_dim3A_16 = arith.constant 4 : i32
    %broadcast_in_dim3A_17 = vector.broadcast %broadcast_in_dim3A_16 : i32 to vector<16xi32>
    %broadcast_in_dim3A_18 = arith.constant 5 : i32
    %broadcast_in_dim3A_19 = vector.broadcast %broadcast_in_dim3A_18 : i32 to vector<16xi32>
    %broadcast_in_dim3A_20 = arith.constant 6 : i32
    %broadcast_in_dim3A_21 = vector.broadcast %broadcast_in_dim3A_20 : i32 to vector<16xi32>
    %broadcast_in_dim3A_22 = arith.constant 7 : i32
    %broadcast_in_dim3A_23 = vector.broadcast %broadcast_in_dim3A_22 : i32 to vector<16xi32>
    %add3A_24 = arith.constant 0 : i32
    %add3A_25 = arith.addi %add3A_24, %add3A : i32
    "tpu.region"() ({
      %run_scoped3A = tpu.sem_alloc : memref<!tpu.dma_semaphore, #tpu.memory_space<semaphore_mem>>
      %dma_start3A = arith.constant 0 : i32
      %dma_start3A_39 = arith.constant 0 : i32
      %dma_start3A_40 = tpu.memref_slice %arg4[%add3A_25, %dma_start3A, %dma_start3A_39] : memref<64x4x10000xi32, #tpu.memory_space<hbm>> -> memref<1x4x10000xi32, #tpu.memory_space<hbm>>
      %dma_start3A_41 = tpu.memref_squeeze %dma_start3A_40 : memref<1x4x10000xi32, #tpu.memory_space<hbm>> -> memref<4x10000xi32, #tpu.memory_space<hbm>>
      %dma_start3A_42 = arith.constant 0 : i32
      %dma_start3A_43 = arith.constant 0 : i32
      %dma_start3A_44 = tpu.memref_slice %arg4[%add3A_25, %dma_start3A_42, %dma_start3A_43] : memref<64x4x10000xi32, #tpu.memory_space<hbm>> -> memref<1x4x10000xi32, #tpu.memory_space<hbm>>
      %dma_start3A_45 = tpu.memref_squeeze %dma_start3A_44 : memref<1x4x10000xi32, #tpu.memory_space<hbm>> -> memref<4x10000xi32, #tpu.memory_space<hbm>>
      tpu.enqueue_dma source(%dma_start3A_45 : memref<4x10000xi32, #tpu.memory_space<hbm>>) target(%arg7 : memref<4x10000xi32, #tpu.memory_space<vmem>>) target_semaphore(%run_scoped3A : memref<!tpu.dma_semaphore, #tpu.memory_space<semaphore_mem>>)
      %dma_wait3A = arith.constant 0 : i32
      %dma_wait3A_46 = arith.constant 0 : i32
      %dma_wait3A_47 = tpu.memref_slice %arg4[%add3A_25, %dma_wait3A, %dma_wait3A_46] : memref<64x4x10000xi32, #tpu.memory_space<hbm>> -> memref<1x4x10000xi32, #tpu.memory_space<hbm>>
      %dma_wait3A_48 = tpu.memref_squeeze %dma_wait3A_47 : memref<1x4x10000xi32, #tpu.memory_space<hbm>> -> memref<4x10000xi32, #tpu.memory_space<hbm>>
      %dma_wait3A_49 = arith.constant 0 : i32
      %dma_wait3A_50 = arith.constant 0 : i32
      %dma_wait3A_51 = tpu.memref_slice %arg4[%add3A_25, %dma_wait3A_49, %dma_wait3A_50] : memref<64x4x10000xi32, #tpu.memory_space<hbm>> -> memref<1x4x10000xi32, #tpu.memory_space<hbm>>
      %dma_wait3A_52 = tpu.memref_squeeze %dma_wait3A_51 : memref<1x4x10000xi32, #tpu.memory_space<hbm>> -> memref<4x10000xi32, #tpu.memory_space<hbm>>
      tpu.wait_dma2 semaphore(%run_scoped3A : memref<!tpu.dma_semaphore, #tpu.memory_space<semaphore_mem>>) src(%dma_wait3A_52 : memref<4x10000xi32, #tpu.memory_space<hbm>>) dst(%arg7 : memref<4x10000xi32, #tpu.memory_space<vmem>>)
      tpu.yield
    }) : () -> ()
    "tpu.region"() ({
      %run_scoped3A = tpu.sem_alloc : memref<!tpu.dma_semaphore, #tpu.memory_space<semaphore_mem>>
      tpu.enqueue_dma source(%arg5 : memref<8x10000xf32, #tpu.memory_space<hbm>>) target(%arg8 : memref<8x10000xf32, #tpu.memory_space<vmem>>) target_semaphore(%run_scoped3A : memref<!tpu.dma_semaphore, #tpu.memory_space<semaphore_mem>>)
      tpu.wait_dma2 semaphore(%run_scoped3A : memref<!tpu.dma_semaphore, #tpu.memory_space<semaphore_mem>>) src(%arg5 : memref<8x10000xf32, #tpu.memory_space<hbm>>) dst(%arg8 : memref<8x10000xf32, #tpu.memory_space<vmem>>)
      tpu.yield
    }) : () -> ()
    %scan3A = arith.constant 0 : i32
    %scan3A_26 = arith.constant 0 : i32
    %scan3A_27 = arith.constant 40 : i32
    %scan3A_28 = arith.addi %scan3A_26, %scan3A_27 : i32
    %scan3A_29 = arith.constant 1 : i32
    scf.for %scan3A_39 = %scan3A_26 to %scan3A_28 step %scan3A_29  : i32 {
      %mul3A_40 = arith.constant 4000 : i32
      %mul3A_41 = arith.muli %scan3A_39, %mul3A_40 : i32
      "tpu.region"() ({
        %run_scoped3A = tpu.sem_alloc : memref<!tpu.dma_semaphore, #tpu.memory_space<semaphore_mem>>
        %dma_start3A = tpu.memref_slice %arg2[%mul3A_41] : memref<160000xi32, #tpu.memory_space<hbm>> -> memref<4000xi32, #tpu.memory_space<hbm>>
        %dma_start3A_50 = tpu.memref_slice %arg2[%mul3A_41] : memref<160000xi32, #tpu.memory_space<hbm>> -> memref<4000xi32, #tpu.memory_space<hbm>>
        tpu.enqueue_dma source(%dma_start3A_50 : memref<4000xi32, #tpu.memory_space<hbm>>) target(%arg9 : memref<4000xi32, #tpu.memory_space<vmem>>) target_semaphore(%run_scoped3A : memref<!tpu.dma_semaphore, #tpu.memory_space<semaphore_mem>>)
        %dma_wait3A = tpu.memref_slice %arg2[%mul3A_41] : memref<160000xi32, #tpu.memory_space<hbm>> -> memref<4000xi32, #tpu.memory_space<hbm>>
        %dma_wait3A_51 = tpu.memref_slice %arg2[%mul3A_41] : memref<160000xi32, #tpu.memory_space<hbm>> -> memref<4000xi32, #tpu.memory_space<hbm>>
        tpu.wait_dma2 semaphore(%run_scoped3A : memref<!tpu.dma_semaphore, #tpu.memory_space<semaphore_mem>>) src(%dma_wait3A_51 : memref<4000xi32, #tpu.memory_space<hbm>>) dst(%arg9 : memref<4000xi32, #tpu.memory_space<vmem>>)
        tpu.yield
      }) : () -> ()
      %mul3A_42 = arith.constant 4000 : i32
      %mul3A_43 = arith.muli %scan3A_39, %mul3A_42 : i32
      "tpu.region"() ({
        %run_scoped3A = tpu.sem_alloc : memref<!tpu.dma_semaphore, #tpu.memory_space<semaphore_mem>>
        %dma_start3A = tpu.memref_slice %arg3[%mul3A_43] : memref<160000xi32, #tpu.memory_space<hbm>> -> memref<4000xi32, #tpu.memory_space<hbm>>
        %dma_start3A_50 = tpu.memref_slice %arg3[%mul3A_43] : memref<160000xi32, #tpu.memory_space<hbm>> -> memref<4000xi32, #tpu.memory_space<hbm>>
        tpu.enqueue_dma source(%dma_start3A_50 : memref<4000xi32, #tpu.memory_space<hbm>>) target(%arg10 : memref<4000xi32, #tpu.memory_space<vmem>>) target_semaphore(%run_scoped3A : memref<!tpu.dma_semaphore, #tpu.memory_space<semaphore_mem>>)
        %dma_wait3A = tpu.memref_slice %arg3[%mul3A_43] : memref<160000xi32, #tpu.memory_space<hbm>> -> memref<4000xi32, #tpu.memory_space<hbm>>
        %dma_wait3A_51 = tpu.memref_slice %arg3[%mul3A_43] : memref<160000xi32, #tpu.memory_space<hbm>> -> memref<4000xi32, #tpu.memory_space<hbm>>
        tpu.wait_dma2 semaphore(%run_scoped3A : memref<!tpu.dma_semaphore, #tpu.memory_space<semaphore_mem>>) src(%dma_wait3A_51 : memref<4000xi32, #tpu.memory_space<hbm>>) dst(%arg10 : memref<4000xi32, #tpu.memory_space<vmem>>)
        tpu.yield
      }) : () -> ()
      %scan3A_44 = arith.constant 0 : i32
      %scan3A_45 = arith.constant 0 : i32
      %scan3A_46 = arith.constant 25 : i32
      %scan3A_47 = arith.addi %scan3A_45, %scan3A_46 : i32
      %scan3A_48 = arith.constant 1 : i32
      scf.for %scan3A_50 = %scan3A_45 to %scan3A_47 step %scan3A_48  : i32 {
        %mul3A_51 = arith.constant 10 : i32
        %mul3A_52 = arith.muli %scan3A_50, %mul3A_51 : i32
        %add3A_53 = arith.constant 0 : i32
        %add3A_54 = arith.addi %mul3A_52, %add3A_53 : i32
        %mul3A_55 = arith.constant 16 : i32
        %mul3A_56 = arith.muli %add3A_54, %mul3A_55 : i32
        %get3A = arith.index_cast %mul3A_56 : i32 to index
        %get3A_57 = tpu.vector_load %arg9[%get3A] {strides = array<i32>} : memref<4000xi32, #tpu.memory_space<vmem>>, vector<16xi32>,
        %mul3A_58 = arith.constant 10 : i32
        %mul3A_59 = arith.muli %scan3A_50, %mul3A_58 : i32
        %add3A_60 = arith.constant 1 : i32
        %add3A_61 = arith.addi %mul3A_59, %add3A_60 : i32
        %mul3A_62 = arith.constant 16 : i32
        %mul3A_63 = arith.muli %add3A_61, %mul3A_62 : i32
        %get3A_64 = arith.index_cast %mul3A_63 : i32 to index
        %get3A_65 = tpu.vector_load %arg9[%get3A_64] {strides = array<i32>} : memref<4000xi32, #tpu.memory_space<vmem>>, vector<16xi32>,
        %mul3A_66 = arith.constant 10 : i32
        %mul3A_67 = arith.muli %scan3A_50, %mul3A_66 : i32
        %add3A_68 = arith.constant 2 : i32
        %add3A_69 = arith.addi %mul3A_67, %add3A_68 : i32
        %mul3A_70 = arith.constant 16 : i32
        %mul3A_71 = arith.muli %add3A_69, %mul3A_70 : i32
        %get3A_72 = arith.index_cast %mul3A_71 : i32 to index
        %get3A_73 = tpu.vector_load %arg9[%get3A_72] {strides = array<i32>} : memref<4000xi32, #tpu.memory_space<vmem>>, vector<16xi32>,
        %mul3A_74 = arith.constant 10 : i32
        %mul3A_75 = arith.muli %scan3A_50, %mul3A_74 : i32
        %add3A_76 = arith.constant 3 : i32
        %add3A_77 = arith.addi %mul3A_75, %add3A_76 : i32
        %mul3A_78 = arith.constant 16 : i32
        %mul3A_79 = arith.muli %add3A_77, %mul3A_78 : i32
        %get3A_80 = arith.index_cast %mul3A_79 : i32 to index
        %get3A_81 = tpu.vector_load %arg9[%get3A_80] {strides = array<i32>} : memref<4000xi32, #tpu.memory_space<vmem>>, vector<16xi32>,
        %mul3A_82 = arith.constant 10 : i32
        %mul3A_83 = arith.muli %scan3A_50, %mul3A_82 : i32
        %add3A_84 = arith.constant 4 : i32
        %add3A_85 = arith.addi %mul3A_83, %add3A_84 : i32
        %mul3A_86 = arith.constant 16 : i32
        %mul3A_87 = arith.muli %add3A_85, %mul3A_86 : i32
        %get3A_88 = arith.index_cast %mul3A_87 : i32 to index
        %get3A_89 = tpu.vector_load %arg9[%get3A_88] {strides = array<i32>} : memref<4000xi32, #tpu.memory_space<vmem>>, vector<16xi32>,
        %mul3A_90 = arith.constant 10 : i32
        %mul3A_91 = arith.muli %scan3A_50, %mul3A_90 : i32
        %add3A_92 = arith.constant 5 : i32
        %add3A_93 = arith.addi %mul3A_91, %add3A_92 : i32
        %mul3A_94 = arith.constant 16 : i32
        %mul3A_95 = arith.muli %add3A_93, %mul3A_94 : i32
        %get3A_96 = arith.index_cast %mul3A_95 : i32 to index
        %get3A_97 = tpu.vector_load %arg9[%get3A_96] {strides = array<i32>} : memref<4000xi32, #tpu.memory_space<vmem>>, vector<16xi32>,
        %mul3A_98 = arith.constant 10 : i32
        %mul3A_99 = arith.muli %scan3A_50, %mul3A_98 : i32
        %add3A_100 = arith.constant 6 : i32
        %add3A_101 = arith.addi %mul3A_99, %add3A_100 : i32
        %mul3A_102 = arith.constant 16 : i32
        %mul3A_103 = arith.muli %add3A_101, %mul3A_102 : i32
        %get3A_104 = arith.index_cast %mul3A_103 : i32 to index
        %get3A_105 = tpu.vector_load %arg9[%get3A_104] {strides = array<i32>} : memref<4000xi32, #tpu.memory_space<vmem>>, vector<16xi32>,
        %mul3A_106 = arith.constant 10 : i32
        %mul3A_107 = arith.muli %scan3A_50, %mul3A_106 : i32
        %add3A_108 = arith.constant 7 : i32
        %add3A_109 = arith.addi %mul3A_107, %add3A_108 : i32
        %mul3A_110 = arith.constant 16 : i32
        %mul3A_111 = arith.muli %add3A_109, %mul3A_110 : i32
        %get3A_112 = arith.index_cast %mul3A_111 : i32 to index
        %get3A_113 = tpu.vector_load %arg9[%get3A_112] {strides = array<i32>} : memref<4000xi32, #tpu.memory_space<vmem>>, vector<16xi32>,
        %mul3A_114 = arith.constant 10 : i32
        %mul3A_115 = arith.muli %scan3A_50, %mul3A_114 : i32
        %add3A_116 = arith.constant 8 : i32
        %add3A_117 = arith.addi %mul3A_115, %add3A_116 : i32
        %mul3A_118 = arith.constant 16 : i32
        %mul3A_119 = arith.muli %add3A_117, %mul3A_118 : i32
        %get3A_120 = arith.index_cast %mul3A_119 : i32 to index
        %get3A_121 = tpu.vector_load %arg9[%get3A_120] {strides = array<i32>} : memref<4000xi32, #tpu.memory_space<vmem>>, vector<16xi32>,
        %mul3A_122 = arith.constant 10 : i32
        %mul3A_123 = arith.muli %scan3A_50, %mul3A_122 : i32
        %add3A_124 = arith.constant 9 : i32
        %add3A_125 = arith.addi %mul3A_123, %add3A_124 : i32
        %mul3A_126 = arith.constant 16 : i32
        %mul3A_127 = arith.muli %add3A_125, %mul3A_126 : i32
        %get3A_128 = arith.index_cast %mul3A_127 : i32 to index
        %get3A_129 = tpu.vector_load %arg9[%get3A_128] {strides = array<i32>} : memref<4000xi32, #tpu.memory_space<vmem>>, vector<16xi32>,
        %mul3A_130 = arith.constant 10 : i32
        %mul3A_131 = arith.muli %scan3A_50, %mul3A_130 : i32
        %add3A_132 = arith.constant 0 : i32
        %add3A_133 = arith.addi %mul3A_131, %add3A_132 : i32
        %mul3A_134 = arith.constant 16 : i32
        %mul3A_135 = arith.muli %add3A_133, %mul3A_134 : i32
        %get3A_136 = arith.index_cast %mul3A_135 : i32 to index
        %get3A_137 = tpu.vector_load %arg10[%get3A_136] {strides = array<i32>} : memref<4000xi32, #tpu.memory_space<vmem>>, vector<16xi32>,
        %mul3A_138 = arith.constant 10 : i32
        %mul3A_139 = arith.muli %scan3A_50, %mul3A_138 : i32
        %add3A_140 = arith.constant 1 : i32
        %add3A_141 = arith.addi %mul3A_139, %add3A_140 : i32
        %mul3A_142 = arith.constant 16 : i32
        %mul3A_143 = arith.muli %add3A_141, %mul3A_142 : i32
        %get3A_144 = arith.index_cast %mul3A_143 : i32 to index
        %get3A_145 = tpu.vector_load %arg10[%get3A_144] {strides = array<i32>} : memref<4000xi32, #tpu.memory_space<vmem>>, vector<16xi32>,
        %mul3A_146 = arith.constant 10 : i32
        %mul3A_147 = arith.muli %scan3A_50, %mul3A_146 : i32
        %add3A_148 = arith.constant 2 : i32
        %add3A_149 = arith.addi %mul3A_147, %add3A_148 : i32
        %mul3A_150 = arith.constant 16 : i32
        %mul3A_151 = arith.muli %add3A_149, %mul3A_150 : i32
        %get3A_152 = arith.index_cast %mul3A_151 : i32 to index
        %get3A_153 = tpu.vector_load %arg10[%get3A_152] {strides = array<i32>} : memref<4000xi32, #tpu.memory_space<vmem>>, vector<16xi32>,
        %mul3A_154 = arith.constant 10 : i32
        %mul3A_155 = arith.muli %scan3A_50, %mul3A_154 : i32
        %add3A_156 = arith.constant 3 : i32
        %add3A_157 = arith.addi %mul3A_155, %add3A_156 : i32
        %mul3A_158 = arith.constant 16 : i32
        %mul3A_159 = arith.muli %add3A_157, %mul3A_158 : i32
        %get3A_160 = arith.index_cast %mul3A_159 : i32 to index
        %get3A_161 = tpu.vector_load %arg10[%get3A_160] {strides = array<i32>} : memref<4000xi32, #tpu.memory_space<vmem>>, vector<16xi32>,
        %mul3A_162 = arith.constant 10 : i32
        %mul3A_163 = arith.muli %scan3A_50, %mul3A_162 : i32
        %add3A_164 = arith.constant 4 : i32
        %add3A_165 = arith.addi %mul3A_163, %add3A_164 : i32
        %mul3A_166 = arith.constant 16 : i32
        %mul3A_167 = arith.muli %add3A_165, %mul3A_166 : i32
        %get3A_168 = arith.index_cast %mul3A_167 : i32 to index
        %get3A_169 = tpu.vector_load %arg10[%get3A_168] {strides = array<i32>} : memref<4000xi32, #tpu.memory_space<vmem>>, vector<16xi32>,
        %mul3A_170 = arith.constant 10 : i32
        %mul3A_171 = arith.muli %scan3A_50, %mul3A_170 : i32
        %add3A_172 = arith.constant 5 : i32
        %add3A_173 = arith.addi %mul3A_171, %add3A_172 : i32
        %mul3A_174 = arith.constant 16 : i32
        %mul3A_175 = arith.muli %add3A_173, %mul3A_174 : i32
        %get3A_176 = arith.index_cast %mul3A_175 : i32 to index
        %get3A_177 = tpu.vector_load %arg10[%get3A_176] {strides = array<i32>} : memref<4000xi32, #tpu.memory_space<vmem>>, vector<16xi32>,
        %mul3A_178 = arith.constant 10 : i32
        %mul3A_179 = arith.muli %scan3A_50, %mul3A_178 : i32
        %add3A_180 = arith.constant 6 : i32
        %add3A_181 = arith.addi %mul3A_179, %add3A_180 : i32
        %mul3A_182 = arith.constant 16 : i32
        %mul3A_183 = arith.muli %add3A_181, %mul3A_182 : i32
        %get3A_184 = arith.index_cast %mul3A_183 : i32 to index
        %get3A_185 = tpu.vector_load %arg10[%get3A_184] {strides = array<i32>} : memref<4000xi32, #tpu.memory_space<vmem>>, vector<16xi32>,
        %mul3A_186 = arith.constant 10 : i32
        %mul3A_187 = arith.muli %scan3A_50, %mul3A_186 : i32
        %add3A_188 = arith.constant 7 : i32
        %add3A_189 = arith.addi %mul3A_187, %add3A_188 : i32
        %mul3A_190 = arith.constant 16 : i32
        %mul3A_191 = arith.muli %add3A_189, %mul3A_190 : i32
        %get3A_192 = arith.index_cast %mul3A_191 : i32 to index
        %get3A_193 = tpu.vector_load %arg10[%get3A_192] {strides = array<i32>} : memref<4000xi32, #tpu.memory_space<vmem>>, vector<16xi32>,
        %mul3A_194 = arith.constant 10 : i32
        %mul3A_195 = arith.muli %scan3A_50, %mul3A_194 : i32
        %add3A_196 = arith.constant 8 : i32
        %add3A_197 = arith.addi %mul3A_195, %add3A_196 : i32
        %mul3A_198 = arith.constant 16 : i32
        %mul3A_199 = arith.muli %add3A_197, %mul3A_198 : i32
        %get3A_200 = arith.index_cast %mul3A_199 : i32 to index
        %get3A_201 = tpu.vector_load %arg10[%get3A_200] {strides = array<i32>} : memref<4000xi32, #tpu.memory_space<vmem>>, vector<16xi32>,
        %mul3A_202 = arith.constant 10 : i32
        %mul3A_203 = arith.muli %scan3A_50, %mul3A_202 : i32
        %add3A_204 = arith.constant 9 : i32
        %add3A_205 = arith.addi %mul3A_203, %add3A_204 : i32
        %mul3A_206 = arith.constant 16 : i32
        %mul3A_207 = arith.muli %add3A_205, %mul3A_206 : i32
        %get3A_208 = arith.index_cast %mul3A_207 : i32 to index
        %get3A_209 = tpu.vector_load %arg10[%get3A_208] {strides = array<i32>} : memref<4000xi32, #tpu.memory_space<vmem>>, vector<16xi32>,
        %gather3A = tpu.vector_load_idx %arg7[%broadcast_in_dim3A_1, %get3A_57] : memref<4x10000xi32, #tpu.memory_space<vmem>>[vector<16xi32>, vector<16xi32>], vector<16xi32>,
        %bitcast3A = vector.bitcast %gather3A : vector<16xi32> to vector<32xbf16>
        %unpack3A = tpu.unpack_subelements %bitcast3A, 0 {pack_format = #tpu.pack_format<interleaved>} : vector<32xbf16> -> vector<16xf32>
        %unpack3A_210 = tpu.unpack_subelements %bitcast3A, 1 {pack_format = #tpu.pack_format<interleaved>} : vector<32xbf16> -> vector<16xf32>
        tpu.vector_store_idx %arg8[%broadcast_in_dim3A_9, %get3A_137], %unpack3A {add = true} : memref<8x10000xf32, #tpu.memory_space<vmem>>[vector<16xi32>, vector<16xi32>], vector<16xf32>,
        tpu.vector_store_idx %arg8[%broadcast_in_dim3A_11, %get3A_137], %unpack3A_210 {add = true} : memref<8x10000xf32, #tpu.memory_space<vmem>>[vector<16xi32>, vector<16xi32>], vector<16xf32>,
        %gather3A_211 = tpu.vector_load_idx %arg7[%broadcast_in_dim3A_3, %get3A_57] : memref<4x10000xi32, #tpu.memory_space<vmem>>[vector<16xi32>, vector<16xi32>], vector<16xi32>,
        %bitcast3A_212 = vector.bitcast %gather3A_211 : vector<16xi32> to vector<32xbf16>
        %unpack3A_213 = tpu.unpack_subelements %bitcast3A_212, 0 {pack_format = #tpu.pack_format<interleaved>} : vector<32xbf16> -> vector<16xf32>
        %unpack3A_214 = tpu.unpack_subelements %bitcast3A_212, 1 {pack_format = #tpu.pack_format<interleaved>} : vector<32xbf16> -> vector<16xf32>
        tpu.vector_store_idx %arg8[%broadcast_in_dim3A_13, %get3A_137], %unpack3A_213 {add = true} : memref<8x10000xf32, #tpu.memory_space<vmem>>[vector<16xi32>, vector<16xi32>], vector<16xf32>,
        tpu.vector_store_idx %arg8[%broadcast_in_dim3A_15, %get3A_137], %unpack3A_214 {add = true} : memref<8x10000xf32, #tpu.memory_space<vmem>>[vector<16xi32>, vector<16xi32>], vector<16xf32>,
        %gather3A_215 = tpu.vector_load_idx %arg7[%broadcast_in_dim3A_5, %get3A_57] : memref<4x10000xi32, #tpu.memory_space<vmem>>[vector<16xi32>, vector<16xi32>], vector<16xi32>,
        %bitcast3A_216 = vector.bitcast %gather3A_215 : vector<16xi32> to vector<32xbf16>
        %unpack3A_217 = tpu.unpack_subelements %bitcast3A_216, 0 {pack_format = #tpu.pack_format<interleaved>} : vector<32xbf16> -> vector<16xf32>
        %unpack3A_218 = tpu.unpack_subelements %bitcast3A_216, 1 {pack_format = #tpu.pack_format<interleaved>} : vector<32xbf16> -> vector<16xf32>
        tpu.vector_store_idx %arg8[%broadcast_in_dim3A_17, %get3A_137], %unpack3A_217 {add = true} : memref<8x10000xf32, #tpu.memory_space<vmem>>[vector<16xi32>, vector<16xi32>], vector<16xf32>,
        tpu.vector_store_idx %arg8[%broadcast_in_dim3A_19, %get3A_137], %unpack3A_218 {add = true} : memref<8x10000xf32, #tpu.memory_space<vmem>>[vector<16xi32>, vector<16xi32>], vector<16xf32>,
        %gather3A_219 = tpu.vector_load_idx %arg7[%broadcast_in_dim3A_7, %get3A_57] : memref<4x10000xi32, #tpu.memory_space<vmem>>[vector<16xi32>, vector<16xi32>], vector<16xi32>,
        %bitcast3A_220 = vector.bitcast %gather3A_219 : vector<16xi32> to vector<32xbf16>
        %unpack3A_221 = tpu.unpack_subelements %bitcast3A_220, 0 {pack_format = #tpu.pack_format<interleaved>} : vector<32xbf16> -> vector<16xf32>
        %unpack3A_222 = tpu.unpack_subelements %bitcast3A_220, 1 {pack_format = #tpu.pack_format<interleaved>} : vector<32xbf16> -> vector<16xf32>
        tpu.vector_store_idx %arg8[%broadcast_in_dim3A_21, %get3A_137], %unpack3A_221 {add = true} : memref<8x10000xf32, #tpu.memory_space<vmem>>[vector<16xi32>, vector<16xi32>], vector<16xf32>,
        tpu.vector_store_idx %arg8[%broadcast_in_dim3A_23, %get3A_137], %unpack3A_222 {add = true} : memref<8x10000xf32, #tpu.memory_space<vmem>>[vector<16xi32>, vector<16xi32>], vector<16xf32>,
        %gather3A_223 = tpu.vector_load_idx %arg7[%broadcast_in_dim3A_1, %get3A_65] : memref<4x10000xi32, #tpu.memory_space<vmem>>[vector<16xi32>, vector<16xi32>], vector<16xi32>,
        %bitcast3A_224 = vector.bitcast %gather3A_223 : vector<16xi32> to vector<32xbf16>
        %unpack3A_225 = tpu.unpack_subelements %bitcast3A_224, 0 {pack_format = #tpu.pack_format<interleaved>} : vector<32xbf16> -> vector<16xf32>
        %unpack3A_226 = tpu.unpack_subelements %bitcast3A_224, 1 {pack_format = #tpu.pack_format<interleaved>} : vector<32xbf16> -> vector<16xf32>
        tpu.vector_store_idx %arg8[%broadcast_in_dim3A_9, %get3A_145], %unpack3A_225 {add = true} : memref<8x10000xf32, #tpu.memory_space<vmem>>[vector<16xi32>, vector<16xi32>], vector<16xf32>,
        tpu.vector_store_idx %arg8[%broadcast_in_dim3A_11, %get3A_145], %unpack3A_226 {add = true} : memref<8x10000xf32, #tpu.memory_space<vmem>>[vector<16xi32>, vector<16xi32>], vector<16xf32>,
        %gather3A_227 = tpu.vector_load_idx %arg7[%broadcast_in_dim3A_3, %get3A_65] : memref<4x10000xi32, #tpu.memory_space<vmem>>[vector<16xi32>, vector<16xi32>], vector<16xi32>,
        %bitcast3A_228 = vector.bitcast %gather3A_227 : vector<16xi32> to vector<32xbf16>
        %unpack3A_229 = tpu.unpack_subelements %bitcast3A_228, 0 {pack_format = #tpu.pack_format<interleaved>} : vector<32xbf16> -> vector<16xf32>
        %unpack3A_230 = tpu.unpack_subelements %bitcast3A_228, 1 {pack_format = #tpu.pack_format<interleaved>} : vector<32xbf16> -> vector<16xf32>
        tpu.vector_store_idx %arg8[%broadcast_in_dim3A_13, %get3A_145], %unpack3A_229 {add = true} : memref<8x10000xf32, #tpu.memory_space<vmem>>[vector<16xi32>, vector<16xi32>], vector<16xf32>,
        tpu.vector_store_idx %arg8[%broadcast_in_dim3A_15, %get3A_145], %unpack3A_230 {add = true} : memref<8x10000xf32, #tpu.memory_space<vmem>>[vector<16xi32>, vector<16xi32>], vector<16xf32>,
        %gather3A_231 = tpu.vector_load_idx %arg7[%broadcast_in_dim3A_5, %get3A_65] : memref<4x10000xi32, #tpu.memory_space<vmem>>[vector<16xi32>, vector<16xi32>], vector<16xi32>,
        %bitcast3A_232 = vector.bitcast %gather3A_231 : vector<16xi32> to vector<32xbf16>
        %unpack3A_233 = tpu.unpack_subelements %bitcast3A_232, 0 {pack_format = #tpu.pack_format<interleaved>} : vector<32xbf16> -> vector<16xf32>
        %unpack3A_234 = tpu.unpack_subelements %bitcast3A_232, 1 {pack_format = #tpu.pack_format<interleaved>} : vector<32xbf16> -> vector<16xf32>
        tpu.vector_store_idx %arg8[%broadcast_in_dim3A_17, %get3A_145], %unpack3A_233 {add = true} : memref<8x10000xf32, #tpu.memory_space<vmem>>[vector<16xi32>, vector<16xi32>], vector<16xf32>,
        tpu.vector_store_idx %arg8[%broadcast_in_dim3A_19, %get3A_145], %unpack3A_234 {add = true} : memref<8x10000xf32, #tpu.memory_space<vmem>>[vector<16xi32>, vector<16xi32>], vector<16xf32>,
        %gather3A_235 = tpu.vector_load_idx %arg7[%broadcast_in_dim3A_7, %get3A_65] : memref<4x10000xi32, #tpu.memory_space<vmem>>[vector<16xi32>, vector<16xi32>], vector<16xi32>,
        %bitcast3A_236 = vector.bitcast %gather3A_235 : vector<16xi32> to vector<32xbf16>
        %unpack3A_237 = tpu.unpack_subelements %bitcast3A_236, 0 {pack_format = #tpu.pack_format<interleaved>} : vector<32xbf16> -> vector<16xf32>
        %unpack3A_238 = tpu.unpack_subelements %bitcast3A_236, 1 {pack_format = #tpu.pack_format<interleaved>} : vector<32xbf16> -> vector<16xf32>
        tpu.vector_store_idx %arg8[%broadcast_in_dim3A_21, %get3A_145], %unpack3A_237 {add = true} : memref<8x10000xf32, #tpu.memory_space<vmem>>[vector<16xi32>, vector<16xi32>], vector<16xf32>,
        tpu.vector_store_idx %arg8[%broadcast_in_dim3A_23, %get3A_145], %unpack3A_238 {add = true} : memref<8x10000xf32, #tpu.memory_space<vmem>>[vector<16xi32>, vector<16xi32>], vector<16xf32>,
        %gather3A_239 = tpu.vector_load_idx %arg7[%broadcast_in_dim3A_1, %get3A_73] : memref<4x10000xi32, #tpu.memory_space<vmem>>[vector<16xi32>, vector<16xi32>], vector<16xi32>,
        %bitcast3A_240 = vector.bitcast %gather3A_239 : vector<16xi32> to vector<32xbf16>
        %unpack3A_241 = tpu.unpack_subelements %bitcast3A_240, 0 {pack_format = #tpu.pack_format<interleaved>} : vector<32xbf16> -> vector<16xf32>
        %unpack3A_242 = tpu.unpack_subelements %bitcast3A_240, 1 {pack_format = #tpu.pack_format<interleaved>} : vector<32xbf16> -> vector<16xf32>
        tpu.vector_store_idx %arg8[%broadcast_in_dim3A_9, %get3A_153], %unpack3A_241 {add = true} : memref<8x10000xf32, #tpu.memory_space<vmem>>[vector<16xi32>, vector<16xi32>], vector<16xf32>,
        tpu.vector_store_idx %arg8[%broadcast_in_dim3A_11, %get3A_153], %unpack3A_242 {add = true} : memref<8x10000xf32, #tpu.memory_space<vmem>>[vector<16xi32>, vector<16xi32>], vector<16xf32>,
        %gather3A_243 = tpu.vector_load_idx %arg7[%broadcast_in_dim3A_3, %get3A_73] : memref<4x10000xi32, #tpu.memory_space<vmem>>[vector<16xi32>, vector<16xi32>], vector<16xi32>,
        %bitcast3A_244 = vector.bitcast %gather3A_243 : vector<16xi32> to vector<32xbf16>
        %unpack3A_245 = tpu.unpack_subelements %bitcast3A_244, 0 {pack_format = #tpu.pack_format<interleaved>} : vector<32xbf16> -> vector<16xf32>
        %unpack3A_246 = tpu.unpack_subelements %bitcast3A_244, 1 {pack_format = #tpu.pack_format<interleaved>} : vector<32xbf16> -> vector<16xf32>
        tpu.vector_store_idx %arg8[%broadcast_in_dim3A_13, %get3A_153], %unpack3A_245 {add = true} : memref<8x10000xf32, #tpu.memory_space<vmem>>[vector<16xi32>, vector<16xi32>], vector<16xf32>,
        tpu.vector_store_idx %arg8[%broadcast_in_dim3A_15, %get3A_153], %unpack3A_246 {add = true} : memref<8x10000xf32, #tpu.memory_space<vmem>>[vector<16xi32>, vector<16xi32>], vector<16xf32>,
        %gather3A_247 = tpu.vector_load_idx %arg7[%broadcast_in_dim3A_5, %get3A_73] : memref<4x10000xi32, #tpu.memory_space<vmem>>[vector<16xi32>, vector<16xi32>], vector<16xi32>,
        %bitcast3A_248 = vector.bitcast %gather3A_247 : vector<16xi32> to vector<32xbf16>
        %unpack3A_249 = tpu.unpack_subelements %bitcast3A_248, 0 {pack_format = #tpu.pack_format<interleaved>} : vector<32xbf16> -> vector<16xf32>
        %unpack3A_250 = tpu.unpack_subelements %bitcast3A_248, 1 {pack_format = #tpu.pack_format<interleaved>} : vector<32xbf16> -> vector<16xf32>
        tpu.vector_store_idx %arg8[%broadcast_in_dim3A_17, %get3A_153], %unpack3A_249 {add = true} : memref<8x10000xf32, #tpu.memory_space<vmem>>[vector<16xi32>, vector<16xi32>], vector<16xf32>,
        tpu.vector_store_idx %arg8[%broadcast_in_dim3A_19, %get3A_153], %unpack3A_250 {add = true} : memref<8x10000xf32, #tpu.memory_space<vmem>>[vector<16xi32>, vector<16xi32>], vector<16xf32>,
        %gather3A_251 = tpu.vector_load_idx %arg7[%broadcast_in_dim3A_7, %get3A_73] : memref<4x10000xi32, #tpu.memory_space<vmem>>[vector<16xi32>, vector<16xi32>], vector<16xi32>,
        %bitcast3A_252 = vector.bitcast %gather3A_251 : vector<16xi32> to vector<32xbf16>
        %unpack3A_253 = tpu.unpack_subelements %bitcast3A_252, 0 {pack_format = #tpu.pack_format<interleaved>} : vector<32xbf16> -> vector<16xf32>
        %unpack3A_254 = tpu.unpack_subelements %bitcast3A_252, 1 {pack_format = #tpu.pack_format<interleaved>} : vector<32xbf16> -> vector<16xf32>
        tpu.vector_store_idx %arg8[%broadcast_in_dim3A_21, %get3A_153], %unpack3A_253 {add = true} : memref<8x10000xf32, #tpu.memory_space<vmem>>[vector<16xi32>, vector<16xi32>], vector<16xf32>,
        tpu.vector_store_idx %arg8[%broadcast_in_dim3A_23, %get3A_153], %unpack3A_254 {add = true} : memref<8x10000xf32, #tpu.memory_space<vmem>>[vector<16xi32>, vector<16xi32>], vector<16xf32>,
        %gather3A_255 = tpu.vector_load_idx %arg7[%broadcast_in_dim3A_1, %get3A_81] : memref<4x10000xi32, #tpu.memory_space<vmem>>[vector<16xi32>, vector<16xi32>], vector<16xi32>,
        %bitcast3A_256 = vector.bitcast %gather3A_255 : vector<16xi32> to vector<32xbf16>
        %unpack3A_257 = tpu.unpack_subelements %bitcast3A_256, 0 {pack_format = #tpu.pack_format<interleaved>} : vector<32xbf16> -> vector<16xf32>
        %unpack3A_258 = tpu.unpack_subelements %bitcast3A_256, 1 {pack_format = #tpu.pack_format<interleaved>} : vector<32xbf16> -> vector<16xf32>
        tpu.vector_store_idx %arg8[%broadcast_in_dim3A_9, %get3A_161], %unpack3A_257 {add = true} : memref<8x10000xf32, #tpu.memory_space<vmem>>[vector<16xi32>, vector<16xi32>], vector<16xf32>,
        tpu.vector_store_idx %arg8[%broadcast_in_dim3A_11, %get3A_161], %unpack3A_258 {add = true} : memref<8x10000xf32, #tpu.memory_space<vmem>>[vector<16xi32>, vector<16xi32>], vector<16xf32>,
        %gather3A_259 = tpu.vector_load_idx %arg7[%broadcast_in_dim3A_3, %get3A_81] : memref<4x10000xi32, #tpu.memory_space<vmem>>[vector<16xi32>, vector<16xi32>], vector<16xi32>,
        %bitcast3A_260 = vector.bitcast %gather3A_259 : vector<16xi32> to vector<32xbf16>
        %unpack3A_261 = tpu.unpack_subelements %bitcast3A_260, 0 {pack_format = #tpu.pack_format<interleaved>} : vector<32xbf16> -> vector<16xf32>
        %unpack3A_262 = tpu.unpack_subelements %bitcast3A_260, 1 {pack_format = #tpu.pack_format<interleaved>} : vector<32xbf16> -> vector<16xf32>
        tpu.vector_store_idx %arg8[%broadcast_in_dim3A_13, %get3A_161], %unpack3A_261 {add = true} : memref<8x10000xf32, #tpu.memory_space<vmem>>[vector<16xi32>, vector<16xi32>], vector<16xf32>,
        tpu.vector_store_idx %arg8[%broadcast_in_dim3A_15, %get3A_161], %unpack3A_262 {add = true} : memref<8x10000xf32, #tpu.memory_space<vmem>>[vector<16xi32>, vector<16xi32>], vector<16xf32>,
        %gather3A_263 = tpu.vector_load_idx %arg7[%broadcast_in_dim3A_5, %get3A_81] : memref<4x10000xi32, #tpu.memory_space<vmem>>[vector<16xi32>, vector<16xi32>], vector<16xi32>,
        %bitcast3A_264 = vector.bitcast %gather3A_263 : vector<16xi32> to vector<32xbf16>
        %unpack3A_265 = tpu.unpack_subelements %bitcast3A_264, 0 {pack_format = #tpu.pack_format<interleaved>} : vector<32xbf16> -> vector<16xf32>
        %unpack3A_266 = tpu.unpack_subelements %bitcast3A_264, 1 {pack_format = #tpu.pack_format<interleaved>} : vector<32xbf16> -> vector<16xf32>
        tpu.vector_store_idx %arg8[%broadcast_in_dim3A_17, %get3A_161], %unpack3A_265 {add = true} : memref<8x10000xf32, #tpu.memory_space<vmem>>[vector<16xi32>, vector<16xi32>], vector<16xf32>,
        tpu.vector_store_idx %arg8[%broadcast_in_dim3A_19, %get3A_161], %unpack3A_266 {add = true} : memref<8x10000xf32, #tpu.memory_space<vmem>>[vector<16xi32>, vector<16xi32>], vector<16xf32>,
        %gather3A_267 = tpu.vector_load_idx %arg7[%broadcast_in_dim3A_7, %get3A_81] : memref<4x10000xi32, #tpu.memory_space<vmem>>[vector<16xi32>, vector<16xi32>], vector<16xi32>,
        %bitcast3A_268 = vector.bitcast %gather3A_267 : vector<16xi32> to vector<32xbf16>
        %unpack3A_269 = tpu.unpack_subelements %bitcast3A_268, 0 {pack_format = #tpu.pack_format<interleaved>} : vector<32xbf16> -> vector<16xf32>
        %unpack3A_270 = tpu.unpack_subelements %bitcast3A_268, 1 {pack_format = #tpu.pack_format<interleaved>} : vector<32xbf16> -> vector<16xf32>
        tpu.vector_store_idx %arg8[%broadcast_in_dim3A_21, %get3A_161], %unpack3A_269 {add = true} : memref<8x10000xf32, #tpu.memory_space<vmem>>[vector<16xi32>, vector<16xi32>], vector<16xf32>,
        tpu.vector_store_idx %arg8[%broadcast_in_dim3A_23, %get3A_161], %unpack3A_270 {add = true} : memref<8x10000xf32, #tpu.memory_space<vmem>>[vector<16xi32>, vector<16xi32>], vector<16xf32>,
        %gather3A_271 = tpu.vector_load_idx %arg7[%broadcast_in_dim3A_1, %get3A_89] : memref<4x10000xi32, #tpu.memory_space<vmem>>[vector<16xi32>, vector<16xi32>], vector<16xi32>,
        %bitcast3A_272 = vector.bitcast %gather3A_271 : vector<16xi32> to vector<32xbf16>
        %unpack3A_273 = tpu.unpack_subelements %bitcast3A_272, 0 {pack_format = #tpu.pack_format<interleaved>} : vector<32xbf16> -> vector<16xf32>
        %unpack3A_274 = tpu.unpack_subelements %bitcast3A_272, 1 {pack_format = #tpu.pack_format<interleaved>} : vector<32xbf16> -> vector<16xf32>
        tpu.vector_store_idx %arg8[%broadcast_in_dim3A_9, %get3A_169], %unpack3A_273 {add = true} : memref<8x10000xf32, #tpu.memory_space<vmem>>[vector<16xi32>, vector<16xi32>], vector<16xf32>,
        tpu.vector_store_idx %arg8[%broadcast_in_dim3A_11, %get3A_169], %unpack3A_274 {add = true} : memref<8x10000xf32, #tpu.memory_space<vmem>>[vector<16xi32>, vector<16xi32>], vector<16xf32>,
        %gather3A_275 = tpu.vector_load_idx %arg7[%broadcast_in_dim3A_3, %get3A_89] : memref<4x10000xi32, #tpu.memory_space<vmem>>[vector<16xi32>, vector<16xi32>], vector<16xi32>,
        %bitcast3A_276 = vector.bitcast %gather3A_275 : vector<16xi32> to vector<32xbf16>
        %unpack3A_277 = tpu.unpack_subelements %bitcast3A_276, 0 {pack_format = #tpu.pack_format<interleaved>} : vector<32xbf16> -> vector<16xf32>
        %unpack3A_278 = tpu.unpack_subelements %bitcast3A_276, 1 {pack_format = #tpu.pack_format<interleaved>} : vector<32xbf16> -> vector<16xf32>
        tpu.vector_store_idx %arg8[%broadcast_in_dim3A_13, %get3A_169], %unpack3A_277 {add = true} : memref<8x10000xf32, #tpu.memory_space<vmem>>[vector<16xi32>, vector<16xi32>], vector<16xf32>,
        tpu.vector_store_idx %arg8[%broadcast_in_dim3A_15, %get3A_169], %unpack3A_278 {add = true} : memref<8x10000xf32, #tpu.memory_space<vmem>>[vector<16xi32>, vector<16xi32>], vector<16xf32>,
        %gather3A_279 = tpu.vector_load_idx %arg7[%broadcast_in_dim3A_5, %get3A_89] : memref<4x10000xi32, #tpu.memory_space<vmem>>[vector<16xi32>, vector<16xi32>], vector<16xi32>,
        %bitcast3A_280 = vector.bitcast %gather3A_279 : vector<16xi32> to vector<32xbf16>
        %unpack3A_281 = tpu.unpack_subelements %bitcast3A_280, 0 {pack_format = #tpu.pack_format<interleaved>} : vector<32xbf16> -> vector<16xf32>
        %unpack3A_282 = tpu.unpack_subelements %bitcast3A_280, 1 {pack_format = #tpu.pack_format<interleaved>} : vector<32xbf16> -> vector<16xf32>
        tpu.vector_store_idx %arg8[%broadcast_in_dim3A_17, %get3A_169], %unpack3A_281 {add = true} : memref<8x10000xf32, #tpu.memory_space<vmem>>[vector<16xi32>, vector<16xi32>], vector<16xf32>,
        tpu.vector_store_idx %arg8[%broadcast_in_dim3A_19, %get3A_169], %unpack3A_282 {add = true} : memref<8x10000xf32, #tpu.memory_space<vmem>>[vector<16xi32>, vector<16xi32>], vector<16xf32>,
        %gather3A_283 = tpu.vector_load_idx %arg7[%broadcast_in_dim3A_7, %get3A_89] : memref<4x10000xi32, #tpu.memory_space<vmem>>[vector<16xi32>, vector<16xi32>], vector<16xi32>,
        %bitcast3A_284 = vector.bitcast %gather3A_283 : vector<16xi32> to vector<32xbf16>
        %unpack3A_285 = tpu.unpack_subelements %bitcast3A_284, 0 {pack_format = #tpu.pack_format<interleaved>} : vector<32xbf16> -> vector<16xf32>
        %unpack3A_286 = tpu.unpack_subelements %bitcast3A_284, 1 {pack_format = #tpu.pack_format<interleaved>} : vector<32xbf16> -> vector<16xf32>
        tpu.vector_store_idx %arg8[%broadcast_in_dim3A_21, %get3A_169], %unpack3A_285 {add = true} : memref<8x10000xf32, #tpu.memory_space<vmem>>[vector<16xi32>, vector<16xi32>], vector<16xf32>,
        tpu.vector_store_idx %arg8[%broadcast_in_dim3A_23, %get3A_169], %unpack3A_286 {add = true} : memref<8x10000xf32, #tpu.memory_space<vmem>>[vector<16xi32>, vector<16xi32>], vector<16xf32>,
        %gather3A_287 = tpu.vector_load_idx %arg7[%broadcast_in_dim3A_1, %get3A_97] : memref<4x10000xi32, #tpu.memory_space<vmem>>[vector<16xi32>, vector<16xi32>], vector<16xi32>,
        %bitcast3A_288 = vector.bitcast %gather3A_287 : vector<16xi32> to vector<32xbf16>
        %unpack3A_289 = tpu.unpack_subelements %bitcast3A_288, 0 {pack_format = #tpu.pack_format<interleaved>} : vector<32xbf16> -> vector<16xf32>
        %unpack3A_290 = tpu.unpack_subelements %bitcast3A_288, 1 {pack_format = #tpu.pack_format<interleaved>} : vector<32xbf16> -> vector<16xf32>
        tpu.vector_store_idx %arg8[%broadcast_in_dim3A_9, %get3A_177], %unpack3A_289 {add = true} : memref<8x10000xf32, #tpu.memory_space<vmem>>[vector<16xi32>, vector<16xi32>], vector<16xf32>,
        tpu.vector_store_idx %arg8[%broadcast_in_dim3A_11, %get3A_177], %unpack3A_290 {add = true} : memref<8x10000xf32, #tpu.memory_space<vmem>>[vector<16xi32>, vector<16xi32>], vector<16xf32>,
        %gather3A_291 = tpu.vector_load_idx %arg7[%broadcast_in_dim3A_3, %get3A_97] : memref<4x10000xi32, #tpu.memory_space<vmem>>[vector<16xi32>, vector<16xi32>], vector<16xi32>,
        %bitcast3A_292 = vector.bitcast %gather3A_291 : vector<16xi32> to vector<32xbf16>
        %unpack3A_293 = tpu.unpack_subelements %bitcast3A_292, 0 {pack_format = #tpu.pack_format<interleaved>} : vector<32xbf16> -> vector<16xf32>
        %unpack3A_294 = tpu.unpack_subelements %bitcast3A_292, 1 {pack_format = #tpu.pack_format<interleaved>} : vector<32xbf16> -> vector<16xf32>
        tpu.vector_store_idx %arg8[%broadcast_in_dim3A_13, %get3A_177], %unpack3A_293 {add = true} : memref<8x10000xf32, #tpu.memory_space<vmem>>[vector<16xi32>, vector<16xi32>], vector<16xf32>,
        tpu.vector_store_idx %arg8[%broadcast_in_dim3A_15, %get3A_177], %unpack3A_294 {add = true} : memref<8x10000xf32, #tpu.memory_space<vmem>>[vector<16xi32>, vector<16xi32>], vector<16xf32>,
        %gather3A_295 = tpu.vector_load_idx %arg7[%broadcast_in_dim3A_5, %get3A_97] : memref<4x10000xi32, #tpu.memory_space<vmem>>[vector<16xi32>, vector<16xi32>], vector<16xi32>,
        %bitcast3A_296 = vector.bitcast %gather3A_295 : vector<16xi32> to vector<32xbf16>
        %unpack3A_297 = tpu.unpack_subelements %bitcast3A_296, 0 {pack_format = #tpu.pack_format<interleaved>} : vector<32xbf16> -> vector<16xf32>
        %unpack3A_298 = tpu.unpack_subelements %bitcast3A_296, 1 {pack_format = #tpu.pack_format<interleaved>} : vector<32xbf16> -> vector<16xf32>
        tpu.vector_store_idx %arg8[%broadcast_in_dim3A_17, %get3A_177], %unpack3A_297 {add = true} : memref<8x10000xf32, #tpu.memory_space<vmem>>[vector<16xi32>, vector<16xi32>], vector<16xf32>,
        tpu.vector_store_idx %arg8[%broadcast_in_dim3A_19, %get3A_177], %unpack3A_298 {add = true} : memref<8x10000xf32, #tpu.memory_space<vmem>>[vector<16xi32>, vector<16xi32>], vector<16xf32>,
        %gather3A_299 = tpu.vector_load_idx %arg7[%broadcast_in_dim3A_7, %get3A_97] : memref<4x10000xi32, #tpu.memory_space<vmem>>[vector<16xi32>, vector<16xi32>], vector<16xi32>,
        %bitcast3A_300 = vector.bitcast %gather3A_299 : vector<16xi32> to vector<32xbf16>
        %unpack3A_301 = tpu.unpack_subelements %bitcast3A_300, 0 {pack_format = #tpu.pack_format<interleaved>} : vector<32xbf16> -> vector<16xf32>
        %unpack3A_302 = tpu.unpack_subelements %bitcast3A_300, 1 {pack_format = #tpu.pack_format<interleaved>} : vector<32xbf16> -> vector<16xf32>
        tpu.vector_store_idx %arg8[%broadcast_in_dim3A_21, %get3A_177], %unpack3A_301 {add = true} : memref<8x10000xf32, #tpu.memory_space<vmem>>[vector<16xi32>, vector<16xi32>], vector<16xf32>,
        tpu.vector_store_idx %arg8[%broadcast_in_dim3A_23, %get3A_177], %unpack3A_302 {add = true} : memref<8x10000xf32, #tpu.memory_space<vmem>>[vector<16xi32>, vector<16xi32>], vector<16xf32>,
        %gather3A_303 = tpu.vector_load_idx %arg7[%broadcast_in_dim3A_1, %get3A_105] : memref<4x10000xi32, #tpu.memory_space<vmem>>[vector<16xi32>, vector<16xi32>], vector<16xi32>,
        %bitcast3A_304 = vector.bitcast %gather3A_303 : vector<16xi32> to vector<32xbf16>
        %unpack3A_305 = tpu.unpack_subelements %bitcast3A_304, 0 {pack_format = #tpu.pack_format<interleaved>} : vector<32xbf16> -> vector<16xf32>
        %unpack3A_306 = tpu.unpack_subelements %bitcast3A_304, 1 {pack_format = #tpu.pack_format<interleaved>} : vector<32xbf16> -> vector<16xf32>
        tpu.vector_store_idx %arg8[%broadcast_in_dim3A_9, %get3A_185], %unpack3A_305 {add = true} : memref<8x10000xf32, #tpu.memory_space<vmem>>[vector<16xi32>, vector<16xi32>], vector<16xf32>,
        tpu.vector_store_idx %arg8[%broadcast_in_dim3A_11, %get3A_185], %unpack3A_306 {add = true} : memref<8x10000xf32, #tpu.memory_space<vmem>>[vector<16xi32>, vector<16xi32>], vector<16xf32>,
        %gather3A_307 = tpu.vector_load_idx %arg7[%broadcast_in_dim3A_3, %get3A_105] : memref<4x10000xi32, #tpu.memory_space<vmem>>[vector<16xi32>, vector<16xi32>], vector<16xi32>,
        %bitcast3A_308 = vector.bitcast %gather3A_307 : vector<16xi32> to vector<32xbf16>
        %unpack3A_309 = tpu.unpack_subelements %bitcast3A_308, 0 {pack_format = #tpu.pack_format<interleaved>} : vector<32xbf16> -> vector<16xf32>
        %unpack3A_310 = tpu.unpack_subelements %bitcast3A_308, 1 {pack_format = #tpu.pack_format<interleaved>} : vector<32xbf16> -> vector<16xf32>
        tpu.vector_store_idx %arg8[%broadcast_in_dim3A_13, %get3A_185], %unpack3A_309 {add = true} : memref<8x10000xf32, #tpu.memory_space<vmem>>[vector<16xi32>, vector<16xi32>], vector<16xf32>,
        tpu.vector_store_idx %arg8[%broadcast_in_dim3A_15, %get3A_185], %unpack3A_310 {add = true} : memref<8x10000xf32, #tpu.memory_space<vmem>>[vector<16xi32>, vector<16xi32>], vector<16xf32>,
        %gather3A_311 = tpu.vector_load_idx %arg7[%broadcast_in_dim3A_5, %get3A_105] : memref<4x10000xi32, #tpu.memory_space<vmem>>[vector<16xi32>, vector<16xi32>], vector<16xi32>,
        %bitcast3A_312 = vector.bitcast %gather3A_311 : vector<16xi32> to vector<32xbf16>
        %unpack3A_313 = tpu.unpack_subelements %bitcast3A_312, 0 {pack_format = #tpu.pack_format<interleaved>} : vector<32xbf16> -> vector<16xf32>
        %unpack3A_314 = tpu.unpack_subelements %bitcast3A_312, 1 {pack_format = #tpu.pack_format<interleaved>} : vector<32xbf16> -> vector<16xf32>
        tpu.vector_store_idx %arg8[%broadcast_in_dim3A_17, %get3A_185], %unpack3A_313 {add = true} : memref<8x10000xf32, #tpu.memory_space<vmem>>[vector<16xi32>, vector<16xi32>], vector<16xf32>,
        tpu.vector_store_idx %arg8[%broadcast_in_dim3A_19, %get3A_185], %unpack3A_314 {add = true} : memref<8x10000xf32, #tpu.memory_space<vmem>>[vector<16xi32>, vector<16xi32>], vector<16xf32>,
        %gather3A_315 = tpu.vector_load_idx %arg7[%broadcast_in_dim3A_7, %get3A_105] : memref<4x10000xi32, #tpu.memory_space<vmem>>[vector<16xi32>, vector<16xi32>], vector<16xi32>,
        %bitcast3A_316 = vector.bitcast %gather3A_315 : vector<16xi32> to vector<32xbf16>
        %unpack3A_317 = tpu.unpack_subelements %bitcast3A_316, 0 {pack_format = #tpu.pack_format<interleaved>} : vector<32xbf16> -> vector<16xf32>
        %unpack3A_318 = tpu.unpack_subelements %bitcast3A_316, 1 {pack_format = #tpu.pack_format<interleaved>} : vector<32xbf16> -> vector<16xf32>
        tpu.vector_store_idx %arg8[%broadcast_in_dim3A_21, %get3A_185], %unpack3A_317 {add = true} : memref<8x10000xf32, #tpu.memory_space<vmem>>[vector<16xi32>, vector<16xi32>], vector<16xf32>,
        tpu.vector_store_idx %arg8[%broadcast_in_dim3A_23, %get3A_185], %unpack3A_318 {add = true} : memref<8x10000xf32, #tpu.memory_space<vmem>>[vector<16xi32>, vector<16xi32>], vector<16xf32>,
        %gather3A_319 = tpu.vector_load_idx %arg7[%broadcast_in_dim3A_1, %get3A_113] : memref<4x10000xi32, #tpu.memory_space<vmem>>[vector<16xi32>, vector<16xi32>], vector<16xi32>,
        %bitcast3A_320 = vector.bitcast %gather3A_319 : vector<16xi32> to vector<32xbf16>
        %unpack3A_321 = tpu.unpack_subelements %bitcast3A_320, 0 {pack_format = #tpu.pack_format<interleaved>} : vector<32xbf16> -> vector<16xf32>
        %unpack3A_322 = tpu.unpack_subelements %bitcast3A_320, 1 {pack_format = #tpu.pack_format<interleaved>} : vector<32xbf16> -> vector<16xf32>
        tpu.vector_store_idx %arg8[%broadcast_in_dim3A_9, %get3A_193], %unpack3A_321 {add = true} : memref<8x10000xf32, #tpu.memory_space<vmem>>[vector<16xi32>, vector<16xi32>], vector<16xf32>,
        tpu.vector_store_idx %arg8[%broadcast_in_dim3A_11, %get3A_193], %unpack3A_322 {add = true} : memref<8x10000xf32, #tpu.memory_space<vmem>>[vector<16xi32>, vector<16xi32>], vector<16xf32>,
        %gather3A_323 = tpu.vector_load_idx %arg7[%broadcast_in_dim3A_3, %get3A_113] : memref<4x10000xi32, #tpu.memory_space<vmem>>[vector<16xi32>, vector<16xi32>], vector<16xi32>,
        %bitcast3A_324 = vector.bitcast %gather3A_323 : vector<16xi32> to vector<32xbf16>
        %unpack3A_325 = tpu.unpack_subelements %bitcast3A_324, 0 {pack_format = #tpu.pack_format<interleaved>} : vector<32xbf16> -> vector<16xf32>
        %unpack3A_326 = tpu.unpack_subelements %bitcast3A_324, 1 {pack_format = #tpu.pack_format<interleaved>} : vector<32xbf16> -> vector<16xf32>
        tpu.vector_store_idx %arg8[%broadcast_in_dim3A_13, %get3A_193], %unpack3A_325 {add = true} : memref<8x10000xf32, #tpu.memory_space<vmem>>[vector<16xi32>, vector<16xi32>], vector<16xf32>,
        tpu.vector_store_idx %arg8[%broadcast_in_dim3A_15, %get3A_193], %unpack3A_326 {add = true} : memref<8x10000xf32, #tpu.memory_space<vmem>>[vector<16xi32>, vector<16xi32>], vector<16xf32>,
        %gather3A_327 = tpu.vector_load_idx %arg7[%broadcast_in_dim3A_5, %get3A_113] : memref<4x10000xi32, #tpu.memory_space<vmem>>[vector<16xi32>, vector<16xi32>], vector<16xi32>,
        %bitcast3A_328 = vector.bitcast %gather3A_327 : vector<16xi32> to vector<32xbf16>
        %unpack3A_329 = tpu.unpack_subelements %bitcast3A_328, 0 {pack_format = #tpu.pack_format<interleaved>} : vector<32xbf16> -> vector<16xf32>
        %unpack3A_330 = tpu.unpack_subelements %bitcast3A_328, 1 {pack_format = #tpu.pack_format<interleaved>} : vector<32xbf16> -> vector<16xf32>
        tpu.vector_store_idx %arg8[%broadcast_in_dim3A_17, %get3A_193], %unpack3A_329 {add = true} : memref<8x10000xf32, #tpu.memory_space<vmem>>[vector<16xi32>, vector<16xi32>], vector<16xf32>,
        tpu.vector_store_idx %arg8[%broadcast_in_dim3A_19, %get3A_193], %unpack3A_330 {add = true} : memref<8x10000xf32, #tpu.memory_space<vmem>>[vector<16xi32>, vector<16xi32>], vector<16xf32>,
        %gather3A_331 = tpu.vector_load_idx %arg7[%broadcast_in_dim3A_7, %get3A_113] : memref<4x10000xi32, #tpu.memory_space<vmem>>[vector<16xi32>, vector<16xi32>], vector<16xi32>,
        %bitcast3A_332 = vector.bitcast %gather3A_331 : vector<16xi32> to vector<32xbf16>
        %unpack3A_333 = tpu.unpack_subelements %bitcast3A_332, 0 {pack_format = #tpu.pack_format<interleaved>} : vector<32xbf16> -> vector<16xf32>
        %unpack3A_334 = tpu.unpack_subelements %bitcast3A_332, 1 {pack_format = #tpu.pack_format<interleaved>} : vector<32xbf16> -> vector<16xf32>
        tpu.vector_store_idx %arg8[%broadcast_in_dim3A_21, %get3A_193], %unpack3A_333 {add = true} : memref<8x10000xf32, #tpu.memory_space<vmem>>[vector<16xi32>, vector<16xi32>], vector<16xf32>,
        tpu.vector_store_idx %arg8[%broadcast_in_dim3A_23, %get3A_193], %unpack3A_334 {add = true} : memref<8x10000xf32, #tpu.memory_space<vmem>>[vector<16xi32>, vector<16xi32>], vector<16xf32>,
        %gather3A_335 = tpu.vector_load_idx %arg7[%broadcast_in_dim3A_1, %get3A_121] : memref<4x10000xi32, #tpu.memory_space<vmem>>[vector<16xi32>, vector<16xi32>], vector<16xi32>,
        %bitcast3A_336 = vector.bitcast %gather3A_335 : vector<16xi32> to vector<32xbf16>
        %unpack3A_337 = tpu.unpack_subelements %bitcast3A_336, 0 {pack_format = #tpu.pack_format<interleaved>} : vector<32xbf16> -> vector<16xf32>
        %unpack3A_338 = tpu.unpack_subelements %bitcast3A_336, 1 {pack_format = #tpu.pack_format<interleaved>} : vector<32xbf16> -> vector<16xf32>
        tpu.vector_store_idx %arg8[%broadcast_in_dim3A_9, %get3A_201], %unpack3A_337 {add = true} : memref<8x10000xf32, #tpu.memory_space<vmem>>[vector<16xi32>, vector<16xi32>], vector<16xf32>,
        tpu.vector_store_idx %arg8[%broadcast_in_dim3A_11, %get3A_201], %unpack3A_338 {add = true} : memref<8x10000xf32, #tpu.memory_space<vmem>>[vector<16xi32>, vector<16xi32>], vector<16xf32>,
        %gather3A_339 = tpu.vector_load_idx %arg7[%broadcast_in_dim3A_3, %get3A_121] : memref<4x10000xi32, #tpu.memory_space<vmem>>[vector<16xi32>, vector<16xi32>], vector<16xi32>,
        %bitcast3A_340 = vector.bitcast %gather3A_339 : vector<16xi32> to vector<32xbf16>
        %unpack3A_341 = tpu.unpack_subelements %bitcast3A_340, 0 {pack_format = #tpu.pack_format<interleaved>} : vector<32xbf16> -> vector<16xf32>
        %unpack3A_342 = tpu.unpack_subelements %bitcast3A_340, 1 {pack_format = #tpu.pack_format<interleaved>} : vector<32xbf16> -> vector<16xf32>
        tpu.vector_store_idx %arg8[%broadcast_in_dim3A_13, %get3A_201], %unpack3A_341 {add = true} : memref<8x10000xf32, #tpu.memory_space<vmem>>[vector<16xi32>, vector<16xi32>], vector<16xf32>,
        tpu.vector_store_idx %arg8[%broadcast_in_dim3A_15, %get3A_201], %unpack3A_342 {add = true} : memref<8x10000xf32, #tpu.memory_space<vmem>>[vector<16xi32>, vector<16xi32>], vector<16xf32>,
        %gather3A_343 = tpu.vector_load_idx %arg7[%broadcast_in_dim3A_5, %get3A_121] : memref<4x10000xi32, #tpu.memory_space<vmem>>[vector<16xi32>, vector<16xi32>], vector<16xi32>,
        %bitcast3A_344 = vector.bitcast %gather3A_343 : vector<16xi32> to vector<32xbf16>
        %unpack3A_345 = tpu.unpack_subelements %bitcast3A_344, 0 {pack_format = #tpu.pack_format<interleaved>} : vector<32xbf16> -> vector<16xf32>
        %unpack3A_346 = tpu.unpack_subelements %bitcast3A_344, 1 {pack_format = #tpu.pack_format<interleaved>} : vector<32xbf16> -> vector<16xf32>
        tpu.vector_store_idx %arg8[%broadcast_in_dim3A_17, %get3A_201], %unpack3A_345 {add = true} : memref<8x10000xf32, #tpu.memory_space<vmem>>[vector<16xi32>, vector<16xi32>], vector<16xf32>,
        tpu.vector_store_idx %arg8[%broadcast_in_dim3A_19, %get3A_201], %unpack3A_346 {add = true} : memref<8x10000xf32, #tpu.memory_space<vmem>>[vector<16xi32>, vector<16xi32>], vector<16xf32>,
        %gather3A_347 = tpu.vector_load_idx %arg7[%broadcast_in_dim3A_7, %get3A_121] : memref<4x10000xi32, #tpu.memory_space<vmem>>[vector<16xi32>, vector<16xi32>], vector<16xi32>,
        %bitcast3A_348 = vector.bitcast %gather3A_347 : vector<16xi32> to vector<32xbf16>
        %unpack3A_349 = tpu.unpack_subelements %bitcast3A_348, 0 {pack_format = #tpu.pack_format<interleaved>} : vector<32xbf16> -> vector<16xf32>
        %unpack3A_350 = tpu.unpack_subelements %bitcast3A_348, 1 {pack_format = #tpu.pack_format<interleaved>} : vector<32xbf16> -> vector<16xf32>
        tpu.vector_store_idx %arg8[%broadcast_in_dim3A_21, %get3A_201], %unpack3A_349 {add = true} : memref<8x10000xf32, #tpu.memory_space<vmem>>[vector<16xi32>, vector<16xi32>], vector<16xf32>,
        tpu.vector_store_idx %arg8[%broadcast_in_dim3A_23, %get3A_201], %unpack3A_350 {add = true} : memref<8x10000xf32, #tpu.memory_space<vmem>>[vector<16xi32>, vector<16xi32>], vector<16xf32>,
        %gather3A_351 = tpu.vector_load_idx %arg7[%broadcast_in_dim3A_1, %get3A_129] : memref<4x10000xi32, #tpu.memory_space<vmem>>[vector<16xi32>, vector<16xi32>], vector<16xi32>,
        %bitcast3A_352 = vector.bitcast %gather3A_351 : vector<16xi32> to vector<32xbf16>
        %unpack3A_353 = tpu.unpack_subelements %bitcast3A_352, 0 {pack_format = #tpu.pack_format<interleaved>} : vector<32xbf16> -> vector<16xf32>
        %unpack3A_354 = tpu.unpack_subelements %bitcast3A_352, 1 {pack_format = #tpu.pack_format<interleaved>} : vector<32xbf16> -> vector<16xf32>
        tpu.vector_store_idx %arg8[%broadcast_in_dim3A_9, %get3A_209], %unpack3A_353 {add = true} : memref<8x10000xf32, #tpu.memory_space<vmem>>[vector<16xi32>, vector<16xi32>], vector<16xf32>,
        tpu.vector_store_idx %arg8[%broadcast_in_dim3A_11, %get3A_209], %unpack3A_354 {add = true} : memref<8x10000xf32, #tpu.memory_space<vmem>>[vector<16xi32>, vector<16xi32>], vector<16xf32>,
        %gather3A_355 = tpu.vector_load_idx %arg7[%broadcast_in_dim3A_3, %get3A_129] : memref<4x10000xi32, #tpu.memory_space<vmem>>[vector<16xi32>, vector<16xi32>], vector<16xi32>,
        %bitcast3A_356 = vector.bitcast %gather3A_355 : vector<16xi32> to vector<32xbf16>
        %unpack3A_357 = tpu.unpack_subelements %bitcast3A_356, 0 {pack_format = #tpu.pack_format<interleaved>} : vector<32xbf16> -> vector<16xf32>
        %unpack3A_358 = tpu.unpack_subelements %bitcast3A_356, 1 {pack_format = #tpu.pack_format<interleaved>} : vector<32xbf16> -> vector<16xf32>
        tpu.vector_store_idx %arg8[%broadcast_in_dim3A_13, %get3A_209], %unpack3A_357 {add = true} : memref<8x10000xf32, #tpu.memory_space<vmem>>[vector<16xi32>, vector<16xi32>], vector<16xf32>,
        tpu.vector_store_idx %arg8[%broadcast_in_dim3A_15, %get3A_209], %unpack3A_358 {add = true} : memref<8x10000xf32, #tpu.memory_space<vmem>>[vector<16xi32>, vector<16xi32>], vector<16xf32>,
        %gather3A_359 = tpu.vector_load_idx %arg7[%broadcast_in_dim3A_5, %get3A_129] : memref<4x10000xi32, #tpu.memory_space<vmem>>[vector<16xi32>, vector<16xi32>], vector<16xi32>,
        %bitcast3A_360 = vector.bitcast %gather3A_359 : vector<16xi32> to vector<32xbf16>
        %unpack3A_361 = tpu.unpack_subelements %bitcast3A_360, 0 {pack_format = #tpu.pack_format<interleaved>} : vector<32xbf16> -> vector<16xf32>
        %unpack3A_362 = tpu.unpack_subelements %bitcast3A_360, 1 {pack_format = #tpu.pack_format<interleaved>} : vector<32xbf16> -> vector<16xf32>
        tpu.vector_store_idx %arg8[%broadcast_in_dim3A_17, %get3A_209], %unpack3A_361 {add = true} : memref<8x10000xf32, #tpu.memory_space<vmem>>[vector<16xi32>, vector<16xi32>], vector<16xf32>,
        tpu.vector_store_idx %arg8[%broadcast_in_dim3A_19, %get3A_209], %unpack3A_362 {add = true} : memref<8x10000xf32, #tpu.memory_space<vmem>>[vector<16xi32>, vector<16xi32>], vector<16xf32>,
        %gather3A_363 = tpu.vector_load_idx %arg7[%broadcast_in_dim3A_7, %get3A_129] : memref<4x10000xi32, #tpu.memory_space<vmem>>[vector<16xi32>, vector<16xi32>], vector<16xi32>,
        %bitcast3A_364 = vector.bitcast %gather3A_363 : vector<16xi32> to vector<32xbf16>
        %unpack3A_365 = tpu.unpack_subelements %bitcast3A_364, 0 {pack_format = #tpu.pack_format<interleaved>} : vector<32xbf16> -> vector<16xf32>
        %unpack3A_366 = tpu.unpack_subelements %bitcast3A_364, 1 {pack_format = #tpu.pack_format<interleaved>} : vector<32xbf16> -> vector<16xf32>
        tpu.vector_store_idx %arg8[%broadcast_in_dim3A_21, %get3A_209], %unpack3A_365 {add = true} : memref<8x10000xf32, #tpu.memory_space<vmem>>[vector<16xi32>, vector<16xi32>], vector<16xf32>,
        tpu.vector_store_idx %arg8[%broadcast_in_dim3A_23, %get3A_209], %unpack3A_366 {add = true} : memref<8x10000xf32, #tpu.memory_space<vmem>>[vector<16xi32>, vector<16xi32>], vector<16xf32>,
      }
      %scan3A_49 = arith.constant 25 : i32
    }
    %scan3A_30 = arith.constant 40 : i32
    "tpu.region"() ({
      %run_scoped3A = tpu.sem_alloc : memref<!tpu.dma_semaphore, #tpu.memory_space<semaphore_mem>>
      %dma_start3A = arith.constant 0 : i32
      %dma_start3A_39 = arith.constant 0 : i32
      %dma_start3A_40 = tpu.memref_slice %arg6[%add3A_25, %dma_start3A, %dma_start3A_39] : memref<64x8x10000xf32, #tpu.memory_space<hbm>> -> memref<1x8x10000xf32, #tpu.memory_space<hbm>>
      %dma_start3A_41 = tpu.memref_squeeze %dma_start3A_40 : memref<1x8x10000xf32, #tpu.memory_space<hbm>> -> memref<8x10000xf32, #tpu.memory_space<hbm>>
      %dma_start3A_42 = arith.constant 0 : i32
      %dma_start3A_43 = arith.constant 0 : i32
      %dma_start3A_44 = tpu.memref_slice %arg6[%add3A_25, %dma_start3A_42, %dma_start3A_43] : memref<64x8x10000xf32, #tpu.memory_space<hbm>> -> memref<1x8x10000xf32, #tpu.memory_space<hbm>>
      %dma_start3A_45 = tpu.memref_squeeze %dma_start3A_44 : memref<1x8x10000xf32, #tpu.memory_space<hbm>> -> memref<8x10000xf32, #tpu.memory_space<hbm>>
      tpu.enqueue_dma source(%arg8 : memref<8x10000xf32, #tpu.memory_space<vmem>>) target(%dma_start3A_45 : memref<8x10000xf32, #tpu.memory_space<hbm>>) target_semaphore(%run_scoped3A : memref<!tpu.dma_semaphore, #tpu.memory_space<semaphore_mem>>)
      %dma_wait3A = arith.constant 0 : i32
      %dma_wait3A_46 = arith.constant 0 : i32
      %dma_wait3A_47 = tpu.memref_slice %arg6[%add3A_25, %dma_wait3A, %dma_wait3A_46] : memref<64x8x10000xf32, #tpu.memory_space<hbm>> -> memref<1x8x10000xf32, #tpu.memory_space<hbm>>
      %dma_wait3A_48 = tpu.memref_squeeze %dma_wait3A_47 : memref<1x8x10000xf32, #tpu.memory_space<hbm>> -> memref<8x10000xf32, #tpu.memory_space<hbm>>
      %dma_wait3A_49 = arith.constant 0 : i32
      %dma_wait3A_50 = arith.constant 0 : i32
      %dma_wait3A_51 = tpu.memref_slice %arg6[%add3A_25, %dma_wait3A_49, %dma_wait3A_50] : memref<64x8x10000xf32, #tpu.memory_space<hbm>> -> memref<1x8x10000xf32, #tpu.memory_space<hbm>>
      %dma_wait3A_52 = tpu.memref_squeeze %dma_wait3A_51 : memref<1x8x10000xf32, #tpu.memory_space<hbm>> -> memref<8x10000xf32, #tpu.memory_space<hbm>>
      tpu.wait_dma2 semaphore(%run_scoped3A : memref<!tpu.dma_semaphore, #tpu.memory_space<semaphore_mem>>) src(%arg8 : memref<8x10000xf32, #tpu.memory_space<vmem>>) dst(%dma_wait3A_52 : memref<8x10000xf32, #tpu.memory_space<hbm>>)
      tpu.yield
    }) : () -> ()
    %add3A_31 = arith.constant 32 : i32
    %add3A_32 = arith.addi %add3A_31, %add3A : i32
    "tpu.region"() ({
      %run_scoped3A = tpu.sem_alloc : memref<!tpu.dma_semaphore, #tpu.memory_space<semaphore_mem>>
      %dma_start3A = arith.constant 0 : i32
      %dma_start3A_39 = arith.constant 0 : i32
      %dma_start3A_40 = tpu.memref_slice %arg4[%add3A_32, %dma_start3A, %dma_start3A_39] : memref<64x4x10000xi32, #tpu.memory_space<hbm>> -> memref<1x4x10000xi32, #tpu.memory_space<hbm>>
      %dma_start3A_41 = tpu.memref_squeeze %dma_start3A_40 : memref<1x4x10000xi32, #tpu.memory_space<hbm>> -> memref<4x10000xi32, #tpu.memory_space<hbm>>
      %dma_start3A_42 = arith.constant 0 : i32
      %dma_start3A_43 = arith.constant 0 : i32
      %dma_start3A_44 = tpu.memref_slice %arg4[%add3A_32, %dma_start3A_42, %dma_start3A_43] : memref<64x4x10000xi32, #tpu.memory_space<hbm>> -> memref<1x4x10000xi32, #tpu.memory_space<hbm>>
      %dma_start3A_45 = tpu.memref_squeeze %dma_start3A_44 : memref<1x4x10000xi32, #tpu.memory_space<hbm>> -> memref<4x10000xi32, #tpu.memory_space<hbm>>
      tpu.enqueue_dma source(%dma_start3A_45 : memref<4x10000xi32, #tpu.memory_space<hbm>>) target(%arg7 : memref<4x10000xi32, #tpu.memory_space<vmem>>) target_semaphore(%run_scoped3A : memref<!tpu.dma_semaphore, #tpu.memory_space<semaphore_mem>>)
      %dma_wait3A = arith.constant 0 : i32
      %dma_wait3A_46 = arith.constant 0 : i32
      %dma_wait3A_47 = tpu.memref_slice %arg4[%add3A_32, %dma_wait3A, %dma_wait3A_46] : memref<64x4x10000xi32, #tpu.memory_space<hbm>> -> memref<1x4x10000xi32, #tpu.memory_space<hbm>>
      %dma_wait3A_48 = tpu.memref_squeeze %dma_wait3A_47 : memref<1x4x10000xi32, #tpu.memory_space<hbm>> -> memref<4x10000xi32, #tpu.memory_space<hbm>>
      %dma_wait3A_49 = arith.constant 0 : i32
      %dma_wait3A_50 = arith.constant 0 : i32
      %dma_wait3A_51 = tpu.memref_slice %arg4[%add3A_32, %dma_wait3A_49, %dma_wait3A_50] : memref<64x4x10000xi32, #tpu.memory_space<hbm>> -> memref<1x4x10000xi32, #tpu.memory_space<hbm>>
      %dma_wait3A_52 = tpu.memref_squeeze %dma_wait3A_51 : memref<1x4x10000xi32, #tpu.memory_space<hbm>> -> memref<4x10000xi32, #tpu.memory_space<hbm>>
      tpu.wait_dma2 semaphore(%run_scoped3A : memref<!tpu.dma_semaphore, #tpu.memory_space<semaphore_mem>>) src(%dma_wait3A_52 : memref<4x10000xi32, #tpu.memory_space<hbm>>) dst(%arg7 : memref<4x10000xi32, #tpu.memory_space<vmem>>)
      tpu.yield
    }) : () -> ()
    "tpu.region"() ({
      %run_scoped3A = tpu.sem_alloc : memref<!tpu.dma_semaphore, #tpu.memory_space<semaphore_mem>>
      tpu.enqueue_dma source(%arg5 : memref<8x10000xf32, #tpu.memory_space<hbm>>) target(%arg8 : memref<8x10000xf32, #tpu.memory_space<vmem>>) target_semaphore(%run_scoped3A : memref<!tpu.dma_semaphore, #tpu.memory_space<semaphore_mem>>)
      tpu.wait_dma2 semaphore(%run_scoped3A : memref<!tpu.dma_semaphore, #tpu.memory_space<semaphore_mem>>) src(%arg5 : memref<8x10000xf32, #tpu.memory_space<hbm>>) dst(%arg8 : memref<8x10000xf32, #tpu.memory_space<vmem>>)
      tpu.yield
    }) : () -> ()
    %scan3A_33 = arith.constant 0 : i32
    %scan3A_34 = arith.constant 0 : i32
    %scan3A_35 = arith.constant 40 : i32
    %scan3A_36 = arith.addi %scan3A_34, %scan3A_35 : i32
    %scan3A_37 = arith.constant 1 : i32
    scf.for %scan3A_39 = %scan3A_34 to %scan3A_36 step %scan3A_37  : i32 {
      %mul3A_40 = arith.constant 4000 : i32
      %mul3A_41 = arith.muli %scan3A_39, %mul3A_40 : i32
      "tpu.region"() ({
        %run_scoped3A = tpu.sem_alloc : memref<!tpu.dma_semaphore, #tpu.memory_space<semaphore_mem>>
        %dma_start3A = tpu.memref_slice %arg2[%mul3A_41] : memref<160000xi32, #tpu.memory_space<hbm>> -> memref<4000xi32, #tpu.memory_space<hbm>>
        %dma_start3A_50 = tpu.memref_slice %arg2[%mul3A_41] : memref<160000xi32, #tpu.memory_space<hbm>> -> memref<4000xi32, #tpu.memory_space<hbm>>
        tpu.enqueue_dma source(%dma_start3A_50 : memref<4000xi32, #tpu.memory_space<hbm>>) target(%arg9 : memref<4000xi32, #tpu.memory_space<vmem>>) target_semaphore(%run_scoped3A : memref<!tpu.dma_semaphore, #tpu.memory_space<semaphore_mem>>)
        %dma_wait3A = tpu.memref_slice %arg2[%mul3A_41] : memref<160000xi32, #tpu.memory_space<hbm>> -> memref<4000xi32, #tpu.memory_space<hbm>>
        %dma_wait3A_51 = tpu.memref_slice %arg2[%mul3A_41] : memref<160000xi32, #tpu.memory_space<hbm>> -> memref<4000xi32, #tpu.memory_space<hbm>>
        tpu.wait_dma2 semaphore(%run_scoped3A : memref<!tpu.dma_semaphore, #tpu.memory_space<semaphore_mem>>) src(%dma_wait3A_51 : memref<4000xi32, #tpu.memory_space<hbm>>) dst(%arg9 : memref<4000xi32, #tpu.memory_space<vmem>>)
        tpu.yield
      }) : () -> ()
      %mul3A_42 = arith.constant 4000 : i32
      %mul3A_43 = arith.muli %scan3A_39, %mul3A_42 : i32
      "tpu.region"() ({
        %run_scoped3A = tpu.sem_alloc : memref<!tpu.dma_semaphore, #tpu.memory_space<semaphore_mem>>
        %dma_start3A = tpu.memref_slice %arg3[%mul3A_43] : memref<160000xi32, #tpu.memory_space<hbm>> -> memref<4000xi32, #tpu.memory_space<hbm>>
        %dma_start3A_50 = tpu.memref_slice %arg3[%mul3A_43] : memref<160000xi32, #tpu.memory_space<hbm>> -> memref<4000xi32, #tpu.memory_space<hbm>>
        tpu.enqueue_dma source(%dma_start3A_50 : memref<4000xi32, #tpu.memory_space<hbm>>) target(%arg10 : memref<4000xi32, #tpu.memory_space<vmem>>) target_semaphore(%run_scoped3A : memref<!tpu.dma_semaphore, #tpu.memory_space<semaphore_mem>>)
        %dma_wait3A = tpu.memref_slice %arg3[%mul3A_43] : memref<160000xi32, #tpu.memory_space<hbm>> -> memref<4000xi32, #tpu.memory_space<hbm>>
        %dma_wait3A_51 = tpu.memref_slice %arg3[%mul3A_43] : memref<160000xi32, #tpu.memory_space<hbm>> -> memref<4000xi32, #tpu.memory_space<hbm>>
        tpu.wait_dma2 semaphore(%run_scoped3A : memref<!tpu.dma_semaphore, #tpu.memory_space<semaphore_mem>>) src(%dma_wait3A_51 : memref<4000xi32, #tpu.memory_space<hbm>>) dst(%arg10 : memref<4000xi32, #tpu.memory_space<vmem>>)
        tpu.yield
      }) : () -> ()
      %scan3A_44 = arith.constant 0 : i32
      %scan3A_45 = arith.constant 0 : i32
      %scan3A_46 = arith.constant 25 : i32
      %scan3A_47 = arith.addi %scan3A_45, %scan3A_46 : i32
      %scan3A_48 = arith.constant 1 : i32
      scf.for %scan3A_50 = %scan3A_45 to %scan3A_47 step %scan3A_48  : i32 {
        %mul3A_51 = arith.constant 10 : i32
        %mul3A_52 = arith.muli %scan3A_50, %mul3A_51 : i32
        %add3A_53 = arith.constant 0 : i32
        %add3A_54 = arith.addi %mul3A_52, %add3A_53 : i32
        %mul3A_55 = arith.constant 16 : i32
        %mul3A_56 = arith.muli %add3A_54, %mul3A_55 : i32
        %get3A = arith.index_cast %mul3A_56 : i32 to index
        %get3A_57 = tpu.vector_load %arg9[%get3A] {strides = array<i32>} : memref<4000xi32, #tpu.memory_space<vmem>>, vector<16xi32>,
        %mul3A_58 = arith.constant 10 : i32
        %mul3A_59 = arith.muli %scan3A_50, %mul3A_58 : i32
        %add3A_60 = arith.constant 1 : i32
        %add3A_61 = arith.addi %mul3A_59, %add3A_60 : i32
        %mul3A_62 = arith.constant 16 : i32
        %mul3A_63 = arith.muli %add3A_61, %mul3A_62 : i32
        %get3A_64 = arith.index_cast %mul3A_63 : i32 to index
        %get3A_65 = tpu.vector_load %arg9[%get3A_64] {strides = array<i32>} : memref<4000xi32, #tpu.memory_space<vmem>>, vector<16xi32>,
        %mul3A_66 = arith.constant 10 : i32
        %mul3A_67 = arith.muli %scan3A_50, %mul3A_66 : i32
        %add3A_68 = arith.constant 2 : i32
        %add3A_69 = arith.addi %mul3A_67, %add3A_68 : i32
        %mul3A_70 = arith.constant 16 : i32
        %mul3A_71 = arith.muli %add3A_69, %mul3A_70 : i32
        %get3A_72 = arith.index_cast %mul3A_71 : i32 to index
        %get3A_73 = tpu.vector_load %arg9[%get3A_72] {strides = array<i32>} : memref<4000xi32, #tpu.memory_space<vmem>>, vector<16xi32>,
        %mul3A_74 = arith.constant 10 : i32
        %mul3A_75 = arith.muli %scan3A_50, %mul3A_74 : i32
        %add3A_76 = arith.constant 3 : i32
        %add3A_77 = arith.addi %mul3A_75, %add3A_76 : i32
        %mul3A_78 = arith.constant 16 : i32
        %mul3A_79 = arith.muli %add3A_77, %mul3A_78 : i32
        %get3A_80 = arith.index_cast %mul3A_79 : i32 to index
        %get3A_81 = tpu.vector_load %arg9[%get3A_80] {strides = array<i32>} : memref<4000xi32, #tpu.memory_space<vmem>>, vector<16xi32>,
        %mul3A_82 = arith.constant 10 : i32
        %mul3A_83 = arith.muli %scan3A_50, %mul3A_82 : i32
        %add3A_84 = arith.constant 4 : i32
        %add3A_85 = arith.addi %mul3A_83, %add3A_84 : i32
        %mul3A_86 = arith.constant 16 : i32
        %mul3A_87 = arith.muli %add3A_85, %mul3A_86 : i32
        %get3A_88 = arith.index_cast %mul3A_87 : i32 to index
        %get3A_89 = tpu.vector_load %arg9[%get3A_88] {strides = array<i32>} : memref<4000xi32, #tpu.memory_space<vmem>>, vector<16xi32>,
        %mul3A_90 = arith.constant 10 : i32
        %mul3A_91 = arith.muli %scan3A_50, %mul3A_90 : i32
        %add3A_92 = arith.constant 5 : i32
        %add3A_93 = arith.addi %mul3A_91, %add3A_92 : i32
        %mul3A_94 = arith.constant 16 : i32
        %mul3A_95 = arith.muli %add3A_93, %mul3A_94 : i32
        %get3A_96 = arith.index_cast %mul3A_95 : i32 to index
        %get3A_97 = tpu.vector_load %arg9[%get3A_96] {strides = array<i32>} : memref<4000xi32, #tpu.memory_space<vmem>>, vector<16xi32>,
        %mul3A_98 = arith.constant 10 : i32
        %mul3A_99 = arith.muli %scan3A_50, %mul3A_98 : i32
        %add3A_100 = arith.constant 6 : i32
        %add3A_101 = arith.addi %mul3A_99, %add3A_100 : i32
        %mul3A_102 = arith.constant 16 : i32
        %mul3A_103 = arith.muli %add3A_101, %mul3A_102 : i32
        %get3A_104 = arith.index_cast %mul3A_103 : i32 to index
        %get3A_105 = tpu.vector_load %arg9[%get3A_104] {strides = array<i32>} : memref<4000xi32, #tpu.memory_space<vmem>>, vector<16xi32>,
        %mul3A_106 = arith.constant 10 : i32
        %mul3A_107 = arith.muli %scan3A_50, %mul3A_106 : i32
        %add3A_108 = arith.constant 7 : i32
        %add3A_109 = arith.addi %mul3A_107, %add3A_108 : i32
        %mul3A_110 = arith.constant 16 : i32
        %mul3A_111 = arith.muli %add3A_109, %mul3A_110 : i32
        %get3A_112 = arith.index_cast %mul3A_111 : i32 to index
        %get3A_113 = tpu.vector_load %arg9[%get3A_112] {strides = array<i32>} : memref<4000xi32, #tpu.memory_space<vmem>>, vector<16xi32>,
        %mul3A_114 = arith.constant 10 : i32
        %mul3A_115 = arith.muli %scan3A_50, %mul3A_114 : i32
        %add3A_116 = arith.constant 8 : i32
        %add3A_117 = arith.addi %mul3A_115, %add3A_116 : i32
        %mul3A_118 = arith.constant 16 : i32
        %mul3A_119 = arith.muli %add3A_117, %mul3A_118 : i32
        %get3A_120 = arith.index_cast %mul3A_119 : i32 to index
        %get3A_121 = tpu.vector_load %arg9[%get3A_120] {strides = array<i32>} : memref<4000xi32, #tpu.memory_space<vmem>>, vector<16xi32>,
        %mul3A_122 = arith.constant 10 : i32
        %mul3A_123 = arith.muli %scan3A_50, %mul3A_122 : i32
        %add3A_124 = arith.constant 9 : i32
        %add3A_125 = arith.addi %mul3A_123, %add3A_124 : i32
        %mul3A_126 = arith.constant 16 : i32
        %mul3A_127 = arith.muli %add3A_125, %mul3A_126 : i32
        %get3A_128 = arith.index_cast %mul3A_127 : i32 to index
        %get3A_129 = tpu.vector_load %arg9[%get3A_128] {strides = array<i32>} : memref<4000xi32, #tpu.memory_space<vmem>>, vector<16xi32>,
        %mul3A_130 = arith.constant 10 : i32
        %mul3A_131 = arith.muli %scan3A_50, %mul3A_130 : i32
        %add3A_132 = arith.constant 0 : i32
        %add3A_133 = arith.addi %mul3A_131, %add3A_132 : i32
        %mul3A_134 = arith.constant 16 : i32
        %mul3A_135 = arith.muli %add3A_133, %mul3A_134 : i32
        %get3A_136 = arith.index_cast %mul3A_135 : i32 to index
        %get3A_137 = tpu.vector_load %arg10[%get3A_136] {strides = array<i32>} : memref<4000xi32, #tpu.memory_space<vmem>>, vector<16xi32>,
        %mul3A_138 = arith.constant 10 : i32
        %mul3A_139 = arith.muli %scan3A_50, %mul3A_138 : i32
        %add3A_140 = arith.constant 1 : i32
        %add3A_141 = arith.addi %mul3A_139, %add3A_140 : i32
        %mul3A_142 = arith.constant 16 : i32
        %mul3A_143 = arith.muli %add3A_141, %mul3A_142 : i32
        %get3A_144 = arith.index_cast %mul3A_143 : i32 to index
        %get3A_145 = tpu.vector_load %arg10[%get3A_144] {strides = array<i32>} : memref<4000xi32, #tpu.memory_space<vmem>>, vector<16xi32>,
        %mul3A_146 = arith.constant 10 : i32
        %mul3A_147 = arith.muli %scan3A_50, %mul3A_146 : i32
        %add3A_148 = arith.constant 2 : i32
        %add3A_149 = arith.addi %mul3A_147, %add3A_148 : i32
        %mul3A_150 = arith.constant 16 : i32
        %mul3A_151 = arith.muli %add3A_149, %mul3A_150 : i32
        %get3A_152 = arith.index_cast %mul3A_151 : i32 to index
        %get3A_153 = tpu.vector_load %arg10[%get3A_152] {strides = array<i32>} : memref<4000xi32, #tpu.memory_space<vmem>>, vector<16xi32>,
        %mul3A_154 = arith.constant 10 : i32
        %mul3A_155 = arith.muli %scan3A_50, %mul3A_154 : i32
        %add3A_156 = arith.constant 3 : i32
        %add3A_157 = arith.addi %mul3A_155, %add3A_156 : i32
        %mul3A_158 = arith.constant 16 : i32
        %mul3A_159 = arith.muli %add3A_157, %mul3A_158 : i32
        %get3A_160 = arith.index_cast %mul3A_159 : i32 to index
        %get3A_161 = tpu.vector_load %arg10[%get3A_160] {strides = array<i32>} : memref<4000xi32, #tpu.memory_space<vmem>>, vector<16xi32>,
        %mul3A_162 = arith.constant 10 : i32
        %mul3A_163 = arith.muli %scan3A_50, %mul3A_162 : i32
        %add3A_164 = arith.constant 4 : i32
        %add3A_165 = arith.addi %mul3A_163, %add3A_164 : i32
        %mul3A_166 = arith.constant 16 : i32
        %mul3A_167 = arith.muli %add3A_165, %mul3A_166 : i32
        %get3A_168 = arith.index_cast %mul3A_167 : i32 to index
        %get3A_169 = tpu.vector_load %arg10[%get3A_168] {strides = array<i32>} : memref<4000xi32, #tpu.memory_space<vmem>>, vector<16xi32>,
        %mul3A_170 = arith.constant 10 : i32
        %mul3A_171 = arith.muli %scan3A_50, %mul3A_170 : i32
        %add3A_172 = arith.constant 5 : i32
        %add3A_173 = arith.addi %mul3A_171, %add3A_172 : i32
        %mul3A_174 = arith.constant 16 : i32
        %mul3A_175 = arith.muli %add3A_173, %mul3A_174 : i32
        %get3A_176 = arith.index_cast %mul3A_175 : i32 to index
        %get3A_177 = tpu.vector_load %arg10[%get3A_176] {strides = array<i32>} : memref<4000xi32, #tpu.memory_space<vmem>>, vector<16xi32>,
        %mul3A_178 = arith.constant 10 : i32
        %mul3A_179 = arith.muli %scan3A_50, %mul3A_178 : i32
        %add3A_180 = arith.constant 6 : i32
        %add3A_181 = arith.addi %mul3A_179, %add3A_180 : i32
        %mul3A_182 = arith.constant 16 : i32
        %mul3A_183 = arith.muli %add3A_181, %mul3A_182 : i32
        %get3A_184 = arith.index_cast %mul3A_183 : i32 to index
        %get3A_185 = tpu.vector_load %arg10[%get3A_184] {strides = array<i32>} : memref<4000xi32, #tpu.memory_space<vmem>>, vector<16xi32>,
        %mul3A_186 = arith.constant 10 : i32
        %mul3A_187 = arith.muli %scan3A_50, %mul3A_186 : i32
        %add3A_188 = arith.constant 7 : i32
        %add3A_189 = arith.addi %mul3A_187, %add3A_188 : i32
        %mul3A_190 = arith.constant 16 : i32
        %mul3A_191 = arith.muli %add3A_189, %mul3A_190 : i32
        %get3A_192 = arith.index_cast %mul3A_191 : i32 to index
        %get3A_193 = tpu.vector_load %arg10[%get3A_192] {strides = array<i32>} : memref<4000xi32, #tpu.memory_space<vmem>>, vector<16xi32>,
        %mul3A_194 = arith.constant 10 : i32
        %mul3A_195 = arith.muli %scan3A_50, %mul3A_194 : i32
        %add3A_196 = arith.constant 8 : i32
        %add3A_197 = arith.addi %mul3A_195, %add3A_196 : i32
        %mul3A_198 = arith.constant 16 : i32
        %mul3A_199 = arith.muli %add3A_197, %mul3A_198 : i32
        %get3A_200 = arith.index_cast %mul3A_199 : i32 to index
        %get3A_201 = tpu.vector_load %arg10[%get3A_200] {strides = array<i32>} : memref<4000xi32, #tpu.memory_space<vmem>>, vector<16xi32>,
        %mul3A_202 = arith.constant 10 : i32
        %mul3A_203 = arith.muli %scan3A_50, %mul3A_202 : i32
        %add3A_204 = arith.constant 9 : i32
        %add3A_205 = arith.addi %mul3A_203, %add3A_204 : i32
        %mul3A_206 = arith.constant 16 : i32
        %mul3A_207 = arith.muli %add3A_205, %mul3A_206 : i32
        %get3A_208 = arith.index_cast %mul3A_207 : i32 to index
        %get3A_209 = tpu.vector_load %arg10[%get3A_208] {strides = array<i32>} : memref<4000xi32, #tpu.memory_space<vmem>>, vector<16xi32>,
        %gather3A = tpu.vector_load_idx %arg7[%broadcast_in_dim3A_1, %get3A_57] : memref<4x10000xi32, #tpu.memory_space<vmem>>[vector<16xi32>, vector<16xi32>], vector<16xi32>,
        %bitcast3A = vector.bitcast %gather3A : vector<16xi32> to vector<32xbf16>
        %unpack3A = tpu.unpack_subelements %bitcast3A, 0 {pack_format = #tpu.pack_format<interleaved>} : vector<32xbf16> -> vector<16xf32>
        %unpack3A_210 = tpu.unpack_subelements %bitcast3A, 1 {pack_format = #tpu.pack_format<interleaved>} : vector<32xbf16> -> vector<16xf32>
        tpu.vector_store_idx %arg8[%broadcast_in_dim3A_9, %get3A_137], %unpack3A {add = true} : memref<8x10000xf32, #tpu.memory_space<vmem>>[vector<16xi32>, vector<16xi32>], vector<16xf32>,
        tpu.vector_store_idx %arg8[%broadcast_in_dim3A_11, %get3A_137], %unpack3A_210 {add = true} : memref<8x10000xf32, #tpu.memory_space<vmem>>[vector<16xi32>, vector<16xi32>], vector<16xf32>,
        %gather3A_211 = tpu.vector_load_idx %arg7[%broadcast_in_dim3A_3, %get3A_57] : memref<4x10000xi32, #tpu.memory_space<vmem>>[vector<16xi32>, vector<16xi32>], vector<16xi32>,
        %bitcast3A_212 = vector.bitcast %gather3A_211 : vector<16xi32> to vector<32xbf16>
        %unpack3A_213 = tpu.unpack_subelements %bitcast3A_212, 0 {pack_format = #tpu.pack_format<interleaved>} : vector<32xbf16> -> vector<16xf32>
        %unpack3A_214 = tpu.unpack_subelements %bitcast3A_212, 1 {pack_format = #tpu.pack_format<interleaved>} : vector<32xbf16> -> vector<16xf32>
        tpu.vector_store_idx %arg8[%broadcast_in_dim3A_13, %get3A_137], %unpack3A_213 {add = true} : memref<8x10000xf32, #tpu.memory_space<vmem>>[vector<16xi32>, vector<16xi32>], vector<16xf32>,
        tpu.vector_store_idx %arg8[%broadcast_in_dim3A_15, %get3A_137], %unpack3A_214 {add = true} : memref<8x10000xf32, #tpu.memory_space<vmem>>[vector<16xi32>, vector<16xi32>], vector<16xf32>,
        %gather3A_215 = tpu.vector_load_idx %arg7[%broadcast_in_dim3A_5, %get3A_57] : memref<4x10000xi32, #tpu.memory_space<vmem>>[vector<16xi32>, vector<16xi32>], vector<16xi32>,
        %bitcast3A_216 = vector.bitcast %gather3A_215 : vector<16xi32> to vector<32xbf16>
        %unpack3A_217 = tpu.unpack_subelements %bitcast3A_216, 0 {pack_format = #tpu.pack_format<interleaved>} : vector<32xbf16> -> vector<16xf32>
        %unpack3A_218 = tpu.unpack_subelements %bitcast3A_216, 1 {pack_format = #tpu.pack_format<interleaved>} : vector<32xbf16> -> vector<16xf32>
        tpu.vector_store_idx %arg8[%broadcast_in_dim3A_17, %get3A_137], %unpack3A_217 {add = true} : memref<8x10000xf32, #tpu.memory_space<vmem>>[vector<16xi32>, vector<16xi32>], vector<16xf32>,
        tpu.vector_store_idx %arg8[%broadcast_in_dim3A_19, %get3A_137], %unpack3A_218 {add = true} : memref<8x10000xf32, #tpu.memory_space<vmem>>[vector<16xi32>, vector<16xi32>], vector<16xf32>,
        %gather3A_219 = tpu.vector_load_idx %arg7[%broadcast_in_dim3A_7, %get3A_57] : memref<4x10000xi32, #tpu.memory_space<vmem>>[vector<16xi32>, vector<16xi32>], vector<16xi32>,
        %bitcast3A_220 = vector.bitcast %gather3A_219 : vector<16xi32> to vector<32xbf16>
        %unpack3A_221 = tpu.unpack_subelements %bitcast3A_220, 0 {pack_format = #tpu.pack_format<interleaved>} : vector<32xbf16> -> vector<16xf32>
        %unpack3A_222 = tpu.unpack_subelements %bitcast3A_220, 1 {pack_format = #tpu.pack_format<interleaved>} : vector<32xbf16> -> vector<16xf32>
        tpu.vector_store_idx %arg8[%broadcast_in_dim3A_21, %get3A_137], %unpack3A_221 {add = true} : memref<8x10000xf32, #tpu.memory_space<vmem>>[vector<16xi32>, vector<16xi32>], vector<16xf32>,
        tpu.vector_store_idx %arg8[%broadcast_in_dim3A_23, %get3A_137], %unpack3A_222 {add = true} : memref<8x10000xf32, #tpu.memory_space<vmem>>[vector<16xi32>, vector<16xi32>], vector<16xf32>,
        %gather3A_223 = tpu.vector_load_idx %arg7[%broadcast_in_dim3A_1, %get3A_65] : memref<4x10000xi32, #tpu.memory_space<vmem>>[vector<16xi32>, vector<16xi32>], vector<16xi32>,
        %bitcast3A_224 = vector.bitcast %gather3A_223 : vector<16xi32> to vector<32xbf16>
        %unpack3A_225 = tpu.unpack_subelements %bitcast3A_224, 0 {pack_format = #tpu.pack_format<interleaved>} : vector<32xbf16> -> vector<16xf32>
        %unpack3A_226 = tpu.unpack_subelements %bitcast3A_224, 1 {pack_format = #tpu.pack_format<interleaved>} : vector<32xbf16> -> vector<16xf32>
        tpu.vector_store_idx %arg8[%broadcast_in_dim3A_9, %get3A_145], %unpack3A_225 {add = true} : memref<8x10000xf32, #tpu.memory_space<vmem>>[vector<16xi32>, vector<16xi32>], vector<16xf32>,
        tpu.vector_store_idx %arg8[%broadcast_in_dim3A_11, %get3A_145], %unpack3A_226 {add = true} : memref<8x10000xf32, #tpu.memory_space<vmem>>[vector<16xi32>, vector<16xi32>], vector<16xf32>,
        %gather3A_227 = tpu.vector_load_idx %arg7[%broadcast_in_dim3A_3, %get3A_65] : memref<4x10000xi32, #tpu.memory_space<vmem>>[vector<16xi32>, vector<16xi32>], vector<16xi32>,
        %bitcast3A_228 = vector.bitcast %gather3A_227 : vector<16xi32> to vector<32xbf16>
        %unpack3A_229 = tpu.unpack_subelements %bitcast3A_228, 0 {pack_format = #tpu.pack_format<interleaved>} : vector<32xbf16> -> vector<16xf32>
        %unpack3A_230 = tpu.unpack_subelements %bitcast3A_228, 1 {pack_format = #tpu.pack_format<interleaved>} : vector<32xbf16> -> vector<16xf32>
        tpu.vector_store_idx %arg8[%broadcast_in_dim3A_13, %get3A_145], %unpack3A_229 {add = true} : memref<8x10000xf32, #tpu.memory_space<vmem>>[vector<16xi32>, vector<16xi32>], vector<16xf32>,
        tpu.vector_store_idx %arg8[%broadcast_in_dim3A_15, %get3A_145], %unpack3A_230 {add = true} : memref<8x10000xf32, #tpu.memory_space<vmem>>[vector<16xi32>, vector<16xi32>], vector<16xf32>,
        %gather3A_231 = tpu.vector_load_idx %arg7[%broadcast_in_dim3A_5, %get3A_65] : memref<4x10000xi32, #tpu.memory_space<vmem>>[vector<16xi32>, vector<16xi32>], vector<16xi32>,
        %bitcast3A_232 = vector.bitcast %gather3A_231 : vector<16xi32> to vector<32xbf16>
        %unpack3A_233 = tpu.unpack_subelements %bitcast3A_232, 0 {pack_format = #tpu.pack_format<interleaved>} : vector<32xbf16> -> vector<16xf32>
        %unpack3A_234 = tpu.unpack_subelements %bitcast3A_232, 1 {pack_format = #tpu.pack_format<interleaved>} : vector<32xbf16> -> vector<16xf32>
        tpu.vector_store_idx %arg8[%broadcast_in_dim3A_17, %get3A_145], %unpack3A_233 {add = true} : memref<8x10000xf32, #tpu.memory_space<vmem>>[vector<16xi32>, vector<16xi32>], vector<16xf32>,
        tpu.vector_store_idx %arg8[%broadcast_in_dim3A_19, %get3A_145], %unpack3A_234 {add = true} : memref<8x10000xf32, #tpu.memory_space<vmem>>[vector<16xi32>, vector<16xi32>], vector<16xf32>,
        %gather3A_235 = tpu.vector_load_idx %arg7[%broadcast_in_dim3A_7, %get3A_65] : memref<4x10000xi32, #tpu.memory_space<vmem>>[vector<16xi32>, vector<16xi32>], vector<16xi32>,
        %bitcast3A_236 = vector.bitcast %gather3A_235 : vector<16xi32> to vector<32xbf16>
        %unpack3A_237 = tpu.unpack_subelements %bitcast3A_236, 0 {pack_format = #tpu.pack_format<interleaved>} : vector<32xbf16> -> vector<16xf32>
        %unpack3A_238 = tpu.unpack_subelements %bitcast3A_236, 1 {pack_format = #tpu.pack_format<interleaved>} : vector<32xbf16> -> vector<16xf32>
        tpu.vector_store_idx %arg8[%broadcast_in_dim3A_21, %get3A_145], %unpack3A_237 {add = true} : memref<8x10000xf32, #tpu.memory_space<vmem>>[vector<16xi32>, vector<16xi32>], vector<16xf32>,
        tpu.vector_store_idx %arg8[%broadcast_in_dim3A_23, %get3A_145], %unpack3A_238 {add = true} : memref<8x10000xf32, #tpu.memory_space<vmem>>[vector<16xi32>, vector<16xi32>], vector<16xf32>,
        %gather3A_239 = tpu.vector_load_idx %arg7[%broadcast_in_dim3A_1, %get3A_73] : memref<4x10000xi32, #tpu.memory_space<vmem>>[vector<16xi32>, vector<16xi32>], vector<16xi32>,
        %bitcast3A_240 = vector.bitcast %gather3A_239 : vector<16xi32> to vector<32xbf16>
        %unpack3A_241 = tpu.unpack_subelements %bitcast3A_240, 0 {pack_format = #tpu.pack_format<interleaved>} : vector<32xbf16> -> vector<16xf32>
        %unpack3A_242 = tpu.unpack_subelements %bitcast3A_240, 1 {pack_format = #tpu.pack_format<interleaved>} : vector<32xbf16> -> vector<16xf32>
        tpu.vector_store_idx %arg8[%broadcast_in_dim3A_9, %get3A_153], %unpack3A_241 {add = true} : memref<8x10000xf32, #tpu.memory_space<vmem>>[vector<16xi32>, vector<16xi32>], vector<16xf32>,
        tpu.vector_store_idx %arg8[%broadcast_in_dim3A_11, %get3A_153], %unpack3A_242 {add = true} : memref<8x10000xf32, #tpu.memory_space<vmem>>[vector<16xi32>, vector<16xi32>], vector<16xf32>,
        %gather3A_243 = tpu.vector_load_idx %arg7[%broadcast_in_dim3A_3, %get3A_73] : memref<4x10000xi32, #tpu.memory_space<vmem>>[vector<16xi32>, vector<16xi32>], vector<16xi32>,
        %bitcast3A_244 = vector.bitcast %gather3A_243 : vector<16xi32> to vector<32xbf16>
        %unpack3A_245 = tpu.unpack_subelements %bitcast3A_244, 0 {pack_format = #tpu.pack_format<interleaved>} : vector<32xbf16> -> vector<16xf32>
        %unpack3A_246 = tpu.unpack_subelements %bitcast3A_244, 1 {pack_format = #tpu.pack_format<interleaved>} : vector<32xbf16> -> vector<16xf32>
        tpu.vector_store_idx %arg8[%broadcast_in_dim3A_13, %get3A_153], %unpack3A_245 {add = true} : memref<8x10000xf32, #tpu.memory_space<vmem>>[vector<16xi32>, vector<16xi32>], vector<16xf32>,
        tpu.vector_store_idx %arg8[%broadcast_in_dim3A_15, %get3A_153], %unpack3A_246 {add = true} : memref<8x10000xf32, #tpu.memory_space<vmem>>[vector<16xi32>, vector<16xi32>], vector<16xf32>,
        %gather3A_247 = tpu.vector_load_idx %arg7[%broadcast_in_dim3A_5, %get3A_73] : memref<4x10000xi32, #tpu.memory_space<vmem>>[vector<16xi32>, vector<16xi32>], vector<16xi32>,
        %bitcast3A_248 = vector.bitcast %gather3A_247 : vector<16xi32> to vector<32xbf16>
        %unpack3A_249 = tpu.unpack_subelements %bitcast3A_248, 0 {pack_format = #tpu.pack_format<interleaved>} : vector<32xbf16> -> vector<16xf32>
        %unpack3A_250 = tpu.unpack_subelements %bitcast3A_248, 1 {pack_format = #tpu.pack_format<interleaved>} : vector<32xbf16> -> vector<16xf32>
        tpu.vector_store_idx %arg8[%broadcast_in_dim3A_17, %get3A_153], %unpack3A_249 {add = true} : memref<8x10000xf32, #tpu.memory_space<vmem>>[vector<16xi32>, vector<16xi32>], vector<16xf32>,
        tpu.vector_store_idx %arg8[%broadcast_in_dim3A_19, %get3A_153], %unpack3A_250 {add = true} : memref<8x10000xf32, #tpu.memory_space<vmem>>[vector<16xi32>, vector<16xi32>], vector<16xf32>,
        %gather3A_251 = tpu.vector_load_idx %arg7[%broadcast_in_dim3A_7, %get3A_73] : memref<4x10000xi32, #tpu.memory_space<vmem>>[vector<16xi32>, vector<16xi32>], vector<16xi32>,
        %bitcast3A_252 = vector.bitcast %gather3A_251 : vector<16xi32> to vector<32xbf16>
        %unpack3A_253 = tpu.unpack_subelements %bitcast3A_252, 0 {pack_format = #tpu.pack_format<interleaved>} : vector<32xbf16> -> vector<16xf32>
        %unpack3A_254 = tpu.unpack_subelements %bitcast3A_252, 1 {pack_format = #tpu.pack_format<interleaved>} : vector<32xbf16> -> vector<16xf32>
        tpu.vector_store_idx %arg8[%broadcast_in_dim3A_21, %get3A_153], %unpack3A_253 {add = true} : memref<8x10000xf32, #tpu.memory_space<vmem>>[vector<16xi32>, vector<16xi32>], vector<16xf32>,
        tpu.vector_store_idx %arg8[%broadcast_in_dim3A_23, %get3A_153], %unpack3A_254 {add = true} : memref<8x10000xf32, #tpu.memory_space<vmem>>[vector<16xi32>, vector<16xi32>], vector<16xf32>,
        %gather3A_255 = tpu.vector_load_idx %arg7[%broadcast_in_dim3A_1, %get3A_81] : memref<4x10000xi32, #tpu.memory_space<vmem>>[vector<16xi32>, vector<16xi32>], vector<16xi32>,
        %bitcast3A_256 = vector.bitcast %gather3A_255 : vector<16xi32> to vector<32xbf16>
        %unpack3A_257 = tpu.unpack_subelements %bitcast3A_256, 0 {pack_format = #tpu.pack_format<interleaved>} : vector<32xbf16> -> vector<16xf32>
        %unpack3A_258 = tpu.unpack_subelements %bitcast3A_256, 1 {pack_format = #tpu.pack_format<interleaved>} : vector<32xbf16> -> vector<16xf32>
        tpu.vector_store_idx %arg8[%broadcast_in_dim3A_9, %get3A_161], %unpack3A_257 {add = true} : memref<8x10000xf32, #tpu.memory_space<vmem>>[vector<16xi32>, vector<16xi32>], vector<16xf32>,
        tpu.vector_store_idx %arg8[%broadcast_in_dim3A_11, %get3A_161], %unpack3A_258 {add = true} : memref<8x10000xf32, #tpu.memory_space<vmem>>[vector<16xi32>, vector<16xi32>], vector<16xf32>,
        %gather3A_259 = tpu.vector_load_idx %arg7[%broadcast_in_dim3A_3, %get3A_81] : memref<4x10000xi32, #tpu.memory_space<vmem>>[vector<16xi32>, vector<16xi32>], vector<16xi32>,
        %bitcast3A_260 = vector.bitcast %gather3A_259 : vector<16xi32> to vector<32xbf16>
        %unpack3A_261 = tpu.unpack_subelements %bitcast3A_260, 0 {pack_format = #tpu.pack_format<interleaved>} : vector<32xbf16> -> vector<16xf32>
        %unpack3A_262 = tpu.unpack_subelements %bitcast3A_260, 1 {pack_format = #tpu.pack_format<interleaved>} : vector<32xbf16> -> vector<16xf32>
        tpu.vector_store_idx %arg8[%broadcast_in_dim3A_13, %get3A_161], %unpack3A_261 {add = true} : memref<8x10000xf32, #tpu.memory_space<vmem>>[vector<16xi32>, vector<16xi32>], vector<16xf32>,
        tpu.vector_store_idx %arg8[%broadcast_in_dim3A_15, %get3A_161], %unpack3A_262 {add = true} : memref<8x10000xf32, #tpu.memory_space<vmem>>[vector<16xi32>, vector<16xi32>], vector<16xf32>,
        %gather3A_263 = tpu.vector_load_idx %arg7[%broadcast_in_dim3A_5, %get3A_81] : memref<4x10000xi32, #tpu.memory_space<vmem>>[vector<16xi32>, vector<16xi32>], vector<16xi32>,
        %bitcast3A_264 = vector.bitcast %gather3A_263 : vector<16xi32> to vector<32xbf16>
        %unpack3A_265 = tpu.unpack_subelements %bitcast3A_264, 0 {pack_format = #tpu.pack_format<interleaved>} : vector<32xbf16> -> vector<16xf32>
        %unpack3A_266 = tpu.unpack_subelements %bitcast3A_264, 1 {pack_format = #tpu.pack_format<interleaved>} : vector<32xbf16> -> vector<16xf32>
        tpu.vector_store_idx %arg8[%broadcast_in_dim3A_17, %get3A_161], %unpack3A_265 {add = true} : memref<8x10000xf32, #tpu.memory_space<vmem>>[vector<16xi32>, vector<16xi32>], vector<16xf32>,
        tpu.vector_store_idx %arg8[%broadcast_in_dim3A_19, %get3A_161], %unpack3A_266 {add = true} : memref<8x10000xf32, #tpu.memory_space<vmem>>[vector<16xi32>, vector<16xi32>], vector<16xf32>,
        %gather3A_267 = tpu.vector_load_idx %arg7[%broadcast_in_dim3A_7, %get3A_81] : memref<4x10000xi32, #tpu.memory_space<vmem>>[vector<16xi32>, vector<16xi32>], vector<16xi32>,
        %bitcast3A_268 = vector.bitcast %gather3A_267 : vector<16xi32> to vector<32xbf16>
        %unpack3A_269 = tpu.unpack_subelements %bitcast3A_268, 0 {pack_format = #tpu.pack_format<interleaved>} : vector<32xbf16> -> vector<16xf32>
        %unpack3A_270 = tpu.unpack_subelements %bitcast3A_268, 1 {pack_format = #tpu.pack_format<interleaved>} : vector<32xbf16> -> vector<16xf32>
        tpu.vector_store_idx %arg8[%broadcast_in_dim3A_21, %get3A_161], %unpack3A_269 {add = true} : memref<8x10000xf32, #tpu.memory_space<vmem>>[vector<16xi32>, vector<16xi32>], vector<16xf32>,
        tpu.vector_store_idx %arg8[%broadcast_in_dim3A_23, %get3A_161], %unpack3A_270 {add = true} : memref<8x10000xf32, #tpu.memory_space<vmem>>[vector<16xi32>, vector<16xi32>], vector<16xf32>,
        %gather3A_271 = tpu.vector_load_idx %arg7[%broadcast_in_dim3A_1, %get3A_89] : memref<4x10000xi32, #tpu.memory_space<vmem>>[vector<16xi32>, vector<16xi32>], vector<16xi32>,
        %bitcast3A_272 = vector.bitcast %gather3A_271 : vector<16xi32> to vector<32xbf16>
        %unpack3A_273 = tpu.unpack_subelements %bitcast3A_272, 0 {pack_format = #tpu.pack_format<interleaved>} : vector<32xbf16> -> vector<16xf32>
        %unpack3A_274 = tpu.unpack_subelements %bitcast3A_272, 1 {pack_format = #tpu.pack_format<interleaved>} : vector<32xbf16> -> vector<16xf32>
        tpu.vector_store_idx %arg8[%broadcast_in_dim3A_9, %get3A_169], %unpack3A_273 {add = true} : memref<8x10000xf32, #tpu.memory_space<vmem>>[vector<16xi32>, vector<16xi32>], vector<16xf32>,
        tpu.vector_store_idx %arg8[%broadcast_in_dim3A_11, %get3A_169], %unpack3A_274 {add = true} : memref<8x10000xf32, #tpu.memory_space<vmem>>[vector<16xi32>, vector<16xi32>], vector<16xf32>,
        %gather3A_275 = tpu.vector_load_idx %arg7[%broadcast_in_dim3A_3, %get3A_89] : memref<4x10000xi32, #tpu.memory_space<vmem>>[vector<16xi32>, vector<16xi32>], vector<16xi32>,
        %bitcast3A_276 = vector.bitcast %gather3A_275 : vector<16xi32> to vector<32xbf16>
        %unpack3A_277 = tpu.unpack_subelements %bitcast3A_276, 0 {pack_format = #tpu.pack_format<interleaved>} : vector<32xbf16> -> vector<16xf32>
        %unpack3A_278 = tpu.unpack_subelements %bitcast3A_276, 1 {pack_format = #tpu.pack_format<interleaved>} : vector<32xbf16> -> vector<16xf32>
        tpu.vector_store_idx %arg8[%broadcast_in_dim3A_13, %get3A_169], %unpack3A_277 {add = true} : memref<8x10000xf32, #tpu.memory_space<vmem>>[vector<16xi32>, vector<16xi32>], vector<16xf32>,
        tpu.vector_store_idx %arg8[%broadcast_in_dim3A_15, %get3A_169], %unpack3A_278 {add = true} : memref<8x10000xf32, #tpu.memory_space<vmem>>[vector<16xi32>, vector<16xi32>], vector<16xf32>,
        %gather3A_279 = tpu.vector_load_idx %arg7[%broadcast_in_dim3A_5, %get3A_89] : memref<4x10000xi32, #tpu.memory_space<vmem>>[vector<16xi32>, vector<16xi32>], vector<16xi32>,
        %bitcast3A_280 = vector.bitcast %gather3A_279 : vector<16xi32> to vector<32xbf16>
        %unpack3A_281 = tpu.unpack_subelements %bitcast3A_280, 0 {pack_format = #tpu.pack_format<interleaved>} : vector<32xbf16> -> vector<16xf32>
        %unpack3A_282 = tpu.unpack_subelements %bitcast3A_280, 1 {pack_format = #tpu.pack_format<interleaved>} : vector<32xbf16> -> vector<16xf32>
        tpu.vector_store_idx %arg8[%broadcast_in_dim3A_17, %get3A_169], %unpack3A_281 {add = true} : memref<8x10000xf32, #tpu.memory_space<vmem>>[vector<16xi32>, vector<16xi32>], vector<16xf32>,
        tpu.vector_store_idx %arg8[%broadcast_in_dim3A_19, %get3A_169], %unpack3A_282 {add = true} : memref<8x10000xf32, #tpu.memory_space<vmem>>[vector<16xi32>, vector<16xi32>], vector<16xf32>,
        %gather3A_283 = tpu.vector_load_idx %arg7[%broadcast_in_dim3A_7, %get3A_89] : memref<4x10000xi32, #tpu.memory_space<vmem>>[vector<16xi32>, vector<16xi32>], vector<16xi32>,
        %bitcast3A_284 = vector.bitcast %gather3A_283 : vector<16xi32> to vector<32xbf16>
        %unpack3A_285 = tpu.unpack_subelements %bitcast3A_284, 0 {pack_format = #tpu.pack_format<interleaved>} : vector<32xbf16> -> vector<16xf32>
        %unpack3A_286 = tpu.unpack_subelements %bitcast3A_284, 1 {pack_format = #tpu.pack_format<interleaved>} : vector<32xbf16> -> vector<16xf32>
        tpu.vector_store_idx %arg8[%broadcast_in_dim3A_21, %get3A_169], %unpack3A_285 {add = true} : memref<8x10000xf32, #tpu.memory_space<vmem>>[vector<16xi32>, vector<16xi32>], vector<16xf32>,
        tpu.vector_store_idx %arg8[%broadcast_in_dim3A_23, %get3A_169], %unpack3A_286 {add = true} : memref<8x10000xf32, #tpu.memory_space<vmem>>[vector<16xi32>, vector<16xi32>], vector<16xf32>,
        %gather3A_287 = tpu.vector_load_idx %arg7[%broadcast_in_dim3A_1, %get3A_97] : memref<4x10000xi32, #tpu.memory_space<vmem>>[vector<16xi32>, vector<16xi32>], vector<16xi32>,
        %bitcast3A_288 = vector.bitcast %gather3A_287 : vector<16xi32> to vector<32xbf16>
        %unpack3A_289 = tpu.unpack_subelements %bitcast3A_288, 0 {pack_format = #tpu.pack_format<interleaved>} : vector<32xbf16> -> vector<16xf32>
        %unpack3A_290 = tpu.unpack_subelements %bitcast3A_288, 1 {pack_format = #tpu.pack_format<interleaved>} : vector<32xbf16> -> vector<16xf32>
        tpu.vector_store_idx %arg8[%broadcast_in_dim3A_9, %get3A_177], %unpack3A_289 {add = true} : memref<8x10000xf32, #tpu.memory_space<vmem>>[vector<16xi32>, vector<16xi32>], vector<16xf32>,
        tpu.vector_store_idx %arg8[%broadcast_in_dim3A_11, %get3A_177], %unpack3A_290 {add = true} : memref<8x10000xf32, #tpu.memory_space<vmem>>[vector<16xi32>, vector<16xi32>], vector<16xf32>,
        %gather3A_291 = tpu.vector_load_idx %arg7[%broadcast_in_dim3A_3, %get3A_97] : memref<4x10000xi32, #tpu.memory_space<vmem>>[vector<16xi32>, vector<16xi32>], vector<16xi32>,
        %bitcast3A_292 = vector.bitcast %gather3A_291 : vector<16xi32> to vector<32xbf16>
        %unpack3A_293 = tpu.unpack_subelements %bitcast3A_292, 0 {pack_format = #tpu.pack_format<interleaved>} : vector<32xbf16> -> vector<16xf32>
        %unpack3A_294 = tpu.unpack_subelements %bitcast3A_292, 1 {pack_format = #tpu.pack_format<interleaved>} : vector<32xbf16> -> vector<16xf32>
        tpu.vector_store_idx %arg8[%broadcast_in_dim3A_13, %get3A_177], %unpack3A_293 {add = true} : memref<8x10000xf32, #tpu.memory_space<vmem>>[vector<16xi32>, vector<16xi32>], vector<16xf32>,
        tpu.vector_store_idx %arg8[%broadcast_in_dim3A_15, %get3A_177], %unpack3A_294 {add = true} : memref<8x10000xf32, #tpu.memory_space<vmem>>[vector<16xi32>, vector<16xi32>], vector<16xf32>,
        %gather3A_295 = tpu.vector_load_idx %arg7[%broadcast_in_dim3A_5, %get3A_97] : memref<4x10000xi32, #tpu.memory_space<vmem>>[vector<16xi32>, vector<16xi32>], vector<16xi32>,
        %bitcast3A_296 = vector.bitcast %gather3A_295 : vector<16xi32> to vector<32xbf16>
        %unpack3A_297 = tpu.unpack_subelements %bitcast3A_296, 0 {pack_format = #tpu.pack_format<interleaved>} : vector<32xbf16> -> vector<16xf32>
        %unpack3A_298 = tpu.unpack_subelements %bitcast3A_296, 1 {pack_format = #tpu.pack_format<interleaved>} : vector<32xbf16> -> vector<16xf32>
        tpu.vector_store_idx %arg8[%broadcast_in_dim3A_17, %get3A_177], %unpack3A_297 {add = true} : memref<8x10000xf32, #tpu.memory_space<vmem>>[vector<16xi32>, vector<16xi32>], vector<16xf32>,
        tpu.vector_store_idx %arg8[%broadcast_in_dim3A_19, %get3A_177], %unpack3A_298 {add = true} : memref<8x10000xf32, #tpu.memory_space<vmem>>[vector<16xi32>, vector<16xi32>], vector<16xf32>,
        %gather3A_299 = tpu.vector_load_idx %arg7[%broadcast_in_dim3A_7, %get3A_97] : memref<4x10000xi32, #tpu.memory_space<vmem>>[vector<16xi32>, vector<16xi32>], vector<16xi32>,
        %bitcast3A_300 = vector.bitcast %gather3A_299 : vector<16xi32> to vector<32xbf16>
        %unpack3A_301 = tpu.unpack_subelements %bitcast3A_300, 0 {pack_format = #tpu.pack_format<interleaved>} : vector<32xbf16> -> vector<16xf32>
        %unpack3A_302 = tpu.unpack_subelements %bitcast3A_300, 1 {pack_format = #tpu.pack_format<interleaved>} : vector<32xbf16> -> vector<16xf32>
        tpu.vector_store_idx %arg8[%broadcast_in_dim3A_21, %get3A_177], %unpack3A_301 {add = true} : memref<8x10000xf32, #tpu.memory_space<vmem>>[vector<16xi32>, vector<16xi32>], vector<16xf32>,
        tpu.vector_store_idx %arg8[%broadcast_in_dim3A_23, %get3A_177], %unpack3A_302 {add = true} : memref<8x10000xf32, #tpu.memory_space<vmem>>[vector<16xi32>, vector<16xi32>], vector<16xf32>,
        %gather3A_303 = tpu.vector_load_idx %arg7[%broadcast_in_dim3A_1, %get3A_105] : memref<4x10000xi32, #tpu.memory_space<vmem>>[vector<16xi32>, vector<16xi32>], vector<16xi32>,
        %bitcast3A_304 = vector.bitcast %gather3A_303 : vector<16xi32> to vector<32xbf16>
        %unpack3A_305 = tpu.unpack_subelements %bitcast3A_304, 0 {pack_format = #tpu.pack_format<interleaved>} : vector<32xbf16> -> vector<16xf32>
        %unpack3A_306 = tpu.unpack_subelements %bitcast3A_304, 1 {pack_format = #tpu.pack_format<interleaved>} : vector<32xbf16> -> vector<16xf32>
        tpu.vector_store_idx %arg8[%broadcast_in_dim3A_9, %get3A_185], %unpack3A_305 {add = true} : memref<8x10000xf32, #tpu.memory_space<vmem>>[vector<16xi32>, vector<16xi32>], vector<16xf32>,
        tpu.vector_store_idx %arg8[%broadcast_in_dim3A_11, %get3A_185], %unpack3A_306 {add = true} : memref<8x10000xf32, #tpu.memory_space<vmem>>[vector<16xi32>, vector<16xi32>], vector<16xf32>,
        %gather3A_307 = tpu.vector_load_idx %arg7[%broadcast_in_dim3A_3, %get3A_105] : memref<4x10000xi32, #tpu.memory_space<vmem>>[vector<16xi32>, vector<16xi32>], vector<16xi32>,
        %bitcast3A_308 = vector.bitcast %gather3A_307 : vector<16xi32> to vector<32xbf16>
        %unpack3A_309 = tpu.unpack_subelements %bitcast3A_308, 0 {pack_format = #tpu.pack_format<interleaved>} : vector<32xbf16> -> vector<16xf32>
        %unpack3A_310 = tpu.unpack_subelements %bitcast3A_308, 1 {pack_format = #tpu.pack_format<interleaved>} : vector<32xbf16> -> vector<16xf32>
        tpu.vector_store_idx %arg8[%broadcast_in_dim3A_13, %get3A_185], %unpack3A_309 {add = true} : memref<8x10000xf32, #tpu.memory_space<vmem>>[vector<16xi32>, vector<16xi32>], vector<16xf32>,
        tpu.vector_store_idx %arg8[%broadcast_in_dim3A_15, %get3A_185], %unpack3A_310 {add = true} : memref<8x10000xf32, #tpu.memory_space<vmem>>[vector<16xi32>, vector<16xi32>], vector<16xf32>,
        %gather3A_311 = tpu.vector_load_idx %arg7[%broadcast_in_dim3A_5, %get3A_105] : memref<4x10000xi32, #tpu.memory_space<vmem>>[vector<16xi32>, vector<16xi32>], vector<16xi32>,
        %bitcast3A_312 = vector.bitcast %gather3A_311 : vector<16xi32> to vector<32xbf16>
        %unpack3A_313 = tpu.unpack_subelements %bitcast3A_312, 0 {pack_format = #tpu.pack_format<interleaved>} : vector<32xbf16> -> vector<16xf32>
        %unpack3A_314 = tpu.unpack_subelements %bitcast3A_312, 1 {pack_format = #tpu.pack_format<interleaved>} : vector<32xbf16> -> vector<16xf32>
        tpu.vector_store_idx %arg8[%broadcast_in_dim3A_17, %get3A_185], %unpack3A_313 {add = true} : memref<8x10000xf32, #tpu.memory_space<vmem>>[vector<16xi32>, vector<16xi32>], vector<16xf32>,
        tpu.vector_store_idx %arg8[%broadcast_in_dim3A_19, %get3A_185], %unpack3A_314 {add = true} : memref<8x10000xf32, #tpu.memory_space<vmem>>[vector<16xi32>, vector<16xi32>], vector<16xf32>,
        %gather3A_315 = tpu.vector_load_idx %arg7[%broadcast_in_dim3A_7, %get3A_105] : memref<4x10000xi32, #tpu.memory_space<vmem>>[vector<16xi32>, vector<16xi32>], vector<16xi32>,
        %bitcast3A_316 = vector.bitcast %gather3A_315 : vector<16xi32> to vector<32xbf16>
        %unpack3A_317 = tpu.unpack_subelements %bitcast3A_316, 0 {pack_format = #tpu.pack_format<interleaved>} : vector<32xbf16> -> vector<16xf32>
        %unpack3A_318 = tpu.unpack_subelements %bitcast3A_316, 1 {pack_format = #tpu.pack_format<interleaved>} : vector<32xbf16> -> vector<16xf32>
        tpu.vector_store_idx %arg8[%broadcast_in_dim3A_21, %get3A_185], %unpack3A_317 {add = true} : memref<8x10000xf32, #tpu.memory_space<vmem>>[vector<16xi32>, vector<16xi32>], vector<16xf32>,
        tpu.vector_store_idx %arg8[%broadcast_in_dim3A_23, %get3A_185], %unpack3A_318 {add = true} : memref<8x10000xf32, #tpu.memory_space<vmem>>[vector<16xi32>, vector<16xi32>], vector<16xf32>,
        %gather3A_319 = tpu.vector_load_idx %arg7[%broadcast_in_dim3A_1, %get3A_113] : memref<4x10000xi32, #tpu.memory_space<vmem>>[vector<16xi32>, vector<16xi32>], vector<16xi32>,
        %bitcast3A_320 = vector.bitcast %gather3A_319 : vector<16xi32> to vector<32xbf16>
        %unpack3A_321 = tpu.unpack_subelements %bitcast3A_320, 0 {pack_format = #tpu.pack_format<interleaved>} : vector<32xbf16> -> vector<16xf32>
        %unpack3A_322 = tpu.unpack_subelements %bitcast3A_320, 1 {pack_format = #tpu.pack_format<interleaved>} : vector<32xbf16> -> vector<16xf32>
        tpu.vector_store_idx %arg8[%broadcast_in_dim3A_9, %get3A_193], %unpack3A_321 {add = true} : memref<8x10000xf32, #tpu.memory_space<vmem>>[vector<16xi32>, vector<16xi32>], vector<16xf32>,
        tpu.vector_store_idx %arg8[%broadcast_in_dim3A_11, %get3A_193], %unpack3A_322 {add = true} : memref<8x10000xf32, #tpu.memory_space<vmem>>[vector<16xi32>, vector<16xi32>], vector<16xf32>,
        %gather3A_323 = tpu.vector_load_idx %arg7[%broadcast_in_dim3A_3, %get3A_113] : memref<4x10000xi32, #tpu.memory_space<vmem>>[vector<16xi32>, vector<16xi32>], vector<16xi32>,
        %bitcast3A_324 = vector.bitcast %gather3A_323 : vector<16xi32> to vector<32xbf16>
        %unpack3A_325 = tpu.unpack_subelements %bitcast3A_324, 0 {pack_format = #tpu.pack_format<interleaved>} : vector<32xbf16> -> vector<16xf32>
        %unpack3A_326 = tpu.unpack_subelements %bitcast3A_324, 1 {pack_format = #tpu.pack_format<interleaved>} : vector<32xbf16> -> vector<16xf32>
        tpu.vector_store_idx %arg8[%broadcast_in_dim3A_13, %get3A_193], %unpack3A_325 {add = true} : memref<8x10000xf32, #tpu.memory_space<vmem>>[vector<16xi32>, vector<16xi32>], vector<16xf32>,
        tpu.vector_store_idx %arg8[%broadcast_in_dim3A_15, %get3A_193], %unpack3A_326 {add = true} : memref<8x10000xf32, #tpu.memory_space<vmem>>[vector<16xi32>, vector<16xi32>], vector<16xf32>,
        %gather3A_327 = tpu.vector_load_idx %arg7[%broadcast_in_dim3A_5, %get3A_113] : memref<4x10000xi32, #tpu.memory_space<vmem>>[vector<16xi32>, vector<16xi32>], vector<16xi32>,
        %bitcast3A_328 = vector.bitcast %gather3A_327 : vector<16xi32> to vector<32xbf16>
        %unpack3A_329 = tpu.unpack_subelements %bitcast3A_328, 0 {pack_format = #tpu.pack_format<interleaved>} : vector<32xbf16> -> vector<16xf32>
        %unpack3A_330 = tpu.unpack_subelements %bitcast3A_328, 1 {pack_format = #tpu.pack_format<interleaved>} : vector<32xbf16> -> vector<16xf32>
        tpu.vector_store_idx %arg8[%broadcast_in_dim3A_17, %get3A_193], %unpack3A_329 {add = true} : memref<8x10000xf32, #tpu.memory_space<vmem>>[vector<16xi32>, vector<16xi32>], vector<16xf32>,
        tpu.vector_store_idx %arg8[%broadcast_in_dim3A_19, %get3A_193], %unpack3A_330 {add = true} : memref<8x10000xf32, #tpu.memory_space<vmem>>[vector<16xi32>, vector<16xi32>], vector<16xf32>,
        %gather3A_331 = tpu.vector_load_idx %arg7[%broadcast_in_dim3A_7, %get3A_113] : memref<4x10000xi32, #tpu.memory_space<vmem>>[vector<16xi32>, vector<16xi32>], vector<16xi32>,
        %bitcast3A_332 = vector.bitcast %gather3A_331 : vector<16xi32> to vector<32xbf16>
        %unpack3A_333 = tpu.unpack_subelements %bitcast3A_332, 0 {pack_format = #tpu.pack_format<interleaved>} : vector<32xbf16> -> vector<16xf32>
        %unpack3A_334 = tpu.unpack_subelements %bitcast3A_332, 1 {pack_format = #tpu.pack_format<interleaved>} : vector<32xbf16> -> vector<16xf32>
        tpu.vector_store_idx %arg8[%broadcast_in_dim3A_21, %get3A_193], %unpack3A_333 {add = true} : memref<8x10000xf32, #tpu.memory_space<vmem>>[vector<16xi32>, vector<16xi32>], vector<16xf32>,
        tpu.vector_store_idx %arg8[%broadcast_in_dim3A_23, %get3A_193], %unpack3A_334 {add = true} : memref<8x10000xf32, #tpu.memory_space<vmem>>[vector<16xi32>, vector<16xi32>], vector<16xf32>,
        %gather3A_335 = tpu.vector_load_idx %arg7[%broadcast_in_dim3A_1, %get3A_121] : memref<4x10000xi32, #tpu.memory_space<vmem>>[vector<16xi32>, vector<16xi32>], vector<16xi32>,
        %bitcast3A_336 = vector.bitcast %gather3A_335 : vector<16xi32> to vector<32xbf16>
        %unpack3A_337 = tpu.unpack_subelements %bitcast3A_336, 0 {pack_format = #tpu.pack_format<interleaved>} : vector<32xbf16> -> vector<16xf32>
        %unpack3A_338 = tpu.unpack_subelements %bitcast3A_336, 1 {pack_format = #tpu.pack_format<interleaved>} : vector<32xbf16> -> vector<16xf32>
        tpu.vector_store_idx %arg8[%broadcast_in_dim3A_9, %get3A_201], %unpack3A_337 {add = true} : memref<8x10000xf32, #tpu.memory_space<vmem>>[vector<16xi32>, vector<16xi32>], vector<16xf32>,
        tpu.vector_store_idx %arg8[%broadcast_in_dim3A_11, %get3A_201], %unpack3A_338 {add = true} : memref<8x10000xf32, #tpu.memory_space<vmem>>[vector<16xi32>, vector<16xi32>], vector<16xf32>,
        %gather3A_339 = tpu.vector_load_idx %arg7[%broadcast_in_dim3A_3, %get3A_121] : memref<4x10000xi32, #tpu.memory_space<vmem>>[vector<16xi32>, vector<16xi32>], vector<16xi32>,
        %bitcast3A_340 = vector.bitcast %gather3A_339 : vector<16xi32> to vector<32xbf16>
        %unpack3A_341 = tpu.unpack_subelements %bitcast3A_340, 0 {pack_format = #tpu.pack_format<interleaved>} : vector<32xbf16> -> vector<16xf32>
        %unpack3A_342 = tpu.unpack_subelements %bitcast3A_340, 1 {pack_format = #tpu.pack_format<interleaved>} : vector<32xbf16> -> vector<16xf32>
        tpu.vector_store_idx %arg8[%broadcast_in_dim3A_13, %get3A_201], %unpack3A_341 {add = true} : memref<8x10000xf32, #tpu.memory_space<vmem>>[vector<16xi32>, vector<16xi32>], vector<16xf32>,
        tpu.vector_store_idx %arg8[%broadcast_in_dim3A_15, %get3A_201], %unpack3A_342 {add = true} : memref<8x10000xf32, #tpu.memory_space<vmem>>[vector<16xi32>, vector<16xi32>], vector<16xf32>,
        %gather3A_343 = tpu.vector_load_idx %arg7[%broadcast_in_dim3A_5, %get3A_121] : memref<4x10000xi32, #tpu.memory_space<vmem>>[vector<16xi32>, vector<16xi32>], vector<16xi32>,
        %bitcast3A_344 = vector.bitcast %gather3A_343 : vector<16xi32> to vector<32xbf16>
        %unpack3A_345 = tpu.unpack_subelements %bitcast3A_344, 0 {pack_format = #tpu.pack_format<interleaved>} : vector<32xbf16> -> vector<16xf32>
        %unpack3A_346 = tpu.unpack_subelements %bitcast3A_344, 1 {pack_format = #tpu.pack_format<interleaved>} : vector<32xbf16> -> vector<16xf32>
        tpu.vector_store_idx %arg8[%broadcast_in_dim3A_17, %get3A_201], %unpack3A_345 {add = true} : memref<8x10000xf32, #tpu.memory_space<vmem>>[vector<16xi32>, vector<16xi32>], vector<16xf32>,
        tpu.vector_store_idx %arg8[%broadcast_in_dim3A_19, %get3A_201], %unpack3A_346 {add = true} : memref<8x10000xf32, #tpu.memory_space<vmem>>[vector<16xi32>, vector<16xi32>], vector<16xf32>,
        %gather3A_347 = tpu.vector_load_idx %arg7[%broadcast_in_dim3A_7, %get3A_121] : memref<4x10000xi32, #tpu.memory_space<vmem>>[vector<16xi32>, vector<16xi32>], vector<16xi32>,
        %bitcast3A_348 = vector.bitcast %gather3A_347 : vector<16xi32> to vector<32xbf16>
        %unpack3A_349 = tpu.unpack_subelements %bitcast3A_348, 0 {pack_format = #tpu.pack_format<interleaved>} : vector<32xbf16> -> vector<16xf32>
        %unpack3A_350 = tpu.unpack_subelements %bitcast3A_348, 1 {pack_format = #tpu.pack_format<interleaved>} : vector<32xbf16> -> vector<16xf32>
        tpu.vector_store_idx %arg8[%broadcast_in_dim3A_21, %get3A_201], %unpack3A_349 {add = true} : memref<8x10000xf32, #tpu.memory_space<vmem>>[vector<16xi32>, vector<16xi32>], vector<16xf32>,
        tpu.vector_store_idx %arg8[%broadcast_in_dim3A_23, %get3A_201], %unpack3A_350 {add = true} : memref<8x10000xf32, #tpu.memory_space<vmem>>[vector<16xi32>, vector<16xi32>], vector<16xf32>,
        %gather3A_351 = tpu.vector_load_idx %arg7[%broadcast_in_dim3A_1, %get3A_129] : memref<4x10000xi32, #tpu.memory_space<vmem>>[vector<16xi32>, vector<16xi32>], vector<16xi32>,
        %bitcast3A_352 = vector.bitcast %gather3A_351 : vector<16xi32> to vector<32xbf16>
        %unpack3A_353 = tpu.unpack_subelements %bitcast3A_352, 0 {pack_format = #tpu.pack_format<interleaved>} : vector<32xbf16> -> vector<16xf32>
        %unpack3A_354 = tpu.unpack_subelements %bitcast3A_352, 1 {pack_format = #tpu.pack_format<interleaved>} : vector<32xbf16> -> vector<16xf32>
        tpu.vector_store_idx %arg8[%broadcast_in_dim3A_9, %get3A_209], %unpack3A_353 {add = true} : memref<8x10000xf32, #tpu.memory_space<vmem>>[vector<16xi32>, vector<16xi32>], vector<16xf32>,
        tpu.vector_store_idx %arg8[%broadcast_in_dim3A_11, %get3A_209], %unpack3A_354 {add = true} : memref<8x10000xf32, #tpu.memory_space<vmem>>[vector<16xi32>, vector<16xi32>], vector<16xf32>,
        %gather3A_355 = tpu.vector_load_idx %arg7[%broadcast_in_dim3A_3, %get3A_129] : memref<4x10000xi32, #tpu.memory_space<vmem>>[vector<16xi32>, vector<16xi32>], vector<16xi32>,
        %bitcast3A_356 = vector.bitcast %gather3A_355 : vector<16xi32> to vector<32xbf16>
        %unpack3A_357 = tpu.unpack_subelements %bitcast3A_356, 0 {pack_format = #tpu.pack_format<interleaved>} : vector<32xbf16> -> vector<16xf32>
        %unpack3A_358 = tpu.unpack_subelements %bitcast3A_356, 1 {pack_format = #tpu.pack_format<interleaved>} : vector<32xbf16> -> vector<16xf32>
        tpu.vector_store_idx %arg8[%broadcast_in_dim3A_13, %get3A_209], %unpack3A_357 {add = true} : memref<8x10000xf32, #tpu.memory_space<vmem>>[vector<16xi32>, vector<16xi32>], vector<16xf32>,
        tpu.vector_store_idx %arg8[%broadcast_in_dim3A_15, %get3A_209], %unpack3A_358 {add = true} : memref<8x10000xf32, #tpu.memory_space<vmem>>[vector<16xi32>, vector<16xi32>], vector<16xf32>,
        %gather3A_359 = tpu.vector_load_idx %arg7[%broadcast_in_dim3A_5, %get3A_129] : memref<4x10000xi32, #tpu.memory_space<vmem>>[vector<16xi32>, vector<16xi32>], vector<16xi32>,
        %bitcast3A_360 = vector.bitcast %gather3A_359 : vector<16xi32> to vector<32xbf16>
        %unpack3A_361 = tpu.unpack_subelements %bitcast3A_360, 0 {pack_format = #tpu.pack_format<interleaved>} : vector<32xbf16> -> vector<16xf32>
        %unpack3A_362 = tpu.unpack_subelements %bitcast3A_360, 1 {pack_format = #tpu.pack_format<interleaved>} : vector<32xbf16> -> vector<16xf32>
        tpu.vector_store_idx %arg8[%broadcast_in_dim3A_17, %get3A_209], %unpack3A_361 {add = true} : memref<8x10000xf32, #tpu.memory_space<vmem>>[vector<16xi32>, vector<16xi32>], vector<16xf32>,
        tpu.vector_store_idx %arg8[%broadcast_in_dim3A_19, %get3A_209], %unpack3A_362 {add = true} : memref<8x10000xf32, #tpu.memory_space<vmem>>[vector<16xi32>, vector<16xi32>], vector<16xf32>,
        %gather3A_363 = tpu.vector_load_idx %arg7[%broadcast_in_dim3A_7, %get3A_129] : memref<4x10000xi32, #tpu.memory_space<vmem>>[vector<16xi32>, vector<16xi32>], vector<16xi32>,
        %bitcast3A_364 = vector.bitcast %gather3A_363 : vector<16xi32> to vector<32xbf16>
        %unpack3A_365 = tpu.unpack_subelements %bitcast3A_364, 0 {pack_format = #tpu.pack_format<interleaved>} : vector<32xbf16> -> vector<16xf32>
        %unpack3A_366 = tpu.unpack_subelements %bitcast3A_364, 1 {pack_format = #tpu.pack_format<interleaved>} : vector<32xbf16> -> vector<16xf32>
        tpu.vector_store_idx %arg8[%broadcast_in_dim3A_21, %get3A_209], %unpack3A_365 {add = true} : memref<8x10000xf32, #tpu.memory_space<vmem>>[vector<16xi32>, vector<16xi32>], vector<16xf32>,
        tpu.vector_store_idx %arg8[%broadcast_in_dim3A_23, %get3A_209], %unpack3A_366 {add = true} : memref<8x10000xf32, #tpu.memory_space<vmem>>[vector<16xi32>, vector<16xi32>], vector<16xf32>,
      }
      %scan3A_49 = arith.constant 25 : i32
    }
    %scan3A_38 = arith.constant 40 : i32
    "tpu.region"() ({
      %run_scoped3A = tpu.sem_alloc : memref<!tpu.dma_semaphore, #tpu.memory_space<semaphore_mem>>
      %dma_start3A = arith.constant 0 : i32
      %dma_start3A_39 = arith.constant 0 : i32
      %dma_start3A_40 = tpu.memref_slice %arg6[%add3A_32, %dma_start3A, %dma_start3A_39] : memref<64x8x10000xf32, #tpu.memory_space<hbm>> -> memref<1x8x10000xf32, #tpu.memory_space<hbm>>
      %dma_start3A_41 = tpu.memref_squeeze %dma_start3A_40 : memref<1x8x10000xf32, #tpu.memory_space<hbm>> -> memref<8x10000xf32, #tpu.memory_space<hbm>>
      %dma_start3A_42 = arith.constant 0 : i32
      %dma_start3A_43 = arith.constant 0 : i32
      %dma_start3A_44 = tpu.memref_slice %arg6[%add3A_32, %dma_start3A_42, %dma_start3A_43] : memref<64x8x10000xf32, #tpu.memory_space<hbm>> -> memref<1x8x10000xf32, #tpu.memory_space<hbm>>
      %dma_start3A_45 = tpu.memref_squeeze %dma_start3A_44 : memref<1x8x10000xf32, #tpu.memory_space<hbm>> -> memref<8x10000xf32, #tpu.memory_space<hbm>>
      tpu.enqueue_dma source(%arg8 : memref<8x10000xf32, #tpu.memory_space<vmem>>) target(%dma_start3A_45 : memref<8x10000xf32, #tpu.memory_space<hbm>>) target_semaphore(%run_scoped3A : memref<!tpu.dma_semaphore, #tpu.memory_space<semaphore_mem>>)
      %dma_wait3A = arith.constant 0 : i32
      %dma_wait3A_46 = arith.constant 0 : i32
      %dma_wait3A_47 = tpu.memref_slice %arg6[%add3A_32, %dma_wait3A, %dma_wait3A_46] : memref<64x8x10000xf32, #tpu.memory_space<hbm>> -> memref<1x8x10000xf32, #tpu.memory_space<hbm>>
      %dma_wait3A_48 = tpu.memref_squeeze %dma_wait3A_47 : memref<1x8x10000xf32, #tpu.memory_space<hbm>> -> memref<8x10000xf32, #tpu.memory_space<hbm>>
      %dma_wait3A_49 = arith.constant 0 : i32
      %dma_wait3A_50 = arith.constant 0 : i32
      %dma_wait3A_51 = tpu.memref_slice %arg6[%add3A_32, %dma_wait3A_49, %dma_wait3A_50] : memref<64x8x10000xf32, #tpu.memory_space<hbm>> -> memref<1x8x10000xf32, #tpu.memory_space<hbm>>
      %dma_wait3A_52 = tpu.memref_squeeze %dma_wait3A_51 : memref<1x8x10000xf32, #tpu.memory_space<hbm>> -> memref<8x10000xf32, #tpu.memory_space<hbm>>
      tpu.wait_dma2 semaphore(%run_scoped3A : memref<!tpu.dma_semaphore, #tpu.memory_space<semaphore_mem>>) src(%arg8 : memref<8x10000xf32, #tpu.memory_space<vmem>>) dst(%dma_wait3A_52 : memref<8x10000xf32, #tpu.memory_space<hbm>>)
      tpu.yield
    }) : () -> ()
    return
  }
}

#map = affine_map<(d0, d1) -> (0)>
#map1 = affine_map<(d0, d1) -> (0, 0, 0)>
#map2 = affine_map<(d0, d1) -> (0, 0)>
module attributes {stable_mosaic.version = 14 : i64} {
  func.func @_scat_sc_body(%arg0: i32, %arg1: i32, %arg2: memref<160000xi32, #tpu.memory_space<hbm>>, %arg3: memref<160000xi32, #tpu.memory_space<hbm>>, %arg4: memref<64x4x10000xi32, #tpu.memory_space<hbm>>, %arg5: memref<8x10000xf32, #tpu.memory_space<hbm>>, %arg6: memref<64x8x10000xf32, #tpu.memory_space<hbm>>, %arg7: memref<4x10000xi32, #tpu.memory_space<vmem>>, %arg8: memref<8x10000xf32, #tpu.memory_space<vmem>>, %arg9: memref<4000xi32, #tpu.memory_space<vmem>>, %arg10: memref<4000xi32, #tpu.memory_space<vmem>>) attributes {dimension_semantics = [#tpu.dimension_semantics<core_parallel>, #tpu.dimension_semantics<subcore_parallel>], iteration_bounds = array<i64: 2, 16>, scalar_prefetch = 0 : i64, scratch_operands = 4 : i64, tpu.core_type = #tpu.core_type<sc_vector_subcore>, window_params = [{transform_indices = #map}, {transform_indices = #map}, {transform_indices = #map1}, {transform_indices = #map2}, {transform_indices = #map1}]} {
    %mul3A = arith.constant 2 : i32
    %mul3A_0 = arith.muli %arg1, %mul3A : i32
    %add3A = arith.addi %mul3A_0, %arg0 : i32
    %broadcast_in_dim3A = arith.constant 0 : i32
    %broadcast_in_dim3A_1 = vector.broadcast %broadcast_in_dim3A : i32 to vector<16xi32>
    %broadcast_in_dim3A_2 = arith.constant 1 : i32
    %broadcast_in_dim3A_3 = vector.broadcast %broadcast_in_dim3A_2 : i32 to vector<16xi32>
    %broadcast_in_dim3A_4 = arith.constant 2 : i32
    %broadcast_in_dim3A_5 = vector.broadcast %broadcast_in_dim3A_4 : i32 to vector<16xi32>
    %broadcast_in_dim3A_6 = arith.constant 3 : i32
    %broadcast_in_dim3A_7 = vector.broadcast %broadcast_in_dim3A_6 : i32 to vector<16xi32>
    %broadcast_in_dim3A_8 = arith.constant 0 : i32
    %broadcast_in_dim3A_9 = vector.broadcast %broadcast_in_dim3A_8 : i32 to vector<16xi32>
    %broadcast_in_dim3A_10 = arith.constant 1 : i32
    %broadcast_in_dim3A_11 = vector.broadcast %broadcast_in_dim3A_10 : i32 to vector<16xi32>
    %broadcast_in_dim3A_12 = arith.constant 2 : i32
    %broadcast_in_dim3A_13 = vector.broadcast %broadcast_in_dim3A_12 : i32 to vector<16xi32>
    %broadcast_in_dim3A_14 = arith.constant 3 : i32
    %broadcast_in_dim3A_15 = vector.broadcast %broadcast_in_dim3A_14 : i32 to vector<16xi32>
    %broadcast_in_dim3A_16 = arith.constant 4 : i32
    %broadcast_in_dim3A_17 = vector.broadcast %broadcast_in_dim3A_16 : i32 to vector<16xi32>
    %broadcast_in_dim3A_18 = arith.constant 5 : i32
    %broadcast_in_dim3A_19 = vector.broadcast %broadcast_in_dim3A_18 : i32 to vector<16xi32>
    %broadcast_in_dim3A_20 = arith.constant 6 : i32
    %broadcast_in_dim3A_21 = vector.broadcast %broadcast_in_dim3A_20 : i32 to vector<16xi32>
    %broadcast_in_dim3A_22 = arith.constant 7 : i32
    %broadcast_in_dim3A_23 = vector.broadcast %broadcast_in_dim3A_22 : i32 to vector<16xi32>
    %add3A_24 = arith.constant 0 : i32
    %add3A_25 = arith.addi %add3A_24, %add3A : i32
    "tpu.region"() ({
      %run_scoped3A = tpu.sem_alloc : memref<!tpu.dma_semaphore, #tpu.memory_space<semaphore_mem>>
      %dma_start3A = arith.constant 0 : i32
      %dma_start3A_39 = arith.constant 0 : i32
      %dma_start3A_40 = tpu.memref_slice %arg4[%add3A_25, %dma_start3A, %dma_start3A_39] : memref<64x4x10000xi32, #tpu.memory_space<hbm>> -> memref<1x4x10000xi32, #tpu.memory_space<hbm>>
      %dma_start3A_41 = tpu.memref_squeeze %dma_start3A_40 : memref<1x4x10000xi32, #tpu.memory_space<hbm>> -> memref<4x10000xi32, #tpu.memory_space<hbm>>
      %dma_start3A_42 = arith.constant 0 : i32
      %dma_start3A_43 = arith.constant 0 : i32
      %dma_start3A_44 = tpu.memref_slice %arg4[%add3A_25, %dma_start3A_42, %dma_start3A_43] : memref<64x4x10000xi32, #tpu.memory_space<hbm>> -> memref<1x4x10000xi32, #tpu.memory_space<hbm>>
      %dma_start3A_45 = tpu.memref_squeeze %dma_start3A_44 : memref<1x4x10000xi32, #tpu.memory_space<hbm>> -> memref<4x10000xi32, #tpu.memory_space<hbm>>
      tpu.enqueue_dma source(%dma_start3A_45 : memref<4x10000xi32, #tpu.memory_space<hbm>>) target(%arg7 : memref<4x10000xi32, #tpu.memory_space<vmem>>) target_semaphore(%run_scoped3A : memref<!tpu.dma_semaphore, #tpu.memory_space<semaphore_mem>>)
      %dma_wait3A = arith.constant 0 : i32
      %dma_wait3A_46 = arith.constant 0 : i32
      %dma_wait3A_47 = tpu.memref_slice %arg4[%add3A_25, %dma_wait3A, %dma_wait3A_46] : memref<64x4x10000xi32, #tpu.memory_space<hbm>> -> memref<1x4x10000xi32, #tpu.memory_space<hbm>>
      %dma_wait3A_48 = tpu.memref_squeeze %dma_wait3A_47 : memref<1x4x10000xi32, #tpu.memory_space<hbm>> -> memref<4x10000xi32, #tpu.memory_space<hbm>>
      %dma_wait3A_49 = arith.constant 0 : i32
      %dma_wait3A_50 = arith.constant 0 : i32
      %dma_wait3A_51 = tpu.memref_slice %arg4[%add3A_25, %dma_wait3A_49, %dma_wait3A_50] : memref<64x4x10000xi32, #tpu.memory_space<hbm>> -> memref<1x4x10000xi32, #tpu.memory_space<hbm>>
      %dma_wait3A_52 = tpu.memref_squeeze %dma_wait3A_51 : memref<1x4x10000xi32, #tpu.memory_space<hbm>> -> memref<4x10000xi32, #tpu.memory_space<hbm>>
      tpu.wait_dma2 semaphore(%run_scoped3A : memref<!tpu.dma_semaphore, #tpu.memory_space<semaphore_mem>>) src(%dma_wait3A_52 : memref<4x10000xi32, #tpu.memory_space<hbm>>) dst(%arg7 : memref<4x10000xi32, #tpu.memory_space<vmem>>)
      tpu.yield
    }) : () -> ()
    "tpu.region"() ({
      %run_scoped3A = tpu.sem_alloc : memref<!tpu.dma_semaphore, #tpu.memory_space<semaphore_mem>>
      tpu.enqueue_dma source(%arg5 : memref<8x10000xf32, #tpu.memory_space<hbm>>) target(%arg8 : memref<8x10000xf32, #tpu.memory_space<vmem>>) target_semaphore(%run_scoped3A : memref<!tpu.dma_semaphore, #tpu.memory_space<semaphore_mem>>)
      tpu.wait_dma2 semaphore(%run_scoped3A : memref<!tpu.dma_semaphore, #tpu.memory_space<semaphore_mem>>) src(%arg5 : memref<8x10000xf32, #tpu.memory_space<hbm>>) dst(%arg8 : memref<8x10000xf32, #tpu.memory_space<vmem>>)
      tpu.yield
    }) : () -> ()
    %scan3A = arith.constant 0 : i32
    %scan3A_26 = arith.constant 0 : i32
    %scan3A_27 = arith.constant 40 : i32
    %scan3A_28 = arith.addi %scan3A_26, %scan3A_27 : i32
    %scan3A_29 = arith.constant 1 : i32
    scf.for %scan3A_39 = %scan3A_26 to %scan3A_28 step %scan3A_29  : i32 {
      %mul3A_40 = arith.constant 4000 : i32
      %mul3A_41 = arith.muli %scan3A_39, %mul3A_40 : i32
      "tpu.region"() ({
        %run_scoped3A = tpu.sem_alloc : memref<!tpu.dma_semaphore, #tpu.memory_space<semaphore_mem>>
        %dma_start3A = tpu.memref_slice %arg2[%mul3A_41] : memref<160000xi32, #tpu.memory_space<hbm>> -> memref<4000xi32, #tpu.memory_space<hbm>>
        %dma_start3A_50 = tpu.memref_slice %arg2[%mul3A_41] : memref<160000xi32, #tpu.memory_space<hbm>> -> memref<4000xi32, #tpu.memory_space<hbm>>
        tpu.enqueue_dma source(%dma_start3A_50 : memref<4000xi32, #tpu.memory_space<hbm>>) target(%arg9 : memref<4000xi32, #tpu.memory_space<vmem>>) target_semaphore(%run_scoped3A : memref<!tpu.dma_semaphore, #tpu.memory_space<semaphore_mem>>)
        %dma_wait3A = tpu.memref_slice %arg2[%mul3A_41] : memref<160000xi32, #tpu.memory_space<hbm>> -> memref<4000xi32, #tpu.memory_space<hbm>>
        %dma_wait3A_51 = tpu.memref_slice %arg2[%mul3A_41] : memref<160000xi32, #tpu.memory_space<hbm>> -> memref<4000xi32, #tpu.memory_space<hbm>>
        tpu.wait_dma2 semaphore(%run_scoped3A : memref<!tpu.dma_semaphore, #tpu.memory_space<semaphore_mem>>) src(%dma_wait3A_51 : memref<4000xi32, #tpu.memory_space<hbm>>) dst(%arg9 : memref<4000xi32, #tpu.memory_space<vmem>>)
        tpu.yield
      }) : () -> ()
      %mul3A_42 = arith.constant 4000 : i32
      %mul3A_43 = arith.muli %scan3A_39, %mul3A_42 : i32
      "tpu.region"() ({
        %run_scoped3A = tpu.sem_alloc : memref<!tpu.dma_semaphore, #tpu.memory_space<semaphore_mem>>
        %dma_start3A = tpu.memref_slice %arg3[%mul3A_43] : memref<160000xi32, #tpu.memory_space<hbm>> -> memref<4000xi32, #tpu.memory_space<hbm>>
        %dma_start3A_50 = tpu.memref_slice %arg3[%mul3A_43] : memref<160000xi32, #tpu.memory_space<hbm>> -> memref<4000xi32, #tpu.memory_space<hbm>>
        tpu.enqueue_dma source(%dma_start3A_50 : memref<4000xi32, #tpu.memory_space<hbm>>) target(%arg10 : memref<4000xi32, #tpu.memory_space<vmem>>) target_semaphore(%run_scoped3A : memref<!tpu.dma_semaphore, #tpu.memory_space<semaphore_mem>>)
        %dma_wait3A = tpu.memref_slice %arg3[%mul3A_43] : memref<160000xi32, #tpu.memory_space<hbm>> -> memref<4000xi32, #tpu.memory_space<hbm>>
        %dma_wait3A_51 = tpu.memref_slice %arg3[%mul3A_43] : memref<160000xi32, #tpu.memory_space<hbm>> -> memref<4000xi32, #tpu.memory_space<hbm>>
        tpu.wait_dma2 semaphore(%run_scoped3A : memref<!tpu.dma_semaphore, #tpu.memory_space<semaphore_mem>>) src(%dma_wait3A_51 : memref<4000xi32, #tpu.memory_space<hbm>>) dst(%arg10 : memref<4000xi32, #tpu.memory_space<vmem>>)
        tpu.yield
      }) : () -> ()
      %scan3A_44 = arith.constant 0 : i32
      %scan3A_45 = arith.constant 0 : i32
      %scan3A_46 = arith.constant 25 : i32
      %scan3A_47 = arith.addi %scan3A_45, %scan3A_46 : i32
      %scan3A_48 = arith.constant 1 : i32
      scf.for %scan3A_50 = %scan3A_45 to %scan3A_47 step %scan3A_48  : i32 {
        %mul3A_51 = arith.constant 10 : i32
        %mul3A_52 = arith.muli %scan3A_50, %mul3A_51 : i32
        %add3A_53 = arith.constant 0 : i32
        %add3A_54 = arith.addi %mul3A_52, %add3A_53 : i32
        %mul3A_55 = arith.constant 16 : i32
        %mul3A_56 = arith.muli %add3A_54, %mul3A_55 : i32
        %get3A = arith.index_cast %mul3A_56 : i32 to index
        %get3A_57 = tpu.vector_load %arg9[%get3A] {strides = array<i32>} : memref<4000xi32, #tpu.memory_space<vmem>>, vector<16xi32>,
        %mul3A_58 = arith.constant 10 : i32
        %mul3A_59 = arith.muli %scan3A_50, %mul3A_58 : i32
        %add3A_60 = arith.constant 1 : i32
        %add3A_61 = arith.addi %mul3A_59, %add3A_60 : i32
        %mul3A_62 = arith.constant 16 : i32
        %mul3A_63 = arith.muli %add3A_61, %mul3A_62 : i32
        %get3A_64 = arith.index_cast %mul3A_63 : i32 to index
        %get3A_65 = tpu.vector_load %arg9[%get3A_64] {strides = array<i32>} : memref<4000xi32, #tpu.memory_space<vmem>>, vector<16xi32>,
        %mul3A_66 = arith.constant 10 : i32
        %mul3A_67 = arith.muli %scan3A_50, %mul3A_66 : i32
        %add3A_68 = arith.constant 2 : i32
        %add3A_69 = arith.addi %mul3A_67, %add3A_68 : i32
        %mul3A_70 = arith.constant 16 : i32
        %mul3A_71 = arith.muli %add3A_69, %mul3A_70 : i32
        %get3A_72 = arith.index_cast %mul3A_71 : i32 to index
        %get3A_73 = tpu.vector_load %arg9[%get3A_72] {strides = array<i32>} : memref<4000xi32, #tpu.memory_space<vmem>>, vector<16xi32>,
        %mul3A_74 = arith.constant 10 : i32
        %mul3A_75 = arith.muli %scan3A_50, %mul3A_74 : i32
        %add3A_76 = arith.constant 3 : i32
        %add3A_77 = arith.addi %mul3A_75, %add3A_76 : i32
        %mul3A_78 = arith.constant 16 : i32
        %mul3A_79 = arith.muli %add3A_77, %mul3A_78 : i32
        %get3A_80 = arith.index_cast %mul3A_79 : i32 to index
        %get3A_81 = tpu.vector_load %arg9[%get3A_80] {strides = array<i32>} : memref<4000xi32, #tpu.memory_space<vmem>>, vector<16xi32>,
        %mul3A_82 = arith.constant 10 : i32
        %mul3A_83 = arith.muli %scan3A_50, %mul3A_82 : i32
        %add3A_84 = arith.constant 4 : i32
        %add3A_85 = arith.addi %mul3A_83, %add3A_84 : i32
        %mul3A_86 = arith.constant 16 : i32
        %mul3A_87 = arith.muli %add3A_85, %mul3A_86 : i32
        %get3A_88 = arith.index_cast %mul3A_87 : i32 to index
        %get3A_89 = tpu.vector_load %arg9[%get3A_88] {strides = array<i32>} : memref<4000xi32, #tpu.memory_space<vmem>>, vector<16xi32>,
        %mul3A_90 = arith.constant 10 : i32
        %mul3A_91 = arith.muli %scan3A_50, %mul3A_90 : i32
        %add3A_92 = arith.constant 5 : i32
        %add3A_93 = arith.addi %mul3A_91, %add3A_92 : i32
        %mul3A_94 = arith.constant 16 : i32
        %mul3A_95 = arith.muli %add3A_93, %mul3A_94 : i32
        %get3A_96 = arith.index_cast %mul3A_95 : i32 to index
        %get3A_97 = tpu.vector_load %arg9[%get3A_96] {strides = array<i32>} : memref<4000xi32, #tpu.memory_space<vmem>>, vector<16xi32>,
        %mul3A_98 = arith.constant 10 : i32
        %mul3A_99 = arith.muli %scan3A_50, %mul3A_98 : i32
        %add3A_100 = arith.constant 6 : i32
        %add3A_101 = arith.addi %mul3A_99, %add3A_100 : i32
        %mul3A_102 = arith.constant 16 : i32
        %mul3A_103 = arith.muli %add3A_101, %mul3A_102 : i32
        %get3A_104 = arith.index_cast %mul3A_103 : i32 to index
        %get3A_105 = tpu.vector_load %arg9[%get3A_104] {strides = array<i32>} : memref<4000xi32, #tpu.memory_space<vmem>>, vector<16xi32>,
        %mul3A_106 = arith.constant 10 : i32
        %mul3A_107 = arith.muli %scan3A_50, %mul3A_106 : i32
        %add3A_108 = arith.constant 7 : i32
        %add3A_109 = arith.addi %mul3A_107, %add3A_108 : i32
        %mul3A_110 = arith.constant 16 : i32
        %mul3A_111 = arith.muli %add3A_109, %mul3A_110 : i32
        %get3A_112 = arith.index_cast %mul3A_111 : i32 to index
        %get3A_113 = tpu.vector_load %arg9[%get3A_112] {strides = array<i32>} : memref<4000xi32, #tpu.memory_space<vmem>>, vector<16xi32>,
        %mul3A_114 = arith.constant 10 : i32
        %mul3A_115 = arith.muli %scan3A_50, %mul3A_114 : i32
        %add3A_116 = arith.constant 8 : i32
        %add3A_117 = arith.addi %mul3A_115, %add3A_116 : i32
        %mul3A_118 = arith.constant 16 : i32
        %mul3A_119 = arith.muli %add3A_117, %mul3A_118 : i32
        %get3A_120 = arith.index_cast %mul3A_119 : i32 to index
        %get3A_121 = tpu.vector_load %arg9[%get3A_120] {strides = array<i32>} : memref<4000xi32, #tpu.memory_space<vmem>>, vector<16xi32>,
        %mul3A_122 = arith.constant 10 : i32
        %mul3A_123 = arith.muli %scan3A_50, %mul3A_122 : i32
        %add3A_124 = arith.constant 9 : i32
        %add3A_125 = arith.addi %mul3A_123, %add3A_124 : i32
        %mul3A_126 = arith.constant 16 : i32
        %mul3A_127 = arith.muli %add3A_125, %mul3A_126 : i32
        %get3A_128 = arith.index_cast %mul3A_127 : i32 to index
        %get3A_129 = tpu.vector_load %arg9[%get3A_128] {strides = array<i32>} : memref<4000xi32, #tpu.memory_space<vmem>>, vector<16xi32>,
        %mul3A_130 = arith.constant 10 : i32
        %mul3A_131 = arith.muli %scan3A_50, %mul3A_130 : i32
        %add3A_132 = arith.constant 0 : i32
        %add3A_133 = arith.addi %mul3A_131, %add3A_132 : i32
        %mul3A_134 = arith.constant 16 : i32
        %mul3A_135 = arith.muli %add3A_133, %mul3A_134 : i32
        %get3A_136 = arith.index_cast %mul3A_135 : i32 to index
        %get3A_137 = tpu.vector_load %arg10[%get3A_136] {strides = array<i32>} : memref<4000xi32, #tpu.memory_space<vmem>>, vector<16xi32>,
        %mul3A_138 = arith.constant 10 : i32
        %mul3A_139 = arith.muli %scan3A_50, %mul3A_138 : i32
        %add3A_140 = arith.constant 1 : i32
        %add3A_141 = arith.addi %mul3A_139, %add3A_140 : i32
        %mul3A_142 = arith.constant 16 : i32
        %mul3A_143 = arith.muli %add3A_141, %mul3A_142 : i32
        %get3A_144 = arith.index_cast %mul3A_143 : i32 to index
        %get3A_145 = tpu.vector_load %arg10[%get3A_144] {strides = array<i32>} : memref<4000xi32, #tpu.memory_space<vmem>>, vector<16xi32>,
        %mul3A_146 = arith.constant 10 : i32
        %mul3A_147 = arith.muli %scan3A_50, %mul3A_146 : i32
        %add3A_148 = arith.constant 2 : i32
        %add3A_149 = arith.addi %mul3A_147, %add3A_148 : i32
        %mul3A_150 = arith.constant 16 : i32
        %mul3A_151 = arith.muli %add3A_149, %mul3A_150 : i32
        %get3A_152 = arith.index_cast %mul3A_151 : i32 to index
        %get3A_153 = tpu.vector_load %arg10[%get3A_152] {strides = array<i32>} : memref<4000xi32, #tpu.memory_space<vmem>>, vector<16xi32>,
        %mul3A_154 = arith.constant 10 : i32
        %mul3A_155 = arith.muli %scan3A_50, %mul3A_154 : i32
        %add3A_156 = arith.constant 3 : i32
        %add3A_157 = arith.addi %mul3A_155, %add3A_156 : i32
        %mul3A_158 = arith.constant 16 : i32
        %mul3A_159 = arith.muli %add3A_157, %mul3A_158 : i32
        %get3A_160 = arith.index_cast %mul3A_159 : i32 to index
        %get3A_161 = tpu.vector_load %arg10[%get3A_160] {strides = array<i32>} : memref<4000xi32, #tpu.memory_space<vmem>>, vector<16xi32>,
        %mul3A_162 = arith.constant 10 : i32
        %mul3A_163 = arith.muli %scan3A_50, %mul3A_162 : i32
        %add3A_164 = arith.constant 4 : i32
        %add3A_165 = arith.addi %mul3A_163, %add3A_164 : i32
        %mul3A_166 = arith.constant 16 : i32
        %mul3A_167 = arith.muli %add3A_165, %mul3A_166 : i32
        %get3A_168 = arith.index_cast %mul3A_167 : i32 to index
        %get3A_169 = tpu.vector_load %arg10[%get3A_168] {strides = array<i32>} : memref<4000xi32, #tpu.memory_space<vmem>>, vector<16xi32>,
        %mul3A_170 = arith.constant 10 : i32
        %mul3A_171 = arith.muli %scan3A_50, %mul3A_170 : i32
        %add3A_172 = arith.constant 5 : i32
        %add3A_173 = arith.addi %mul3A_171, %add3A_172 : i32
        %mul3A_174 = arith.constant 16 : i32
        %mul3A_175 = arith.muli %add3A_173, %mul3A_174 : i32
        %get3A_176 = arith.index_cast %mul3A_175 : i32 to index
        %get3A_177 = tpu.vector_load %arg10[%get3A_176] {strides = array<i32>} : memref<4000xi32, #tpu.memory_space<vmem>>, vector<16xi32>,
        %mul3A_178 = arith.constant 10 : i32
        %mul3A_179 = arith.muli %scan3A_50, %mul3A_178 : i32
        %add3A_180 = arith.constant 6 : i32
        %add3A_181 = arith.addi %mul3A_179, %add3A_180 : i32
        %mul3A_182 = arith.constant 16 : i32
        %mul3A_183 = arith.muli %add3A_181, %mul3A_182 : i32
        %get3A_184 = arith.index_cast %mul3A_183 : i32 to index
        %get3A_185 = tpu.vector_load %arg10[%get3A_184] {strides = array<i32>} : memref<4000xi32, #tpu.memory_space<vmem>>, vector<16xi32>,
        %mul3A_186 = arith.constant 10 : i32
        %mul3A_187 = arith.muli %scan3A_50, %mul3A_186 : i32
        %add3A_188 = arith.constant 7 : i32
        %add3A_189 = arith.addi %mul3A_187, %add3A_188 : i32
        %mul3A_190 = arith.constant 16 : i32
        %mul3A_191 = arith.muli %add3A_189, %mul3A_190 : i32
        %get3A_192 = arith.index_cast %mul3A_191 : i32 to index
        %get3A_193 = tpu.vector_load %arg10[%get3A_192] {strides = array<i32>} : memref<4000xi32, #tpu.memory_space<vmem>>, vector<16xi32>,
        %mul3A_194 = arith.constant 10 : i32
        %mul3A_195 = arith.muli %scan3A_50, %mul3A_194 : i32
        %add3A_196 = arith.constant 8 : i32
        %add3A_197 = arith.addi %mul3A_195, %add3A_196 : i32
        %mul3A_198 = arith.constant 16 : i32
        %mul3A_199 = arith.muli %add3A_197, %mul3A_198 : i32
        %get3A_200 = arith.index_cast %mul3A_199 : i32 to index
        %get3A_201 = tpu.vector_load %arg10[%get3A_200] {strides = array<i32>} : memref<4000xi32, #tpu.memory_space<vmem>>, vector<16xi32>,
        %mul3A_202 = arith.constant 10 : i32
        %mul3A_203 = arith.muli %scan3A_50, %mul3A_202 : i32
        %add3A_204 = arith.constant 9 : i32
        %add3A_205 = arith.addi %mul3A_203, %add3A_204 : i32
        %mul3A_206 = arith.constant 16 : i32
        %mul3A_207 = arith.muli %add3A_205, %mul3A_206 : i32
        %get3A_208 = arith.index_cast %mul3A_207 : i32 to index
        %get3A_209 = tpu.vector_load %arg10[%get3A_208] {strides = array<i32>} : memref<4000xi32, #tpu.memory_space<vmem>>, vector<16xi32>,
        %gather3A = tpu.vector_load_idx %arg7[%broadcast_in_dim3A_1, %get3A_57] : memref<4x10000xi32, #tpu.memory_space<vmem>>[vector<16xi32>, vector<16xi32>], vector<16xi32>,
        %bitcast3A = vector.bitcast %gather3A : vector<16xi32> to vector<32xbf16>
        %unpack3A = tpu.unpack_subelements %bitcast3A, 0 {pack_format = #tpu.pack_format<interleaved>} : vector<32xbf16> -> vector<16xf32>
        %unpack3A_210 = tpu.unpack_subelements %bitcast3A, 1 {pack_format = #tpu.pack_format<interleaved>} : vector<32xbf16> -> vector<16xf32>
        tpu.vector_store_idx %arg8[%broadcast_in_dim3A_9, %get3A_137], %unpack3A {add = true} : memref<8x10000xf32, #tpu.memory_space<vmem>>[vector<16xi32>, vector<16xi32>], vector<16xf32>,
        tpu.vector_store_idx %arg8[%broadcast_in_dim3A_11, %get3A_137], %unpack3A_210 {add = true} : memref<8x10000xf32, #tpu.memory_space<vmem>>[vector<16xi32>, vector<16xi32>], vector<16xf32>,
        %gather3A_211 = tpu.vector_load_idx %arg7[%broadcast_in_dim3A_3, %get3A_57] : memref<4x10000xi32, #tpu.memory_space<vmem>>[vector<16xi32>, vector<16xi32>], vector<16xi32>,
        %bitcast3A_212 = vector.bitcast %gather3A_211 : vector<16xi32> to vector<32xbf16>
        %unpack3A_213 = tpu.unpack_subelements %bitcast3A_212, 0 {pack_format = #tpu.pack_format<interleaved>} : vector<32xbf16> -> vector<16xf32>
        %unpack3A_214 = tpu.unpack_subelements %bitcast3A_212, 1 {pack_format = #tpu.pack_format<interleaved>} : vector<32xbf16> -> vector<16xf32>
        tpu.vector_store_idx %arg8[%broadcast_in_dim3A_13, %get3A_137], %unpack3A_213 {add = true} : memref<8x10000xf32, #tpu.memory_space<vmem>>[vector<16xi32>, vector<16xi32>], vector<16xf32>,
        tpu.vector_store_idx %arg8[%broadcast_in_dim3A_15, %get3A_137], %unpack3A_214 {add = true} : memref<8x10000xf32, #tpu.memory_space<vmem>>[vector<16xi32>, vector<16xi32>], vector<16xf32>,
        %gather3A_215 = tpu.vector_load_idx %arg7[%broadcast_in_dim3A_5, %get3A_57] : memref<4x10000xi32, #tpu.memory_space<vmem>>[vector<16xi32>, vector<16xi32>], vector<16xi32>,
        %bitcast3A_216 = vector.bitcast %gather3A_215 : vector<16xi32> to vector<32xbf16>
        %unpack3A_217 = tpu.unpack_subelements %bitcast3A_216, 0 {pack_format = #tpu.pack_format<interleaved>} : vector<32xbf16> -> vector<16xf32>
        %unpack3A_218 = tpu.unpack_subelements %bitcast3A_216, 1 {pack_format = #tpu.pack_format<interleaved>} : vector<32xbf16> -> vector<16xf32>
        tpu.vector_store_idx %arg8[%broadcast_in_dim3A_17, %get3A_137], %unpack3A_217 {add = true} : memref<8x10000xf32, #tpu.memory_space<vmem>>[vector<16xi32>, vector<16xi32>], vector<16xf32>,
        tpu.vector_store_idx %arg8[%broadcast_in_dim3A_19, %get3A_137], %unpack3A_218 {add = true} : memref<8x10000xf32, #tpu.memory_space<vmem>>[vector<16xi32>, vector<16xi32>], vector<16xf32>,
        %gather3A_219 = tpu.vector_load_idx %arg7[%broadcast_in_dim3A_7, %get3A_57] : memref<4x10000xi32, #tpu.memory_space<vmem>>[vector<16xi32>, vector<16xi32>], vector<16xi32>,
        %bitcast3A_220 = vector.bitcast %gather3A_219 : vector<16xi32> to vector<32xbf16>
        %unpack3A_221 = tpu.unpack_subelements %bitcast3A_220, 0 {pack_format = #tpu.pack_format<interleaved>} : vector<32xbf16> -> vector<16xf32>
        %unpack3A_222 = tpu.unpack_subelements %bitcast3A_220, 1 {pack_format = #tpu.pack_format<interleaved>} : vector<32xbf16> -> vector<16xf32>
        tpu.vector_store_idx %arg8[%broadcast_in_dim3A_21, %get3A_137], %unpack3A_221 {add = true} : memref<8x10000xf32, #tpu.memory_space<vmem>>[vector<16xi32>, vector<16xi32>], vector<16xf32>,
        tpu.vector_store_idx %arg8[%broadcast_in_dim3A_23, %get3A_137], %unpack3A_222 {add = true} : memref<8x10000xf32, #tpu.memory_space<vmem>>[vector<16xi32>, vector<16xi32>], vector<16xf32>,
        %gather3A_223 = tpu.vector_load_idx %arg7[%broadcast_in_dim3A_1, %get3A_65] : memref<4x10000xi32, #tpu.memory_space<vmem>>[vector<16xi32>, vector<16xi32>], vector<16xi32>,
        %bitcast3A_224 = vector.bitcast %gather3A_223 : vector<16xi32> to vector<32xbf16>
        %unpack3A_225 = tpu.unpack_subelements %bitcast3A_224, 0 {pack_format = #tpu.pack_format<interleaved>} : vector<32xbf16> -> vector<16xf32>
        %unpack3A_226 = tpu.unpack_subelements %bitcast3A_224, 1 {pack_format = #tpu.pack_format<interleaved>} : vector<32xbf16> -> vector<16xf32>
        tpu.vector_store_idx %arg8[%broadcast_in_dim3A_9, %get3A_145], %unpack3A_225 {add = true} : memref<8x10000xf32, #tpu.memory_space<vmem>>[vector<16xi32>, vector<16xi32>], vector<16xf32>,
        tpu.vector_store_idx %arg8[%broadcast_in_dim3A_11, %get3A_145], %unpack3A_226 {add = true} : memref<8x10000xf32, #tpu.memory_space<vmem>>[vector<16xi32>, vector<16xi32>], vector<16xf32>,
        %gather3A_227 = tpu.vector_load_idx %arg7[%broadcast_in_dim3A_3, %get3A_65] : memref<4x10000xi32, #tpu.memory_space<vmem>>[vector<16xi32>, vector<16xi32>], vector<16xi32>,
        %bitcast3A_228 = vector.bitcast %gather3A_227 : vector<16xi32> to vector<32xbf16>
        %unpack3A_229 = tpu.unpack_subelements %bitcast3A_228, 0 {pack_format = #tpu.pack_format<interleaved>} : vector<32xbf16> -> vector<16xf32>
        %unpack3A_230 = tpu.unpack_subelements %bitcast3A_228, 1 {pack_format = #tpu.pack_format<interleaved>} : vector<32xbf16> -> vector<16xf32>
        tpu.vector_store_idx %arg8[%broadcast_in_dim3A_13, %get3A_145], %unpack3A_229 {add = true} : memref<8x10000xf32, #tpu.memory_space<vmem>>[vector<16xi32>, vector<16xi32>], vector<16xf32>,
        tpu.vector_store_idx %arg8[%broadcast_in_dim3A_15, %get3A_145], %unpack3A_230 {add = true} : memref<8x10000xf32, #tpu.memory_space<vmem>>[vector<16xi32>, vector<16xi32>], vector<16xf32>,
        %gather3A_231 = tpu.vector_load_idx %arg7[%broadcast_in_dim3A_5, %get3A_65] : memref<4x10000xi32, #tpu.memory_space<vmem>>[vector<16xi32>, vector<16xi32>], vector<16xi32>,
        %bitcast3A_232 = vector.bitcast %gather3A_231 : vector<16xi32> to vector<32xbf16>
        %unpack3A_233 = tpu.unpack_subelements %bitcast3A_232, 0 {pack_format = #tpu.pack_format<interleaved>} : vector<32xbf16> -> vector<16xf32>
        %unpack3A_234 = tpu.unpack_subelements %bitcast3A_232, 1 {pack_format = #tpu.pack_format<interleaved>} : vector<32xbf16> -> vector<16xf32>
        tpu.vector_store_idx %arg8[%broadcast_in_dim3A_17, %get3A_145], %unpack3A_233 {add = true} : memref<8x10000xf32, #tpu.memory_space<vmem>>[vector<16xi32>, vector<16xi32>], vector<16xf32>,
        tpu.vector_store_idx %arg8[%broadcast_in_dim3A_19, %get3A_145], %unpack3A_234 {add = true} : memref<8x10000xf32, #tpu.memory_space<vmem>>[vector<16xi32>, vector<16xi32>], vector<16xf32>,
        %gather3A_235 = tpu.vector_load_idx %arg7[%broadcast_in_dim3A_7, %get3A_65] : memref<4x10000xi32, #tpu.memory_space<vmem>>[vector<16xi32>, vector<16xi32>], vector<16xi32>,
        %bitcast3A_236 = vector.bitcast %gather3A_235 : vector<16xi32> to vector<32xbf16>
        %unpack3A_237 = tpu.unpack_subelements %bitcast3A_236, 0 {pack_format = #tpu.pack_format<interleaved>} : vector<32xbf16> -> vector<16xf32>
        %unpack3A_238 = tpu.unpack_subelements %bitcast3A_236, 1 {pack_format = #tpu.pack_format<interleaved>} : vector<32xbf16> -> vector<16xf32>
        tpu.vector_store_idx %arg8[%broadcast_in_dim3A_21, %get3A_145], %unpack3A_237 {add = true} : memref<8x10000xf32, #tpu.memory_space<vmem>>[vector<16xi32>, vector<16xi32>], vector<16xf32>,
        tpu.vector_store_idx %arg8[%broadcast_in_dim3A_23, %get3A_145], %unpack3A_238 {add = true} : memref<8x10000xf32, #tpu.memory_space<vmem>>[vector<16xi32>, vector<16xi32>], vector<16xf32>,
        %gather3A_239 = tpu.vector_load_idx %arg7[%broadcast_in_dim3A_1, %get3A_73] : memref<4x10000xi32, #tpu.memory_space<vmem>>[vector<16xi32>, vector<16xi32>], vector<16xi32>,
        %bitcast3A_240 = vector.bitcast %gather3A_239 : vector<16xi32> to vector<32xbf16>
        %unpack3A_241 = tpu.unpack_subelements %bitcast3A_240, 0 {pack_format = #tpu.pack_format<interleaved>} : vector<32xbf16> -> vector<16xf32>
        %unpack3A_242 = tpu.unpack_subelements %bitcast3A_240, 1 {pack_format = #tpu.pack_format<interleaved>} : vector<32xbf16> -> vector<16xf32>
        tpu.vector_store_idx %arg8[%broadcast_in_dim3A_9, %get3A_153], %unpack3A_241 {add = true} : memref<8x10000xf32, #tpu.memory_space<vmem>>[vector<16xi32>, vector<16xi32>], vector<16xf32>,
        tpu.vector_store_idx %arg8[%broadcast_in_dim3A_11, %get3A_153], %unpack3A_242 {add = true} : memref<8x10000xf32, #tpu.memory_space<vmem>>[vector<16xi32>, vector<16xi32>], vector<16xf32>,
        %gather3A_243 = tpu.vector_load_idx %arg7[%broadcast_in_dim3A_3, %get3A_73] : memref<4x10000xi32, #tpu.memory_space<vmem>>[vector<16xi32>, vector<16xi32>], vector<16xi32>,
        %bitcast3A_244 = vector.bitcast %gather3A_243 : vector<16xi32> to vector<32xbf16>
        %unpack3A_245 = tpu.unpack_subelements %bitcast3A_244, 0 {pack_format = #tpu.pack_format<interleaved>} : vector<32xbf16> -> vector<16xf32>
        %unpack3A_246 = tpu.unpack_subelements %bitcast3A_244, 1 {pack_format = #tpu.pack_format<interleaved>} : vector<32xbf16> -> vector<16xf32>
        tpu.vector_store_idx %arg8[%broadcast_in_dim3A_13, %get3A_153], %unpack3A_245 {add = true} : memref<8x10000xf32, #tpu.memory_space<vmem>>[vector<16xi32>, vector<16xi32>], vector<16xf32>,
        tpu.vector_store_idx %arg8[%broadcast_in_dim3A_15, %get3A_153], %unpack3A_246 {add = true} : memref<8x10000xf32, #tpu.memory_space<vmem>>[vector<16xi32>, vector<16xi32>], vector<16xf32>,
        %gather3A_247 = tpu.vector_load_idx %arg7[%broadcast_in_dim3A_5, %get3A_73] : memref<4x10000xi32, #tpu.memory_space<vmem>>[vector<16xi32>, vector<16xi32>], vector<16xi32>,
        %bitcast3A_248 = vector.bitcast %gather3A_247 : vector<16xi32> to vector<32xbf16>
        %unpack3A_249 = tpu.unpack_subelements %bitcast3A_248, 0 {pack_format = #tpu.pack_format<interleaved>} : vector<32xbf16> -> vector<16xf32>
        %unpack3A_250 = tpu.unpack_subelements %bitcast3A_248, 1 {pack_format = #tpu.pack_format<interleaved>} : vector<32xbf16> -> vector<16xf32>
        tpu.vector_store_idx %arg8[%broadcast_in_dim3A_17, %get3A_153], %unpack3A_249 {add = true} : memref<8x10000xf32, #tpu.memory_space<vmem>>[vector<16xi32>, vector<16xi32>], vector<16xf32>,
        tpu.vector_store_idx %arg8[%broadcast_in_dim3A_19, %get3A_153], %unpack3A_250 {add = true} : memref<8x10000xf32, #tpu.memory_space<vmem>>[vector<16xi32>, vector<16xi32>], vector<16xf32>,
        %gather3A_251 = tpu.vector_load_idx %arg7[%broadcast_in_dim3A_7, %get3A_73] : memref<4x10000xi32, #tpu.memory_space<vmem>>[vector<16xi32>, vector<16xi32>], vector<16xi32>,
        %bitcast3A_252 = vector.bitcast %gather3A_251 : vector<16xi32> to vector<32xbf16>
        %unpack3A_253 = tpu.unpack_subelements %bitcast3A_252, 0 {pack_format = #tpu.pack_format<interleaved>} : vector<32xbf16> -> vector<16xf32>
        %unpack3A_254 = tpu.unpack_subelements %bitcast3A_252, 1 {pack_format = #tpu.pack_format<interleaved>} : vector<32xbf16> -> vector<16xf32>
        tpu.vector_store_idx %arg8[%broadcast_in_dim3A_21, %get3A_153], %unpack3A_253 {add = true} : memref<8x10000xf32, #tpu.memory_space<vmem>>[vector<16xi32>, vector<16xi32>], vector<16xf32>,
        tpu.vector_store_idx %arg8[%broadcast_in_dim3A_23, %get3A_153], %unpack3A_254 {add = true} : memref<8x10000xf32, #tpu.memory_space<vmem>>[vector<16xi32>, vector<16xi32>], vector<16xf32>,
        %gather3A_255 = tpu.vector_load_idx %arg7[%broadcast_in_dim3A_1, %get3A_81] : memref<4x10000xi32, #tpu.memory_space<vmem>>[vector<16xi32>, vector<16xi32>], vector<16xi32>,
        %bitcast3A_256 = vector.bitcast %gather3A_255 : vector<16xi32> to vector<32xbf16>
        %unpack3A_257 = tpu.unpack_subelements %bitcast3A_256, 0 {pack_format = #tpu.pack_format<interleaved>} : vector<32xbf16> -> vector<16xf32>
        %unpack3A_258 = tpu.unpack_subelements %bitcast3A_256, 1 {pack_format = #tpu.pack_format<interleaved>} : vector<32xbf16> -> vector<16xf32>
        tpu.vector_store_idx %arg8[%broadcast_in_dim3A_9, %get3A_161], %unpack3A_257 {add = true} : memref<8x10000xf32, #tpu.memory_space<vmem>>[vector<16xi32>, vector<16xi32>], vector<16xf32>,
        tpu.vector_store_idx %arg8[%broadcast_in_dim3A_11, %get3A_161], %unpack3A_258 {add = true} : memref<8x10000xf32, #tpu.memory_space<vmem>>[vector<16xi32>, vector<16xi32>], vector<16xf32>,
        %gather3A_259 = tpu.vector_load_idx %arg7[%broadcast_in_dim3A_3, %get3A_81] : memref<4x10000xi32, #tpu.memory_space<vmem>>[vector<16xi32>, vector<16xi32>], vector<16xi32>,
        %bitcast3A_260 = vector.bitcast %gather3A_259 : vector<16xi32> to vector<32xbf16>
        %unpack3A_261 = tpu.unpack_subelements %bitcast3A_260, 0 {pack_format = #tpu.pack_format<interleaved>} : vector<32xbf16> -> vector<16xf32>
        %unpack3A_262 = tpu.unpack_subelements %bitcast3A_260, 1 {pack_format = #tpu.pack_format<interleaved>} : vector<32xbf16> -> vector<16xf32>
        tpu.vector_store_idx %arg8[%broadcast_in_dim3A_13, %get3A_161], %unpack3A_261 {add = true} : memref<8x10000xf32, #tpu.memory_space<vmem>>[vector<16xi32>, vector<16xi32>], vector<16xf32>,
        tpu.vector_store_idx %arg8[%broadcast_in_dim3A_15, %get3A_161], %unpack3A_262 {add = true} : memref<8x10000xf32, #tpu.memory_space<vmem>>[vector<16xi32>, vector<16xi32>], vector<16xf32>,
        %gather3A_263 = tpu.vector_load_idx %arg7[%broadcast_in_dim3A_5, %get3A_81] : memref<4x10000xi32, #tpu.memory_space<vmem>>[vector<16xi32>, vector<16xi32>], vector<16xi32>,
        %bitcast3A_264 = vector.bitcast %gather3A_263 : vector<16xi32> to vector<32xbf16>
        %unpack3A_265 = tpu.unpack_subelements %bitcast3A_264, 0 {pack_format = #tpu.pack_format<interleaved>} : vector<32xbf16> -> vector<16xf32>
        %unpack3A_266 = tpu.unpack_subelements %bitcast3A_264, 1 {pack_format = #tpu.pack_format<interleaved>} : vector<32xbf16> -> vector<16xf32>
        tpu.vector_store_idx %arg8[%broadcast_in_dim3A_17, %get3A_161], %unpack3A_265 {add = true} : memref<8x10000xf32, #tpu.memory_space<vmem>>[vector<16xi32>, vector<16xi32>], vector<16xf32>,
        tpu.vector_store_idx %arg8[%broadcast_in_dim3A_19, %get3A_161], %unpack3A_266 {add = true} : memref<8x10000xf32, #tpu.memory_space<vmem>>[vector<16xi32>, vector<16xi32>], vector<16xf32>,
        %gather3A_267 = tpu.vector_load_idx %arg7[%broadcast_in_dim3A_7, %get3A_81] : memref<4x10000xi32, #tpu.memory_space<vmem>>[vector<16xi32>, vector<16xi32>], vector<16xi32>,
        %bitcast3A_268 = vector.bitcast %gather3A_267 : vector<16xi32> to vector<32xbf16>
        %unpack3A_269 = tpu.unpack_subelements %bitcast3A_268, 0 {pack_format = #tpu.pack_format<interleaved>} : vector<32xbf16> -> vector<16xf32>
        %unpack3A_270 = tpu.unpack_subelements %bitcast3A_268, 1 {pack_format = #tpu.pack_format<interleaved>} : vector<32xbf16> -> vector<16xf32>
        tpu.vector_store_idx %arg8[%broadcast_in_dim3A_21, %get3A_161], %unpack3A_269 {add = true} : memref<8x10000xf32, #tpu.memory_space<vmem>>[vector<16xi32>, vector<16xi32>], vector<16xf32>,
        tpu.vector_store_idx %arg8[%broadcast_in_dim3A_23, %get3A_161], %unpack3A_270 {add = true} : memref<8x10000xf32, #tpu.memory_space<vmem>>[vector<16xi32>, vector<16xi32>], vector<16xf32>,
        %gather3A_271 = tpu.vector_load_idx %arg7[%broadcast_in_dim3A_1, %get3A_89] : memref<4x10000xi32, #tpu.memory_space<vmem>>[vector<16xi32>, vector<16xi32>], vector<16xi32>,
        %bitcast3A_272 = vector.bitcast %gather3A_271 : vector<16xi32> to vector<32xbf16>
        %unpack3A_273 = tpu.unpack_subelements %bitcast3A_272, 0 {pack_format = #tpu.pack_format<interleaved>} : vector<32xbf16> -> vector<16xf32>
        %unpack3A_274 = tpu.unpack_subelements %bitcast3A_272, 1 {pack_format = #tpu.pack_format<interleaved>} : vector<32xbf16> -> vector<16xf32>
        tpu.vector_store_idx %arg8[%broadcast_in_dim3A_9, %get3A_169], %unpack3A_273 {add = true} : memref<8x10000xf32, #tpu.memory_space<vmem>>[vector<16xi32>, vector<16xi32>], vector<16xf32>,
        tpu.vector_store_idx %arg8[%broadcast_in_dim3A_11, %get3A_169], %unpack3A_274 {add = true} : memref<8x10000xf32, #tpu.memory_space<vmem>>[vector<16xi32>, vector<16xi32>], vector<16xf32>,
        %gather3A_275 = tpu.vector_load_idx %arg7[%broadcast_in_dim3A_3, %get3A_89] : memref<4x10000xi32, #tpu.memory_space<vmem>>[vector<16xi32>, vector<16xi32>], vector<16xi32>,
        %bitcast3A_276 = vector.bitcast %gather3A_275 : vector<16xi32> to vector<32xbf16>
        %unpack3A_277 = tpu.unpack_subelements %bitcast3A_276, 0 {pack_format = #tpu.pack_format<interleaved>} : vector<32xbf16> -> vector<16xf32>
        %unpack3A_278 = tpu.unpack_subelements %bitcast3A_276, 1 {pack_format = #tpu.pack_format<interleaved>} : vector<32xbf16> -> vector<16xf32>
        tpu.vector_store_idx %arg8[%broadcast_in_dim3A_13, %get3A_169], %unpack3A_277 {add = true} : memref<8x10000xf32, #tpu.memory_space<vmem>>[vector<16xi32>, vector<16xi32>], vector<16xf32>,
        tpu.vector_store_idx %arg8[%broadcast_in_dim3A_15, %get3A_169], %unpack3A_278 {add = true} : memref<8x10000xf32, #tpu.memory_space<vmem>>[vector<16xi32>, vector<16xi32>], vector<16xf32>,
        %gather3A_279 = tpu.vector_load_idx %arg7[%broadcast_in_dim3A_5, %get3A_89] : memref<4x10000xi32, #tpu.memory_space<vmem>>[vector<16xi32>, vector<16xi32>], vector<16xi32>,
        %bitcast3A_280 = vector.bitcast %gather3A_279 : vector<16xi32> to vector<32xbf16>
        %unpack3A_281 = tpu.unpack_subelements %bitcast3A_280, 0 {pack_format = #tpu.pack_format<interleaved>} : vector<32xbf16> -> vector<16xf32>
        %unpack3A_282 = tpu.unpack_subelements %bitcast3A_280, 1 {pack_format = #tpu.pack_format<interleaved>} : vector<32xbf16> -> vector<16xf32>
        tpu.vector_store_idx %arg8[%broadcast_in_dim3A_17, %get3A_169], %unpack3A_281 {add = true} : memref<8x10000xf32, #tpu.memory_space<vmem>>[vector<16xi32>, vector<16xi32>], vector<16xf32>,
        tpu.vector_store_idx %arg8[%broadcast_in_dim3A_19, %get3A_169], %unpack3A_282 {add = true} : memref<8x10000xf32, #tpu.memory_space<vmem>>[vector<16xi32>, vector<16xi32>], vector<16xf32>,
        %gather3A_283 = tpu.vector_load_idx %arg7[%broadcast_in_dim3A_7, %get3A_89] : memref<4x10000xi32, #tpu.memory_space<vmem>>[vector<16xi32>, vector<16xi32>], vector<16xi32>,
        %bitcast3A_284 = vector.bitcast %gather3A_283 : vector<16xi32> to vector<32xbf16>
        %unpack3A_285 = tpu.unpack_subelements %bitcast3A_284, 0 {pack_format = #tpu.pack_format<interleaved>} : vector<32xbf16> -> vector<16xf32>
        %unpack3A_286 = tpu.unpack_subelements %bitcast3A_284, 1 {pack_format = #tpu.pack_format<interleaved>} : vector<32xbf16> -> vector<16xf32>
        tpu.vector_store_idx %arg8[%broadcast_in_dim3A_21, %get3A_169], %unpack3A_285 {add = true} : memref<8x10000xf32, #tpu.memory_space<vmem>>[vector<16xi32>, vector<16xi32>], vector<16xf32>,
        tpu.vector_store_idx %arg8[%broadcast_in_dim3A_23, %get3A_169], %unpack3A_286 {add = true} : memref<8x10000xf32, #tpu.memory_space<vmem>>[vector<16xi32>, vector<16xi32>], vector<16xf32>,
        %gather3A_287 = tpu.vector_load_idx %arg7[%broadcast_in_dim3A_1, %get3A_97] : memref<4x10000xi32, #tpu.memory_space<vmem>>[vector<16xi32>, vector<16xi32>], vector<16xi32>,
        %bitcast3A_288 = vector.bitcast %gather3A_287 : vector<16xi32> to vector<32xbf16>
        %unpack3A_289 = tpu.unpack_subelements %bitcast3A_288, 0 {pack_format = #tpu.pack_format<interleaved>} : vector<32xbf16> -> vector<16xf32>
        %unpack3A_290 = tpu.unpack_subelements %bitcast3A_288, 1 {pack_format = #tpu.pack_format<interleaved>} : vector<32xbf16> -> vector<16xf32>
        tpu.vector_store_idx %arg8[%broadcast_in_dim3A_9, %get3A_177], %unpack3A_289 {add = true} : memref<8x10000xf32, #tpu.memory_space<vmem>>[vector<16xi32>, vector<16xi32>], vector<16xf32>,
        tpu.vector_store_idx %arg8[%broadcast_in_dim3A_11, %get3A_177], %unpack3A_290 {add = true} : memref<8x10000xf32, #tpu.memory_space<vmem>>[vector<16xi32>, vector<16xi32>], vector<16xf32>,
        %gather3A_291 = tpu.vector_load_idx %arg7[%broadcast_in_dim3A_3, %get3A_97] : memref<4x10000xi32, #tpu.memory_space<vmem>>[vector<16xi32>, vector<16xi32>], vector<16xi32>,
        %bitcast3A_292 = vector.bitcast %gather3A_291 : vector<16xi32> to vector<32xbf16>
        %unpack3A_293 = tpu.unpack_subelements %bitcast3A_292, 0 {pack_format = #tpu.pack_format<interleaved>} : vector<32xbf16> -> vector<16xf32>
        %unpack3A_294 = tpu.unpack_subelements %bitcast3A_292, 1 {pack_format = #tpu.pack_format<interleaved>} : vector<32xbf16> -> vector<16xf32>
        tpu.vector_store_idx %arg8[%broadcast_in_dim3A_13, %get3A_177], %unpack3A_293 {add = true} : memref<8x10000xf32, #tpu.memory_space<vmem>>[vector<16xi32>, vector<16xi32>], vector<16xf32>,
        tpu.vector_store_idx %arg8[%broadcast_in_dim3A_15, %get3A_177], %unpack3A_294 {add = true} : memref<8x10000xf32, #tpu.memory_space<vmem>>[vector<16xi32>, vector<16xi32>], vector<16xf32>,
        %gather3A_295 = tpu.vector_load_idx %arg7[%broadcast_in_dim3A_5, %get3A_97] : memref<4x10000xi32, #tpu.memory_space<vmem>>[vector<16xi32>, vector<16xi32>], vector<16xi32>,
        %bitcast3A_296 = vector.bitcast %gather3A_295 : vector<16xi32> to vector<32xbf16>
        %unpack3A_297 = tpu.unpack_subelements %bitcast3A_296, 0 {pack_format = #tpu.pack_format<interleaved>} : vector<32xbf16> -> vector<16xf32>
        %unpack3A_298 = tpu.unpack_subelements %bitcast3A_296, 1 {pack_format = #tpu.pack_format<interleaved>} : vector<32xbf16> -> vector<16xf32>
        tpu.vector_store_idx %arg8[%broadcast_in_dim3A_17, %get3A_177], %unpack3A_297 {add = true} : memref<8x10000xf32, #tpu.memory_space<vmem>>[vector<16xi32>, vector<16xi32>], vector<16xf32>,
        tpu.vector_store_idx %arg8[%broadcast_in_dim3A_19, %get3A_177], %unpack3A_298 {add = true} : memref<8x10000xf32, #tpu.memory_space<vmem>>[vector<16xi32>, vector<16xi32>], vector<16xf32>,
        %gather3A_299 = tpu.vector_load_idx %arg7[%broadcast_in_dim3A_7, %get3A_97] : memref<4x10000xi32, #tpu.memory_space<vmem>>[vector<16xi32>, vector<16xi32>], vector<16xi32>,
        %bitcast3A_300 = vector.bitcast %gather3A_299 : vector<16xi32> to vector<32xbf16>
        %unpack3A_301 = tpu.unpack_subelements %bitcast3A_300, 0 {pack_format = #tpu.pack_format<interleaved>} : vector<32xbf16> -> vector<16xf32>
        %unpack3A_302 = tpu.unpack_subelements %bitcast3A_300, 1 {pack_format = #tpu.pack_format<interleaved>} : vector<32xbf16> -> vector<16xf32>
        tpu.vector_store_idx %arg8[%broadcast_in_dim3A_21, %get3A_177], %unpack3A_301 {add = true} : memref<8x10000xf32, #tpu.memory_space<vmem>>[vector<16xi32>, vector<16xi32>], vector<16xf32>,
        tpu.vector_store_idx %arg8[%broadcast_in_dim3A_23, %get3A_177], %unpack3A_302 {add = true} : memref<8x10000xf32, #tpu.memory_space<vmem>>[vector<16xi32>, vector<16xi32>], vector<16xf32>,
        %gather3A_303 = tpu.vector_load_idx %arg7[%broadcast_in_dim3A_1, %get3A_105] : memref<4x10000xi32, #tpu.memory_space<vmem>>[vector<16xi32>, vector<16xi32>], vector<16xi32>,
        %bitcast3A_304 = vector.bitcast %gather3A_303 : vector<16xi32> to vector<32xbf16>
        %unpack3A_305 = tpu.unpack_subelements %bitcast3A_304, 0 {pack_format = #tpu.pack_format<interleaved>} : vector<32xbf16> -> vector<16xf32>
        %unpack3A_306 = tpu.unpack_subelements %bitcast3A_304, 1 {pack_format = #tpu.pack_format<interleaved>} : vector<32xbf16> -> vector<16xf32>
        tpu.vector_store_idx %arg8[%broadcast_in_dim3A_9, %get3A_185], %unpack3A_305 {add = true} : memref<8x10000xf32, #tpu.memory_space<vmem>>[vector<16xi32>, vector<16xi32>], vector<16xf32>,
        tpu.vector_store_idx %arg8[%broadcast_in_dim3A_11, %get3A_185], %unpack3A_306 {add = true} : memref<8x10000xf32, #tpu.memory_space<vmem>>[vector<16xi32>, vector<16xi32>], vector<16xf32>,
        %gather3A_307 = tpu.vector_load_idx %arg7[%broadcast_in_dim3A_3, %get3A_105] : memref<4x10000xi32, #tpu.memory_space<vmem>>[vector<16xi32>, vector<16xi32>], vector<16xi32>,
        %bitcast3A_308 = vector.bitcast %gather3A_307 : vector<16xi32> to vector<32xbf16>
        %unpack3A_309 = tpu.unpack_subelements %bitcast3A_308, 0 {pack_format = #tpu.pack_format<interleaved>} : vector<32xbf16> -> vector<16xf32>
        %unpack3A_310 = tpu.unpack_subelements %bitcast3A_308, 1 {pack_format = #tpu.pack_format<interleaved>} : vector<32xbf16> -> vector<16xf32>
        tpu.vector_store_idx %arg8[%broadcast_in_dim3A_13, %get3A_185], %unpack3A_309 {add = true} : memref<8x10000xf32, #tpu.memory_space<vmem>>[vector<16xi32>, vector<16xi32>], vector<16xf32>,
        tpu.vector_store_idx %arg8[%broadcast_in_dim3A_15, %get3A_185], %unpack3A_310 {add = true} : memref<8x10000xf32, #tpu.memory_space<vmem>>[vector<16xi32>, vector<16xi32>], vector<16xf32>,
        %gather3A_311 = tpu.vector_load_idx %arg7[%broadcast_in_dim3A_5, %get3A_105] : memref<4x10000xi32, #tpu.memory_space<vmem>>[vector<16xi32>, vector<16xi32>], vector<16xi32>,
        %bitcast3A_312 = vector.bitcast %gather3A_311 : vector<16xi32> to vector<32xbf16>
        %unpack3A_313 = tpu.unpack_subelements %bitcast3A_312, 0 {pack_format = #tpu.pack_format<interleaved>} : vector<32xbf16> -> vector<16xf32>
        %unpack3A_314 = tpu.unpack_subelements %bitcast3A_312, 1 {pack_format = #tpu.pack_format<interleaved>} : vector<32xbf16> -> vector<16xf32>
        tpu.vector_store_idx %arg8[%broadcast_in_dim3A_17, %get3A_185], %unpack3A_313 {add = true} : memref<8x10000xf32, #tpu.memory_space<vmem>>[vector<16xi32>, vector<16xi32>], vector<16xf32>,
        tpu.vector_store_idx %arg8[%broadcast_in_dim3A_19, %get3A_185], %unpack3A_314 {add = true} : memref<8x10000xf32, #tpu.memory_space<vmem>>[vector<16xi32>, vector<16xi32>], vector<16xf32>,
        %gather3A_315 = tpu.vector_load_idx %arg7[%broadcast_in_dim3A_7, %get3A_105] : memref<4x10000xi32, #tpu.memory_space<vmem>>[vector<16xi32>, vector<16xi32>], vector<16xi32>,
        %bitcast3A_316 = vector.bitcast %gather3A_315 : vector<16xi32> to vector<32xbf16>
        %unpack3A_317 = tpu.unpack_subelements %bitcast3A_316, 0 {pack_format = #tpu.pack_format<interleaved>} : vector<32xbf16> -> vector<16xf32>
        %unpack3A_318 = tpu.unpack_subelements %bitcast3A_316, 1 {pack_format = #tpu.pack_format<interleaved>} : vector<32xbf16> -> vector<16xf32>
        tpu.vector_store_idx %arg8[%broadcast_in_dim3A_21, %get3A_185], %unpack3A_317 {add = true} : memref<8x10000xf32, #tpu.memory_space<vmem>>[vector<16xi32>, vector<16xi32>], vector<16xf32>,
        tpu.vector_store_idx %arg8[%broadcast_in_dim3A_23, %get3A_185], %unpack3A_318 {add = true} : memref<8x10000xf32, #tpu.memory_space<vmem>>[vector<16xi32>, vector<16xi32>], vector<16xf32>,
        %gather3A_319 = tpu.vector_load_idx %arg7[%broadcast_in_dim3A_1, %get3A_113] : memref<4x10000xi32, #tpu.memory_space<vmem>>[vector<16xi32>, vector<16xi32>], vector<16xi32>,
        %bitcast3A_320 = vector.bitcast %gather3A_319 : vector<16xi32> to vector<32xbf16>
        %unpack3A_321 = tpu.unpack_subelements %bitcast3A_320, 0 {pack_format = #tpu.pack_format<interleaved>} : vector<32xbf16> -> vector<16xf32>
        %unpack3A_322 = tpu.unpack_subelements %bitcast3A_320, 1 {pack_format = #tpu.pack_format<interleaved>} : vector<32xbf16> -> vector<16xf32>
        tpu.vector_store_idx %arg8[%broadcast_in_dim3A_9, %get3A_193], %unpack3A_321 {add = true} : memref<8x10000xf32, #tpu.memory_space<vmem>>[vector<16xi32>, vector<16xi32>], vector<16xf32>,
        tpu.vector_store_idx %arg8[%broadcast_in_dim3A_11, %get3A_193], %unpack3A_322 {add = true} : memref<8x10000xf32, #tpu.memory_space<vmem>>[vector<16xi32>, vector<16xi32>], vector<16xf32>,
        %gather3A_323 = tpu.vector_load_idx %arg7[%broadcast_in_dim3A_3, %get3A_113] : memref<4x10000xi32, #tpu.memory_space<vmem>>[vector<16xi32>, vector<16xi32>], vector<16xi32>,
        %bitcast3A_324 = vector.bitcast %gather3A_323 : vector<16xi32> to vector<32xbf16>
        %unpack3A_325 = tpu.unpack_subelements %bitcast3A_324, 0 {pack_format = #tpu.pack_format<interleaved>} : vector<32xbf16> -> vector<16xf32>
        %unpack3A_326 = tpu.unpack_subelements %bitcast3A_324, 1 {pack_format = #tpu.pack_format<interleaved>} : vector<32xbf16> -> vector<16xf32>
        tpu.vector_store_idx %arg8[%broadcast_in_dim3A_13, %get3A_193], %unpack3A_325 {add = true} : memref<8x10000xf32, #tpu.memory_space<vmem>>[vector<16xi32>, vector<16xi32>], vector<16xf32>,
        tpu.vector_store_idx %arg8[%broadcast_in_dim3A_15, %get3A_193], %unpack3A_326 {add = true} : memref<8x10000xf32, #tpu.memory_space<vmem>>[vector<16xi32>, vector<16xi32>], vector<16xf32>,
        %gather3A_327 = tpu.vector_load_idx %arg7[%broadcast_in_dim3A_5, %get3A_113] : memref<4x10000xi32, #tpu.memory_space<vmem>>[vector<16xi32>, vector<16xi32>], vector<16xi32>,
        %bitcast3A_328 = vector.bitcast %gather3A_327 : vector<16xi32> to vector<32xbf16>
        %unpack3A_329 = tpu.unpack_subelements %bitcast3A_328, 0 {pack_format = #tpu.pack_format<interleaved>} : vector<32xbf16> -> vector<16xf32>
        %unpack3A_330 = tpu.unpack_subelements %bitcast3A_328, 1 {pack_format = #tpu.pack_format<interleaved>} : vector<32xbf16> -> vector<16xf32>
        tpu.vector_store_idx %arg8[%broadcast_in_dim3A_17, %get3A_193], %unpack3A_329 {add = true} : memref<8x10000xf32, #tpu.memory_space<vmem>>[vector<16xi32>, vector<16xi32>], vector<16xf32>,
        tpu.vector_store_idx %arg8[%broadcast_in_dim3A_19, %get3A_193], %unpack3A_330 {add = true} : memref<8x10000xf32, #tpu.memory_space<vmem>>[vector<16xi32>, vector<16xi32>], vector<16xf32>,
        %gather3A_331 = tpu.vector_load_idx %arg7[%broadcast_in_dim3A_7, %get3A_113] : memref<4x10000xi32, #tpu.memory_space<vmem>>[vector<16xi32>, vector<16xi32>], vector<16xi32>,
        %bitcast3A_332 = vector.bitcast %gather3A_331 : vector<16xi32> to vector<32xbf16>
        %unpack3A_333 = tpu.unpack_subelements %bitcast3A_332, 0 {pack_format = #tpu.pack_format<interleaved>} : vector<32xbf16> -> vector<16xf32>
        %unpack3A_334 = tpu.unpack_subelements %bitcast3A_332, 1 {pack_format = #tpu.pack_format<interleaved>} : vector<32xbf16> -> vector<16xf32>
        tpu.vector_store_idx %arg8[%broadcast_in_dim3A_21, %get3A_193], %unpack3A_333 {add = true} : memref<8x10000xf32, #tpu.memory_space<vmem>>[vector<16xi32>, vector<16xi32>], vector<16xf32>,
        tpu.vector_store_idx %arg8[%broadcast_in_dim3A_23, %get3A_193], %unpack3A_334 {add = true} : memref<8x10000xf32, #tpu.memory_space<vmem>>[vector<16xi32>, vector<16xi32>], vector<16xf32>,
        %gather3A_335 = tpu.vector_load_idx %arg7[%broadcast_in_dim3A_1, %get3A_121] : memref<4x10000xi32, #tpu.memory_space<vmem>>[vector<16xi32>, vector<16xi32>], vector<16xi32>,
        %bitcast3A_336 = vector.bitcast %gather3A_335 : vector<16xi32> to vector<32xbf16>
        %unpack3A_337 = tpu.unpack_subelements %bitcast3A_336, 0 {pack_format = #tpu.pack_format<interleaved>} : vector<32xbf16> -> vector<16xf32>
        %unpack3A_338 = tpu.unpack_subelements %bitcast3A_336, 1 {pack_format = #tpu.pack_format<interleaved>} : vector<32xbf16> -> vector<16xf32>
        tpu.vector_store_idx %arg8[%broadcast_in_dim3A_9, %get3A_201], %unpack3A_337 {add = true} : memref<8x10000xf32, #tpu.memory_space<vmem>>[vector<16xi32>, vector<16xi32>], vector<16xf32>,
        tpu.vector_store_idx %arg8[%broadcast_in_dim3A_11, %get3A_201], %unpack3A_338 {add = true} : memref<8x10000xf32, #tpu.memory_space<vmem>>[vector<16xi32>, vector<16xi32>], vector<16xf32>,
        %gather3A_339 = tpu.vector_load_idx %arg7[%broadcast_in_dim3A_3, %get3A_121] : memref<4x10000xi32, #tpu.memory_space<vmem>>[vector<16xi32>, vector<16xi32>], vector<16xi32>,
        %bitcast3A_340 = vector.bitcast %gather3A_339 : vector<16xi32> to vector<32xbf16>
        %unpack3A_341 = tpu.unpack_subelements %bitcast3A_340, 0 {pack_format = #tpu.pack_format<interleaved>} : vector<32xbf16> -> vector<16xf32>
        %unpack3A_342 = tpu.unpack_subelements %bitcast3A_340, 1 {pack_format = #tpu.pack_format<interleaved>} : vector<32xbf16> -> vector<16xf32>
        tpu.vector_store_idx %arg8[%broadcast_in_dim3A_13, %get3A_201], %unpack3A_341 {add = true} : memref<8x10000xf32, #tpu.memory_space<vmem>>[vector<16xi32>, vector<16xi32>], vector<16xf32>,
        tpu.vector_store_idx %arg8[%broadcast_in_dim3A_15, %get3A_201], %unpack3A_342 {add = true} : memref<8x10000xf32, #tpu.memory_space<vmem>>[vector<16xi32>, vector<16xi32>], vector<16xf32>,
        %gather3A_343 = tpu.vector_load_idx %arg7[%broadcast_in_dim3A_5, %get3A_121] : memref<4x10000xi32, #tpu.memory_space<vmem>>[vector<16xi32>, vector<16xi32>], vector<16xi32>,
        %bitcast3A_344 = vector.bitcast %gather3A_343 : vector<16xi32> to vector<32xbf16>
        %unpack3A_345 = tpu.unpack_subelements %bitcast3A_344, 0 {pack_format = #tpu.pack_format<interleaved>} : vector<32xbf16> -> vector<16xf32>
        %unpack3A_346 = tpu.unpack_subelements %bitcast3A_344, 1 {pack_format = #tpu.pack_format<interleaved>} : vector<32xbf16> -> vector<16xf32>
        tpu.vector_store_idx %arg8[%broadcast_in_dim3A_17, %get3A_201], %unpack3A_345 {add = true} : memref<8x10000xf32, #tpu.memory_space<vmem>>[vector<16xi32>, vector<16xi32>], vector<16xf32>,
        tpu.vector_store_idx %arg8[%broadcast_in_dim3A_19, %get3A_201], %unpack3A_346 {add = true} : memref<8x10000xf32, #tpu.memory_space<vmem>>[vector<16xi32>, vector<16xi32>], vector<16xf32>,
        %gather3A_347 = tpu.vector_load_idx %arg7[%broadcast_in_dim3A_7, %get3A_121] : memref<4x10000xi32, #tpu.memory_space<vmem>>[vector<16xi32>, vector<16xi32>], vector<16xi32>,
        %bitcast3A_348 = vector.bitcast %gather3A_347 : vector<16xi32> to vector<32xbf16>
        %unpack3A_349 = tpu.unpack_subelements %bitcast3A_348, 0 {pack_format = #tpu.pack_format<interleaved>} : vector<32xbf16> -> vector<16xf32>
        %unpack3A_350 = tpu.unpack_subelements %bitcast3A_348, 1 {pack_format = #tpu.pack_format<interleaved>} : vector<32xbf16> -> vector<16xf32>
        tpu.vector_store_idx %arg8[%broadcast_in_dim3A_21, %get3A_201], %unpack3A_349 {add = true} : memref<8x10000xf32, #tpu.memory_space<vmem>>[vector<16xi32>, vector<16xi32>], vector<16xf32>,
        tpu.vector_store_idx %arg8[%broadcast_in_dim3A_23, %get3A_201], %unpack3A_350 {add = true} : memref<8x10000xf32, #tpu.memory_space<vmem>>[vector<16xi32>, vector<16xi32>], vector<16xf32>,
        %gather3A_351 = tpu.vector_load_idx %arg7[%broadcast_in_dim3A_1, %get3A_129] : memref<4x10000xi32, #tpu.memory_space<vmem>>[vector<16xi32>, vector<16xi32>], vector<16xi32>,
        %bitcast3A_352 = vector.bitcast %gather3A_351 : vector<16xi32> to vector<32xbf16>
        %unpack3A_353 = tpu.unpack_subelements %bitcast3A_352, 0 {pack_format = #tpu.pack_format<interleaved>} : vector<32xbf16> -> vector<16xf32>
        %unpack3A_354 = tpu.unpack_subelements %bitcast3A_352, 1 {pack_format = #tpu.pack_format<interleaved>} : vector<32xbf16> -> vector<16xf32>
        tpu.vector_store_idx %arg8[%broadcast_in_dim3A_9, %get3A_209], %unpack3A_353 {add = true} : memref<8x10000xf32, #tpu.memory_space<vmem>>[vector<16xi32>, vector<16xi32>], vector<16xf32>,
        tpu.vector_store_idx %arg8[%broadcast_in_dim3A_11, %get3A_209], %unpack3A_354 {add = true} : memref<8x10000xf32, #tpu.memory_space<vmem>>[vector<16xi32>, vector<16xi32>], vector<16xf32>,
        %gather3A_355 = tpu.vector_load_idx %arg7[%broadcast_in_dim3A_3, %get3A_129] : memref<4x10000xi32, #tpu.memory_space<vmem>>[vector<16xi32>, vector<16xi32>], vector<16xi32>,
        %bitcast3A_356 = vector.bitcast %gather3A_355 : vector<16xi32> to vector<32xbf16>
        %unpack3A_357 = tpu.unpack_subelements %bitcast3A_356, 0 {pack_format = #tpu.pack_format<interleaved>} : vector<32xbf16> -> vector<16xf32>
        %unpack3A_358 = tpu.unpack_subelements %bitcast3A_356, 1 {pack_format = #tpu.pack_format<interleaved>} : vector<32xbf16> -> vector<16xf32>
        tpu.vector_store_idx %arg8[%broadcast_in_dim3A_13, %get3A_209], %unpack3A_357 {add = true} : memref<8x10000xf32, #tpu.memory_space<vmem>>[vector<16xi32>, vector<16xi32>], vector<16xf32>,
        tpu.vector_store_idx %arg8[%broadcast_in_dim3A_15, %get3A_209], %unpack3A_358 {add = true} : memref<8x10000xf32, #tpu.memory_space<vmem>>[vector<16xi32>, vector<16xi32>], vector<16xf32>,
        %gather3A_359 = tpu.vector_load_idx %arg7[%broadcast_in_dim3A_5, %get3A_129] : memref<4x10000xi32, #tpu.memory_space<vmem>>[vector<16xi32>, vector<16xi32>], vector<16xi32>,
        %bitcast3A_360 = vector.bitcast %gather3A_359 : vector<16xi32> to vector<32xbf16>
        %unpack3A_361 = tpu.unpack_subelements %bitcast3A_360, 0 {pack_format = #tpu.pack_format<interleaved>} : vector<32xbf16> -> vector<16xf32>
        %unpack3A_362 = tpu.unpack_subelements %bitcast3A_360, 1 {pack_format = #tpu.pack_format<interleaved>} : vector<32xbf16> -> vector<16xf32>
        tpu.vector_store_idx %arg8[%broadcast_in_dim3A_17, %get3A_209], %unpack3A_361 {add = true} : memref<8x10000xf32, #tpu.memory_space<vmem>>[vector<16xi32>, vector<16xi32>], vector<16xf32>,
        tpu.vector_store_idx %arg8[%broadcast_in_dim3A_19, %get3A_209], %unpack3A_362 {add = true} : memref<8x10000xf32, #tpu.memory_space<vmem>>[vector<16xi32>, vector<16xi32>], vector<16xf32>,
        %gather3A_363 = tpu.vector_load_idx %arg7[%broadcast_in_dim3A_7, %get3A_129] : memref<4x10000xi32, #tpu.memory_space<vmem>>[vector<16xi32>, vector<16xi32>], vector<16xi32>,
        %bitcast3A_364 = vector.bitcast %gather3A_363 : vector<16xi32> to vector<32xbf16>
        %unpack3A_365 = tpu.unpack_subelements %bitcast3A_364, 0 {pack_format = #tpu.pack_format<interleaved>} : vector<32xbf16> -> vector<16xf32>
        %unpack3A_366 = tpu.unpack_subelements %bitcast3A_364, 1 {pack_format = #tpu.pack_format<interleaved>} : vector<32xbf16> -> vector<16xf32>
        tpu.vector_store_idx %arg8[%broadcast_in_dim3A_21, %get3A_209], %unpack3A_365 {add = true} : memref<8x10000xf32, #tpu.memory_space<vmem>>[vector<16xi32>, vector<16xi32>], vector<16xf32>,
        tpu.vector_store_idx %arg8[%broadcast_in_dim3A_23, %get3A_209], %unpack3A_366 {add = true} : memref<8x10000xf32, #tpu.memory_space<vmem>>[vector<16xi32>, vector<16xi32>], vector<16xf32>,
      }
      %scan3A_49 = arith.constant 25 : i32
    }
    %scan3A_30 = arith.constant 40 : i32
    "tpu.region"() ({
      %run_scoped3A = tpu.sem_alloc : memref<!tpu.dma_semaphore, #tpu.memory_space<semaphore_mem>>
      %dma_start3A = arith.constant 0 : i32
      %dma_start3A_39 = arith.constant 0 : i32
      %dma_start3A_40 = tpu.memref_slice %arg6[%add3A_25, %dma_start3A, %dma_start3A_39] : memref<64x8x10000xf32, #tpu.memory_space<hbm>> -> memref<1x8x10000xf32, #tpu.memory_space<hbm>>
      %dma_start3A_41 = tpu.memref_squeeze %dma_start3A_40 : memref<1x8x10000xf32, #tpu.memory_space<hbm>> -> memref<8x10000xf32, #tpu.memory_space<hbm>>
      %dma_start3A_42 = arith.constant 0 : i32
      %dma_start3A_43 = arith.constant 0 : i32
      %dma_start3A_44 = tpu.memref_slice %arg6[%add3A_25, %dma_start3A_42, %dma_start3A_43] : memref<64x8x10000xf32, #tpu.memory_space<hbm>> -> memref<1x8x10000xf32, #tpu.memory_space<hbm>>
      %dma_start3A_45 = tpu.memref_squeeze %dma_start3A_44 : memref<1x8x10000xf32, #tpu.memory_space<hbm>> -> memref<8x10000xf32, #tpu.memory_space<hbm>>
      tpu.enqueue_dma source(%arg8 : memref<8x10000xf32, #tpu.memory_space<vmem>>) target(%dma_start3A_45 : memref<8x10000xf32, #tpu.memory_space<hbm>>) target_semaphore(%run_scoped3A : memref<!tpu.dma_semaphore, #tpu.memory_space<semaphore_mem>>)
      %dma_wait3A = arith.constant 0 : i32
      %dma_wait3A_46 = arith.constant 0 : i32
      %dma_wait3A_47 = tpu.memref_slice %arg6[%add3A_25, %dma_wait3A, %dma_wait3A_46] : memref<64x8x10000xf32, #tpu.memory_space<hbm>> -> memref<1x8x10000xf32, #tpu.memory_space<hbm>>
      %dma_wait3A_48 = tpu.memref_squeeze %dma_wait3A_47 : memref<1x8x10000xf32, #tpu.memory_space<hbm>> -> memref<8x10000xf32, #tpu.memory_space<hbm>>
      %dma_wait3A_49 = arith.constant 0 : i32
      %dma_wait3A_50 = arith.constant 0 : i32
      %dma_wait3A_51 = tpu.memref_slice %arg6[%add3A_25, %dma_wait3A_49, %dma_wait3A_50] : memref<64x8x10000xf32, #tpu.memory_space<hbm>> -> memref<1x8x10000xf32, #tpu.memory_space<hbm>>
      %dma_wait3A_52 = tpu.memref_squeeze %dma_wait3A_51 : memref<1x8x10000xf32, #tpu.memory_space<hbm>> -> memref<8x10000xf32, #tpu.memory_space<hbm>>
      tpu.wait_dma2 semaphore(%run_scoped3A : memref<!tpu.dma_semaphore, #tpu.memory_space<semaphore_mem>>) src(%arg8 : memref<8x10000xf32, #tpu.memory_space<vmem>>) dst(%dma_wait3A_52 : memref<8x10000xf32, #tpu.memory_space<hbm>>)
      tpu.yield
    }) : () -> ()
    %add3A_31 = arith.constant 32 : i32
    %add3A_32 = arith.addi %add3A_31, %add3A : i32
    "tpu.region"() ({
      %run_scoped3A = tpu.sem_alloc : memref<!tpu.dma_semaphore, #tpu.memory_space<semaphore_mem>>
      %dma_start3A = arith.constant 0 : i32
      %dma_start3A_39 = arith.constant 0 : i32
      %dma_start3A_40 = tpu.memref_slice %arg4[%add3A_32, %dma_start3A, %dma_start3A_39] : memref<64x4x10000xi32, #tpu.memory_space<hbm>> -> memref<1x4x10000xi32, #tpu.memory_space<hbm>>
      %dma_start3A_41 = tpu.memref_squeeze %dma_start3A_40 : memref<1x4x10000xi32, #tpu.memory_space<hbm>> -> memref<4x10000xi32, #tpu.memory_space<hbm>>
      %dma_start3A_42 = arith.constant 0 : i32
      %dma_start3A_43 = arith.constant 0 : i32
      %dma_start3A_44 = tpu.memref_slice %arg4[%add3A_32, %dma_start3A_42, %dma_start3A_43] : memref<64x4x10000xi32, #tpu.memory_space<hbm>> -> memref<1x4x10000xi32, #tpu.memory_space<hbm>>
      %dma_start3A_45 = tpu.memref_squeeze %dma_start3A_44 : memref<1x4x10000xi32, #tpu.memory_space<hbm>> -> memref<4x10000xi32, #tpu.memory_space<hbm>>
      tpu.enqueue_dma source(%dma_start3A_45 : memref<4x10000xi32, #tpu.memory_space<hbm>>) target(%arg7 : memref<4x10000xi32, #tpu.memory_space<vmem>>) target_semaphore(%run_scoped3A : memref<!tpu.dma_semaphore, #tpu.memory_space<semaphore_mem>>)
      %dma_wait3A = arith.constant 0 : i32
      %dma_wait3A_46 = arith.constant 0 : i32
      %dma_wait3A_47 = tpu.memref_slice %arg4[%add3A_32, %dma_wait3A, %dma_wait3A_46] : memref<64x4x10000xi32, #tpu.memory_space<hbm>> -> memref<1x4x10000xi32, #tpu.memory_space<hbm>>
      %dma_wait3A_48 = tpu.memref_squeeze %dma_wait3A_47 : memref<1x4x10000xi32, #tpu.memory_space<hbm>> -> memref<4x10000xi32, #tpu.memory_space<hbm>>
      %dma_wait3A_49 = arith.constant 0 : i32
      %dma_wait3A_50 = arith.constant 0 : i32
      %dma_wait3A_51 = tpu.memref_slice %arg4[%add3A_32, %dma_wait3A_49, %dma_wait3A_50] : memref<64x4x10000xi32, #tpu.memory_space<hbm>> -> memref<1x4x10000xi32, #tpu.memory_space<hbm>>
      %dma_wait3A_52 = tpu.memref_squeeze %dma_wait3A_51 : memref<1x4x10000xi32, #tpu.memory_space<hbm>> -> memref<4x10000xi32, #tpu.memory_space<hbm>>
      tpu.wait_dma2 semaphore(%run_scoped3A : memref<!tpu.dma_semaphore, #tpu.memory_space<semaphore_mem>>) src(%dma_wait3A_52 : memref<4x10000xi32, #tpu.memory_space<hbm>>) dst(%arg7 : memref<4x10000xi32, #tpu.memory_space<vmem>>)
      tpu.yield
    }) : () -> ()
    "tpu.region"() ({
      %run_scoped3A = tpu.sem_alloc : memref<!tpu.dma_semaphore, #tpu.memory_space<semaphore_mem>>
      tpu.enqueue_dma source(%arg5 : memref<8x10000xf32, #tpu.memory_space<hbm>>) target(%arg8 : memref<8x10000xf32, #tpu.memory_space<vmem>>) target_semaphore(%run_scoped3A : memref<!tpu.dma_semaphore, #tpu.memory_space<semaphore_mem>>)
      tpu.wait_dma2 semaphore(%run_scoped3A : memref<!tpu.dma_semaphore, #tpu.memory_space<semaphore_mem>>) src(%arg5 : memref<8x10000xf32, #tpu.memory_space<hbm>>) dst(%arg8 : memref<8x10000xf32, #tpu.memory_space<vmem>>)
      tpu.yield
    }) : () -> ()
    %scan3A_33 = arith.constant 0 : i32
    %scan3A_34 = arith.constant 0 : i32
    %scan3A_35 = arith.constant 40 : i32
    %scan3A_36 = arith.addi %scan3A_34, %scan3A_35 : i32
    %scan3A_37 = arith.constant 1 : i32
    scf.for %scan3A_39 = %scan3A_34 to %scan3A_36 step %scan3A_37  : i32 {
      %mul3A_40 = arith.constant 4000 : i32
      %mul3A_41 = arith.muli %scan3A_39, %mul3A_40 : i32
      "tpu.region"() ({
        %run_scoped3A = tpu.sem_alloc : memref<!tpu.dma_semaphore, #tpu.memory_space<semaphore_mem>>
        %dma_start3A = tpu.memref_slice %arg2[%mul3A_41] : memref<160000xi32, #tpu.memory_space<hbm>> -> memref<4000xi32, #tpu.memory_space<hbm>>
        %dma_start3A_50 = tpu.memref_slice %arg2[%mul3A_41] : memref<160000xi32, #tpu.memory_space<hbm>> -> memref<4000xi32, #tpu.memory_space<hbm>>
        tpu.enqueue_dma source(%dma_start3A_50 : memref<4000xi32, #tpu.memory_space<hbm>>) target(%arg9 : memref<4000xi32, #tpu.memory_space<vmem>>) target_semaphore(%run_scoped3A : memref<!tpu.dma_semaphore, #tpu.memory_space<semaphore_mem>>)
        %dma_wait3A = tpu.memref_slice %arg2[%mul3A_41] : memref<160000xi32, #tpu.memory_space<hbm>> -> memref<4000xi32, #tpu.memory_space<hbm>>
        %dma_wait3A_51 = tpu.memref_slice %arg2[%mul3A_41] : memref<160000xi32, #tpu.memory_space<hbm>> -> memref<4000xi32, #tpu.memory_space<hbm>>
        tpu.wait_dma2 semaphore(%run_scoped3A : memref<!tpu.dma_semaphore, #tpu.memory_space<semaphore_mem>>) src(%dma_wait3A_51 : memref<4000xi32, #tpu.memory_space<hbm>>) dst(%arg9 : memref<4000xi32, #tpu.memory_space<vmem>>)
        tpu.yield
      }) : () -> ()
      %mul3A_42 = arith.constant 4000 : i32
      %mul3A_43 = arith.muli %scan3A_39, %mul3A_42 : i32
      "tpu.region"() ({
        %run_scoped3A = tpu.sem_alloc : memref<!tpu.dma_semaphore, #tpu.memory_space<semaphore_mem>>
        %dma_start3A = tpu.memref_slice %arg3[%mul3A_43] : memref<160000xi32, #tpu.memory_space<hbm>> -> memref<4000xi32, #tpu.memory_space<hbm>>
        %dma_start3A_50 = tpu.memref_slice %arg3[%mul3A_43] : memref<160000xi32, #tpu.memory_space<hbm>> -> memref<4000xi32, #tpu.memory_space<hbm>>
        tpu.enqueue_dma source(%dma_start3A_50 : memref<4000xi32, #tpu.memory_space<hbm>>) target(%arg10 : memref<4000xi32, #tpu.memory_space<vmem>>) target_semaphore(%run_scoped3A : memref<!tpu.dma_semaphore, #tpu.memory_space<semaphore_mem>>)
        %dma_wait3A = tpu.memref_slice %arg3[%mul3A_43] : memref<160000xi32, #tpu.memory_space<hbm>> -> memref<4000xi32, #tpu.memory_space<hbm>>
        %dma_wait3A_51 = tpu.memref_slice %arg3[%mul3A_43] : memref<160000xi32, #tpu.memory_space<hbm>> -> memref<4000xi32, #tpu.memory_space<hbm>>
        tpu.wait_dma2 semaphore(%run_scoped3A : memref<!tpu.dma_semaphore, #tpu.memory_space<semaphore_mem>>) src(%dma_wait3A_51 : memref<4000xi32, #tpu.memory_space<hbm>>) dst(%arg10 : memref<4000xi32, #tpu.memory_space<vmem>>)
        tpu.yield
      }) : () -> ()
      %scan3A_44 = arith.constant 0 : i32
      %scan3A_45 = arith.constant 0 : i32
      %scan3A_46 = arith.constant 25 : i32
      %scan3A_47 = arith.addi %scan3A_45, %scan3A_46 : i32
      %scan3A_48 = arith.constant 1 : i32
      scf.for %scan3A_50 = %scan3A_45 to %scan3A_47 step %scan3A_48  : i32 {
        %mul3A_51 = arith.constant 10 : i32
        %mul3A_52 = arith.muli %scan3A_50, %mul3A_51 : i32
        %add3A_53 = arith.constant 0 : i32
        %add3A_54 = arith.addi %mul3A_52, %add3A_53 : i32
        %mul3A_55 = arith.constant 16 : i32
        %mul3A_56 = arith.muli %add3A_54, %mul3A_55 : i32
        %get3A = arith.index_cast %mul3A_56 : i32 to index
        %get3A_57 = tpu.vector_load %arg9[%get3A] {strides = array<i32>} : memref<4000xi32, #tpu.memory_space<vmem>>, vector<16xi32>,
        %mul3A_58 = arith.constant 10 : i32
        %mul3A_59 = arith.muli %scan3A_50, %mul3A_58 : i32
        %add3A_60 = arith.constant 1 : i32
        %add3A_61 = arith.addi %mul3A_59, %add3A_60 : i32
        %mul3A_62 = arith.constant 16 : i32
        %mul3A_63 = arith.muli %add3A_61, %mul3A_62 : i32
        %get3A_64 = arith.index_cast %mul3A_63 : i32 to index
        %get3A_65 = tpu.vector_load %arg9[%get3A_64] {strides = array<i32>} : memref<4000xi32, #tpu.memory_space<vmem>>, vector<16xi32>,
        %mul3A_66 = arith.constant 10 : i32
        %mul3A_67 = arith.muli %scan3A_50, %mul3A_66 : i32
        %add3A_68 = arith.constant 2 : i32
        %add3A_69 = arith.addi %mul3A_67, %add3A_68 : i32
        %mul3A_70 = arith.constant 16 : i32
        %mul3A_71 = arith.muli %add3A_69, %mul3A_70 : i32
        %get3A_72 = arith.index_cast %mul3A_71 : i32 to index
        %get3A_73 = tpu.vector_load %arg9[%get3A_72] {strides = array<i32>} : memref<4000xi32, #tpu.memory_space<vmem>>, vector<16xi32>,
        %mul3A_74 = arith.constant 10 : i32
        %mul3A_75 = arith.muli %scan3A_50, %mul3A_74 : i32
        %add3A_76 = arith.constant 3 : i32
        %add3A_77 = arith.addi %mul3A_75, %add3A_76 : i32
        %mul3A_78 = arith.constant 16 : i32
        %mul3A_79 = arith.muli %add3A_77, %mul3A_78 : i32
        %get3A_80 = arith.index_cast %mul3A_79 : i32 to index
        %get3A_81 = tpu.vector_load %arg9[%get3A_80] {strides = array<i32>} : memref<4000xi32, #tpu.memory_space<vmem>>, vector<16xi32>,
        %mul3A_82 = arith.constant 10 : i32
        %mul3A_83 = arith.muli %scan3A_50, %mul3A_82 : i32
        %add3A_84 = arith.constant 4 : i32
        %add3A_85 = arith.addi %mul3A_83, %add3A_84 : i32
        %mul3A_86 = arith.constant 16 : i32
        %mul3A_87 = arith.muli %add3A_85, %mul3A_86 : i32
        %get3A_88 = arith.index_cast %mul3A_87 : i32 to index
        %get3A_89 = tpu.vector_load %arg9[%get3A_88] {strides = array<i32>} : memref<4000xi32, #tpu.memory_space<vmem>>, vector<16xi32>,
        %mul3A_90 = arith.constant 10 : i32
        %mul3A_91 = arith.muli %scan3A_50, %mul3A_90 : i32
        %add3A_92 = arith.constant 5 : i32
        %add3A_93 = arith.addi %mul3A_91, %add3A_92 : i32
        %mul3A_94 = arith.constant 16 : i32
        %mul3A_95 = arith.muli %add3A_93, %mul3A_94 : i32
        %get3A_96 = arith.index_cast %mul3A_95 : i32 to index
        %get3A_97 = tpu.vector_load %arg9[%get3A_96] {strides = array<i32>} : memref<4000xi32, #tpu.memory_space<vmem>>, vector<16xi32>,
        %mul3A_98 = arith.constant 10 : i32
        %mul3A_99 = arith.muli %scan3A_50, %mul3A_98 : i32
        %add3A_100 = arith.constant 6 : i32
        %add3A_101 = arith.addi %mul3A_99, %add3A_100 : i32
        %mul3A_102 = arith.constant 16 : i32
        %mul3A_103 = arith.muli %add3A_101, %mul3A_102 : i32
        %get3A_104 = arith.index_cast %mul3A_103 : i32 to index
        %get3A_105 = tpu.vector_load %arg9[%get3A_104] {strides = array<i32>} : memref<4000xi32, #tpu.memory_space<vmem>>, vector<16xi32>,
        %mul3A_106 = arith.constant 10 : i32
        %mul3A_107 = arith.muli %scan3A_50, %mul3A_106 : i32
        %add3A_108 = arith.constant 7 : i32
        %add3A_109 = arith.addi %mul3A_107, %add3A_108 : i32
        %mul3A_110 = arith.constant 16 : i32
        %mul3A_111 = arith.muli %add3A_109, %mul3A_110 : i32
        %get3A_112 = arith.index_cast %mul3A_111 : i32 to index
        %get3A_113 = tpu.vector_load %arg9[%get3A_112] {strides = array<i32>} : memref<4000xi32, #tpu.memory_space<vmem>>, vector<16xi32>,
        %mul3A_114 = arith.constant 10 : i32
        %mul3A_115 = arith.muli %scan3A_50, %mul3A_114 : i32
        %add3A_116 = arith.constant 8 : i32
        %add3A_117 = arith.addi %mul3A_115, %add3A_116 : i32
        %mul3A_118 = arith.constant 16 : i32
        %mul3A_119 = arith.muli %add3A_117, %mul3A_118 : i32
        %get3A_120 = arith.index_cast %mul3A_119 : i32 to index
        %get3A_121 = tpu.vector_load %arg9[%get3A_120] {strides = array<i32>} : memref<4000xi32, #tpu.memory_space<vmem>>, vector<16xi32>,
        %mul3A_122 = arith.constant 10 : i32
        %mul3A_123 = arith.muli %scan3A_50, %mul3A_122 : i32
        %add3A_124 = arith.constant 9 : i32
        %add3A_125 = arith.addi %mul3A_123, %add3A_124 : i32
        %mul3A_126 = arith.constant 16 : i32
        %mul3A_127 = arith.muli %add3A_125, %mul3A_126 : i32
        %get3A_128 = arith.index_cast %mul3A_127 : i32 to index
        %get3A_129 = tpu.vector_load %arg9[%get3A_128] {strides = array<i32>} : memref<4000xi32, #tpu.memory_space<vmem>>, vector<16xi32>,
        %mul3A_130 = arith.constant 10 : i32
        %mul3A_131 = arith.muli %scan3A_50, %mul3A_130 : i32
        %add3A_132 = arith.constant 0 : i32
        %add3A_133 = arith.addi %mul3A_131, %add3A_132 : i32
        %mul3A_134 = arith.constant 16 : i32
        %mul3A_135 = arith.muli %add3A_133, %mul3A_134 : i32
        %get3A_136 = arith.index_cast %mul3A_135 : i32 to index
        %get3A_137 = tpu.vector_load %arg10[%get3A_136] {strides = array<i32>} : memref<4000xi32, #tpu.memory_space<vmem>>, vector<16xi32>,
        %mul3A_138 = arith.constant 10 : i32
        %mul3A_139 = arith.muli %scan3A_50, %mul3A_138 : i32
        %add3A_140 = arith.constant 1 : i32
        %add3A_141 = arith.addi %mul3A_139, %add3A_140 : i32
        %mul3A_142 = arith.constant 16 : i32
        %mul3A_143 = arith.muli %add3A_141, %mul3A_142 : i32
        %get3A_144 = arith.index_cast %mul3A_143 : i32 to index
        %get3A_145 = tpu.vector_load %arg10[%get3A_144] {strides = array<i32>} : memref<4000xi32, #tpu.memory_space<vmem>>, vector<16xi32>,
        %mul3A_146 = arith.constant 10 : i32
        %mul3A_147 = arith.muli %scan3A_50, %mul3A_146 : i32
        %add3A_148 = arith.constant 2 : i32
        %add3A_149 = arith.addi %mul3A_147, %add3A_148 : i32
        %mul3A_150 = arith.constant 16 : i32
        %mul3A_151 = arith.muli %add3A_149, %mul3A_150 : i32
        %get3A_152 = arith.index_cast %mul3A_151 : i32 to index
        %get3A_153 = tpu.vector_load %arg10[%get3A_152] {strides = array<i32>} : memref<4000xi32, #tpu.memory_space<vmem>>, vector<16xi32>,
        %mul3A_154 = arith.constant 10 : i32
        %mul3A_155 = arith.muli %scan3A_50, %mul3A_154 : i32
        %add3A_156 = arith.constant 3 : i32
        %add3A_157 = arith.addi %mul3A_155, %add3A_156 : i32
        %mul3A_158 = arith.constant 16 : i32
        %mul3A_159 = arith.muli %add3A_157, %mul3A_158 : i32
        %get3A_160 = arith.index_cast %mul3A_159 : i32 to index
        %get3A_161 = tpu.vector_load %arg10[%get3A_160] {strides = array<i32>} : memref<4000xi32, #tpu.memory_space<vmem>>, vector<16xi32>,
        %mul3A_162 = arith.constant 10 : i32
        %mul3A_163 = arith.muli %scan3A_50, %mul3A_162 : i32
        %add3A_164 = arith.constant 4 : i32
        %add3A_165 = arith.addi %mul3A_163, %add3A_164 : i32
        %mul3A_166 = arith.constant 16 : i32
        %mul3A_167 = arith.muli %add3A_165, %mul3A_166 : i32
        %get3A_168 = arith.index_cast %mul3A_167 : i32 to index
        %get3A_169 = tpu.vector_load %arg10[%get3A_168] {strides = array<i32>} : memref<4000xi32, #tpu.memory_space<vmem>>, vector<16xi32>,
        %mul3A_170 = arith.constant 10 : i32
        %mul3A_171 = arith.muli %scan3A_50, %mul3A_170 : i32
        %add3A_172 = arith.constant 5 : i32
        %add3A_173 = arith.addi %mul3A_171, %add3A_172 : i32
        %mul3A_174 = arith.constant 16 : i32
        %mul3A_175 = arith.muli %add3A_173, %mul3A_174 : i32
        %get3A_176 = arith.index_cast %mul3A_175 : i32 to index
        %get3A_177 = tpu.vector_load %arg10[%get3A_176] {strides = array<i32>} : memref<4000xi32, #tpu.memory_space<vmem>>, vector<16xi32>,
        %mul3A_178 = arith.constant 10 : i32
        %mul3A_179 = arith.muli %scan3A_50, %mul3A_178 : i32
        %add3A_180 = arith.constant 6 : i32
        %add3A_181 = arith.addi %mul3A_179, %add3A_180 : i32
        %mul3A_182 = arith.constant 16 : i32
        %mul3A_183 = arith.muli %add3A_181, %mul3A_182 : i32
        %get3A_184 = arith.index_cast %mul3A_183 : i32 to index
        %get3A_185 = tpu.vector_load %arg10[%get3A_184] {strides = array<i32>} : memref<4000xi32, #tpu.memory_space<vmem>>, vector<16xi32>,
        %mul3A_186 = arith.constant 10 : i32
        %mul3A_187 = arith.muli %scan3A_50, %mul3A_186 : i32
        %add3A_188 = arith.constant 7 : i32
        %add3A_189 = arith.addi %mul3A_187, %add3A_188 : i32
        %mul3A_190 = arith.constant 16 : i32
        %mul3A_191 = arith.muli %add3A_189, %mul3A_190 : i32
        %get3A_192 = arith.index_cast %mul3A_191 : i32 to index
        %get3A_193 = tpu.vector_load %arg10[%get3A_192] {strides = array<i32>} : memref<4000xi32, #tpu.memory_space<vmem>>, vector<16xi32>,
        %mul3A_194 = arith.constant 10 : i32
        %mul3A_195 = arith.muli %scan3A_50, %mul3A_194 : i32
        %add3A_196 = arith.constant 8 : i32
        %add3A_197 = arith.addi %mul3A_195, %add3A_196 : i32
        %mul3A_198 = arith.constant 16 : i32
        %mul3A_199 = arith.muli %add3A_197, %mul3A_198 : i32
        %get3A_200 = arith.index_cast %mul3A_199 : i32 to index
        %get3A_201 = tpu.vector_load %arg10[%get3A_200] {strides = array<i32>} : memref<4000xi32, #tpu.memory_space<vmem>>, vector<16xi32>,
        %mul3A_202 = arith.constant 10 : i32
        %mul3A_203 = arith.muli %scan3A_50, %mul3A_202 : i32
        %add3A_204 = arith.constant 9 : i32
        %add3A_205 = arith.addi %mul3A_203, %add3A_204 : i32
        %mul3A_206 = arith.constant 16 : i32
        %mul3A_207 = arith.muli %add3A_205, %mul3A_206 : i32
        %get3A_208 = arith.index_cast %mul3A_207 : i32 to index
        %get3A_209 = tpu.vector_load %arg10[%get3A_208] {strides = array<i32>} : memref<4000xi32, #tpu.memory_space<vmem>>, vector<16xi32>,
        %gather3A = tpu.vector_load_idx %arg7[%broadcast_in_dim3A_1, %get3A_57] : memref<4x10000xi32, #tpu.memory_space<vmem>>[vector<16xi32>, vector<16xi32>], vector<16xi32>,
        %bitcast3A = vector.bitcast %gather3A : vector<16xi32> to vector<32xbf16>
        %unpack3A = tpu.unpack_subelements %bitcast3A, 0 {pack_format = #tpu.pack_format<interleaved>} : vector<32xbf16> -> vector<16xf32>
        %unpack3A_210 = tpu.unpack_subelements %bitcast3A, 1 {pack_format = #tpu.pack_format<interleaved>} : vector<32xbf16> -> vector<16xf32>
        tpu.vector_store_idx %arg8[%broadcast_in_dim3A_9, %get3A_137], %unpack3A {add = true} : memref<8x10000xf32, #tpu.memory_space<vmem>>[vector<16xi32>, vector<16xi32>], vector<16xf32>,
        tpu.vector_store_idx %arg8[%broadcast_in_dim3A_11, %get3A_137], %unpack3A_210 {add = true} : memref<8x10000xf32, #tpu.memory_space<vmem>>[vector<16xi32>, vector<16xi32>], vector<16xf32>,
        %gather3A_211 = tpu.vector_load_idx %arg7[%broadcast_in_dim3A_3, %get3A_57] : memref<4x10000xi32, #tpu.memory_space<vmem>>[vector<16xi32>, vector<16xi32>], vector<16xi32>,
        %bitcast3A_212 = vector.bitcast %gather3A_211 : vector<16xi32> to vector<32xbf16>
        %unpack3A_213 = tpu.unpack_subelements %bitcast3A_212, 0 {pack_format = #tpu.pack_format<interleaved>} : vector<32xbf16> -> vector<16xf32>
        %unpack3A_214 = tpu.unpack_subelements %bitcast3A_212, 1 {pack_format = #tpu.pack_format<interleaved>} : vector<32xbf16> -> vector<16xf32>
        tpu.vector_store_idx %arg8[%broadcast_in_dim3A_13, %get3A_137], %unpack3A_213 {add = true} : memref<8x10000xf32, #tpu.memory_space<vmem>>[vector<16xi32>, vector<16xi32>], vector<16xf32>,
        tpu.vector_store_idx %arg8[%broadcast_in_dim3A_15, %get3A_137], %unpack3A_214 {add = true} : memref<8x10000xf32, #tpu.memory_space<vmem>>[vector<16xi32>, vector<16xi32>], vector<16xf32>,
        %gather3A_215 = tpu.vector_load_idx %arg7[%broadcast_in_dim3A_5, %get3A_57] : memref<4x10000xi32, #tpu.memory_space<vmem>>[vector<16xi32>, vector<16xi32>], vector<16xi32>,
        %bitcast3A_216 = vector.bitcast %gather3A_215 : vector<16xi32> to vector<32xbf16>
        %unpack3A_217 = tpu.unpack_subelements %bitcast3A_216, 0 {pack_format = #tpu.pack_format<interleaved>} : vector<32xbf16> -> vector<16xf32>
        %unpack3A_218 = tpu.unpack_subelements %bitcast3A_216, 1 {pack_format = #tpu.pack_format<interleaved>} : vector<32xbf16> -> vector<16xf32>
        tpu.vector_store_idx %arg8[%broadcast_in_dim3A_17, %get3A_137], %unpack3A_217 {add = true} : memref<8x10000xf32, #tpu.memory_space<vmem>>[vector<16xi32>, vector<16xi32>], vector<16xf32>,
        tpu.vector_store_idx %arg8[%broadcast_in_dim3A_19, %get3A_137], %unpack3A_218 {add = true} : memref<8x10000xf32, #tpu.memory_space<vmem>>[vector<16xi32>, vector<16xi32>], vector<16xf32>,
        %gather3A_219 = tpu.vector_load_idx %arg7[%broadcast_in_dim3A_7, %get3A_57] : memref<4x10000xi32, #tpu.memory_space<vmem>>[vector<16xi32>, vector<16xi32>], vector<16xi32>,
        %bitcast3A_220 = vector.bitcast %gather3A_219 : vector<16xi32> to vector<32xbf16>
        %unpack3A_221 = tpu.unpack_subelements %bitcast3A_220, 0 {pack_format = #tpu.pack_format<interleaved>} : vector<32xbf16> -> vector<16xf32>
        %unpack3A_222 = tpu.unpack_subelements %bitcast3A_220, 1 {pack_format = #tpu.pack_format<interleaved>} : vector<32xbf16> -> vector<16xf32>
        tpu.vector_store_idx %arg8[%broadcast_in_dim3A_21, %get3A_137], %unpack3A_221 {add = true} : memref<8x10000xf32, #tpu.memory_space<vmem>>[vector<16xi32>, vector<16xi32>], vector<16xf32>,
        tpu.vector_store_idx %arg8[%broadcast_in_dim3A_23, %get3A_137], %unpack3A_222 {add = true} : memref<8x10000xf32, #tpu.memory_space<vmem>>[vector<16xi32>, vector<16xi32>], vector<16xf32>,
        %gather3A_223 = tpu.vector_load_idx %arg7[%broadcast_in_dim3A_1, %get3A_65] : memref<4x10000xi32, #tpu.memory_space<vmem>>[vector<16xi32>, vector<16xi32>], vector<16xi32>,
        %bitcast3A_224 = vector.bitcast %gather3A_223 : vector<16xi32> to vector<32xbf16>
        %unpack3A_225 = tpu.unpack_subelements %bitcast3A_224, 0 {pack_format = #tpu.pack_format<interleaved>} : vector<32xbf16> -> vector<16xf32>
        %unpack3A_226 = tpu.unpack_subelements %bitcast3A_224, 1 {pack_format = #tpu.pack_format<interleaved>} : vector<32xbf16> -> vector<16xf32>
        tpu.vector_store_idx %arg8[%broadcast_in_dim3A_9, %get3A_145], %unpack3A_225 {add = true} : memref<8x10000xf32, #tpu.memory_space<vmem>>[vector<16xi32>, vector<16xi32>], vector<16xf32>,
        tpu.vector_store_idx %arg8[%broadcast_in_dim3A_11, %get3A_145], %unpack3A_226 {add = true} : memref<8x10000xf32, #tpu.memory_space<vmem>>[vector<16xi32>, vector<16xi32>], vector<16xf32>,
        %gather3A_227 = tpu.vector_load_idx %arg7[%broadcast_in_dim3A_3, %get3A_65] : memref<4x10000xi32, #tpu.memory_space<vmem>>[vector<16xi32>, vector<16xi32>], vector<16xi32>,
        %bitcast3A_228 = vector.bitcast %gather3A_227 : vector<16xi32> to vector<32xbf16>
        %unpack3A_229 = tpu.unpack_subelements %bitcast3A_228, 0 {pack_format = #tpu.pack_format<interleaved>} : vector<32xbf16> -> vector<16xf32>
        %unpack3A_230 = tpu.unpack_subelements %bitcast3A_228, 1 {pack_format = #tpu.pack_format<interleaved>} : vector<32xbf16> -> vector<16xf32>
        tpu.vector_store_idx %arg8[%broadcast_in_dim3A_13, %get3A_145], %unpack3A_229 {add = true} : memref<8x10000xf32, #tpu.memory_space<vmem>>[vector<16xi32>, vector<16xi32>], vector<16xf32>,
        tpu.vector_store_idx %arg8[%broadcast_in_dim3A_15, %get3A_145], %unpack3A_230 {add = true} : memref<8x10000xf32, #tpu.memory_space<vmem>>[vector<16xi32>, vector<16xi32>], vector<16xf32>,
        %gather3A_231 = tpu.vector_load_idx %arg7[%broadcast_in_dim3A_5, %get3A_65] : memref<4x10000xi32, #tpu.memory_space<vmem>>[vector<16xi32>, vector<16xi32>], vector<16xi32>,
        %bitcast3A_232 = vector.bitcast %gather3A_231 : vector<16xi32> to vector<32xbf16>
        %unpack3A_233 = tpu.unpack_subelements %bitcast3A_232, 0 {pack_format = #tpu.pack_format<interleaved>} : vector<32xbf16> -> vector<16xf32>
        %unpack3A_234 = tpu.unpack_subelements %bitcast3A_232, 1 {pack_format = #tpu.pack_format<interleaved>} : vector<32xbf16> -> vector<16xf32>
        tpu.vector_store_idx %arg8[%broadcast_in_dim3A_17, %get3A_145], %unpack3A_233 {add = true} : memref<8x10000xf32, #tpu.memory_space<vmem>>[vector<16xi32>, vector<16xi32>], vector<16xf32>,
        tpu.vector_store_idx %arg8[%broadcast_in_dim3A_19, %get3A_145], %unpack3A_234 {add = true} : memref<8x10000xf32, #tpu.memory_space<vmem>>[vector<16xi32>, vector<16xi32>], vector<16xf32>,
        %gather3A_235 = tpu.vector_load_idx %arg7[%broadcast_in_dim3A_7, %get3A_65] : memref<4x10000xi32, #tpu.memory_space<vmem>>[vector<16xi32>, vector<16xi32>], vector<16xi32>,
        %bitcast3A_236 = vector.bitcast %gather3A_235 : vector<16xi32> to vector<32xbf16>
        %unpack3A_237 = tpu.unpack_subelements %bitcast3A_236, 0 {pack_format = #tpu.pack_format<interleaved>} : vector<32xbf16> -> vector<16xf32>
        %unpack3A_238 = tpu.unpack_subelements %bitcast3A_236, 1 {pack_format = #tpu.pack_format<interleaved>} : vector<32xbf16> -> vector<16xf32>
        tpu.vector_store_idx %arg8[%broadcast_in_dim3A_21, %get3A_145], %unpack3A_237 {add = true} : memref<8x10000xf32, #tpu.memory_space<vmem>>[vector<16xi32>, vector<16xi32>], vector<16xf32>,
        tpu.vector_store_idx %arg8[%broadcast_in_dim3A_23, %get3A_145], %unpack3A_238 {add = true} : memref<8x10000xf32, #tpu.memory_space<vmem>>[vector<16xi32>, vector<16xi32>], vector<16xf32>,
        %gather3A_239 = tpu.vector_load_idx %arg7[%broadcast_in_dim3A_1, %get3A_73] : memref<4x10000xi32, #tpu.memory_space<vmem>>[vector<16xi32>, vector<16xi32>], vector<16xi32>,
        %bitcast3A_240 = vector.bitcast %gather3A_239 : vector<16xi32> to vector<32xbf16>
        %unpack3A_241 = tpu.unpack_subelements %bitcast3A_240, 0 {pack_format = #tpu.pack_format<interleaved>} : vector<32xbf16> -> vector<16xf32>
        %unpack3A_242 = tpu.unpack_subelements %bitcast3A_240, 1 {pack_format = #tpu.pack_format<interleaved>} : vector<32xbf16> -> vector<16xf32>
        tpu.vector_store_idx %arg8[%broadcast_in_dim3A_9, %get3A_153], %unpack3A_241 {add = true} : memref<8x10000xf32, #tpu.memory_space<vmem>>[vector<16xi32>, vector<16xi32>], vector<16xf32>,
        tpu.vector_store_idx %arg8[%broadcast_in_dim3A_11, %get3A_153], %unpack3A_242 {add = true} : memref<8x10000xf32, #tpu.memory_space<vmem>>[vector<16xi32>, vector<16xi32>], vector<16xf32>,
        %gather3A_243 = tpu.vector_load_idx %arg7[%broadcast_in_dim3A_3, %get3A_73] : memref<4x10000xi32, #tpu.memory_space<vmem>>[vector<16xi32>, vector<16xi32>], vector<16xi32>,
        %bitcast3A_244 = vector.bitcast %gather3A_243 : vector<16xi32> to vector<32xbf16>
        %unpack3A_245 = tpu.unpack_subelements %bitcast3A_244, 0 {pack_format = #tpu.pack_format<interleaved>} : vector<32xbf16> -> vector<16xf32>
        %unpack3A_246 = tpu.unpack_subelements %bitcast3A_244, 1 {pack_format = #tpu.pack_format<interleaved>} : vector<32xbf16> -> vector<16xf32>
        tpu.vector_store_idx %arg8[%broadcast_in_dim3A_13, %get3A_153], %unpack3A_245 {add = true} : memref<8x10000xf32, #tpu.memory_space<vmem>>[vector<16xi32>, vector<16xi32>], vector<16xf32>,
        tpu.vector_store_idx %arg8[%broadcast_in_dim3A_15, %get3A_153], %unpack3A_246 {add = true} : memref<8x10000xf32, #tpu.memory_space<vmem>>[vector<16xi32>, vector<16xi32>], vector<16xf32>,
        %gather3A_247 = tpu.vector_load_idx %arg7[%broadcast_in_dim3A_5, %get3A_73] : memref<4x10000xi32, #tpu.memory_space<vmem>>[vector<16xi32>, vector<16xi32>], vector<16xi32>,
        %bitcast3A_248 = vector.bitcast %gather3A_247 : vector<16xi32> to vector<32xbf16>
        %unpack3A_249 = tpu.unpack_subelements %bitcast3A_248, 0 {pack_format = #tpu.pack_format<interleaved>} : vector<32xbf16> -> vector<16xf32>
        %unpack3A_250 = tpu.unpack_subelements %bitcast3A_248, 1 {pack_format = #tpu.pack_format<interleaved>} : vector<32xbf16> -> vector<16xf32>
        tpu.vector_store_idx %arg8[%broadcast_in_dim3A_17, %get3A_153], %unpack3A_249 {add = true} : memref<8x10000xf32, #tpu.memory_space<vmem>>[vector<16xi32>, vector<16xi32>], vector<16xf32>,
        tpu.vector_store_idx %arg8[%broadcast_in_dim3A_19, %get3A_153], %unpack3A_250 {add = true} : memref<8x10000xf32, #tpu.memory_space<vmem>>[vector<16xi32>, vector<16xi32>], vector<16xf32>,
        %gather3A_251 = tpu.vector_load_idx %arg7[%broadcast_in_dim3A_7, %get3A_73] : memref<4x10000xi32, #tpu.memory_space<vmem>>[vector<16xi32>, vector<16xi32>], vector<16xi32>,
        %bitcast3A_252 = vector.bitcast %gather3A_251 : vector<16xi32> to vector<32xbf16>
        %unpack3A_253 = tpu.unpack_subelements %bitcast3A_252, 0 {pack_format = #tpu.pack_format<interleaved>} : vector<32xbf16> -> vector<16xf32>
        %unpack3A_254 = tpu.unpack_subelements %bitcast3A_252, 1 {pack_format = #tpu.pack_format<interleaved>} : vector<32xbf16> -> vector<16xf32>
        tpu.vector_store_idx %arg8[%broadcast_in_dim3A_21, %get3A_153], %unpack3A_253 {add = true} : memref<8x10000xf32, #tpu.memory_space<vmem>>[vector<16xi32>, vector<16xi32>], vector<16xf32>,
        tpu.vector_store_idx %arg8[%broadcast_in_dim3A_23, %get3A_153], %unpack3A_254 {add = true} : memref<8x10000xf32, #tpu.memory_space<vmem>>[vector<16xi32>, vector<16xi32>], vector<16xf32>,
        %gather3A_255 = tpu.vector_load_idx %arg7[%broadcast_in_dim3A_1, %get3A_81] : memref<4x10000xi32, #tpu.memory_space<vmem>>[vector<16xi32>, vector<16xi32>], vector<16xi32>,
        %bitcast3A_256 = vector.bitcast %gather3A_255 : vector<16xi32> to vector<32xbf16>
        %unpack3A_257 = tpu.unpack_subelements %bitcast3A_256, 0 {pack_format = #tpu.pack_format<interleaved>} : vector<32xbf16> -> vector<16xf32>
        %unpack3A_258 = tpu.unpack_subelements %bitcast3A_256, 1 {pack_format = #tpu.pack_format<interleaved>} : vector<32xbf16> -> vector<16xf32>
        tpu.vector_store_idx %arg8[%broadcast_in_dim3A_9, %get3A_161], %unpack3A_257 {add = true} : memref<8x10000xf32, #tpu.memory_space<vmem>>[vector<16xi32>, vector<16xi32>], vector<16xf32>,
        tpu.vector_store_idx %arg8[%broadcast_in_dim3A_11, %get3A_161], %unpack3A_258 {add = true} : memref<8x10000xf32, #tpu.memory_space<vmem>>[vector<16xi32>, vector<16xi32>], vector<16xf32>,
        %gather3A_259 = tpu.vector_load_idx %arg7[%broadcast_in_dim3A_3, %get3A_81] : memref<4x10000xi32, #tpu.memory_space<vmem>>[vector<16xi32>, vector<16xi32>], vector<16xi32>,
        %bitcast3A_260 = vector.bitcast %gather3A_259 : vector<16xi32> to vector<32xbf16>
        %unpack3A_261 = tpu.unpack_subelements %bitcast3A_260, 0 {pack_format = #tpu.pack_format<interleaved>} : vector<32xbf16> -> vector<16xf32>
        %unpack3A_262 = tpu.unpack_subelements %bitcast3A_260, 1 {pack_format = #tpu.pack_format<interleaved>} : vector<32xbf16> -> vector<16xf32>
        tpu.vector_store_idx %arg8[%broadcast_in_dim3A_13, %get3A_161], %unpack3A_261 {add = true} : memref<8x10000xf32, #tpu.memory_space<vmem>>[vector<16xi32>, vector<16xi32>], vector<16xf32>,
        tpu.vector_store_idx %arg8[%broadcast_in_dim3A_15, %get3A_161], %unpack3A_262 {add = true} : memref<8x10000xf32, #tpu.memory_space<vmem>>[vector<16xi32>, vector<16xi32>], vector<16xf32>,
        %gather3A_263 = tpu.vector_load_idx %arg7[%broadcast_in_dim3A_5, %get3A_81] : memref<4x10000xi32, #tpu.memory_space<vmem>>[vector<16xi32>, vector<16xi32>], vector<16xi32>,
        %bitcast3A_264 = vector.bitcast %gather3A_263 : vector<16xi32> to vector<32xbf16>
        %unpack3A_265 = tpu.unpack_subelements %bitcast3A_264, 0 {pack_format = #tpu.pack_format<interleaved>} : vector<32xbf16> -> vector<16xf32>
        %unpack3A_266 = tpu.unpack_subelements %bitcast3A_264, 1 {pack_format = #tpu.pack_format<interleaved>} : vector<32xbf16> -> vector<16xf32>
        tpu.vector_store_idx %arg8[%broadcast_in_dim3A_17, %get3A_161], %unpack3A_265 {add = true} : memref<8x10000xf32, #tpu.memory_space<vmem>>[vector<16xi32>, vector<16xi32>], vector<16xf32>,
        tpu.vector_store_idx %arg8[%broadcast_in_dim3A_19, %get3A_161], %unpack3A_266 {add = true} : memref<8x10000xf32, #tpu.memory_space<vmem>>[vector<16xi32>, vector<16xi32>], vector<16xf32>,
        %gather3A_267 = tpu.vector_load_idx %arg7[%broadcast_in_dim3A_7, %get3A_81] : memref<4x10000xi32, #tpu.memory_space<vmem>>[vector<16xi32>, vector<16xi32>], vector<16xi32>,
        %bitcast3A_268 = vector.bitcast %gather3A_267 : vector<16xi32> to vector<32xbf16>
        %unpack3A_269 = tpu.unpack_subelements %bitcast3A_268, 0 {pack_format = #tpu.pack_format<interleaved>} : vector<32xbf16> -> vector<16xf32>
        %unpack3A_270 = tpu.unpack_subelements %bitcast3A_268, 1 {pack_format = #tpu.pack_format<interleaved>} : vector<32xbf16> -> vector<16xf32>
        tpu.vector_store_idx %arg8[%broadcast_in_dim3A_21, %get3A_161], %unpack3A_269 {add = true} : memref<8x10000xf32, #tpu.memory_space<vmem>>[vector<16xi32>, vector<16xi32>], vector<16xf32>,
        tpu.vector_store_idx %arg8[%broadcast_in_dim3A_23, %get3A_161], %unpack3A_270 {add = true} : memref<8x10000xf32, #tpu.memory_space<vmem>>[vector<16xi32>, vector<16xi32>], vector<16xf32>,
        %gather3A_271 = tpu.vector_load_idx %arg7[%broadcast_in_dim3A_1, %get3A_89] : memref<4x10000xi32, #tpu.memory_space<vmem>>[vector<16xi32>, vector<16xi32>], vector<16xi32>,
        %bitcast3A_272 = vector.bitcast %gather3A_271 : vector<16xi32> to vector<32xbf16>
        %unpack3A_273 = tpu.unpack_subelements %bitcast3A_272, 0 {pack_format = #tpu.pack_format<interleaved>} : vector<32xbf16> -> vector<16xf32>
        %unpack3A_274 = tpu.unpack_subelements %bitcast3A_272, 1 {pack_format = #tpu.pack_format<interleaved>} : vector<32xbf16> -> vector<16xf32>
        tpu.vector_store_idx %arg8[%broadcast_in_dim3A_9, %get3A_169], %unpack3A_273 {add = true} : memref<8x10000xf32, #tpu.memory_space<vmem>>[vector<16xi32>, vector<16xi32>], vector<16xf32>,
        tpu.vector_store_idx %arg8[%broadcast_in_dim3A_11, %get3A_169], %unpack3A_274 {add = true} : memref<8x10000xf32, #tpu.memory_space<vmem>>[vector<16xi32>, vector<16xi32>], vector<16xf32>,
        %gather3A_275 = tpu.vector_load_idx %arg7[%broadcast_in_dim3A_3, %get3A_89] : memref<4x10000xi32, #tpu.memory_space<vmem>>[vector<16xi32>, vector<16xi32>], vector<16xi32>,
        %bitcast3A_276 = vector.bitcast %gather3A_275 : vector<16xi32> to vector<32xbf16>
        %unpack3A_277 = tpu.unpack_subelements %bitcast3A_276, 0 {pack_format = #tpu.pack_format<interleaved>} : vector<32xbf16> -> vector<16xf32>
        %unpack3A_278 = tpu.unpack_subelements %bitcast3A_276, 1 {pack_format = #tpu.pack_format<interleaved>} : vector<32xbf16> -> vector<16xf32>
        tpu.vector_store_idx %arg8[%broadcast_in_dim3A_13, %get3A_169], %unpack3A_277 {add = true} : memref<8x10000xf32, #tpu.memory_space<vmem>>[vector<16xi32>, vector<16xi32>], vector<16xf32>,
        tpu.vector_store_idx %arg8[%broadcast_in_dim3A_15, %get3A_169], %unpack3A_278 {add = true} : memref<8x10000xf32, #tpu.memory_space<vmem>>[vector<16xi32>, vector<16xi32>], vector<16xf32>,
        %gather3A_279 = tpu.vector_load_idx %arg7[%broadcast_in_dim3A_5, %get3A_89] : memref<4x10000xi32, #tpu.memory_space<vmem>>[vector<16xi32>, vector<16xi32>], vector<16xi32>,
        %bitcast3A_280 = vector.bitcast %gather3A_279 : vector<16xi32> to vector<32xbf16>
        %unpack3A_281 = tpu.unpack_subelements %bitcast3A_280, 0 {pack_format = #tpu.pack_format<interleaved>} : vector<32xbf16> -> vector<16xf32>
        %unpack3A_282 = tpu.unpack_subelements %bitcast3A_280, 1 {pack_format = #tpu.pack_format<interleaved>} : vector<32xbf16> -> vector<16xf32>
        tpu.vector_store_idx %arg8[%broadcast_in_dim3A_17, %get3A_169], %unpack3A_281 {add = true} : memref<8x10000xf32, #tpu.memory_space<vmem>>[vector<16xi32>, vector<16xi32>], vector<16xf32>,
        tpu.vector_store_idx %arg8[%broadcast_in_dim3A_19, %get3A_169], %unpack3A_282 {add = true} : memref<8x10000xf32, #tpu.memory_space<vmem>>[vector<16xi32>, vector<16xi32>], vector<16xf32>,
        %gather3A_283 = tpu.vector_load_idx %arg7[%broadcast_in_dim3A_7, %get3A_89] : memref<4x10000xi32, #tpu.memory_space<vmem>>[vector<16xi32>, vector<16xi32>], vector<16xi32>,
        %bitcast3A_284 = vector.bitcast %gather3A_283 : vector<16xi32> to vector<32xbf16>
        %unpack3A_285 = tpu.unpack_subelements %bitcast3A_284, 0 {pack_format = #tpu.pack_format<interleaved>} : vector<32xbf16> -> vector<16xf32>
        %unpack3A_286 = tpu.unpack_subelements %bitcast3A_284, 1 {pack_format = #tpu.pack_format<interleaved>} : vector<32xbf16> -> vector<16xf32>
        tpu.vector_store_idx %arg8[%broadcast_in_dim3A_21, %get3A_169], %unpack3A_285 {add = true} : memref<8x10000xf32, #tpu.memory_space<vmem>>[vector<16xi32>, vector<16xi32>], vector<16xf32>,
        tpu.vector_store_idx %arg8[%broadcast_in_dim3A_23, %get3A_169], %unpack3A_286 {add = true} : memref<8x10000xf32, #tpu.memory_space<vmem>>[vector<16xi32>, vector<16xi32>], vector<16xf32>,
        %gather3A_287 = tpu.vector_load_idx %arg7[%broadcast_in_dim3A_1, %get3A_97] : memref<4x10000xi32, #tpu.memory_space<vmem>>[vector<16xi32>, vector<16xi32>], vector<16xi32>,
        %bitcast3A_288 = vector.bitcast %gather3A_287 : vector<16xi32> to vector<32xbf16>
        %unpack3A_289 = tpu.unpack_subelements %bitcast3A_288, 0 {pack_format = #tpu.pack_format<interleaved>} : vector<32xbf16> -> vector<16xf32>
        %unpack3A_290 = tpu.unpack_subelements %bitcast3A_288, 1 {pack_format = #tpu.pack_format<interleaved>} : vector<32xbf16> -> vector<16xf32>
        tpu.vector_store_idx %arg8[%broadcast_in_dim3A_9, %get3A_177], %unpack3A_289 {add = true} : memref<8x10000xf32, #tpu.memory_space<vmem>>[vector<16xi32>, vector<16xi32>], vector<16xf32>,
        tpu.vector_store_idx %arg8[%broadcast_in_dim3A_11, %get3A_177], %unpack3A_290 {add = true} : memref<8x10000xf32, #tpu.memory_space<vmem>>[vector<16xi32>, vector<16xi32>], vector<16xf32>,
        %gather3A_291 = tpu.vector_load_idx %arg7[%broadcast_in_dim3A_3, %get3A_97] : memref<4x10000xi32, #tpu.memory_space<vmem>>[vector<16xi32>, vector<16xi32>], vector<16xi32>,
        %bitcast3A_292 = vector.bitcast %gather3A_291 : vector<16xi32> to vector<32xbf16>
        %unpack3A_293 = tpu.unpack_subelements %bitcast3A_292, 0 {pack_format = #tpu.pack_format<interleaved>} : vector<32xbf16> -> vector<16xf32>
        %unpack3A_294 = tpu.unpack_subelements %bitcast3A_292, 1 {pack_format = #tpu.pack_format<interleaved>} : vector<32xbf16> -> vector<16xf32>
        tpu.vector_store_idx %arg8[%broadcast_in_dim3A_13, %get3A_177], %unpack3A_293 {add = true} : memref<8x10000xf32, #tpu.memory_space<vmem>>[vector<16xi32>, vector<16xi32>], vector<16xf32>,
        tpu.vector_store_idx %arg8[%broadcast_in_dim3A_15, %get3A_177], %unpack3A_294 {add = true} : memref<8x10000xf32, #tpu.memory_space<vmem>>[vector<16xi32>, vector<16xi32>], vector<16xf32>,
        %gather3A_295 = tpu.vector_load_idx %arg7[%broadcast_in_dim3A_5, %get3A_97] : memref<4x10000xi32, #tpu.memory_space<vmem>>[vector<16xi32>, vector<16xi32>], vector<16xi32>,
        %bitcast3A_296 = vector.bitcast %gather3A_295 : vector<16xi32> to vector<32xbf16>
        %unpack3A_297 = tpu.unpack_subelements %bitcast3A_296, 0 {pack_format = #tpu.pack_format<interleaved>} : vector<32xbf16> -> vector<16xf32>
        %unpack3A_298 = tpu.unpack_subelements %bitcast3A_296, 1 {pack_format = #tpu.pack_format<interleaved>} : vector<32xbf16> -> vector<16xf32>
        tpu.vector_store_idx %arg8[%broadcast_in_dim3A_17, %get3A_177], %unpack3A_297 {add = true} : memref<8x10000xf32, #tpu.memory_space<vmem>>[vector<16xi32>, vector<16xi32>], vector<16xf32>,
        tpu.vector_store_idx %arg8[%broadcast_in_dim3A_19, %get3A_177], %unpack3A_298 {add = true} : memref<8x10000xf32, #tpu.memory_space<vmem>>[vector<16xi32>, vector<16xi32>], vector<16xf32>,
        %gather3A_299 = tpu.vector_load_idx %arg7[%broadcast_in_dim3A_7, %get3A_97] : memref<4x10000xi32, #tpu.memory_space<vmem>>[vector<16xi32>, vector<16xi32>], vector<16xi32>,
        %bitcast3A_300 = vector.bitcast %gather3A_299 : vector<16xi32> to vector<32xbf16>
        %unpack3A_301 = tpu.unpack_subelements %bitcast3A_300, 0 {pack_format = #tpu.pack_format<interleaved>} : vector<32xbf16> -> vector<16xf32>
        %unpack3A_302 = tpu.unpack_subelements %bitcast3A_300, 1 {pack_format = #tpu.pack_format<interleaved>} : vector<32xbf16> -> vector<16xf32>
        tpu.vector_store_idx %arg8[%broadcast_in_dim3A_21, %get3A_177], %unpack3A_301 {add = true} : memref<8x10000xf32, #tpu.memory_space<vmem>>[vector<16xi32>, vector<16xi32>], vector<16xf32>,
        tpu.vector_store_idx %arg8[%broadcast_in_dim3A_23, %get3A_177], %unpack3A_302 {add = true} : memref<8x10000xf32, #tpu.memory_space<vmem>>[vector<16xi32>, vector<16xi32>], vector<16xf32>,
        %gather3A_303 = tpu.vector_load_idx %arg7[%broadcast_in_dim3A_1, %get3A_105] : memref<4x10000xi32, #tpu.memory_space<vmem>>[vector<16xi32>, vector<16xi32>], vector<16xi32>,
        %bitcast3A_304 = vector.bitcast %gather3A_303 : vector<16xi32> to vector<32xbf16>
        %unpack3A_305 = tpu.unpack_subelements %bitcast3A_304, 0 {pack_format = #tpu.pack_format<interleaved>} : vector<32xbf16> -> vector<16xf32>
        %unpack3A_306 = tpu.unpack_subelements %bitcast3A_304, 1 {pack_format = #tpu.pack_format<interleaved>} : vector<32xbf16> -> vector<16xf32>
        tpu.vector_store_idx %arg8[%broadcast_in_dim3A_9, %get3A_185], %unpack3A_305 {add = true} : memref<8x10000xf32, #tpu.memory_space<vmem>>[vector<16xi32>, vector<16xi32>], vector<16xf32>,
        tpu.vector_store_idx %arg8[%broadcast_in_dim3A_11, %get3A_185], %unpack3A_306 {add = true} : memref<8x10000xf32, #tpu.memory_space<vmem>>[vector<16xi32>, vector<16xi32>], vector<16xf32>,
        %gather3A_307 = tpu.vector_load_idx %arg7[%broadcast_in_dim3A_3, %get3A_105] : memref<4x10000xi32, #tpu.memory_space<vmem>>[vector<16xi32>, vector<16xi32>], vector<16xi32>,
        %bitcast3A_308 = vector.bitcast %gather3A_307 : vector<16xi32> to vector<32xbf16>
        %unpack3A_309 = tpu.unpack_subelements %bitcast3A_308, 0 {pack_format = #tpu.pack_format<interleaved>} : vector<32xbf16> -> vector<16xf32>
        %unpack3A_310 = tpu.unpack_subelements %bitcast3A_308, 1 {pack_format = #tpu.pack_format<interleaved>} : vector<32xbf16> -> vector<16xf32>
        tpu.vector_store_idx %arg8[%broadcast_in_dim3A_13, %get3A_185], %unpack3A_309 {add = true} : memref<8x10000xf32, #tpu.memory_space<vmem>>[vector<16xi32>, vector<16xi32>], vector<16xf32>,
        tpu.vector_store_idx %arg8[%broadcast_in_dim3A_15, %get3A_185], %unpack3A_310 {add = true} : memref<8x10000xf32, #tpu.memory_space<vmem>>[vector<16xi32>, vector<16xi32>], vector<16xf32>,
        %gather3A_311 = tpu.vector_load_idx %arg7[%broadcast_in_dim3A_5, %get3A_105] : memref<4x10000xi32, #tpu.memory_space<vmem>>[vector<16xi32>, vector<16xi32>], vector<16xi32>,
        %bitcast3A_312 = vector.bitcast %gather3A_311 : vector<16xi32> to vector<32xbf16>
        %unpack3A_313 = tpu.unpack_subelements %bitcast3A_312, 0 {pack_format = #tpu.pack_format<interleaved>} : vector<32xbf16> -> vector<16xf32>
        %unpack3A_314 = tpu.unpack_subelements %bitcast3A_312, 1 {pack_format = #tpu.pack_format<interleaved>} : vector<32xbf16> -> vector<16xf32>
        tpu.vector_store_idx %arg8[%broadcast_in_dim3A_17, %get3A_185], %unpack3A_313 {add = true} : memref<8x10000xf32, #tpu.memory_space<vmem>>[vector<16xi32>, vector<16xi32>], vector<16xf32>,
        tpu.vector_store_idx %arg8[%broadcast_in_dim3A_19, %get3A_185], %unpack3A_314 {add = true} : memref<8x10000xf32, #tpu.memory_space<vmem>>[vector<16xi32>, vector<16xi32>], vector<16xf32>,
        %gather3A_315 = tpu.vector_load_idx %arg7[%broadcast_in_dim3A_7, %get3A_105] : memref<4x10000xi32, #tpu.memory_space<vmem>>[vector<16xi32>, vector<16xi32>], vector<16xi32>,
        %bitcast3A_316 = vector.bitcast %gather3A_315 : vector<16xi32> to vector<32xbf16>
        %unpack3A_317 = tpu.unpack_subelements %bitcast3A_316, 0 {pack_format = #tpu.pack_format<interleaved>} : vector<32xbf16> -> vector<16xf32>
        %unpack3A_318 = tpu.unpack_subelements %bitcast3A_316, 1 {pack_format = #tpu.pack_format<interleaved>} : vector<32xbf16> -> vector<16xf32>
        tpu.vector_store_idx %arg8[%broadcast_in_dim3A_21, %get3A_185], %unpack3A_317 {add = true} : memref<8x10000xf32, #tpu.memory_space<vmem>>[vector<16xi32>, vector<16xi32>], vector<16xf32>,
        tpu.vector_store_idx %arg8[%broadcast_in_dim3A_23, %get3A_185], %unpack3A_318 {add = true} : memref<8x10000xf32, #tpu.memory_space<vmem>>[vector<16xi32>, vector<16xi32>], vector<16xf32>,
        %gather3A_319 = tpu.vector_load_idx %arg7[%broadcast_in_dim3A_1, %get3A_113] : memref<4x10000xi32, #tpu.memory_space<vmem>>[vector<16xi32>, vector<16xi32>], vector<16xi32>,
        %bitcast3A_320 = vector.bitcast %gather3A_319 : vector<16xi32> to vector<32xbf16>
        %unpack3A_321 = tpu.unpack_subelements %bitcast3A_320, 0 {pack_format = #tpu.pack_format<interleaved>} : vector<32xbf16> -> vector<16xf32>
        %unpack3A_322 = tpu.unpack_subelements %bitcast3A_320, 1 {pack_format = #tpu.pack_format<interleaved>} : vector<32xbf16> -> vector<16xf32>
        tpu.vector_store_idx %arg8[%broadcast_in_dim3A_9, %get3A_193], %unpack3A_321 {add = true} : memref<8x10000xf32, #tpu.memory_space<vmem>>[vector<16xi32>, vector<16xi32>], vector<16xf32>,
        tpu.vector_store_idx %arg8[%broadcast_in_dim3A_11, %get3A_193], %unpack3A_322 {add = true} : memref<8x10000xf32, #tpu.memory_space<vmem>>[vector<16xi32>, vector<16xi32>], vector<16xf32>,
        %gather3A_323 = tpu.vector_load_idx %arg7[%broadcast_in_dim3A_3, %get3A_113] : memref<4x10000xi32, #tpu.memory_space<vmem>>[vector<16xi32>, vector<16xi32>], vector<16xi32>,
        %bitcast3A_324 = vector.bitcast %gather3A_323 : vector<16xi32> to vector<32xbf16>
        %unpack3A_325 = tpu.unpack_subelements %bitcast3A_324, 0 {pack_format = #tpu.pack_format<interleaved>} : vector<32xbf16> -> vector<16xf32>
        %unpack3A_326 = tpu.unpack_subelements %bitcast3A_324, 1 {pack_format = #tpu.pack_format<interleaved>} : vector<32xbf16> -> vector<16xf32>
        tpu.vector_store_idx %arg8[%broadcast_in_dim3A_13, %get3A_193], %unpack3A_325 {add = true} : memref<8x10000xf32, #tpu.memory_space<vmem>>[vector<16xi32>, vector<16xi32>], vector<16xf32>,
        tpu.vector_store_idx %arg8[%broadcast_in_dim3A_15, %get3A_193], %unpack3A_326 {add = true} : memref<8x10000xf32, #tpu.memory_space<vmem>>[vector<16xi32>, vector<16xi32>], vector<16xf32>,
        %gather3A_327 = tpu.vector_load_idx %arg7[%broadcast_in_dim3A_5, %get3A_113] : memref<4x10000xi32, #tpu.memory_space<vmem>>[vector<16xi32>, vector<16xi32>], vector<16xi32>,
        %bitcast3A_328 = vector.bitcast %gather3A_327 : vector<16xi32> to vector<32xbf16>
        %unpack3A_329 = tpu.unpack_subelements %bitcast3A_328, 0 {pack_format = #tpu.pack_format<interleaved>} : vector<32xbf16> -> vector<16xf32>
        %unpack3A_330 = tpu.unpack_subelements %bitcast3A_328, 1 {pack_format = #tpu.pack_format<interleaved>} : vector<32xbf16> -> vector<16xf32>
        tpu.vector_store_idx %arg8[%broadcast_in_dim3A_17, %get3A_193], %unpack3A_329 {add = true} : memref<8x10000xf32, #tpu.memory_space<vmem>>[vector<16xi32>, vector<16xi32>], vector<16xf32>,
        tpu.vector_store_idx %arg8[%broadcast_in_dim3A_19, %get3A_193], %unpack3A_330 {add = true} : memref<8x10000xf32, #tpu.memory_space<vmem>>[vector<16xi32>, vector<16xi32>], vector<16xf32>,
        %gather3A_331 = tpu.vector_load_idx %arg7[%broadcast_in_dim3A_7, %get3A_113] : memref<4x10000xi32, #tpu.memory_space<vmem>>[vector<16xi32>, vector<16xi32>], vector<16xi32>,
        %bitcast3A_332 = vector.bitcast %gather3A_331 : vector<16xi32> to vector<32xbf16>
        %unpack3A_333 = tpu.unpack_subelements %bitcast3A_332, 0 {pack_format = #tpu.pack_format<interleaved>} : vector<32xbf16> -> vector<16xf32>
        %unpack3A_334 = tpu.unpack_subelements %bitcast3A_332, 1 {pack_format = #tpu.pack_format<interleaved>} : vector<32xbf16> -> vector<16xf32>
        tpu.vector_store_idx %arg8[%broadcast_in_dim3A_21, %get3A_193], %unpack3A_333 {add = true} : memref<8x10000xf32, #tpu.memory_space<vmem>>[vector<16xi32>, vector<16xi32>], vector<16xf32>,
        tpu.vector_store_idx %arg8[%broadcast_in_dim3A_23, %get3A_193], %unpack3A_334 {add = true} : memref<8x10000xf32, #tpu.memory_space<vmem>>[vector<16xi32>, vector<16xi32>], vector<16xf32>,
        %gather3A_335 = tpu.vector_load_idx %arg7[%broadcast_in_dim3A_1, %get3A_121] : memref<4x10000xi32, #tpu.memory_space<vmem>>[vector<16xi32>, vector<16xi32>], vector<16xi32>,
        %bitcast3A_336 = vector.bitcast %gather3A_335 : vector<16xi32> to vector<32xbf16>
        %unpack3A_337 = tpu.unpack_subelements %bitcast3A_336, 0 {pack_format = #tpu.pack_format<interleaved>} : vector<32xbf16> -> vector<16xf32>
        %unpack3A_338 = tpu.unpack_subelements %bitcast3A_336, 1 {pack_format = #tpu.pack_format<interleaved>} : vector<32xbf16> -> vector<16xf32>
        tpu.vector_store_idx %arg8[%broadcast_in_dim3A_9, %get3A_201], %unpack3A_337 {add = true} : memref<8x10000xf32, #tpu.memory_space<vmem>>[vector<16xi32>, vector<16xi32>], vector<16xf32>,
        tpu.vector_store_idx %arg8[%broadcast_in_dim3A_11, %get3A_201], %unpack3A_338 {add = true} : memref<8x10000xf32, #tpu.memory_space<vmem>>[vector<16xi32>, vector<16xi32>], vector<16xf32>,
        %gather3A_339 = tpu.vector_load_idx %arg7[%broadcast_in_dim3A_3, %get3A_121] : memref<4x10000xi32, #tpu.memory_space<vmem>>[vector<16xi32>, vector<16xi32>], vector<16xi32>,
        %bitcast3A_340 = vector.bitcast %gather3A_339 : vector<16xi32> to vector<32xbf16>
        %unpack3A_341 = tpu.unpack_subelements %bitcast3A_340, 0 {pack_format = #tpu.pack_format<interleaved>} : vector<32xbf16> -> vector<16xf32>
        %unpack3A_342 = tpu.unpack_subelements %bitcast3A_340, 1 {pack_format = #tpu.pack_format<interleaved>} : vector<32xbf16> -> vector<16xf32>
        tpu.vector_store_idx %arg8[%broadcast_in_dim3A_13, %get3A_201], %unpack3A_341 {add = true} : memref<8x10000xf32, #tpu.memory_space<vmem>>[vector<16xi32>, vector<16xi32>], vector<16xf32>,
        tpu.vector_store_idx %arg8[%broadcast_in_dim3A_15, %get3A_201], %unpack3A_342 {add = true} : memref<8x10000xf32, #tpu.memory_space<vmem>>[vector<16xi32>, vector<16xi32>], vector<16xf32>,
        %gather3A_343 = tpu.vector_load_idx %arg7[%broadcast_in_dim3A_5, %get3A_121] : memref<4x10000xi32, #tpu.memory_space<vmem>>[vector<16xi32>, vector<16xi32>], vector<16xi32>,
        %bitcast3A_344 = vector.bitcast %gather3A_343 : vector<16xi32> to vector<32xbf16>
        %unpack3A_345 = tpu.unpack_subelements %bitcast3A_344, 0 {pack_format = #tpu.pack_format<interleaved>} : vector<32xbf16> -> vector<16xf32>
        %unpack3A_346 = tpu.unpack_subelements %bitcast3A_344, 1 {pack_format = #tpu.pack_format<interleaved>} : vector<32xbf16> -> vector<16xf32>
        tpu.vector_store_idx %arg8[%broadcast_in_dim3A_17, %get3A_201], %unpack3A_345 {add = true} : memref<8x10000xf32, #tpu.memory_space<vmem>>[vector<16xi32>, vector<16xi32>], vector<16xf32>,
        tpu.vector_store_idx %arg8[%broadcast_in_dim3A_19, %get3A_201], %unpack3A_346 {add = true} : memref<8x10000xf32, #tpu.memory_space<vmem>>[vector<16xi32>, vector<16xi32>], vector<16xf32>,
        %gather3A_347 = tpu.vector_load_idx %arg7[%broadcast_in_dim3A_7, %get3A_121] : memref<4x10000xi32, #tpu.memory_space<vmem>>[vector<16xi32>, vector<16xi32>], vector<16xi32>,
        %bitcast3A_348 = vector.bitcast %gather3A_347 : vector<16xi32> to vector<32xbf16>
        %unpack3A_349 = tpu.unpack_subelements %bitcast3A_348, 0 {pack_format = #tpu.pack_format<interleaved>} : vector<32xbf16> -> vector<16xf32>
        %unpack3A_350 = tpu.unpack_subelements %bitcast3A_348, 1 {pack_format = #tpu.pack_format<interleaved>} : vector<32xbf16> -> vector<16xf32>
        tpu.vector_store_idx %arg8[%broadcast_in_dim3A_21, %get3A_201], %unpack3A_349 {add = true} : memref<8x10000xf32, #tpu.memory_space<vmem>>[vector<16xi32>, vector<16xi32>], vector<16xf32>,
        tpu.vector_store_idx %arg8[%broadcast_in_dim3A_23, %get3A_201], %unpack3A_350 {add = true} : memref<8x10000xf32, #tpu.memory_space<vmem>>[vector<16xi32>, vector<16xi32>], vector<16xf32>,
        %gather3A_351 = tpu.vector_load_idx %arg7[%broadcast_in_dim3A_1, %get3A_129] : memref<4x10000xi32, #tpu.memory_space<vmem>>[vector<16xi32>, vector<16xi32>], vector<16xi32>,
        %bitcast3A_352 = vector.bitcast %gather3A_351 : vector<16xi32> to vector<32xbf16>
        %unpack3A_353 = tpu.unpack_subelements %bitcast3A_352, 0 {pack_format = #tpu.pack_format<interleaved>} : vector<32xbf16> -> vector<16xf32>
        %unpack3A_354 = tpu.unpack_subelements %bitcast3A_352, 1 {pack_format = #tpu.pack_format<interleaved>} : vector<32xbf16> -> vector<16xf32>
        tpu.vector_store_idx %arg8[%broadcast_in_dim3A_9, %get3A_209], %unpack3A_353 {add = true} : memref<8x10000xf32, #tpu.memory_space<vmem>>[vector<16xi32>, vector<16xi32>], vector<16xf32>,
        tpu.vector_store_idx %arg8[%broadcast_in_dim3A_11, %get3A_209], %unpack3A_354 {add = true} : memref<8x10000xf32, #tpu.memory_space<vmem>>[vector<16xi32>, vector<16xi32>], vector<16xf32>,
        %gather3A_355 = tpu.vector_load_idx %arg7[%broadcast_in_dim3A_3, %get3A_129] : memref<4x10000xi32, #tpu.memory_space<vmem>>[vector<16xi32>, vector<16xi32>], vector<16xi32>,
        %bitcast3A_356 = vector.bitcast %gather3A_355 : vector<16xi32> to vector<32xbf16>
        %unpack3A_357 = tpu.unpack_subelements %bitcast3A_356, 0 {pack_format = #tpu.pack_format<interleaved>} : vector<32xbf16> -> vector<16xf32>
        %unpack3A_358 = tpu.unpack_subelements %bitcast3A_356, 1 {pack_format = #tpu.pack_format<interleaved>} : vector<32xbf16> -> vector<16xf32>
        tpu.vector_store_idx %arg8[%broadcast_in_dim3A_13, %get3A_209], %unpack3A_357 {add = true} : memref<8x10000xf32, #tpu.memory_space<vmem>>[vector<16xi32>, vector<16xi32>], vector<16xf32>,
        tpu.vector_store_idx %arg8[%broadcast_in_dim3A_15, %get3A_209], %unpack3A_358 {add = true} : memref<8x10000xf32, #tpu.memory_space<vmem>>[vector<16xi32>, vector<16xi32>], vector<16xf32>,
        %gather3A_359 = tpu.vector_load_idx %arg7[%broadcast_in_dim3A_5, %get3A_129] : memref<4x10000xi32, #tpu.memory_space<vmem>>[vector<16xi32>, vector<16xi32>], vector<16xi32>,
        %bitcast3A_360 = vector.bitcast %gather3A_359 : vector<16xi32> to vector<32xbf16>
        %unpack3A_361 = tpu.unpack_subelements %bitcast3A_360, 0 {pack_format = #tpu.pack_format<interleaved>} : vector<32xbf16> -> vector<16xf32>
        %unpack3A_362 = tpu.unpack_subelements %bitcast3A_360, 1 {pack_format = #tpu.pack_format<interleaved>} : vector<32xbf16> -> vector<16xf32>
        tpu.vector_store_idx %arg8[%broadcast_in_dim3A_17, %get3A_209], %unpack3A_361 {add = true} : memref<8x10000xf32, #tpu.memory_space<vmem>>[vector<16xi32>, vector<16xi32>], vector<16xf32>,
        tpu.vector_store_idx %arg8[%broadcast_in_dim3A_19, %get3A_209], %unpack3A_362 {add = true} : memref<8x10000xf32, #tpu.memory_space<vmem>>[vector<16xi32>, vector<16xi32>], vector<16xf32>,
        %gather3A_363 = tpu.vector_load_idx %arg7[%broadcast_in_dim3A_7, %get3A_129] : memref<4x10000xi32, #tpu.memory_space<vmem>>[vector<16xi32>, vector<16xi32>], vector<16xi32>,
        %bitcast3A_364 = vector.bitcast %gather3A_363 : vector<16xi32> to vector<32xbf16>
        %unpack3A_365 = tpu.unpack_subelements %bitcast3A_364, 0 {pack_format = #tpu.pack_format<interleaved>} : vector<32xbf16> -> vector<16xf32>
        %unpack3A_366 = tpu.unpack_subelements %bitcast3A_364, 1 {pack_format = #tpu.pack_format<interleaved>} : vector<32xbf16> -> vector<16xf32>
        tpu.vector_store_idx %arg8[%broadcast_in_dim3A_21, %get3A_209], %unpack3A_365 {add = true} : memref<8x10000xf32, #tpu.memory_space<vmem>>[vector<16xi32>, vector<16xi32>], vector<16xf32>,
        tpu.vector_store_idx %arg8[%broadcast_in_dim3A_23, %get3A_209], %unpack3A_366 {add = true} : memref<8x10000xf32, #tpu.memory_space<vmem>>[vector<16xi32>, vector<16xi32>], vector<16xf32>,
      }
      %scan3A_49 = arith.constant 25 : i32
    }
    %scan3A_38 = arith.constant 40 : i32
    "tpu.region"() ({
      %run_scoped3A = tpu.sem_alloc : memref<!tpu.dma_semaphore, #tpu.memory_space<semaphore_mem>>
      %dma_start3A = arith.constant 0 : i32
      %dma_start3A_39 = arith.constant 0 : i32
      %dma_start3A_40 = tpu.memref_slice %arg6[%add3A_32, %dma_start3A, %dma_start3A_39] : memref<64x8x10000xf32, #tpu.memory_space<hbm>> -> memref<1x8x10000xf32, #tpu.memory_space<hbm>>
      %dma_start3A_41 = tpu.memref_squeeze %dma_start3A_40 : memref<1x8x10000xf32, #tpu.memory_space<hbm>> -> memref<8x10000xf32, #tpu.memory_space<hbm>>
      %dma_start3A_42 = arith.constant 0 : i32
      %dma_start3A_43 = arith.constant 0 : i32
      %dma_start3A_44 = tpu.memref_slice %arg6[%add3A_32, %dma_start3A_42, %dma_start3A_43] : memref<64x8x10000xf32, #tpu.memory_space<hbm>> -> memref<1x8x10000xf32, #tpu.memory_space<hbm>>
      %dma_start3A_45 = tpu.memref_squeeze %dma_start3A_44 : memref<1x8x10000xf32, #tpu.memory_space<hbm>> -> memref<8x10000xf32, #tpu.memory_space<hbm>>
      tpu.enqueue_dma source(%arg8 : memref<8x10000xf32, #tpu.memory_space<vmem>>) target(%dma_start3A_45 : memref<8x10000xf32, #tpu.memory_space<hbm>>) target_semaphore(%run_scoped3A : memref<!tpu.dma_semaphore, #tpu.memory_space<semaphore_mem>>)
      %dma_wait3A = arith.constant 0 : i32
      %dma_wait3A_46 = arith.constant 0 : i32
      %dma_wait3A_47 = tpu.memref_slice %arg6[%add3A_32, %dma_wait3A, %dma_wait3A_46] : memref<64x8x10000xf32, #tpu.memory_space<hbm>> -> memref<1x8x10000xf32, #tpu.memory_space<hbm>>
      %dma_wait3A_48 = tpu.memref_squeeze %dma_wait3A_47 : memref<1x8x10000xf32, #tpu.memory_space<hbm>> -> memref<8x10000xf32, #tpu.memory_space<hbm>>
      %dma_wait3A_49 = arith.constant 0 : i32
      %dma_wait3A_50 = arith.constant 0 : i32
      %dma_wait3A_51 = tpu.memref_slice %arg6[%add3A_32, %dma_wait3A_49, %dma_wait3A_50] : memref<64x8x10000xf32, #tpu.memory_space<hbm>> -> memref<1x8x10000xf32, #tpu.memory_space<hbm>>
      %dma_wait3A_52 = tpu.memref_squeeze %dma_wait3A_51 : memref<1x8x10000xf32, #tpu.memory_space<hbm>> -> memref<8x10000xf32, #tpu.memory_space<hbm>>
      tpu.wait_dma2 semaphore(%run_scoped3A : memref<!tpu.dma_semaphore, #tpu.memory_space<semaphore_mem>>) src(%arg8 : memref<8x10000xf32, #tpu.memory_space<vmem>>) dst(%dma_wait3A_52 : memref<8x10000xf32, #tpu.memory_space<hbm>>)
      tpu.yield
    }) : () -> ()
    return
  }
}

#map = affine_map<(d0, d1) -> (0)>
#map1 = affine_map<(d0, d1) -> (0, 0)>
module attributes {stable_mosaic.version = 14 : i64} {
  func.func @_deg_sc_body(%arg0: i32, %arg1: i32, %arg2: memref<160000xi32, #tpu.memory_space<hbm>>, %arg3: memref<32x10000xf32, #tpu.memory_space<hbm>>, %arg4: memref<5016xi32, #tpu.memory_space<vmem>>, %arg5: memref<10000xf32, #tpu.memory_space<vmem>>) attributes {dimension_semantics = [#tpu.dimension_semantics<core_parallel>, #tpu.dimension_semantics<subcore_parallel>], iteration_bounds = array<i64: 2, 16>, scalar_prefetch = 0 : i64, scratch_operands = 2 : i64, tpu.core_type = #tpu.core_type<sc_vector_subcore>, window_params = [{transform_indices = #map}, {transform_indices = #map1}]} {
    %mul3A = arith.constant 2 : i32
    %mul3A_0 = arith.muli %arg1, %mul3A : i32
    %add3A = arith.addi %mul3A_0, %arg0 : i32
    %mul3A_1 = arith.constant 5000 : i32
    %mul3A_2 = arith.muli %add3A, %mul3A_1 : i32
    "tpu.region"() ({
      %run_scoped3A = tpu.sem_alloc : memref<!tpu.dma_semaphore, #tpu.memory_space<semaphore_mem>>
      %dma_start3A = arith.constant 0 : i32
      %dma_start3A_18 = tpu.memref_slice %arg4[%dma_start3A] : memref<5016xi32, #tpu.memory_space<vmem>> -> memref<5000xi32, #tpu.memory_space<vmem>>
      %dma_start3A_19 = tpu.memref_slice %arg2[%mul3A_2] : memref<160000xi32, #tpu.memory_space<hbm>> -> memref<5000xi32, #tpu.memory_space<hbm>>
      %dma_start3A_20 = arith.constant 0 : i32
      %dma_start3A_21 = tpu.memref_slice %arg4[%dma_start3A_20] : memref<5016xi32, #tpu.memory_space<vmem>> -> memref<5000xi32, #tpu.memory_space<vmem>>
      %dma_start3A_22 = tpu.memref_slice %arg2[%mul3A_2] : memref<160000xi32, #tpu.memory_space<hbm>> -> memref<5000xi32, #tpu.memory_space<hbm>>
      tpu.enqueue_dma source(%dma_start3A_22 : memref<5000xi32, #tpu.memory_space<hbm>>) target(%dma_start3A_21 : memref<5000xi32, #tpu.memory_space<vmem>>) target_semaphore(%run_scoped3A : memref<!tpu.dma_semaphore, #tpu.memory_space<semaphore_mem>>)
      %dma_wait3A = arith.constant 0 : i32
      %dma_wait3A_23 = tpu.memref_slice %arg4[%dma_wait3A] : memref<5016xi32, #tpu.memory_space<vmem>> -> memref<5000xi32, #tpu.memory_space<vmem>>
      %dma_wait3A_24 = tpu.memref_slice %arg2[%mul3A_2] : memref<160000xi32, #tpu.memory_space<hbm>> -> memref<5000xi32, #tpu.memory_space<hbm>>
      %dma_wait3A_25 = arith.constant 0 : i32
      %dma_wait3A_26 = tpu.memref_slice %arg4[%dma_wait3A_25] : memref<5016xi32, #tpu.memory_space<vmem>> -> memref<5000xi32, #tpu.memory_space<vmem>>
      %dma_wait3A_27 = tpu.memref_slice %arg2[%mul3A_2] : memref<160000xi32, #tpu.memory_space<hbm>> -> memref<5000xi32, #tpu.memory_space<hbm>>
      tpu.wait_dma2 semaphore(%run_scoped3A : memref<!tpu.dma_semaphore, #tpu.memory_space<semaphore_mem>>) src(%dma_wait3A_27 : memref<5000xi32, #tpu.memory_space<hbm>>) dst(%dma_wait3A_26 : memref<5000xi32, #tpu.memory_space<vmem>>)
      tpu.yield
    }) : () -> ()
    %scan3A = arith.constant 0 : i32
    %scan3A_3 = arith.constant 0 : i32
    %scan3A_4 = arith.constant 625 : i32
    %scan3A_5 = arith.addi %scan3A_3, %scan3A_4 : i32
    %scan3A_6 = arith.constant 1 : i32
    scf.for %scan3A_18 = %scan3A_3 to %scan3A_5 step %scan3A_6  : i32 {
      %broadcast_in_dim3A_19 = arith.constant 0.000000e+00 : f32
      %broadcast_in_dim3A_20 = vector.broadcast %broadcast_in_dim3A_19 : f32 to vector<16xf32>
      %mul3A_21 = arith.constant 16 : i32
      %mul3A_22 = arith.muli %scan3A_18, %mul3A_21 : i32
      %swap3A = arith.index_cast %mul3A_22 : i32 to index
      %swap3A_23 = tpu.vector_load %arg5[%swap3A] {strides = array<i32>} : memref<10000xf32, #tpu.memory_space<vmem>>, vector<16xf32>,
      tpu.vector_store %arg5[%swap3A], %broadcast_in_dim3A_20 {strides = array<i32>} : memref<10000xf32, #tpu.memory_space<vmem>>, vector<16xf32>,
    }
    %scan3A_7 = arith.constant 625 : i32
    %broadcast_in_dim3A = arith.constant 1.000000e+00 : f32
    %broadcast_in_dim3A_8 = vector.broadcast %broadcast_in_dim3A : f32 to vector<16xf32>
    %scan3A_9 = arith.constant 0 : i32
    %scan3A_10 = arith.constant 0 : i32
    %scan3A_11 = arith.constant 312 : i32
    %scan3A_12 = arith.addi %scan3A_10, %scan3A_11 : i32
    %scan3A_13 = arith.constant 1 : i32
    scf.for %scan3A_18 = %scan3A_10 to %scan3A_12 step %scan3A_13  : i32 {
      %mul3A_19 = arith.constant 16 : i32
      %mul3A_20 = arith.muli %scan3A_18, %mul3A_19 : i32
      %get3A_21 = arith.index_cast %mul3A_20 : i32 to index
      %get3A_22 = tpu.vector_load %arg4[%get3A_21] {strides = array<i32>} : memref<5016xi32, #tpu.memory_space<vmem>>, vector<16xi32>,
      tpu.vector_store_idx %arg5[%get3A_22], %broadcast_in_dim3A_8 {add = true} : memref<10000xf32, #tpu.memory_space<vmem>>[vector<16xi32>], vector<16xf32>,
    }
    %scan3A_14 = arith.constant 312 : i32
    %iota3A = tpu.iota {dimensions = array<i32: 0>} : vector<16xi32>
    %get3A = arith.constant 4992 : index
    %get3A_15 = tpu.vector_load %arg4[%get3A] {strides = array<i32>} : memref<5016xi32, #tpu.memory_space<vmem>>, vector<16xi32>,
    %lt3A = arith.constant 8 : i32
    %lt3A_16 = vector.broadcast %lt3A : i32 to vector<16xi32>
    %lt3A_17 = arith.cmpi slt, %iota3A, %lt3A_16 : vector<16xi32>
    tpu.vector_store_idx %arg5[%get3A_15], %broadcast_in_dim3A_8 masked %lt3A_17 {add = true} : memref<10000xf32, #tpu.memory_space<vmem>>[vector<16xi32>], vector<16xf32>, vector<16xi1>
    "tpu.region"() ({
      %run_scoped3A = tpu.sem_alloc : memref<!tpu.dma_semaphore, #tpu.memory_space<semaphore_mem>>
      %dma_start3A = arith.constant 0 : i32
      %dma_start3A_18 = tpu.memref_slice %arg3[%add3A, %dma_start3A] : memref<32x10000xf32, #tpu.memory_space<hbm>> -> memref<1x10000xf32, #tpu.memory_space<hbm>>
      %dma_start3A_19 = tpu.memref_squeeze %dma_start3A_18 : memref<1x10000xf32, #tpu.memory_space<hbm>> -> memref<10000xf32, #tpu.memory_space<hbm>>
      %dma_start3A_20 = arith.constant 0 : i32
      %dma_start3A_21 = tpu.memref_slice %arg3[%add3A, %dma_start3A_20] : memref<32x10000xf32, #tpu.memory_space<hbm>> -> memref<1x10000xf32, #tpu.memory_space<hbm>>
      %dma_start3A_22 = tpu.memref_squeeze %dma_start3A_21 : memref<1x10000xf32, #tpu.memory_space<hbm>> -> memref<10000xf32, #tpu.memory_space<hbm>>
      tpu.enqueue_dma source(%arg5 : memref<10000xf32, #tpu.memory_space<vmem>>) target(%dma_start3A_22 : memref<10000xf32, #tpu.memory_space<hbm>>) target_semaphore(%run_scoped3A : memref<!tpu.dma_semaphore, #tpu.memory_space<semaphore_mem>>)
      %dma_wait3A = arith.constant 0 : i32
      %dma_wait3A_23 = tpu.memref_slice %arg3[%add3A, %dma_wait3A] : memref<32x10000xf32, #tpu.memory_space<hbm>> -> memref<1x10000xf32, #tpu.memory_space<hbm>>
      %dma_wait3A_24 = tpu.memref_squeeze %dma_wait3A_23 : memref<1x10000xf32, #tpu.memory_space<hbm>> -> memref<10000xf32, #tpu.memory_space<hbm>>
      %dma_wait3A_25 = arith.constant 0 : i32
      %dma_wait3A_26 = tpu.memref_slice %arg3[%add3A, %dma_wait3A_25] : memref<32x10000xf32, #tpu.memory_space<hbm>> -> memref<1x10000xf32, #tpu.memory_space<hbm>>
      %dma_wait3A_27 = tpu.memref_squeeze %dma_wait3A_26 : memref<1x10000xf32, #tpu.memory_space<hbm>> -> memref<10000xf32, #tpu.memory_space<hbm>>
      tpu.wait_dma2 semaphore(%run_scoped3A : memref<!tpu.dma_semaphore, #tpu.memory_space<semaphore_mem>>) src(%arg5 : memref<10000xf32, #tpu.memory_space<vmem>>) dst(%dma_wait3A_27 : memref<10000xf32, #tpu.memory_space<hbm>>)
      tpu.yield
    }) : () -> ()
    return
  }
}

module attributes {stable_mosaic.version = 14 : i64} {
  func.func @_k1_body(%arg0: i32, %arg1: memref<400x256xf32, #tpu.memory_space<vmem>>, %arg2: memref<256x512xf32, #tpu.memory_space<vmem>>, %arg3: memref<400x32xf32, #tpu.memory_space<vmem>>, %arg4: memref<400x512xf32, #tpu.memory_space<vmem>>, %arg5: memref<400x1xf32, #tpu.memory_space<vmem>>, %arg6: memref<400x1xf32, #tpu.memory_space<vmem>>) attributes {dimension_semantics = [#tpu.dimension_semantics<arbitrary>], iteration_bounds = array<i64: 25>, scalar_prefetch = 0 : i64, scratch_operands = 0 : i64, tpu.core_type = #tpu.core_type<tc>, window_params = [{transform_indices = @transform_0, window_bounds = array<i64: 400, 256>}, {pipeline_mode = #tpu.pipeline_mode<synchronous>, transform_indices = @transform_1, window_bounds = array<i64: 256, 512>}, {transform_indices = @transform_2, window_bounds = array<i64: 400, 32>}, {transform_indices = @transform_3, window_bounds = array<i64: 400, 512>}, {transform_indices = @transform_4, window_bounds = array<i64: 400, 1>}, {transform_indices = @transform_5, window_bounds = array<i64: 400, 1>}]} {
    %get3A = arith.constant 0 : index
    %get3A_0 = arith.constant 0 : index
    %get3A_1 = vector.load %arg1[%get3A, %get3A_0] : memref<400x256xf32, #tpu.memory_space<vmem>>, vector<400x256xf32>
    %get3A_2 = arith.constant 0 : index
    %get3A_3 = arith.constant 0 : index
    %get3A_4 = vector.load %arg2[%get3A_2, %get3A_3] : memref<256x512xf32, #tpu.memory_space<vmem>>, vector<256x512xf32>
    %dot_general3A = arith.constant dense<0.000000e+00> : vector<400x512xf32>
    %dot_general3A_5 = tpu.matmul %get3A_1, %get3A_4, %dot_general3A {dimension_numbers = #tpu.dot_dimension_numbers<[1], [0], [0], [1], [0, 0, 1, 1], [], []>, transpose_lhs_hint = false} : vector<400x256xf32>, vector<256x512xf32>, vector<400x512xf32> -> vector<400x512xf32>
    %get3A_6 = arith.constant 0 : index
    %get3A_7 = arith.constant 0 : index
    %get3A_8 = vector.load %arg3[%get3A_6, %get3A_7] : memref<400x32xf32, #tpu.memory_space<vmem>>, vector<400x32xf32>
    %reduce_sum3A = arith.constant dense<0.000000e+00> : vector<400xf32>
    %reduce_sum3A_9 = vector.multi_reduction <add>, %get3A_8, %reduce_sum3A [1] : vector<400x32xf32> to vector<400xf32>
    %add3A = arith.constant 1.000000e+00 : f32
    %add3A_10 = vector.broadcast %add3A : f32 to vector<400xf32>
    %add3A_11 = arith.addf %reduce_sum3A_9, %add3A_10 : vector<400xf32>
    %rsqrt3A = math.rsqrt %add3A_11 : vector<400xf32>
    %broadcast_in_dim3A = vector.shape_cast %rsqrt3A : vector<400xf32> to vector<400x1xf32>
    %mul3A = vector.broadcast %broadcast_in_dim3A : vector<400x1xf32> to vector<400x512xf32>
    %mul3A_12 = arith.mulf %dot_general3A_5, %mul3A : vector<400x512xf32>
    %swap3A = arith.constant 0 : index
    %swap3A_13 = arith.constant 0 : index
    %swap3A_14 = vector.load %arg4[%swap3A, %swap3A_13] : memref<400x512xf32, #tpu.memory_space<vmem>>, vector<400x512xf32>
    tpu.vector_store %arg4[%swap3A, %swap3A_13], %mul3A_12 {strides = array<i32>} : memref<400x512xf32, #tpu.memory_space<vmem>>, vector<400x512xf32>,
    %broadcast_in_dim3A_15 = vector.shape_cast %rsqrt3A : vector<400xf32> to vector<400x1xf32>
    %swap3A_16 = arith.constant 0 : index
    %swap3A_17 = arith.constant 0 : index
    %swap3A_18 = vector.load %arg5[%swap3A_16, %swap3A_17] : memref<400x1xf32, #tpu.memory_space<vmem>>, vector<400x1xf32>
    tpu.vector_store %arg5[%swap3A_16, %swap3A_17], %broadcast_in_dim3A_15 {strides = array<i32>} : memref<400x1xf32, #tpu.memory_space<vmem>>, vector<400x1xf32>,
    %sub3A = arith.constant 1.000000e+00 : f32
    %sub3A_19 = vector.broadcast %sub3A : f32 to vector<400xf32>
    %sub3A_20 = arith.subf %add3A_11, %sub3A_19 : vector<400xf32>
    %max3A = arith.constant 1.000000e+00 : f32
    %max3A_21 = vector.broadcast %max3A : f32 to vector<400xf32>
    %max3A_22 = arith.maximumf %sub3A_20, %max3A_21 : vector<400xf32>
    %div3A = arith.constant 1.000000e+00 : f32
    %div3A_23 = vector.broadcast %div3A : f32 to vector<400xf32>
    %div3A_24 = arith.divf %div3A_23, %max3A_22 : vector<400xf32>
    %broadcast_in_dim3A_25 = vector.shape_cast %div3A_24 : vector<400xf32> to vector<400x1xf32>
    %swap3A_26 = arith.constant 0 : index
    %swap3A_27 = arith.constant 0 : index
    %swap3A_28 = vector.load %arg6[%swap3A_26, %swap3A_27] : memref<400x1xf32, #tpu.memory_space<vmem>>, vector<400x1xf32>
    tpu.vector_store %arg6[%swap3A_26, %swap3A_27], %broadcast_in_dim3A_25 {strides = array<i32>} : memref<400x1xf32, #tpu.memory_space<vmem>>, vector<400x1xf32>,
    return
  }
  func.func @transform_0(%arg0: i32) -> (i32, i32) {
    %c0_i32 = arith.constant 0 : i32
    %c0_i32_0 = arith.constant 0 : i32
    return %arg0, %c0_i32 : i32, i32
  }
  func.func @transform_1(%arg0: i32) -> (i32, i32) {
    %c0_i32 = arith.constant 0 : i32
    %c0_i32_0 = arith.constant 0 : i32
    %c0_i32_1 = arith.constant 0 : i32
    return %c0_i32, %c0_i32_0 : i32, i32
  }
  func.func @transform_2(%arg0: i32) -> (i32, i32) {
    %c0_i32 = arith.constant 0 : i32
    %c0_i32_0 = arith.constant 0 : i32
    return %arg0, %c0_i32 : i32, i32
  }
  func.func @transform_3(%arg0: i32) -> (i32, i32) {
    %c0_i32 = arith.constant 0 : i32
    %c0_i32_0 = arith.constant 0 : i32
    return %arg0, %c0_i32 : i32, i32
  }
  func.func @transform_4(%arg0: i32) -> (i32, i32) {
    %c0_i32 = arith.constant 0 : i32
    %c0_i32_0 = arith.constant 0 : i32
    return %arg0, %c0_i32 : i32, i32
  }
  func.func @transform_5(%arg0: i32) -> (i32, i32) {
    %c0_i32 = arith.constant 0 : i32
    %c0_i32_0 = arith.constant 0 : i32
    return %arg0, %c0_i32 : i32, i32
  }
}

module attributes {stable_mosaic.version = 14 : i64} {
  func.func @_k2a_body(%arg0: i32, %arg1: memref<400x512xf32, #tpu.memory_space<vmem>>, %arg2: memref<400x512xf32, #tpu.memory_space<vmem>>, %arg3: memref<400x1xf32, #tpu.memory_space<vmem>>, %arg4: memref<1x512xf32, #tpu.memory_space<vmem>>, %arg5: memref<400x512xf32, #tpu.memory_space<vmem>>, %arg6: memref<2x512xf32, #tpu.memory_space<vmem>>) attributes {dimension_semantics = [#tpu.dimension_semantics<arbitrary>], iteration_bounds = array<i64: 25>, scalar_prefetch = 0 : i64, scratch_operands = 0 : i64, tpu.core_type = #tpu.core_type<tc>, window_params = [{transform_indices = @transform_0, window_bounds = array<i64: 400, 512>}, {transform_indices = @transform_1, window_bounds = array<i64: 400, 512>}, {transform_indices = @transform_2, window_bounds = array<i64: 400, 1>}, {pipeline_mode = #tpu.pipeline_mode<synchronous>, transform_indices = @transform_3, window_bounds = array<i64: 1, 512>}, {transform_indices = @transform_4, window_bounds = array<i64: 400, 512>}, {pipeline_mode = #tpu.pipeline_mode<synchronous>, transform_indices = @transform_5, window_bounds = array<i64: 2, 512>}]} {
    %get3A = arith.constant 0 : index
    %get3A_0 = arith.constant 0 : index
    %get3A_1 = vector.load %arg3[%get3A, %get3A_0] : memref<400x1xf32, #tpu.memory_space<vmem>>, vector<400x1xf32>
    %get3A_2 = arith.constant 0 : index
    %get3A_3 = arith.constant 0 : index
    %get3A_4 = vector.load %arg1[%get3A_2, %get3A_3] : memref<400x512xf32, #tpu.memory_space<vmem>>, vector<400x512xf32>
    %get3A_5 = arith.constant 0 : index
    %get3A_6 = arith.constant 0 : index
    %get3A_7 = vector.load %arg2[%get3A_5, %get3A_6] : memref<400x512xf32, #tpu.memory_space<vmem>>, vector<400x512xf32>
    %add3A = arith.addf %get3A_4, %get3A_7 : vector<400x512xf32>
    %mul3A = vector.broadcast %get3A_1 : vector<400x1xf32> to vector<400x512xf32>
    %mul3A_8 = arith.mulf %mul3A, %add3A : vector<400x512xf32>
    %get3A_9 = arith.constant 0 : index
    %get3A_10 = arith.constant 0 : index
    %get3A_11 = vector.load %arg4[%get3A_9, %get3A_10] : memref<1x512xf32, #tpu.memory_space<vmem>>, vector<1x512xf32>
    %add3A_12 = vector.broadcast %get3A_11 : vector<1x512xf32> to vector<400x512xf32>
    %add3A_13 = arith.addf %mul3A_8, %add3A_12 : vector<400x512xf32>
    %swap3A = arith.constant 0 : index
    %swap3A_14 = arith.constant 0 : index
    %swap3A_15 = vector.load %arg5[%swap3A, %swap3A_14] : memref<400x512xf32, #tpu.memory_space<vmem>>, vector<400x512xf32>
    tpu.vector_store %arg5[%swap3A, %swap3A_14], %add3A_13 {strides = array<i32>} : memref<400x512xf32, #tpu.memory_space<vmem>>, vector<400x512xf32>,
    %eq3A = arith.constant 0 : i32
    %eq3A_16 = arith.cmpi eq, %arg0, %eq3A : i32
    %convert_element_type3A = arith.extui %eq3A_16 : i1 to i32
    %cond3A = arith.constant 0 : i32
    %cond3A_17 = arith.cmpi ne, %convert_element_type3A, %cond3A : i32
    scf.if %cond3A_17 {
      %broadcast_in_dim3A = arith.constant 0.000000e+00 : f32
      %broadcast_in_dim3A_42 = vector.broadcast %broadcast_in_dim3A : f32 to vector<2x512xf32>
      %swap3A_43 = arith.constant 0 : index
      %swap3A_44 = arith.constant 0 : index
      %swap3A_45 = vector.load %arg6[%swap3A_43, %swap3A_44] : memref<2x512xf32, #tpu.memory_space<vmem>>, vector<2x512xf32>
      tpu.vector_store %arg6[%swap3A_43, %swap3A_44], %broadcast_in_dim3A_42 {strides = array<i32>} : memref<2x512xf32, #tpu.memory_space<vmem>>, vector<2x512xf32>,
    } else {
    }
    %get3A_18 = arith.constant 0 : index
    %get3A_19 = arith.constant 0 : index
    %get3A_20 = vector.load %arg6[%get3A_18, %get3A_19] : memref<2x512xf32, #tpu.memory_space<vmem>>, vector<1x512xf32>
    %get3A_21 = vector.shape_cast %get3A_20 : vector<1x512xf32> to vector<512xf32>
    %reduce_sum3A = arith.constant dense<0.000000e+00> : vector<512xf32>
    %reduce_sum3A_22 = vector.multi_reduction <add>, %add3A_13, %reduce_sum3A [0] : vector<400x512xf32> to vector<512xf32>
    %add3A_23 = arith.addf %get3A_21, %reduce_sum3A_22 : vector<512xf32>
    %swap3A_24 = arith.constant 0 : index
    %swap3A_25 = arith.constant 0 : index
    %swap3A_26 = vector.load %arg6[%swap3A_24, %swap3A_25] : memref<2x512xf32, #tpu.memory_space<vmem>>, vector<1x512xf32>
    %swap3A_27 = vector.shape_cast %swap3A_26 : vector<1x512xf32> to vector<512xf32>
    %swap3A_28 = vector.shape_cast %add3A_23 : vector<512xf32> to vector<1x512xf32>
    tpu.vector_store %arg6[%swap3A_24, %swap3A_25], %swap3A_28 {strides = array<i32>} : memref<2x512xf32, #tpu.memory_space<vmem>>, vector<1x512xf32>,
    %get3A_29 = arith.constant 1 : index
    %get3A_30 = arith.constant 0 : index
    %get3A_31 = vector.load %arg6[%get3A_29, %get3A_30] : memref<2x512xf32, #tpu.memory_space<vmem>>, vector<1x512xf32>
    %get3A_32 = vector.shape_cast %get3A_31 : vector<1x512xf32> to vector<512xf32>
    %mul3A_33 = arith.mulf %add3A_13, %add3A_13 : vector<400x512xf32>
    %reduce_sum3A_34 = arith.constant dense<0.000000e+00> : vector<512xf32>
    %reduce_sum3A_35 = vector.multi_reduction <add>, %mul3A_33, %reduce_sum3A_34 [0] : vector<400x512xf32> to vector<512xf32>
    %add3A_36 = arith.addf %get3A_32, %reduce_sum3A_35 : vector<512xf32>
    %swap3A_37 = arith.constant 1 : index
    %swap3A_38 = arith.constant 0 : index
    %swap3A_39 = vector.load %arg6[%swap3A_37, %swap3A_38] : memref<2x512xf32, #tpu.memory_space<vmem>>, vector<1x512xf32>
    %swap3A_40 = vector.shape_cast %swap3A_39 : vector<1x512xf32> to vector<512xf32>
    %swap3A_41 = vector.shape_cast %add3A_36 : vector<512xf32> to vector<1x512xf32>
    tpu.vector_store %arg6[%swap3A_37, %swap3A_38], %swap3A_41 {strides = array<i32>} : memref<2x512xf32, #tpu.memory_space<vmem>>, vector<1x512xf32>,
    return
  }
  func.func @transform_0(%arg0: i32) -> (i32, i32) {
    %c0_i32 = arith.constant 0 : i32
    %c0_i32_0 = arith.constant 0 : i32
    return %arg0, %c0_i32 : i32, i32
  }
  func.func @transform_1(%arg0: i32) -> (i32, i32) {
    %c0_i32 = arith.constant 0 : i32
    %c0_i32_0 = arith.constant 0 : i32
    return %arg0, %c0_i32 : i32, i32
  }
  func.func @transform_2(%arg0: i32) -> (i32, i32) {
    %c0_i32 = arith.constant 0 : i32
    %c0_i32_0 = arith.constant 0 : i32
    return %arg0, %c0_i32 : i32, i32
  }
  func.func @transform_3(%arg0: i32) -> (i32, i32) {
    %c0_i32 = arith.constant 0 : i32
    %c0_i32_0 = arith.constant 0 : i32
    %c0_i32_1 = arith.constant 0 : i32
    return %c0_i32, %c0_i32_0 : i32, i32
  }
  func.func @transform_4(%arg0: i32) -> (i32, i32) {
    %c0_i32 = arith.constant 0 : i32
    %c0_i32_0 = arith.constant 0 : i32
    return %arg0, %c0_i32 : i32, i32
  }
  func.func @transform_5(%arg0: i32) -> (i32, i32) {
    %c0_i32 = arith.constant 0 : i32
    %c0_i32_0 = arith.constant 0 : i32
    %c0_i32_1 = arith.constant 0 : i32
    return %c0_i32, %c0_i32_0 : i32, i32
  }
}

module attributes {stable_mosaic.version = 14 : i64} {
  func.func @_bn_body(%arg0: i32, %arg1: memref<400x512xf32, #tpu.memory_space<vmem>>, %arg2: memref<2x512xf32, #tpu.memory_space<vmem>>, %arg3: memref<1x512xf32, #tpu.memory_space<vmem>>, %arg4: memref<1x512xf32, #tpu.memory_space<vmem>>, %arg5: memref<400x512xf32, #tpu.memory_space<vmem>>) attributes {dimension_semantics = [#tpu.dimension_semantics<arbitrary>], iteration_bounds = array<i64: 25>, scalar_prefetch = 0 : i64, scratch_operands = 0 : i64, tpu.core_type = #tpu.core_type<tc>, window_params = [{transform_indices = @transform_0, window_bounds = array<i64: 400, 512>}, {pipeline_mode = #tpu.pipeline_mode<synchronous>, transform_indices = @transform_1, window_bounds = array<i64: 2, 512>}, {pipeline_mode = #tpu.pipeline_mode<synchronous>, transform_indices = @transform_2, window_bounds = array<i64: 1, 512>}, {pipeline_mode = #tpu.pipeline_mode<synchronous>, transform_indices = @transform_3, window_bounds = array<i64: 1, 512>}, {transform_indices = @transform_4, window_bounds = array<i64: 400, 512>}]} {
    %get3A = arith.constant 0 : index
    %get3A_0 = arith.constant 0 : index
    %get3A_1 = vector.load %arg2[%get3A, %get3A_0] : memref<2x512xf32, #tpu.memory_space<vmem>>, vector<1x512xf32>
    %get3A_2 = vector.shape_cast %get3A_1 : vector<1x512xf32> to vector<512xf32>
    %div3A = arith.constant 1.000000e+04 : f32
    %div3A_3 = vector.broadcast %div3A : f32 to vector<512xf32>
    %div3A_4 = arith.divf %get3A_2, %div3A_3 : vector<512xf32>
    %get3A_5 = arith.constant 1 : index
    %get3A_6 = arith.constant 0 : index
    %get3A_7 = vector.load %arg2[%get3A_5, %get3A_6] : memref<2x512xf32, #tpu.memory_space<vmem>>, vector<1x512xf32>
    %get3A_8 = vector.shape_cast %get3A_7 : vector<1x512xf32> to vector<512xf32>
    %div3A_9 = arith.constant 1.000000e+04 : f32
    %div3A_10 = vector.broadcast %div3A_9 : f32 to vector<512xf32>
    %div3A_11 = arith.divf %get3A_8, %div3A_10 : vector<512xf32>
    %mul3A = arith.mulf %div3A_4, %div3A_4 : vector<512xf32>
    %sub3A = arith.subf %div3A_11, %mul3A : vector<512xf32>
    %get3A_12 = arith.constant 0 : index
    %get3A_13 = arith.constant 0 : index
    %get3A_14 = vector.load %arg1[%get3A_12, %get3A_13] : memref<400x512xf32, #tpu.memory_space<vmem>>, vector<400x512xf32>
    %broadcast_in_dim3A = vector.shape_cast %div3A_4 : vector<512xf32> to vector<1x512xf32>
    %sub3A_15 = vector.broadcast %broadcast_in_dim3A : vector<1x512xf32> to vector<400x512xf32>
    %sub3A_16 = arith.subf %get3A_14, %sub3A_15 : vector<400x512xf32>
    %add3A = arith.constant 9.99999974E-6 : f32
    %add3A_17 = vector.broadcast %add3A : f32 to vector<512xf32>
    %add3A_18 = arith.addf %sub3A, %add3A_17 : vector<512xf32>
    %rsqrt3A = math.rsqrt %add3A_18 : vector<512xf32>
    %broadcast_in_dim3A_19 = vector.shape_cast %rsqrt3A : vector<512xf32> to vector<1x512xf32>
    %mul3A_20 = vector.broadcast %broadcast_in_dim3A_19 : vector<1x512xf32> to vector<400x512xf32>
    %mul3A_21 = arith.mulf %sub3A_16, %mul3A_20 : vector<400x512xf32>
    %get3A_22 = arith.constant 0 : index
    %get3A_23 = arith.constant 0 : index
    %get3A_24 = vector.load %arg3[%get3A_22, %get3A_23] : memref<1x512xf32, #tpu.memory_space<vmem>>, vector<1x512xf32>
    %get3A_25 = vector.shape_cast %get3A_24 : vector<1x512xf32> to vector<512xf32>
    %broadcast_in_dim3A_26 = vector.shape_cast %get3A_25 : vector<512xf32> to vector<1x512xf32>
    %mul3A_27 = vector.broadcast %broadcast_in_dim3A_26 : vector<1x512xf32> to vector<400x512xf32>
    %mul3A_28 = arith.mulf %mul3A_21, %mul3A_27 : vector<400x512xf32>
    %get3A_29 = arith.constant 0 : index
    %get3A_30 = arith.constant 0 : index
    %get3A_31 = vector.load %arg4[%get3A_29, %get3A_30] : memref<1x512xf32, #tpu.memory_space<vmem>>, vector<1x512xf32>
    %get3A_32 = vector.shape_cast %get3A_31 : vector<1x512xf32> to vector<512xf32>
    %broadcast_in_dim3A_33 = vector.shape_cast %get3A_32 : vector<512xf32> to vector<1x512xf32>
    %add3A_34 = vector.broadcast %broadcast_in_dim3A_33 : vector<1x512xf32> to vector<400x512xf32>
    %add3A_35 = arith.addf %mul3A_28, %add3A_34 : vector<400x512xf32>
    %max3A = arith.constant 0.000000e+00 : f32
    %max3A_36 = vector.broadcast %max3A : f32 to vector<400x512xf32>
    %max3A_37 = arith.maximumf %add3A_35, %max3A_36 : vector<400x512xf32>
    %swap3A = arith.constant 0 : index
    %swap3A_38 = arith.constant 0 : index
    %swap3A_39 = vector.load %arg5[%swap3A, %swap3A_38] : memref<400x512xf32, #tpu.memory_space<vmem>>, vector<400x512xf32>
    tpu.vector_store %arg5[%swap3A, %swap3A_38], %max3A_37 {strides = array<i32>} : memref<400x512xf32, #tpu.memory_space<vmem>>, vector<400x512xf32>,
    return
  }
  func.func @transform_0(%arg0: i32) -> (i32, i32) {
    %c0_i32 = arith.constant 0 : i32
    %c0_i32_0 = arith.constant 0 : i32
    return %arg0, %c0_i32 : i32, i32
  }
  func.func @transform_1(%arg0: i32) -> (i32, i32) {
    %c0_i32 = arith.constant 0 : i32
    %c0_i32_0 = arith.constant 0 : i32
    %c0_i32_1 = arith.constant 0 : i32
    return %c0_i32, %c0_i32_0 : i32, i32
  }
  func.func @transform_2(%arg0: i32) -> (i32, i32) {
    %c0_i32 = arith.constant 0 : i32
    %c0_i32_0 = arith.constant 0 : i32
    %c0_i32_1 = arith.constant 0 : i32
    return %c0_i32, %c0_i32_0 : i32, i32
  }
  func.func @transform_3(%arg0: i32) -> (i32, i32) {
    %c0_i32 = arith.constant 0 : i32
    %c0_i32_0 = arith.constant 0 : i32
    %c0_i32_1 = arith.constant 0 : i32
    return %c0_i32, %c0_i32_0 : i32, i32
  }
  func.func @transform_4(%arg0: i32) -> (i32, i32) {
    %c0_i32 = arith.constant 0 : i32
    %c0_i32_0 = arith.constant 0 : i32
    return %arg0, %c0_i32 : i32, i32
  }
}

module attributes {stable_mosaic.version = 14 : i64} {
  func.func @_k3a_body(%arg0: i32, %arg1: memref<400x512xf32, #tpu.memory_space<vmem>>, %arg2: memref<400x512xf32, #tpu.memory_space<vmem>>, %arg3: memref<400x1xf32, #tpu.memory_space<vmem>>, %arg4: memref<512x256xf32, #tpu.memory_space<vmem>>, %arg5: memref<512x256xf32, #tpu.memory_space<vmem>>, %arg6: memref<1x256xf32, #tpu.memory_space<vmem>>, %arg7: memref<400x256xf32, #tpu.memory_space<vmem>>, %arg8: memref<2x256xf32, #tpu.memory_space<vmem>>) attributes {dimension_semantics = [#tpu.dimension_semantics<arbitrary>], iteration_bounds = array<i64: 25>, scalar_prefetch = 0 : i64, scratch_operands = 0 : i64, tpu.core_type = #tpu.core_type<tc>, window_params = [{transform_indices = @transform_0, window_bounds = array<i64: 400, 512>}, {transform_indices = @transform_1, window_bounds = array<i64: 400, 512>}, {transform_indices = @transform_2, window_bounds = array<i64: 400, 1>}, {pipeline_mode = #tpu.pipeline_mode<synchronous>, transform_indices = @transform_3, window_bounds = array<i64: 512, 256>}, {pipeline_mode = #tpu.pipeline_mode<synchronous>, transform_indices = @transform_4, window_bounds = array<i64: 512, 256>}, {pipeline_mode = #tpu.pipeline_mode<synchronous>, transform_indices = @transform_5, window_bounds = array<i64: 1, 256>}, {transform_indices = @transform_6, window_bounds = array<i64: 400, 256>}, {pipeline_mode = #tpu.pipeline_mode<synchronous>, transform_indices = @transform_7, window_bounds = array<i64: 2, 256>}]} {
    %get3A = arith.constant 0 : index
    %get3A_0 = arith.constant 0 : index
    %get3A_1 = vector.load %arg1[%get3A, %get3A_0] : memref<400x512xf32, #tpu.memory_space<vmem>>, vector<400x512xf32>
    %get3A_2 = arith.constant 0 : index
    %get3A_3 = arith.constant 0 : index
    %get3A_4 = vector.load %arg3[%get3A_2, %get3A_3] : memref<400x1xf32, #tpu.memory_space<vmem>>, vector<400x1xf32>
    %mul3A = vector.broadcast %get3A_4 : vector<400x1xf32> to vector<400x512xf32>
    %mul3A_5 = arith.mulf %get3A_1, %mul3A : vector<400x512xf32>
    %get3A_6 = arith.constant 0 : index
    %get3A_7 = arith.constant 0 : index
    %get3A_8 = vector.load %arg4[%get3A_6, %get3A_7] : memref<512x256xf32, #tpu.memory_space<vmem>>, vector<512x256xf32>
    %dot_general3A = arith.constant dense<0.000000e+00> : vector<400x256xf32>
    %dot_general3A_9 = tpu.matmul %mul3A_5, %get3A_8, %dot_general3A {dimension_numbers = #tpu.dot_dimension_numbers<[1], [0], [0], [1], [0, 0, 1, 1], [], []>, transpose_lhs_hint = false} : vector<400x512xf32>, vector<512x256xf32>, vector<400x256xf32> -> vector<400x256xf32>
    %get3A_10 = arith.constant 0 : index
    %get3A_11 = arith.constant 0 : index
    %get3A_12 = vector.load %arg2[%get3A_10, %get3A_11] : memref<400x512xf32, #tpu.memory_space<vmem>>, vector<400x512xf32>
    %get3A_13 = arith.constant 0 : index
    %get3A_14 = arith.constant 0 : index
    %get3A_15 = vector.load %arg5[%get3A_13, %get3A_14] : memref<512x256xf32, #tpu.memory_space<vmem>>, vector<512x256xf32>
    %dot_general3A_16 = arith.constant dense<0.000000e+00> : vector<400x256xf32>
    %dot_general3A_17 = tpu.matmul %get3A_12, %get3A_15, %dot_general3A_16 {dimension_numbers = #tpu.dot_dimension_numbers<[1], [0], [0], [1], [0, 0, 1, 1], [], []>, transpose_lhs_hint = false} : vector<400x512xf32>, vector<512x256xf32>, vector<400x256xf32> -> vector<400x256xf32>
    %add3A = arith.addf %dot_general3A_9, %dot_general3A_17 : vector<400x256xf32>
    %get3A_18 = arith.constant 0 : index
    %get3A_19 = arith.constant 0 : index
    %get3A_20 = vector.load %arg6[%get3A_18, %get3A_19] : memref<1x256xf32, #tpu.memory_space<vmem>>, vector<1x256xf32>
    %add3A_21 = vector.broadcast %get3A_20 : vector<1x256xf32> to vector<400x256xf32>
    %add3A_22 = arith.addf %add3A, %add3A_21 : vector<400x256xf32>
    %swap3A = arith.constant 0 : index
    %swap3A_23 = arith.constant 0 : index
    %swap3A_24 = vector.load %arg7[%swap3A, %swap3A_23] : memref<400x256xf32, #tpu.memory_space<vmem>>, vector<400x256xf32>
    tpu.vector_store %arg7[%swap3A, %swap3A_23], %add3A_22 {strides = array<i32>} : memref<400x256xf32, #tpu.memory_space<vmem>>, vector<400x256xf32>,
    %eq3A = arith.constant 0 : i32
    %eq3A_25 = arith.cmpi eq, %arg0, %eq3A : i32
    %convert_element_type3A = arith.extui %eq3A_25 : i1 to i32
    %cond3A = arith.constant 0 : i32
    %cond3A_26 = arith.cmpi ne, %convert_element_type3A, %cond3A : i32
    scf.if %cond3A_26 {
      %broadcast_in_dim3A = arith.constant 0.000000e+00 : f32
      %broadcast_in_dim3A_51 = vector.broadcast %broadcast_in_dim3A : f32 to vector<2x256xf32>
      %swap3A_52 = arith.constant 0 : index
      %swap3A_53 = arith.constant 0 : index
      %swap3A_54 = vector.load %arg8[%swap3A_52, %swap3A_53] : memref<2x256xf32, #tpu.memory_space<vmem>>, vector<2x256xf32>
      tpu.vector_store %arg8[%swap3A_52, %swap3A_53], %broadcast_in_dim3A_51 {strides = array<i32>} : memref<2x256xf32, #tpu.memory_space<vmem>>, vector<2x256xf32>,
    } else {
    }
    %get3A_27 = arith.constant 0 : index
    %get3A_28 = arith.constant 0 : index
    %get3A_29 = vector.load %arg8[%get3A_27, %get3A_28] : memref<2x256xf32, #tpu.memory_space<vmem>>, vector<1x256xf32>
    %get3A_30 = vector.shape_cast %get3A_29 : vector<1x256xf32> to vector<256xf32>
    %reduce_sum3A = arith.constant dense<0.000000e+00> : vector<256xf32>
    %reduce_sum3A_31 = vector.multi_reduction <add>, %add3A_22, %reduce_sum3A [0] : vector<400x256xf32> to vector<256xf32>
    %add3A_32 = arith.addf %get3A_30, %reduce_sum3A_31 : vector<256xf32>
    %swap3A_33 = arith.constant 0 : index
    %swap3A_34 = arith.constant 0 : index
    %swap3A_35 = vector.load %arg8[%swap3A_33, %swap3A_34] : memref<2x256xf32, #tpu.memory_space<vmem>>, vector<1x256xf32>
    %swap3A_36 = vector.shape_cast %swap3A_35 : vector<1x256xf32> to vector<256xf32>
    %swap3A_37 = vector.shape_cast %add3A_32 : vector<256xf32> to vector<1x256xf32>
    tpu.vector_store %arg8[%swap3A_33, %swap3A_34], %swap3A_37 {strides = array<i32>} : memref<2x256xf32, #tpu.memory_space<vmem>>, vector<1x256xf32>,
    %get3A_38 = arith.constant 1 : index
    %get3A_39 = arith.constant 0 : index
    %get3A_40 = vector.load %arg8[%get3A_38, %get3A_39] : memref<2x256xf32, #tpu.memory_space<vmem>>, vector<1x256xf32>
    %get3A_41 = vector.shape_cast %get3A_40 : vector<1x256xf32> to vector<256xf32>
    %mul3A_42 = arith.mulf %add3A_22, %add3A_22 : vector<400x256xf32>
    %reduce_sum3A_43 = arith.constant dense<0.000000e+00> : vector<256xf32>
    %reduce_sum3A_44 = vector.multi_reduction <add>, %mul3A_42, %reduce_sum3A_43 [0] : vector<400x256xf32> to vector<256xf32>
    %add3A_45 = arith.addf %get3A_41, %reduce_sum3A_44 : vector<256xf32>
    %swap3A_46 = arith.constant 1 : index
    %swap3A_47 = arith.constant 0 : index
    %swap3A_48 = vector.load %arg8[%swap3A_46, %swap3A_47] : memref<2x256xf32, #tpu.memory_space<vmem>>, vector<1x256xf32>
    %swap3A_49 = vector.shape_cast %swap3A_48 : vector<1x256xf32> to vector<256xf32>
    %swap3A_50 = vector.shape_cast %add3A_45 : vector<256xf32> to vector<1x256xf32>
    tpu.vector_store %arg8[%swap3A_46, %swap3A_47], %swap3A_50 {strides = array<i32>} : memref<2x256xf32, #tpu.memory_space<vmem>>, vector<1x256xf32>,
    return
  }
  func.func @transform_0(%arg0: i32) -> (i32, i32) {
    %c0_i32 = arith.constant 0 : i32
    %c0_i32_0 = arith.constant 0 : i32
    return %arg0, %c0_i32 : i32, i32
  }
  func.func @transform_1(%arg0: i32) -> (i32, i32) {
    %c0_i32 = arith.constant 0 : i32
    %c0_i32_0 = arith.constant 0 : i32
    return %arg0, %c0_i32 : i32, i32
  }
  func.func @transform_2(%arg0: i32) -> (i32, i32) {
    %c0_i32 = arith.constant 0 : i32
    %c0_i32_0 = arith.constant 0 : i32
    return %arg0, %c0_i32 : i32, i32
  }
  func.func @transform_3(%arg0: i32) -> (i32, i32) {
    %c0_i32 = arith.constant 0 : i32
    %c0_i32_0 = arith.constant 0 : i32
    %c0_i32_1 = arith.constant 0 : i32
    return %c0_i32, %c0_i32_0 : i32, i32
  }
  func.func @transform_4(%arg0: i32) -> (i32, i32) {
    %c0_i32 = arith.constant 0 : i32
    %c0_i32_0 = arith.constant 0 : i32
    %c0_i32_1 = arith.constant 0 : i32
    return %c0_i32, %c0_i32_0 : i32, i32
  }
  func.func @transform_5(%arg0: i32) -> (i32, i32) {
    %c0_i32 = arith.constant 0 : i32
    %c0_i32_0 = arith.constant 0 : i32
    %c0_i32_1 = arith.constant 0 : i32
    return %c0_i32, %c0_i32_0 : i32, i32
  }
  func.func @transform_6(%arg0: i32) -> (i32, i32) {
    %c0_i32 = arith.constant 0 : i32
    %c0_i32_0 = arith.constant 0 : i32
    return %arg0, %c0_i32 : i32, i32
  }
  func.func @transform_7(%arg0: i32) -> (i32, i32) {
    %c0_i32 = arith.constant 0 : i32
    %c0_i32_0 = arith.constant 0 : i32
    %c0_i32_1 = arith.constant 0 : i32
    return %c0_i32, %c0_i32_0 : i32, i32
  }
}

module attributes {stable_mosaic.version = 14 : i64} {
  func.func @_bn_body(%arg0: i32, %arg1: memref<400x256xf32, #tpu.memory_space<vmem>>, %arg2: memref<2x256xf32, #tpu.memory_space<vmem>>, %arg3: memref<1x256xf32, #tpu.memory_space<vmem>>, %arg4: memref<1x256xf32, #tpu.memory_space<vmem>>, %arg5: memref<400x256xf32, #tpu.memory_space<vmem>>) attributes {dimension_semantics = [#tpu.dimension_semantics<arbitrary>], iteration_bounds = array<i64: 25>, scalar_prefetch = 0 : i64, scratch_operands = 0 : i64, tpu.core_type = #tpu.core_type<tc>, window_params = [{transform_indices = @transform_0, window_bounds = array<i64: 400, 256>}, {pipeline_mode = #tpu.pipeline_mode<synchronous>, transform_indices = @transform_1, window_bounds = array<i64: 2, 256>}, {pipeline_mode = #tpu.pipeline_mode<synchronous>, transform_indices = @transform_2, window_bounds = array<i64: 1, 256>}, {pipeline_mode = #tpu.pipeline_mode<synchronous>, transform_indices = @transform_3, window_bounds = array<i64: 1, 256>}, {transform_indices = @transform_4, window_bounds = array<i64: 400, 256>}]} {
    %get3A = arith.constant 0 : index
    %get3A_0 = arith.constant 0 : index
    %get3A_1 = vector.load %arg2[%get3A, %get3A_0] : memref<2x256xf32, #tpu.memory_space<vmem>>, vector<1x256xf32>
    %get3A_2 = vector.shape_cast %get3A_1 : vector<1x256xf32> to vector<256xf32>
    %div3A = arith.constant 1.000000e+04 : f32
    %div3A_3 = vector.broadcast %div3A : f32 to vector<256xf32>
    %div3A_4 = arith.divf %get3A_2, %div3A_3 : vector<256xf32>
    %get3A_5 = arith.constant 1 : index
    %get3A_6 = arith.constant 0 : index
    %get3A_7 = vector.load %arg2[%get3A_5, %get3A_6] : memref<2x256xf32, #tpu.memory_space<vmem>>, vector<1x256xf32>
    %get3A_8 = vector.shape_cast %get3A_7 : vector<1x256xf32> to vector<256xf32>
    %div3A_9 = arith.constant 1.000000e+04 : f32
    %div3A_10 = vector.broadcast %div3A_9 : f32 to vector<256xf32>
    %div3A_11 = arith.divf %get3A_8, %div3A_10 : vector<256xf32>
    %mul3A = arith.mulf %div3A_4, %div3A_4 : vector<256xf32>
    %sub3A = arith.subf %div3A_11, %mul3A : vector<256xf32>
    %get3A_12 = arith.constant 0 : index
    %get3A_13 = arith.constant 0 : index
    %get3A_14 = vector.load %arg1[%get3A_12, %get3A_13] : memref<400x256xf32, #tpu.memory_space<vmem>>, vector<400x256xf32>
    %broadcast_in_dim3A = vector.shape_cast %div3A_4 : vector<256xf32> to vector<1x256xf32>
    %sub3A_15 = vector.broadcast %broadcast_in_dim3A : vector<1x256xf32> to vector<400x256xf32>
    %sub3A_16 = arith.subf %get3A_14, %sub3A_15 : vector<400x256xf32>
    %add3A = arith.constant 9.99999974E-6 : f32
    %add3A_17 = vector.broadcast %add3A : f32 to vector<256xf32>
    %add3A_18 = arith.addf %sub3A, %add3A_17 : vector<256xf32>
    %rsqrt3A = math.rsqrt %add3A_18 : vector<256xf32>
    %broadcast_in_dim3A_19 = vector.shape_cast %rsqrt3A : vector<256xf32> to vector<1x256xf32>
    %mul3A_20 = vector.broadcast %broadcast_in_dim3A_19 : vector<1x256xf32> to vector<400x256xf32>
    %mul3A_21 = arith.mulf %sub3A_16, %mul3A_20 : vector<400x256xf32>
    %get3A_22 = arith.constant 0 : index
    %get3A_23 = arith.constant 0 : index
    %get3A_24 = vector.load %arg3[%get3A_22, %get3A_23] : memref<1x256xf32, #tpu.memory_space<vmem>>, vector<1x256xf32>
    %get3A_25 = vector.shape_cast %get3A_24 : vector<1x256xf32> to vector<256xf32>
    %broadcast_in_dim3A_26 = vector.shape_cast %get3A_25 : vector<256xf32> to vector<1x256xf32>
    %mul3A_27 = vector.broadcast %broadcast_in_dim3A_26 : vector<1x256xf32> to vector<400x256xf32>
    %mul3A_28 = arith.mulf %mul3A_21, %mul3A_27 : vector<400x256xf32>
    %get3A_29 = arith.constant 0 : index
    %get3A_30 = arith.constant 0 : index
    %get3A_31 = vector.load %arg4[%get3A_29, %get3A_30] : memref<1x256xf32, #tpu.memory_space<vmem>>, vector<1x256xf32>
    %get3A_32 = vector.shape_cast %get3A_31 : vector<1x256xf32> to vector<256xf32>
    %broadcast_in_dim3A_33 = vector.shape_cast %get3A_32 : vector<256xf32> to vector<1x256xf32>
    %add3A_34 = vector.broadcast %broadcast_in_dim3A_33 : vector<1x256xf32> to vector<400x256xf32>
    %add3A_35 = arith.addf %mul3A_28, %add3A_34 : vector<400x256xf32>
    %max3A = arith.constant 0.000000e+00 : f32
    %max3A_36 = vector.broadcast %max3A : f32 to vector<400x256xf32>
    %max3A_37 = arith.maximumf %add3A_35, %max3A_36 : vector<400x256xf32>
    %swap3A = arith.constant 0 : index
    %swap3A_38 = arith.constant 0 : index
    %swap3A_39 = vector.load %arg5[%swap3A, %swap3A_38] : memref<400x256xf32, #tpu.memory_space<vmem>>, vector<400x256xf32>
    tpu.vector_store %arg5[%swap3A, %swap3A_38], %max3A_37 {strides = array<i32>} : memref<400x256xf32, #tpu.memory_space<vmem>>, vector<400x256xf32>,
    return
  }
  func.func @transform_0(%arg0: i32) -> (i32, i32) {
    %c0_i32 = arith.constant 0 : i32
    %c0_i32_0 = arith.constant 0 : i32
    return %arg0, %c0_i32 : i32, i32
  }
  func.func @transform_1(%arg0: i32) -> (i32, i32) {
    %c0_i32 = arith.constant 0 : i32
    %c0_i32_0 = arith.constant 0 : i32
    %c0_i32_1 = arith.constant 0 : i32
    return %c0_i32, %c0_i32_0 : i32, i32
  }
  func.func @transform_2(%arg0: i32) -> (i32, i32) {
    %c0_i32 = arith.constant 0 : i32
    %c0_i32_0 = arith.constant 0 : i32
    %c0_i32_1 = arith.constant 0 : i32
    return %c0_i32, %c0_i32_0 : i32, i32
  }
  func.func @transform_3(%arg0: i32) -> (i32, i32) {
    %c0_i32 = arith.constant 0 : i32
    %c0_i32_0 = arith.constant 0 : i32
    %c0_i32_1 = arith.constant 0 : i32
    return %c0_i32, %c0_i32_0 : i32, i32
  }
  func.func @transform_4(%arg0: i32) -> (i32, i32) {
    %c0_i32 = arith.constant 0 : i32
    %c0_i32_0 = arith.constant 0 : i32
    return %arg0, %c0_i32 : i32, i32
  }
}

</mosaic_0001>

<sc_bundles>
// kernel: kernel.10.cloned.1.call-start
scs
__scs_entry_jumppad:
0x0: {  	(pc) =	sbr.rel $0x88, $3  }
0x1: {  	(tag) =	ssettag $0x0;
	lr =	simm.s32 $0x1  }
0x2: {  	[smem:$0x3F96] =	sst lr;
	_ =	strace $0xD0000000  }
0x3: {  	_ = 	snop  }
0x4: {  	_ = 	snop  }
0x5: {  	_ = 	snop  }
0x6: {  	_ = 	snop  }
0x7: {  	_ = 	snop  }
__scs_overlays_trampoline_lowered:
0x8: {  	[smem:$0x3FA5] =	sst s0  }
0x9: {  	[smem:$0x3FA6] =	sst s1  }
0xa: {  	[smem:$0x3FA7] =	sst s2  }
0xb: {  	[smem:$0x3FA8] =	sst s3  }
0xc: {  	[smem:$0x3FA9] =	sst s4  }
0xd: {  	[smem:$0x3FAA] =	sst s5  }
0xe: {  	[smem:$0x3FAB] =	sst s6  }
0xf: {  	[smem:$0x3FAC] =	sst s7  }
0x10: {  	[smem:$0x3FAD] =	sst s8  }
0x11: {  	[smem:$0x3FAE] =	sst s9;
	s0 =	simm.s32 @!p0 $0x0  }
0x12: {  	s1 =	sld [smem:$0x3F94];
	s0 =	simm.s32 @p0 $0x1  }
0x13: {  	[smem:$0x3FAF] =	sst s0;
	s0 =	simm.s32 @!p1 $0x0  }
0x14: {  	s2 =	sld [smem:$0x3F93];
	s0 =	simm.s32 @p1 $0x1  }
0x15: {  	[smem:$0x3FB0] =	sst s0;
	s0 =	simm.s32 @!p2 $0x0  }
0x16: {  	s3 =	sld [smem:$0x3FDB];
	s0 =	simm.s32 @p2 $0x1  }
0x17: {  	s4 =	simm.s32 $0x1BF5;
	[smem:$0x3FB2] =	sst s0  }
0x18: {  	s0 =	sld [smem:$0x3F95];
	_ =	swait.ge [sflag:s4], $0x0  }
0x19: {  	s7 =	sld [smem:$0x3F96]  }
0x1a: {  	s8 =	sadd.s32 $0xFFFFE003, lr  }
0x1b: {  	s9 =	sadd.s32 $0xFFFFFEF7, lr;
	s5 =	simm.s32 $0xFFFFFFFF;
	p2 =	slt.u32 s8, $0xFFFFF086  }
0x1c: {  	p1 =	slt.u32 s9, $0xF7A;
	s5 =	simm.s32 @!p2 $0x0  }
0x1d: {  	s5 =	simm.s32 @p1 $0x1;
	p0 =	seq.s32 s7, s2  }
0x1e: {  	s7 =	smul.u32 @!p0 $0xF7A, s2;
	p2 =	seq.s32 @!p0 s5, $0x0  }
0x1f: {  	s9 =	smul.u32 $0xF7A, s1;
	s8 =	simm.s32 @!p0 $0x1BF5;
	p2 =	por !p2, p0  }
0x20: {  	[sflag:s8] =	ssyncset.s32 @!p0 $0xFFFFF086;
	s6 =	sadd.s32 @!p0 s3, s7;
	s7 =	simm.s32 @!p0 $0x108  }
0x21: {  	s3 =	sadd.s32 s3, s9;
	s6 =	sadd.s32 @!p0 $0x88, s6;
	s7 =	simm.s32 @p2 $0x1082  }
0x22: {  	[simem:s7], [sflag:s8] =	dma.local @!p0 [hbm:s6], $0xF7A  }
0x23: {  	s9 =	sor.u32 $0xD0000000, s2;
	s6 =	simm.s32 $0x108;
	_ =	swait.ge @!p0 [sflag:s8], $0x0  }
0x24: {  	s3 =	sadd.s32 $0x88, s3;
	s6 =	simm.s32 @!p1 $0x1082;
	[sflag:s4] =	ssyncset.s32 $0xFFFFF086  }
0x25: {  	[simem:s6], [sflag:s4] =	dma.local [hbm:s3], $0xF7A  }
0x26: {  	[smem:$0x3F96] =	sst s1;
	(tag) =	ssettag s2;
	_ =	strace s9  }
0x27: {  	s1 =	sld [smem:$0x3FA6]  }
0x28: {  	s2 =	sld [smem:$0x3FA7]  }
0x29: {  	s4 =	sld [smem:$0x3FA9]  }
0x2a: {  	p0 =	seq.s32 s5, $0x0;
	s5 =	sld [smem:$0x3FAA]  }
0x2b: {  	s6 =	sld [smem:$0x3FAB]  }
0x2c: {  	s7 =	sld [smem:$0x3FAC]  }
0x2d: {  	s3 =	simm.s32 $0x108;
	s8 =	sld [smem:$0x3FAD]  }
0x2e: {  	s3 =	simm.s32 @!p0 $0x1082;
	s9 =	sld [smem:$0x3FAE]  }
0x2f: {  	lr =	sadd.s32 s0, s3;
	s0 =	sld [smem:$0x3FA5]  }
0x30: {  	s3 =	sld [smem:$0x3FA8]  }
0x31: {  	[smem:$0x3FB1] =	sst s10  }
0x32: {  	s10 =	sld [smem:$0x3FAF];
	_ =	sdelay $0x3  }
0x33: {  	p0 =	seq.s32 s10, $0x1;
	s10 =	sld [smem:$0x3FB1];
	_ =	sdelay $0x3  }
0x34: {  	[smem:$0x3FB1] =	sst s10  }
0x35: {  	s10 =	sld [smem:$0x3FB0];
	_ =	sdelay $0x3  }
0x36: {  	p1 =	seq.s32 s10, $0x1;
	s10 =	sld [smem:$0x3FB1];
	_ =	sdelay $0x3  }
0x37: {  	[smem:$0x3FB1] =	sst s10  }
0x38: {  	s10 =	sld [smem:$0x3FB2]  }
0x39: {  	_ = 	snop;
	(pc) =	sbr.ind lr, $3  }
0x3a: {  	_ = 	snop  }
0x3b: {  	_ = 	snop  }
0x3c: {  	p2 =	seq.s32 s10, $0x1;
	s10 =	sld [smem:$0x3FB1]  }
0x3d: {  	_ =	shalt  }
0x3e: {  	_ =	shalt  }
0x3f: {  	_ =	shalt  }
0x40: {  	_ =	shalt  }
0x41: {  	_ =	shalt  }
0x42: {  	_ =	shalt  }
0x43: {  	_ =	shalt  }
0x44: {  	_ =	shalt  }
0x45: {  	_ =	shalt  }
0x46: {  	_ =	shalt  }
0x47: {  	_ =	shalt  }
0x48: {  	_ =	shalt  }
0x49: {  	_ =	shalt  }
0x4a: {  	_ =	shalt  }
0x4b: {  	_ =	shalt  }
0x4c: {  	_ =	shalt  }
0x4d: {  	_ =	shalt  }
0x4e: {  	_ =	shalt  }
0x4f: {  	_ =	shalt  }
0x50: {  	_ =	shalt  }
0x51: {  	_ =	shalt  }
0x52: {  	_ =	shalt  }
0x53: {  	_ =	shalt  }
0x54: {  	_ =	shalt  }
0x55: {  	_ =	shalt  }
0x56: {  	_ =	shalt  }
0x57: {  	_ =	shalt  }
0x58: {  	_ =	shalt  }
0x59: {  	_ =	shalt  }
0x5a: {  	_ =	shalt  }
0x5b: {  	_ =	shalt  }
0x5c: {  	_ =	shalt  }
0x5d: {  	_ =	shalt  }
0x5e: {  	_ =	shalt  }
0x5f: {  	_ =	shalt  }
0x60: {  	_ =	shalt  }
0x61: {  	_ =	shalt  }
0x62: {  	_ =	shalt  }
0x63: {  	_ =	shalt  }
0x64: {  	_ =	shalt  }
0x65: {  	_ =	shalt  }
0x66: {  	_ =	shalt  }
0x67: {  	_ =	shalt  }
0x68: {  	_ =	shalt  }
0x69: {  	_ =	shalt  }
0x6a: {  	_ =	shalt  }
0x6b: {  	_ =	shalt  }
0x6c: {  	_ =	shalt  }
0x6d: {  	_ =	shalt  }
0x6e: {  	_ =	shalt  }
0x6f: {  	_ =	shalt  }
0x70: {  	_ =	shalt  }
0x71: {  	_ =	shalt  }
0x72: {  	_ =	shalt  }
0x73: {  	_ =	shalt  }
0x74: {  	_ =	shalt  }
0x75: {  	_ =	shalt  }
0x76: {  	_ =	shalt  }
0x77: {  	_ =	shalt  }
0x78: {  	_ =	shalt  }
0x79: {  	_ =	shalt  }
0x7a: {  	_ =	shalt  }
0x7b: {  	_ =	shalt  }
0x7c: {  	_ =	shalt  }
0x7d: {  	_ =	shalt  }
0x7e: {  	_ =	shalt  }
0x7f: {  	_ =	shalt  }
0x80: {  	_ =	shalt  }
0x81: {  	_ =	shalt  }
0x82: {  	_ =	shalt  }
0x83: {  	_ =	shalt  }
0x84: {  	_ =	shalt  }
0x85: {  	_ =	shalt  }
0x86: {  	_ =	shalt  }
0x87: {  	_ =	shalt  }
.Lfunc_end0:
.L_simem_size_0:
called_computation_lowered:
.L_overlay_start_0:
0x88: {  	s2 =	sld [smem:$0x3FD9]  }
0x89: {  	s3 =	sld [smem:$0x3FFE];
	_ =	sdelay $0x1  }
0x8a: {  	s1 =	srdreg.scid  }
0x8b: {  	s0 =	sand.u32 $0x1, s1  }
0x8c: {  	s17 =	sshll.u32 s0, $0xA;
	s2 =	sadd.s32 s3, s2  }
0x8d: {  	s2 =	sadd.s32 s2, s17  }
0x8e: {  	[smem:$0x3FBD] =	sst s2  }
0x8f: {  	_ = 	snop  }
0x90: {  	s2 =	sld [smem:$0x3FD0];
	(tm) =	ssettm $0x1  }
0x91: {  	s18 =	sld [smem:$0x3FFB];
	_ =	sdelay $0x3  }
0x92: {  	_ =	strace s18  }
0x93: {  	s3 =	sld [smem:$0x3FFC];
	_ =	sdelay $0x3  }
0x94: {  	_ =	strace s3  }
0x95: {  	s3 =	sld [smem:$0x3FFD];
	_ =	sdelay $0x3  }
0x96: {  	_ =	strace s3  }
0x97: {  	_ =	strace $0x8FFFFFFF  }
0x98: {  	s19 =	sld [smem:$0x3FDB];
	_ =	sdelay $0x1  }
0x99: {  	s4 =	simm.s32 $_scs_section_size  }
0x9a: {  	s5 =	simm.s32 $_size__tile_overlayer_lowered;
	s6 =	simm.s32 $_tile_overlayer_lowered  }
0x9b: {  	s22 =	simm.s32 $0x1BFF;
	s21 =	sshll.u32 s6, $0x1;
	s3 =	sadd.s32 s4, s19  }
0x9c: {  	s7 =	simm.s32 $0x0;
	s20 =	sshll.u32 s5, $0x1;
	s5 =	sadd.s32 s21, s3  }
0x9d: {  	[timem:s7], [sflag:s22] =	dma.local [hbm:s5], s20  }
0x9e: {  	_ =	swait.ge [sflag:s22], s20  }
0x9f: {  	s4 =	ssub.s32 $0x0, s20;
	[sflag:s22] =	ssyncset.done $0x0  }
0xa0: {  	[sflag:s22] =	ssyncadd.s32 s4;
	_ =	sdelay $0x1  }
0xa1: {  	s23 =	simm.s32 $0x1B8B  }
0xa2: {  	_ =	swait.ge [sflag:s23], $0x1  }
0xa3: {  	[sflag:s23] =	ssyncset.done $0x0  }
0xa4: {  	s25 =	simm.s32 $0x1B8E;
	s24 =	sld [smem:$0x3FFE];
	[sflag:s23] =	ssyncadd.s32 $0xFFFFFFFF  }
0xa5: {  	s26 =	simm.s32 $execute0_lowered;
	[smem:$0x3FD2] =	sst s25  }
0xa6: {  	s5 =	sshll.u32 s26, $0x1;
	_ =	strace $0x80000046;
	[dreg:$0x1] =	wrdreg $0xFFFFFFFF  }
0xa7: {  	s28 =	simm.s32 $_size_execute0_lowered;
	s3 =	sadd.s32 s3, s5;
	[dreg:$0x0] =	wrdreg $0x0  }
0xa8: {  	s5 =	sshll.u32 s28, $0x1;
	[dreg:$0x2] =	wrdreg s3  }
0xa9: {  	[dreg:$0x3] =	wrdreg s5  }
0xaa: {  	[dreg:$0x4] =	wrdreg $0xC0  }
0xab: {  	_ =	task [dreg:s7], $0x5FFFF  }
0xac: {  	[dreg:$0x1] =	wrdreg $0xFFFFFFFF  }
0xad: {  	[dreg:$0x0] =	wrdreg $0x60  }
0xae: {  	[dreg:$0x2] =	wrdreg s24  }
0xaf: {  	[dreg:$0x3] =	wrdreg s2  }
0xb0: {  	[dreg:$0x4] =	wrdreg $0x9  }
0xb1: {  	_ =	task.clear_ibuf [dreg:s7], $0x5FFFF;
	_ =	strace $0x90000046  }
0xb2: {  	s29 =	simm.s32 $0x9;
	_ =	strace $0x80000048  }
0xb3: {  	_ =	swait.ge [sflag:s29], $0x1  }
0xb4: {  	[sflag:s29] =	ssyncadd.s32 $0xFFFFFFFF  }
0xb5: {  	_ =	strace $0x90000048  }
0xb6: {  	_ =	sfence  }
0xb7: {  	s30 =	sld [smem:$0x0];
	_ =	sdelay $0x2  }
0xb8: {  	s31 =	sshll.u32 s1, $0xD;
	s1 =	sshrl.u32 s1, $0x2  }
0xb9: {  	s3 =	sand.u32 $0x4000, s31;
	s1 =	sadd.s32 s1, s30  }
0xba: {  	s0 =	sor.u32 s3, s0;
	s1 =	sshll.u32 s1, $0x11  }
0xbb: {  	s0 =	sor.u32 s1, s0  }
0xbc: {  	s0 =	sadd.s32 $0x8F2B, s0  }
0xbd: {  	[sflag:s0] =	ssyncadd.remote.s32 $0x1  }
0xbe: {  	_ =	sfence.sel $0xFFFF  }
0xbf: {  	[dreg:$0x0] =	wrdreg $0xFFFFFFFF;
	(pc) =	sbr.abs _section_cstart, $3  }
0xc0: {  	[dreg:$0x1] =	wrdreg $0xFFFFFFFF  }
0xc1: {  	_ =	task.clear_ibuf [dreg:s7], $0x2FFFF;
	_ =	strace $0x9FFFFFFF  }
0xc2: {  	(tm) =	ssettm $0x7FFFFFFF  }
0xc3: {  	_ =	shalt  }
tec
execute0_lowered:
.L_overlay_start_1:
0x0: {  	(tag) =	ssettag $0x1  }
0x1: {  	s3 =	rddreg [dreg:$0x0]  }
0x2: {  	s1 =	srdreg.scid;
	s0 =	stileid.u32  }
0x3: {  	s4 =	rddreg [dreg:$0x1];
	s9 =	simm.s32 $0x400;
	s10 =	simm.s32 $0x0  }
0x4: {  	s5 =	sand.u32 $0x1, s1;
	s2 =	sshll.u32 s0, $0x1;
	s1 =	rddreg [dreg:$0x2]  }
0x5: {  	s7 =	sshrl.u32 s0, $0x2;
	s6 =	sor.u32 s5, s2;
	s2 =	simm.s32 $0x0  }
0x6: {  	s7 =	smul.u32 $0x13C00, s7;
	s5 =	ssub.s32 $0x2, s5;
	s8 =	sshll.u32 s6, $0x7  }
0x7: {  	[smem:$0x7FF] =	sst s2;
	s6 =	smul.u32 $0x271, s6;
	s31 =	sshrl.u32 s5, $0x1  }
0x8: {  	s8 =	sand.u32 $0x380, s8;
	_ =	strace $0x80000047;
	s5 =	ssub.s32 s5, s31  }
0x9: {  	s7 =	sor.u32 s7, s8;
	s3 =	sadd.s32 s6, s3;
	s5 =	smax.u32 s5, $0x1  }
0xa: {  	s6 =	simm.s32 $0x1;
	s8 =	simm.s32 $0x80;
	s7 =	sshrl.u32 s7, $0x3  }
0xb: {  	v0 =	vimm.f32 $0.0e+00;
	v1 =	vimm.f32 $1.000000000e+00;
	s3 =	sadd.s32 $0x1C00, s3;
	s4 =	sadd.s32 s4, s7;
	s7 =	simm.s32 $0x1400  }
.LBB2_1:
0xc: {  	[tilespmem:s2], [sflag:$0x1] =	stream.linear.gather [hbm4b:s3+s2], $0x1388, $0x38;
	[tilespmem:$0x3B80] =	vst v63  }
0xd: {  	_ =	swait.ge [sflag:s6], $0x1388  }
0xe: {  	[sflag:s6] =	ssyncset.done $0x0  }
0xf: {  	s11 =	simm.s32 $0x0;
	[sflag:s6] =	ssyncadd.s32 $0xFFFFEC78  }
.LBB2_2:
0x10: {  	p0 =	sne.s32 s11, $0x9C00  }
.Ltmp0:
0x11: {  	_ = 	snop;
	(pc) =	sbr.rel @p0 .LBB2_2-.Ltmp0, $3  }
0x12: {  	_ =	sdelay $0x1  }
0x13: {  	s12 =	sshra.s32 s11, $0x2  }
0x14: {  	s11 =	sadd.s32 $0x40, s11;
	[tilespmem:s12+$0x1400] =	vst v0  }
0x15: {  	s12 =	simm.s32 $0x0;
	s11 =	simm.s32 $0x40  }
.LBB2_4:
0x16: {  	p0 =	sne.s32 s11, $0x4DC0;
	v2 =	vld [tilespmem:s12+$0x0];
	_ =	sdelay $0x3  }
.Ltmp1:
0x17: {  	(pc) =	sbr.rel @p0 .LBB2_4-.Ltmp1, $2  }
0x18: {  	_ =	sdelay $0x2  }
0x19: {  	s12 =	sshra.s32 s11, $0x2;
	s11 =	sadd.s32 $0x40, s11;
	[tilespmem:v2+s7+$0x0] =	vst.idx.add.f32.msk $0xffff, v1  }
0x1a: {  	v2 =	vld [tilespmem:s12+$0x0];
	_ =	sdelay $0x7  }
0x1b: {  	[tilespmem:v2+s7+$0x0] =	vst.idx.add.f32.msk $0xffff, v1  }
0x1c: {  	v2 =	vld [tilespmem:$0x1380];
	_ =	sdelay $0x5  }
0x1d: {  	s10 =	sadd.s32 $0x1, s10  }
0x1e: {  	p0 =	sne.s32 s10, s5  }
.Ltmp2:
0x1f: {  	[tilespmem:v2+s7+$0x0] =	vst.idx.add.f32.msk $0xff, v1;
	(pc) =	sbr.rel @p0 .LBB2_1-.Ltmp2, $4  }
0x20: {  	[hbm4b:s4+s8] =	stream.strided.scatter [tilespmem:s7], [sflag:$0x1], $0x2780, s9, s8, $0x38;
	[tilespmem:$0x3B80] =	vst v63  }
0x21: {  	_ =	swait.ge [sflag:s6], $0x2780  }
0x22: {  	[sflag:s6] =	ssyncset.done $0x0  }
0x23: {  	[sflag:s6] =	ssyncadd.s32 $0xFFFFD880  }
0x24: {  	_ =	sfence.sel $0x180000  }
0x25: {  	[bflag:$0x0] =	sbarrier.arrive $0xFFFF  }
0x26: {  	p0 =	sne.s32 s0, $0x0;
	_ =	strace $0x90000047  }
0x27: {  	s0 =	sadd.s32 @!p0 $0x100000, s1;
	[bflag:$0x2] =	sbarrier.arrive $0xFFFF  }
0x28: {  	[sflag:s0] =	ssyncadd.tile.s32 @!p0 $0x1;
	_ =	shalt  }
.Lfunc_end2:
_tile_overlayer_lowered:
.L_overlay_start_2:
0x29: {  	(tag) =	ssettag $0x2  }
0x2a: {  	s0 =	rddreg [dreg:$0x0];
	s2 =	stileid.u32  }
0x2b: {  	s1 =	rddreg [dreg:$0x1];
	p0 =	sne.s32 s2, $0x0  }
0x2c: {  	s3 =	rddreg [dreg:$0x2];
	[bflag:$0x3] =	sbarrier.arrive $0xFFFF;
	s2 =	simm.s32 @!p0 $0x1C01  }
0x2d: {  	[timem:s3], [sflag:s2] =	dma.local @!p0 [hbm:s0], s1  }
0x2e: {  	s0 =	simm.s32 @!p0 $0x1  }
0x2f: {  	_ =	swait.ge @!p0 [sflag:s0], s1  }
0x30: {  	s1 =	ssub.s32 @!p0 $0x0, s1;
	[sflag:s0] =	ssyncset.done @!p0 $0x0  }
0x31: {  	[sflag:s0] =	ssyncadd.s32 @!p0 s1  }
0x32: {  	[bflag:$0x3] =	sbarrier.arrive $0xFFFF  }
0x33: {  	_ =	shalt  }

// kernel: kernel.13.cloned.1.call-start
scs
__scs_entry_jumppad:
0x0: {  	(pc) =	sbr.rel $0x88, $3  }
0x1: {  	(tag) =	ssettag $0x0;
	lr =	simm.s32 $0x1  }
0x2: {  	[smem:$0x3F96] =	sst lr;
	_ =	strace $0xD0000000  }
0x3: {  	_ = 	snop  }
0x4: {  	_ = 	snop  }
0x5: {  	_ = 	snop  }
0x6: {  	_ = 	snop  }
0x7: {  	_ = 	snop  }
__scs_overlays_trampoline_lowered:
0x8: {  	[smem:$0x3FA5] =	sst s0  }
0x9: {  	[smem:$0x3FA6] =	sst s1  }
0xa: {  	[smem:$0x3FA7] =	sst s2  }
0xb: {  	[smem:$0x3FA8] =	sst s3  }
0xc: {  	[smem:$0x3FA9] =	sst s4  }
0xd: {  	[smem:$0x3FAA] =	sst s5  }
0xe: {  	[smem:$0x3FAB] =	sst s6  }
0xf: {  	[smem:$0x3FAC] =	sst s7  }
0x10: {  	[smem:$0x3FAD] =	sst s8  }
0x11: {  	[smem:$0x3FAE] =	sst s9;
	s0 =	simm.s32 @!p0 $0x0  }
0x12: {  	s1 =	sld [smem:$0x3F94];
	s0 =	simm.s32 @p0 $0x1  }
0x13: {  	[smem:$0x3FAF] =	sst s0;
	s0 =	simm.s32 @!p1 $0x0  }
0x14: {  	s2 =	sld [smem:$0x3F93];
	s0 =	simm.s32 @p1 $0x1  }
0x15: {  	[smem:$0x3FB0] =	sst s0;
	s0 =	simm.s32 @!p2 $0x0  }
0x16: {  	s3 =	sld [smem:$0x3FDB];
	s0 =	simm.s32 @p2 $0x1  }
0x17: {  	s4 =	simm.s32 $0x1BF5;
	[smem:$0x3FB2] =	sst s0  }
0x18: {  	s0 =	sld [smem:$0x3F95];
	_ =	swait.ge [sflag:s4], $0x0  }
0x19: {  	s7 =	sld [smem:$0x3F96]  }
0x1a: {  	s8 =	sadd.s32 $0xFFFFE003, lr  }
0x1b: {  	s9 =	sadd.s32 $0xFFFFFEF7, lr;
	s5 =	simm.s32 $0xFFFFFFFF;
	p2 =	slt.u32 s8, $0xFFFFF086  }
0x1c: {  	p1 =	slt.u32 s9, $0xF7A;
	s5 =	simm.s32 @!p2 $0x0  }
0x1d: {  	s5 =	simm.s32 @p1 $0x1;
	p0 =	seq.s32 s7, s2  }
0x1e: {  	s7 =	smul.u32 @!p0 $0xF7A, s2;
	p2 =	seq.s32 @!p0 s5, $0x0  }
0x1f: {  	s9 =	smul.u32 $0xF7A, s1;
	s8 =	simm.s32 @!p0 $0x1BF5;
	p2 =	por !p2, p0  }
0x20: {  	[sflag:s8] =	ssyncset.s32 @!p0 $0xFFFFF086;
	s6 =	sadd.s32 @!p0 s3, s7;
	s7 =	simm.s32 @!p0 $0x108  }
0x21: {  	s3 =	sadd.s32 s3, s9;
	s6 =	sadd.s32 @!p0 $0x88, s6;
	s7 =	simm.s32 @p2 $0x1082  }
0x22: {  	[simem:s7], [sflag:s8] =	dma.local @!p0 [hbm:s6], $0xF7A  }
0x23: {  	s9 =	sor.u32 $0xD0000000, s2;
	s6 =	simm.s32 $0x108;
	_ =	swait.ge @!p0 [sflag:s8], $0x0  }
0x24: {  	s3 =	sadd.s32 $0x88, s3;
	s6 =	simm.s32 @!p1 $0x1082;
	[sflag:s4] =	ssyncset.s32 $0xFFFFF086  }
0x25: {  	[simem:s6], [sflag:s4] =	dma.local [hbm:s3], $0xF7A  }
0x26: {  	[smem:$0x3F96] =	sst s1;
	(tag) =	ssettag s2;
	_ =	strace s9  }
0x27: {  	s1 =	sld [smem:$0x3FA6]  }
0x28: {  	s2 =	sld [smem:$0x3FA7]  }
0x29: {  	s4 =	sld [smem:$0x3FA9]  }
0x2a: {  	p0 =	seq.s32 s5, $0x0;
	s5 =	sld [smem:$0x3FAA]  }
0x2b: {  	s6 =	sld [smem:$0x3FAB]  }
0x2c: {  	s7 =	sld [smem:$0x3FAC]  }
0x2d: {  	s3 =	simm.s32 $0x108;
	s8 =	sld [smem:$0x3FAD]  }
0x2e: {  	s3 =	simm.s32 @!p0 $0x1082;
	s9 =	sld [smem:$0x3FAE]  }
0x2f: {  	lr =	sadd.s32 s0, s3;
	s0 =	sld [smem:$0x3FA5]  }
0x30: {  	s3 =	sld [smem:$0x3FA8]  }
0x31: {  	[smem:$0x3FB1] =	sst s10  }
0x32: {  	s10 =	sld [smem:$0x3FAF];
	_ =	sdelay $0x3  }
0x33: {  	p0 =	seq.s32 s10, $0x1;
	s10 =	sld [smem:$0x3FB1];
	_ =	sdelay $0x3  }
0x34: {  	[smem:$0x3FB1] =	sst s10  }
0x35: {  	s10 =	sld [smem:$0x3FB0];
	_ =	sdelay $0x3  }
0x36: {  	p1 =	seq.s32 s10, $0x1;
	s10 =	sld [smem:$0x3FB1];
	_ =	sdelay $0x3  }
0x37: {  	[smem:$0x3FB1] =	sst s10  }
0x38: {  	s10 =	sld [smem:$0x3FB2]  }
0x39: {  	_ = 	snop;
	(pc) =	sbr.ind lr, $3  }
0x3a: {  	_ = 	snop  }
0x3b: {  	_ = 	snop  }
0x3c: {  	p2 =	seq.s32 s10, $0x1;
	s10 =	sld [smem:$0x3FB1]  }
0x3d: {  	_ =	shalt  }
0x3e: {  	_ =	shalt  }
0x3f: {  	_ =	shalt  }
0x40: {  	_ =	shalt  }
0x41: {  	_ =	shalt  }
0x42: {  	_ =	shalt  }
0x43: {  	_ =	shalt  }
0x44: {  	_ =	shalt  }
0x45: {  	_ =	shalt  }
0x46: {  	_ =	shalt  }
0x47: {  	_ =	shalt  }
0x48: {  	_ =	shalt  }
0x49: {  	_ =	shalt  }
0x4a: {  	_ =	shalt  }
0x4b: {  	_ =	shalt  }
0x4c: {  	_ =	shalt  }
0x4d: {  	_ =	shalt  }
0x4e: {  	_ =	shalt  }
0x4f: {  	_ =	shalt  }
0x50: {  	_ =	shalt  }
0x51: {  	_ =	shalt  }
0x52: {  	_ =	shalt  }
0x53: {  	_ =	shalt  }
0x54: {  	_ =	shalt  }
0x55: {  	_ =	shalt  }
0x56: {  	_ =	shalt  }
0x57: {  	_ =	shalt  }
0x58: {  	_ =	shalt  }
0x59: {  	_ =	shalt  }
0x5a: {  	_ =	shalt  }
0x5b: {  	_ =	shalt  }
0x5c: {  	_ =	shalt  }
0x5d: {  	_ =	shalt  }
0x5e: {  	_ =	shalt  }
0x5f: {  	_ =	shalt  }
0x60: {  	_ =	shalt  }
0x61: {  	_ =	shalt  }
0x62: {  	_ =	shalt  }
0x63: {  	_ =	shalt  }
0x64: {  	_ =	shalt  }
0x65: {  	_ =	shalt  }
0x66: {  	_ =	shalt  }
0x67: {  	_ =	shalt  }
0x68: {  	_ =	shalt  }
0x69: {  	_ =	shalt  }
0x6a: {  	_ =	shalt  }
0x6b: {  	_ =	shalt  }
0x6c: {  	_ =	shalt  }
0x6d: {  	_ =	shalt  }
0x6e: {  	_ =	shalt  }
0x6f: {  	_ =	shalt  }
0x70: {  	_ =	shalt  }
0x71: {  	_ =	shalt  }
0x72: {  	_ =	shalt  }
0x73: {  	_ =	shalt  }
0x74: {  	_ =	shalt  }
0x75: {  	_ =	shalt  }
0x76: {  	_ =	shalt  }
0x77: {  	_ =	shalt  }
0x78: {  	_ =	shalt  }
0x79: {  	_ =	shalt  }
0x7a: {  	_ =	shalt  }
0x7b: {  	_ =	shalt  }
0x7c: {  	_ =	shalt  }
0x7d: {  	_ =	shalt  }
0x7e: {  	_ =	shalt  }
0x7f: {  	_ =	shalt  }
0x80: {  	_ =	shalt  }
0x81: {  	_ =	shalt  }
0x82: {  	_ =	shalt  }
0x83: {  	_ =	shalt  }
0x84: {  	_ =	shalt  }
0x85: {  	_ =	shalt  }
0x86: {  	_ =	shalt  }
0x87: {  	_ =	shalt  }
.Lfunc_end0:
.L_simem_size_0:
called_computation.1_lowered:
.L_overlay_start_0:
0x88: {  	s2 =	sld [smem:$0x3FD9]  }
0x89: {  	s3 =	sld [smem:$0x3FFE];
	_ =	sdelay $0x1  }
0x8a: {  	s1 =	srdreg.scid  }
0x8b: {  	s0 =	sand.u32 $0x1, s1  }
0x8c: {  	s16 =	sshll.u32 s0, $0xA;
	s2 =	sadd.s32 s3, s2  }
0x8d: {  	s2 =	sadd.s32 s2, s16  }
0x8e: {  	[smem:$0x3FBD] =	sst s2  }
0x8f: {  	_ = 	snop  }
0x90: {  	(tm) =	ssettm $0x1  }
0x91: {  	s17 =	sld [smem:$0x3FFB];
	_ =	sdelay $0x3  }
0x92: {  	_ =	strace s17  }
0x93: {  	s2 =	sld [smem:$0x3FFC];
	_ =	sdelay $0x3  }
0x94: {  	_ =	strace s2  }
0x95: {  	s2 =	sld [smem:$0x3FFD];
	_ =	sdelay $0x3  }
0x96: {  	_ =	strace s2  }
0x97: {  	_ =	strace $0x8FFFFFFF  }
0x98: {  	s18 =	sld [smem:$0x3FDB];
	_ =	sdelay $0x1  }
0x99: {  	s19 =	simm.s32 $_scs_section_size  }
0x9a: {  	s4 =	simm.s32 $_size__tile_overlayer_lowered;
	s5 =	simm.s32 $_tile_overlayer_lowered  }
0x9b: {  	s22 =	simm.s32 $0x1BFF;
	s21 =	sshll.u32 s5, $0x1;
	s2 =	sadd.s32 s19, s18  }
0x9c: {  	s6 =	simm.s32 $0x0;
	s20 =	sshll.u32 s4, $0x1;
	s4 =	sadd.s32 s21, s2  }
0x9d: {  	[timem:s6], [sflag:s22] =	dma.local [hbm:s4], s20  }
0x9e: {  	_ =	swait.ge [sflag:s22], s20  }
0x9f: {  	s3 =	ssub.s32 $0x0, s20;
	[sflag:s22] =	ssyncset.done $0x0  }
0xa0: {  	[sflag:s22] =	ssyncadd.s32 s3;
	_ =	sdelay $0x1  }
0xa1: {  	s23 =	simm.s32 $0x1B8B  }
0xa2: {  	_ =	swait.ge [sflag:s23], $0x1  }
0xa3: {  	[sflag:s23] =	ssyncset.done $0x0  }
0xa4: {  	s25 =	simm.s32 $0x1B8E;
	s24 =	sld [smem:$0x3FFE];
	[sflag:s23] =	ssyncadd.s32 $0xFFFFFFFF  }
0xa5: {  	s26 =	simm.s32 $execute0_lowered;
	[smem:$0x3FD2] =	sst s25  }
0xa6: {  	s4 =	sshll.u32 s26, $0x1;
	_ =	strace $0x80000049;
	[dreg:$0x1] =	wrdreg $0xFFFFFFFF  }
0xa7: {  	s28 =	simm.s32 $_size_execute0_lowered;
	s2 =	sadd.s32 s2, s4;
	[dreg:$0x0] =	wrdreg $0x0  }
0xa8: {  	s4 =	sshll.u32 s28, $0x1;
	[dreg:$0x2] =	wrdreg s2  }
0xa9: {  	[dreg:$0x3] =	wrdreg s4  }
0xaa: {  	[dreg:$0x4] =	wrdreg $0xC0  }
0xab: {  	_ =	task [dreg:s6], $0x5FFFF  }
0xac: {  	[dreg:$0x1] =	wrdreg $0xFFFFFFFF  }
0xad: {  	[dreg:$0x0] =	wrdreg $0x60  }
0xae: {  	[dreg:$0x2] =	wrdreg s24  }
0xaf: {  	[dreg:$0x3] =	wrdreg $0x9  }
0xb0: {  	_ =	task.clear_ibuf [dreg:s6], $0x4FFFF;
	_ =	strace $0x90000049  }
0xb1: {  	s29 =	simm.s32 $0x9;
	_ =	strace $0x8000004B  }
0xb2: {  	_ =	swait.ge [sflag:s29], $0x1  }
0xb3: {  	[sflag:s29] =	ssyncadd.s32 $0xFFFFFFFF  }
0xb4: {  	_ =	strace $0x9000004B  }
0xb5: {  	_ =	sfence  }
0xb6: {  	s30 =	sld [smem:$0x0];
	_ =	sdelay $0x2  }
0xb7: {  	s31 =	sshll.u32 s1, $0xD;
	s1 =	sshrl.u32 s1, $0x2  }
0xb8: {  	s3 =	sand.u32 $0x4000, s31;
	s1 =	sadd.s32 s1, s30  }
0xb9: {  	s0 =	sor.u32 s3, s0;
	s1 =	sshll.u32 s1, $0x11  }
0xba: {  	s0 =	sor.u32 s1, s0  }
0xbb: {  	s0 =	sadd.s32 $0x8F2B, s0  }
0xbc: {  	[sflag:s0] =	ssyncadd.remote.s32 $0x1  }
0xbd: {  	_ =	sfence.sel $0xFFFF  }
0xbe: {  	[dreg:$0x0] =	wrdreg $0xFFFFFFFF;
	(pc) =	sbr.abs _section_cstart, $3  }
0xbf: {  	[dreg:$0x1] =	wrdreg $0xFFFFFFFF  }
0xc0: {  	_ =	task.clear_ibuf [dreg:s6], $0x2FFFF;
	_ =	strace $0x9FFFFFFF  }
0xc1: {  	(tm) =	ssettm $0x7FFFFFFF  }
tec
execute0_lowered:
.L_overlay_start_1:
0x0: {  	(tag) =	ssettag $0x1  }
0x1: {  	s6 =	rddreg [dreg:$0x0]  }
0x2: {  	s0 =	rddreg [dreg:$0x1];
	s3 =	srdreg.scid  }
0x3: {  	s1 =	stileid.u32;
	s2 =	simm.s32 $0x0;
	s5 =	sand.u32 $0x1, s3  }
0x4: {  	s31 =	sshll.u32 s1, $0x1;
	[smem:$0x7FF] =	sst s2;
	s3 =	sadd.s32 $0x6C00, s6  }
0x5: {  	s4 =	sadd.s32 $0x1C00, s6;
	s10 =	sadd.s32 $0xA8000, s6;
	s7 =	sor.u32 s5, s31  }
0x6: {  	s15 =	sadd.s32 $0xF9800, s6;
	_ =	strace $0x8000004A;
	s8 =	smul.u32 $0x13C0, s7  }
0x7: {  	s11 =	ssub.s32 $0x2, s5;
	s9 =	smul.u32 $0x2780, s7;
	s7 =	sor.u32 $0x20, s7  }
0x8: {  	s5 =	sadd.s32 $0xF7000, s6;
	s13 =	sshrl.u32 s11, $0x1;
	s12 =	smul.u32 $0x13C0, s7  }
0x9: {  	s14 =	smul.u32 $0x2780, s7;
	s11 =	ssub.s32 s11, s13;
	s13 =	simm.s32 $0x1DA00  }
0xa: {  	s6 =	sadd.s32 s10, s8;
	s7 =	sadd.s32 s15, s9;
	s8 =	sadd.s32 s10, s12  }
0xb: {  	s9 =	sadd.s32 s15, s14;
	s10 =	smax.u32 s11, $0x1;
	s11 =	simm.s32 $0x1  }
0xc: {  	s12 =	simm.s32 $0x9E00;
	s14 =	simm.s32 $0x1EA00;
	s15 =	simm.s32 $0x0  }
.LBB2_1:
0xd: {  	[tilespmem:s2], [sflag:$0x1] =	stream.linear.gather [hbm4b:s6+s2], $0x9E00, $0x38;
	[tilespmem:$0x1FA00] =	vst v63  }
0xe: {  	_ =	swait.ge [sflag:s11], $0x9E00  }
0xf: {  	[sflag:s11] =	ssyncset.done $0x0  }
0x10: {  	[sflag:s11] =	ssyncadd.s32 $0xFFFF6200  }
0x11: {  	[tilespmem:s12], [sflag:$0x1] =	stream.linear.gather [hbm4b:s5+s2], $0x13C00, $0x38;
	[tilespmem:$0x1FA00] =	vst v63  }
0x12: {  	_ =	swait.ge [sflag:s11], $0x13C00  }
0x13: {  	[sflag:s11] =	ssyncset.done $0x0  }
0x14: {  	s16 =	simm.s32 $0x0;
	[sflag:s11] =	ssyncadd.s32 $0xFFFEC400  }
.LBB2_2:
0x15: {  	s17 =	smul.u32 $0x1F4, s16;
	_ =	sdelay $0x1  }
0x16: {  	s19 =	simm.s32 $0x0;
	s18 =	sadd.s32 s3, s17  }
0x17: {  	[tilespmem:s13], [sflag:$0x1] =	stream.linear.gather [hbm4b:s18+s19], $0xFA0, $0x38;
	[tilespmem:$0x1FA00] =	vst v63  }
0x18: {  	_ =	swait.ge [sflag:s11], $0xFA0  }
0x19: {  	[sflag:s11] =	ssyncset.done $0x0  }
0x1a: {  	s17 =	sadd.s32 s4, s17;
	[sflag:s11] =	ssyncadd.s32 $0xFFFFF060  }
0x1b: {  	[tilespmem:s14], [sflag:$0x1] =	stream.linear.gather [hbm4b:s17+s19], $0xFA0, $0x38;
	[tilespmem:$0x1FA00] =	vst v63  }
0x1c: {  	_ =	swait.ge [sflag:s11], $0xFA0  }
0x1d: {  	[sflag:s11] =	ssyncset.done $0x0  }
0x1e: {  	s17 =	simm.s32 $0x1EA50;
	[sflag:s11] =	ssyncadd.s32 $0xFFFFF060  }
0x1f: {  	s18 =	simm.s32 $0x1DA50;
	v0 =	vld [tilespmem:s17+$0x40]  }
0x20: {  	v1 =	vld [tilespmem:s18+$0xFFFFFFB0]  }
0x21: {  	v4 =	vld [tilespmem:s17+$0x20]  }
0x22: {  	v6 =	vld [tilespmem:s17+$0x10]  }
0x23: {  	v8 =	vld [tilespmem:s17+$0x0]  }
0x24: {  	v10 =	vld [tilespmem:s17+$0xFFFFFFF0]  }
0x25: {  	v12 =	vld [tilespmem:s17+$0xFFFFFFE0]  }
0x26: {  	v13 =	vld [tilespmem:s17+$0xFFFFFFD0]  }
0x27: {  	v3 =	vld [tilespmem:s17+$0xFFFFFFB0];
	v2 =	vshll.u32 v1, $0x2  }
0x28: {  	v15 =	vld [tilespmem:s17+$0xFFFFFFC0];
	v1 =	vand.u32 $0x7F, v1;
	v2 =	vand.u32 $0xFFFFFE00, v2  }
0x29: {  	v5 =	vld [tilespmem:s18+$0x20];
	v14 =	vor.u32 v1, v2  }
0x2a: {  	v7 =	vld [tilespmem:s18+$0x10]  }
0x2b: {  	v9 =	vld [tilespmem:s18+$0x0]  }
0x2c: {  	v17 =	vld [tilespmem:s18+$0xFFFFFFC0]  }
0x2d: {  	v11 =	vld [tilespmem:s18+$0xFFFFFFF0];
	v2 =	vshll.u32 v3, $0x3  }
0x2e: {  	v3 =	vand.u32 $0x7F, v3;
	v2 =	vand.u32 $0xFFFFFC00, v2;
	v16 =	vld.idx.msk [tilespmem:v14+s2+$0x0], $0xffff  }
0x2f: {  	v20 =	vld [tilespmem:s18+$0xFFFFFFE0];
	v18 =	vor.u32 v3, v2  }
0x30: {  	v22 =	vld [tilespmem:s18+$0xFFFFFFD0];
	v19 =	vor.u32 $0x80, v18  }
0x31: {  	s19 =	sand.u32 $0x1FE0, s19;
	v1 =	vld [tilespmem:s18+$0x40];
	v21 =	vor.u32 $0x80, v14  }
0x32: {  	v3 =	vld [tilespmem:s19+$0x1DA80]  }
0x33: {  	v2 =	vld [tilespmem:s19+$0x1EA80];
	v23 =	vunpack.i.l.bf16.f32 v16  }
0x34: {  	v16 =	vunpack.i.u.bf16.f32 v16;
	[tilespmem:v18+s12+$0x0] =	vst.idx.add.f32.msk $0xffff, v23  }
0x35: {  	[tilespmem:v19+s12+$0x0] =	vst.idx.add.f32.msk $0xffff, v16  }
0x36: {  	v16 =	vld.idx.msk [tilespmem:v21+s2+$0x0], $0xffff  }
0x37: {  	v44 =	vor.u32 $0x100, v18  }
0x38: {  	v45 =	vor.u32 $0x180, v18  }
0x39: {  	v46 =	vor.u32 $0x100, v14;
	_ =	sdelay $0x1  }
0x3a: {  	v24 =	vunpack.i.l.bf16.f32 v16  }
0x3b: {  	v16 =	vunpack.i.u.bf16.f32 v16;
	[tilespmem:v44+s12+$0x0] =	vst.idx.add.f32.msk $0xffff, v24  }
0x3c: {  	[tilespmem:v45+s12+$0x0] =	vst.idx.add.f32.msk $0xffff, v16  }
0x3d: {  	v16 =	vld.idx.msk [tilespmem:v46+s2+$0x0], $0xffff  }
0x3e: {  	v47 =	vor.u32 $0x200, v18  }
0x3f: {  	v48 =	vor.u32 $0x280, v18  }
0x40: {  	v14 =	vor.u32 $0x180, v14;
	_ =	sdelay $0x1  }
0x41: {  	v23 =	vunpack.i.l.bf16.f32 v16  }
0x42: {  	v16 =	vunpack.i.u.bf16.f32 v16;
	[tilespmem:v47+s12+$0x0] =	vst.idx.add.f32.msk $0xffff, v23  }
0x43: {  	[tilespmem:v48+s12+$0x0] =	vst.idx.add.f32.msk $0xffff, v16  }
0x44: {  	v14 =	vld.idx.msk [tilespmem:v14+s2+$0x0], $0xffff  }
0x45: {  	v49 =	vshll.u32 v17, $0x2;
	v50 =	vor.u32 $0x300, v18  }
0x46: {  	v17 =	vand.u32 $0x7F, v17;
	v18 =	vor.u32 $0x380, v18;
	v16 =	vand.u32 $0xFFFFFE00, v49  }
0x47: {  	v16 =	vor.u32 v17, v16;
	_ =	sdelay $0x1  }
0x48: {  	v51 =	vunpack.i.l.bf16.f32 v14  }
0x49: {  	v14 =	vunpack.i.u.bf16.f32 v14;
	[tilespmem:v50+s12+$0x0] =	vst.idx.add.f32.msk $0xffff, v51  }
0x4a: {  	v52 =	vshll.u32 v15, $0x3;
	[tilespmem:v18+s12+$0x0] =	vst.idx.add.f32.msk $0xffff, v14  }
0x4b: {  	v15 =	vand.u32 $0x7F, v15;
	v53 =	vand.u32 $0xFFFFFC00, v52;
	v54 =	vld.idx.msk [tilespmem:v16+s2+$0x0], $0xffff  }
0x4c: {  	v14 =	vor.u32 v15, v53  }
0x4d: {  	v15 =	vor.u32 $0x80, v14  }
0x4e: {  	v55 =	vor.u32 $0x80, v16;
	_ =	sdelay $0x1  }
0x4f: {  	v56 =	vunpack.i.l.bf16.f32 v54  }
0x50: {  	v17 =	vunpack.i.u.bf16.f32 v54;
	[tilespmem:v14+s12+$0x0] =	vst.idx.add.f32.msk $0xffff, v56  }
0x51: {  	[tilespmem:v15+s12+$0x0] =	vst.idx.add.f32.msk $0xffff, v17  }
0x52: {  	v15 =	vld.idx.msk [tilespmem:v55+s2+$0x0], $0xffff  }
0x53: {  	v57 =	vor.u32 $0x100, v14  }
0x54: {  	v58 =	vor.u32 $0x180, v14  }
0x55: {  	v59 =	vor.u32 $0x100, v16;
	_ =	sdelay $0x1  }
0x56: {  	v60 =	vunpack.i.l.bf16.f32 v15  }
0x57: {  	v15 =	vunpack.i.u.bf16.f32 v15;
	[tilespmem:v57+s12+$0x0] =	vst.idx.add.f32.msk $0xffff, v60  }
0x58: {  	[tilespmem:v58+s12+$0x0] =	vst.idx.add.f32.msk $0xffff, v15  }
0x59: {  	v15 =	vld.idx.msk [tilespmem:v59+s2+$0x0], $0xffff  }
0x5a: {  	v61 =	vor.u32 $0x200, v14  }
0x5b: {  	v62 =	vor.u32 $0x280, v14  }
0x5c: {  	v16 =	vor.u32 $0x180, v16;
	_ =	sdelay $0x1  }
0x5d: {  	v19 =	vunpack.i.l.bf16.f32 v15  }
0x5e: {  	v15 =	vunpack.i.u.bf16.f32 v15;
	[tilespmem:v61+s12+$0x0] =	vst.idx.add.f32.msk $0xffff, v19  }
0x5f: {  	[tilespmem:v62+s12+$0x0] =	vst.idx.add.f32.msk $0xffff, v15  }
0x60: {  	v15 =	vld.idx.msk [tilespmem:v16+s2+$0x0], $0xffff  }
0x61: {  	v63 =	vshll.u32 v22, $0x2;
	v21 =	vor.u32 $0x300, v14  }
0x62: {  	v23 =	vand.u32 $0x7F, v22;
	v14 =	vor.u32 $0x380, v14;
	v16 =	vand.u32 $0xFFFFFE00, v63  }
0x63: {  	v16 =	vor.u32 v23, v16;
	_ =	sdelay $0x1  }
0x64: {  	v24 =	vunpack.i.l.bf16.f32 v15  }
0x65: {  	v15 =	vunpack.i.u.bf16.f32 v15;
	[tilespmem:v21+s12+$0x0] =	vst.idx.add.f32.msk $0xffff, v24  }
0x66: {  	v25 =	vshll.u32 v13, $0x3;
	[tilespmem:v14+s12+$0x0] =	vst.idx.add.f32.msk $0xffff, v15  }
0x67: {  	v13 =	vand.u32 $0x7F, v13;
	v26 =	vand.u32 $0xFFFFFC00, v25;
	v15 =	vld.idx.msk [tilespmem:v16+s2+$0x0], $0xffff  }
0x68: {  	v13 =	vor.u32 v13, v26  }
0x69: {  	v14 =	vor.u32 $0x80, v13  }
0x6a: {  	v27 =	vor.u32 $0x80, v16;
	_ =	sdelay $0x1  }
0x6b: {  	v28 =	vunpack.i.l.bf16.f32 v15  }
0x6c: {  	v15 =	vunpack.i.u.bf16.f32 v15;
	[tilespmem:v13+s12+$0x0] =	vst.idx.add.f32.msk $0xffff, v28  }
0x6d: {  	[tilespmem:v14+s12+$0x0] =	vst.idx.add.f32.msk $0xffff, v15  }
0x6e: {  	v14 =	vld.idx.msk [tilespmem:v27+s2+$0x0], $0xffff  }
0x6f: {  	v29 =	vor.u32 $0x100, v13  }
0x70: {  	v30 =	vor.u32 $0x180, v13  }
0x71: {  	v31 =	vor.u32 $0x100, v16;
	_ =	sdelay $0x1  }
0x72: {  	v32 =	vunpack.i.l.bf16.f32 v14  }
0x73: {  	v14 =	vunpack.i.u.bf16.f32 v14;
	[tilespmem:v29+s12+$0x0] =	vst.idx.add.f32.msk $0xffff, v32  }
0x74: {  	[tilespmem:v30+s12+$0x0] =	vst.idx.add.f32.msk $0xffff, v14  }
0x75: {  	v14 =	vld.idx.msk [tilespmem:v31+s2+$0x0], $0xffff  }
0x76: {  	v33 =	vor.u32 $0x200, v13  }
0x77: {  	v34 =	vor.u32 $0x280, v13  }
0x78: {  	v16 =	vor.u32 $0x180, v16;
	_ =	sdelay $0x1  }
0x79: {  	v18 =	vunpack.i.l.bf16.f32 v14  }
0x7a: {  	v14 =	vunpack.i.u.bf16.f32 v14;
	[tilespmem:v33+s12+$0x0] =	vst.idx.add.f32.msk $0xffff, v18  }
0x7b: {  	[tilespmem:v34+s12+$0x0] =	vst.idx.add.f32.msk $0xffff, v14  }
0x7c: {  	v14 =	vld.idx.msk [tilespmem:v16+s2+$0x0], $0xffff  }
0x7d: {  	v35 =	vshll.u32 v20, $0x2;
	v36 =	vor.u32 $0x300, v13  }
0x7e: {  	v37 =	vand.u32 $0x7F, v20;
	v13 =	vor.u32 $0x380, v13;
	v15 =	vand.u32 $0xFFFFFE00, v35  }
0x7f: {  	v15 =	vor.u32 v37, v15;
	_ =	sdelay $0x1  }
0x80: {  	v38 =	vunpack.i.l.bf16.f32 v14  }
0x81: {  	v14 =	vunpack.i.u.bf16.f32 v14;
	[tilespmem:v36+s12+$0x0] =	vst.idx.add.f32.msk $0xffff, v38  }
0x82: {  	v39 =	vshll.u32 v12, $0x3;
	[tilespmem:v13+s12+$0x0] =	vst.idx.add.f32.msk $0xffff, v14  }
0x83: {  	v12 =	vand.u32 $0x7F, v12;
	v40 =	vand.u32 $0xFFFFFC00, v39;
	v14 =	vld.idx.msk [tilespmem:v15+s2+$0x0], $0xffff  }
0x84: {  	v12 =	vor.u32 v12, v40  }
0x85: {  	v13 =	vor.u32 $0x80, v12  }
0x86: {  	v41 =	vor.u32 $0x80, v15;
	_ =	sdelay $0x1  }
0x87: {  	v42 =	vunpack.i.l.bf16.f32 v14  }
0x88: {  	v14 =	vunpack.i.u.bf16.f32 v14;
	[tilespmem:v12+s12+$0x0] =	vst.idx.add.f32.msk $0xffff, v42  }
0x89: {  	[tilespmem:v13+s12+$0x0] =	vst.idx.add.f32.msk $0xffff, v14  }
0x8a: {  	v13 =	vld.idx.msk [tilespmem:v41+s2+$0x0], $0xffff  }
0x8b: {  	v43 =	vor.u32 $0x100, v12  }
0x8c: {  	v44 =	vor.u32 $0x180, v12  }
0x8d: {  	v45 =	vor.u32 $0x100, v15;
	_ =	sdelay $0x1  }
0x8e: {  	v46 =	vunpack.i.l.bf16.f32 v13  }
0x8f: {  	v13 =	vunpack.i.u.bf16.f32 v13;
	[tilespmem:v43+s12+$0x0] =	vst.idx.add.f32.msk $0xffff, v46  }
0x90: {  	[tilespmem:v44+s12+$0x0] =	vst.idx.add.f32.msk $0xffff, v13  }
0x91: {  	v13 =	vld.idx.msk [tilespmem:v45+s2+$0x0], $0xffff  }
0x92: {  	v47 =	vor.u32 $0x200, v12  }
0x93: {  	v48 =	vor.u32 $0x280, v12  }
0x94: {  	v15 =	vor.u32 $0x180, v15;
	_ =	sdelay $0x1  }
0x95: {  	v17 =	vunpack.i.l.bf16.f32 v13  }
0x96: {  	v13 =	vunpack.i.u.bf16.f32 v13;
	[tilespmem:v47+s12+$0x0] =	vst.idx.add.f32.msk $0xffff, v17  }
0x97: {  	[tilespmem:v48+s12+$0x0] =	vst.idx.add.f32.msk $0xffff, v13  }
0x98: {  	v13 =	vld.idx.msk [tilespmem:v15+s2+$0x0], $0xffff  }
0x99: {  	v49 =	vshll.u32 v11, $0x2;
	v50 =	vor.u32 $0x300, v12  }
0x9a: {  	v11 =	vand.u32 $0x7F, v11;
	v12 =	vor.u32 $0x380, v12;
	v14 =	vand.u32 $0xFFFFFE00, v49  }
0x9b: {  	v11 =	vor.u32 v11, v14;
	_ =	sdelay $0x1  }
0x9c: {  	v51 =	vunpack.i.l.bf16.f32 v13  }
0x9d: {  	v13 =	vunpack.i.u.bf16.f32 v13;
	[tilespmem:v50+s12+$0x0] =	vst.idx.add.f32.msk $0xffff, v51  }
0x9e: {  	v52 =	vshll.u32 v10, $0x3;
	[tilespmem:v12+s12+$0x0] =	vst.idx.add.f32.msk $0xffff, v13  }
0x9f: {  	v10 =	vand.u32 $0x7F, v10;
	v53 =	vand.u32 $0xFFFFFC00, v52;
	v13 =	vld.idx.msk [tilespmem:v11+s2+$0x0], $0xffff  }
0xa0: {  	v10 =	vor.u32 v10, v53  }
0xa1: {  	v12 =	vor.u32 $0x80, v10  }
0xa2: {  	v54 =	vor.u32 $0x80, v11;
	_ =	sdelay $0x1  }
0xa3: {  	v55 =	vunpack.i.l.bf16.f32 v13  }
0xa4: {  	v13 =	vunpack.i.u.bf16.f32 v13;
	[tilespmem:v10+s12+$0x0] =	vst.idx.add.f32.msk $0xffff, v55  }
0xa5: {  	[tilespmem:v12+s12+$0x0] =	vst.idx.add.f32.msk $0xffff, v13  }
0xa6: {  	v12 =	vld.idx.msk [tilespmem:v54+s2+$0x0], $0xffff  }
0xa7: {  	v56 =	vor.u32 $0x100, v10  }
0xa8: {  	v57 =	vor.u32 $0x180, v10  }
0xa9: {  	v58 =	vor.u32 $0x100, v11;
	_ =	sdelay $0x1  }
0xaa: {  	v59 =	vunpack.i.l.bf16.f32 v12  }
0xab: {  	v12 =	vunpack.i.u.bf16.f32 v12;
	[tilespmem:v56+s12+$0x0] =	vst.idx.add.f32.msk $0xffff, v59  }
0xac: {  	[tilespmem:v57+s12+$0x0] =	vst.idx.add.f32.msk $0xffff, v12  }
0xad: {  	v12 =	vld.idx.msk [tilespmem:v58+s2+$0x0], $0xffff  }
0xae: {  	v60 =	vor.u32 $0x200, v10  }
0xaf: {  	v61 =	vor.u32 $0x280, v10  }
0xb0: {  	v11 =	vor.u32 $0x180, v11;
	_ =	sdelay $0x1  }
0xb1: {  	v15 =	vunpack.i.l.bf16.f32 v12  }
0xb2: {  	v12 =	vunpack.i.u.bf16.f32 v12;
	[tilespmem:v60+s12+$0x0] =	vst.idx.add.f32.msk $0xffff, v15  }
0xb3: {  	[tilespmem:v61+s12+$0x0] =	vst.idx.add.f32.msk $0xffff, v12  }
0xb4: {  	v11 =	vld.idx.msk [tilespmem:v11+s2+$0x0], $0xffff  }
0xb5: {  	v62 =	vshll.u32 v9, $0x2;
	v63 =	vor.u32 $0x300, v10  }
0xb6: {  	v9 =	vand.u32 $0x7F, v9;
	v10 =	vor.u32 $0x380, v10;
	v12 =	vand.u32 $0xFFFFFE00, v62  }
0xb7: {  	v9 =	vor.u32 v9, v12;
	_ =	sdelay $0x1  }
0xb8: {  	v16 =	vunpack.i.l.bf16.f32 v11  }
0xb9: {  	v11 =	vunpack.i.u.bf16.f32 v11;
	[tilespmem:v63+s12+$0x0] =	vst.idx.add.f32.msk $0xffff, v16  }
0xba: {  	v17 =	vshll.u32 v8, $0x3;
	[tilespmem:v10+s12+$0x0] =	vst.idx.add.f32.msk $0xffff, v11  }
0xbb: {  	v8 =	vand.u32 $0x7F, v8;
	v18 =	vand.u32 $0xFFFFFC00, v17;
	v11 =	vld.idx.msk [tilespmem:v9+s2+$0x0], $0xffff  }
0xbc: {  	v8 =	vor.u32 v8, v18  }
0xbd: {  	v10 =	vor.u32 $0x80, v8  }
0xbe: {  	v19 =	vor.u32 $0x80, v9;
	_ =	sdelay $0x1  }
0xbf: {  	v20 =	vunpack.i.l.bf16.f32 v11  }
0xc0: {  	v11 =	vunpack.i.u.bf16.f32 v11;
	[tilespmem:v8+s12+$0x0] =	vst.idx.add.f32.msk $0xffff, v20  }
0xc1: {  	[tilespmem:v10+s12+$0x0] =	vst.idx.add.f32.msk $0xffff, v11  }
0xc2: {  	v10 =	vld.idx.msk [tilespmem:v19+s2+$0x0], $0xffff  }
0xc3: {  	v21 =	vor.u32 $0x100, v8  }
0xc4: {  	v22 =	vor.u32 $0x180, v8  }
0xc5: {  	v23 =	vor.u32 $0x100, v9;
	_ =	sdelay $0x1  }
0xc6: {  	v24 =	vunpack.i.l.bf16.f32 v10  }
0xc7: {  	v10 =	vunpack.i.u.bf16.f32 v10;
	[tilespmem:v21+s12+$0x0] =	vst.idx.add.f32.msk $0xffff, v24  }
0xc8: {  	[tilespmem:v22+s12+$0x0] =	vst.idx.add.f32.msk $0xffff, v10  }
0xc9: {  	v10 =	vld.idx.msk [tilespmem:v23+s2+$0x0], $0xffff  }
0xca: {  	v25 =	vor.u32 $0x200, v8  }
0xcb: {  	v26 =	vor.u32 $0x280, v8  }
0xcc: {  	v9 =	vor.u32 $0x180, v9;
	_ =	sdelay $0x1  }
0xcd: {  	v13 =	vunpack.i.l.bf16.f32 v10  }
0xce: {  	v10 =	vunpack.i.u.bf16.f32 v10;
	[tilespmem:v25+s12+$0x0] =	vst.idx.add.f32.msk $0xffff, v13  }
0xcf: {  	[tilespmem:v26+s12+$0x0] =	vst.idx.add.f32.msk $0xffff, v10  }
0xd0: {  	v9 =	vld.idx.msk [tilespmem:v9+s2+$0x0], $0xffff  }
0xd1: {  	v27 =	vshll.u32 v7, $0x2;
	v28 =	vor.u32 $0x300, v8  }
0xd2: {  	v7 =	vand.u32 $0x7F, v7;
	v8 =	vor.u32 $0x380, v8;
	v10 =	vand.u32 $0xFFFFFE00, v27  }
0xd3: {  	v7 =	vor.u32 v7, v10;
	_ =	sdelay $0x1  }
0xd4: {  	v29 =	vunpack.i.l.bf16.f32 v9  }
0xd5: {  	v9 =	vunpack.i.u.bf16.f32 v9;
	[tilespmem:v28+s12+$0x0] =	vst.idx.add.f32.msk $0xffff, v29  }
0xd6: {  	v30 =	vshll.u32 v6, $0x3;
	[tilespmem:v8+s12+$0x0] =	vst.idx.add.f32.msk $0xffff, v9  }
0xd7: {  	v6 =	vand.u32 $0x7F, v6;
	v31 =	vand.u32 $0xFFFFFC00, v30;
	v9 =	vld.idx.msk [tilespmem:v7+s2+$0x0], $0xffff  }
0xd8: {  	v6 =	vor.u32 v6, v31  }
0xd9: {  	v8 =	vor.u32 $0x80, v6  }
0xda: {  	v32 =	vor.u32 $0x80, v7;
	_ =	sdelay $0x1  }
0xdb: {  	v33 =	vunpack.i.l.bf16.f32 v9  }
0xdc: {  	v9 =	vunpack.i.u.bf16.f32 v9;
	[tilespmem:v6+s12+$0x0] =	vst.idx.add.f32.msk $0xffff, v33  }
0xdd: {  	[tilespmem:v8+s12+$0x0] =	vst.idx.add.f32.msk $0xffff, v9  }
0xde: {  	v8 =	vld.idx.msk [tilespmem:v32+s2+$0x0], $0xffff  }
0xdf: {  	v34 =	vor.u32 $0x100, v6  }
0xe0: {  	v35 =	vor.u32 $0x180, v6  }
0xe1: {  	v36 =	vor.u32 $0x100, v7;
	_ =	sdelay $0x1  }
0xe2: {  	v37 =	vunpack.i.l.bf16.f32 v8  }
0xe3: {  	v8 =	vunpack.i.u.bf16.f32 v8;
	[tilespmem:v34+s12+$0x0] =	vst.idx.add.f32.msk $0xffff, v37  }
0xe4: {  	[tilespmem:v35+s12+$0x0] =	vst.idx.add.f32.msk $0xffff, v8  }
0xe5: {  	v8 =	vld.idx.msk [tilespmem:v36+s2+$0x0], $0xffff  }
0xe6: {  	v38 =	vor.u32 $0x200, v6  }
0xe7: {  	v39 =	vor.u32 $0x280, v6  }
0xe8: {  	v7 =	vor.u32 $0x180, v7;
	_ =	sdelay $0x1  }
0xe9: {  	v11 =	vunpack.i.l.bf16.f32 v8  }
0xea: {  	v8 =	vunpack.i.u.bf16.f32 v8;
	[tilespmem:v38+s12+$0x0] =	vst.idx.add.f32.msk $0xffff, v11  }
0xeb: {  	[tilespmem:v39+s12+$0x0] =	vst.idx.add.f32.msk $0xffff, v8  }
0xec: {  	v7 =	vld.idx.msk [tilespmem:v7+s2+$0x0], $0xffff  }
0xed: {  	v40 =	vshll.u32 v5, $0x2;
	v41 =	vor.u32 $0x300, v6  }
0xee: {  	v5 =	vand.u32 $0x7F, v5;
	v6 =	vor.u32 $0x380, v6;
	v8 =	vand.u32 $0xFFFFFE00, v40  }
0xef: {  	v5 =	vor.u32 v5, v8;
	_ =	sdelay $0x1  }
0xf0: {  	v42 =	vunpack.i.l.bf16.f32 v7  }
0xf1: {  	v7 =	vunpack.i.u.bf16.f32 v7;
	[tilespmem:v41+s12+$0x0] =	vst.idx.add.f32.msk $0xffff, v42  }
0xf2: {  	v43 =	vshll.u32 v4, $0x3;
	[tilespmem:v6+s12+$0x0] =	vst.idx.add.f32.msk $0xffff, v7  }
0xf3: {  	v4 =	vand.u32 $0x7F, v4;
	v44 =	vand.u32 $0xFFFFFC00, v43;
	v7 =	vld.idx.msk [tilespmem:v5+s2+$0x0], $0xffff  }
0xf4: {  	v4 =	vor.u32 v4, v44  }
0xf5: {  	v6 =	vor.u32 $0x80, v4  }
0xf6: {  	v45 =	vor.u32 $0x80, v5;
	_ =	sdelay $0x1  }
0xf7: {  	v46 =	vunpack.i.l.bf16.f32 v7  }
0xf8: {  	v7 =	vunpack.i.u.bf16.f32 v7;
	[tilespmem:v4+s12+$0x0] =	vst.idx.add.f32.msk $0xffff, v46  }
0xf9: {  	[tilespmem:v6+s12+$0x0] =	vst.idx.add.f32.msk $0xffff, v7  }
0xfa: {  	v6 =	vld.idx.msk [tilespmem:v45+s2+$0x0], $0xffff  }
0xfb: {  	v47 =	vor.u32 $0x100, v4  }
0xfc: {  	v48 =	vor.u32 $0x180, v4  }
0xfd: {  	v49 =	vor.u32 $0x100, v5;
	_ =	sdelay $0x1  }
0xfe: {  	v50 =	vunpack.i.l.bf16.f32 v6  }
0xff: {  	v6 =	vunpack.i.u.bf16.f32 v6;
	[tilespmem:v47+s12+$0x0] =	vst.idx.add.f32.msk $0xffff, v50  }
0x100: {  	[tilespmem:v48+s12+$0x0] =	vst.idx.add.f32.msk $0xffff, v6  }
0x101: {  	v6 =	vld.idx.msk [tilespmem:v49+s2+$0x0], $0xffff  }
0x102: {  	v51 =	vor.u32 $0x200, v4  }
0x103: {  	v52 =	vor.u32 $0x280, v4  }
0x104: {  	v5 =	vor.u32 $0x180, v5;
	_ =	sdelay $0x1  }
0x105: {  	v9 =	vunpack.i.l.bf16.f32 v6  }
0x106: {  	v6 =	vunpack.i.u.bf16.f32 v6;
	[tilespmem:v51+s12+$0x0] =	vst.idx.add.f32.msk $0xffff, v9  }
0x107: {  	[tilespmem:v52+s12+$0x0] =	vst.idx.add.f32.msk $0xffff, v6  }
0x108: {  	v5 =	vld.idx.msk [tilespmem:v5+s2+$0x0], $0xffff  }
0x109: {  	v53 =	vshll.u32 v3, $0x2;
	v54 =	vor.u32 $0x300, v4  }
0x10a: {  	v3 =	vand.u32 $0x7F, v3;
	v4 =	vor.u32 $0x380, v4;
	v6 =	vand.u32 $0xFFFFFE00, v53  }
0x10b: {  	v3 =	vor.u32 v3, v6;
	_ =	sdelay $0x1  }
0x10c: {  	v55 =	vunpack.i.l.bf16.f32 v5  }
0x10d: {  	v5 =	vunpack.i.u.bf16.f32 v5;
	[tilespmem:v54+s12+$0x0] =	vst.idx.add.f32.msk $0xffff, v55  }
0x10e: {  	v56 =	vshll.u32 v2, $0x3;
	[tilespmem:v4+s12+$0x0] =	vst.idx.add.f32.msk $0xffff, v5  }
0x10f: {  	v2 =	vand.u32 $0x7F, v2;
	v4 =	vand.u32 $0xFFFFFC00, v56;
	v5 =	vld.idx.msk [tilespmem:v3+s2+$0x0], $0xffff  }
0x110: {  	v2 =	vor.u32 v2, v4  }
0x111: {  	v4 =	vor.u32 $0x80, v2  }
0x112: {  	v57 =	vor.u32 $0x80, v3;
	_ =	sdelay $0x1  }
0x113: {  	v58 =	vunpack.i.l.bf16.f32 v5  }
0x114: {  	v5 =	vunpack.i.u.bf16.f32 v5;
	[tilespmem:v2+s12+$0x0] =	vst.idx.add.f32.msk $0xffff, v58  }
0x115: {  	[tilespmem:v4+s12+$0x0] =	vst.idx.add.f32.msk $0xffff, v5  }
0x116: {  	v4 =	vld.idx.msk [tilespmem:v57+s2+$0x0], $0xffff  }
0x117: {  	v5 =	vor.u32 $0x100, v2  }
0x118: {  	v59 =	vor.u32 $0x180, v2  }
0x119: {  	v60 =	vor.u32 $0x100, v3;
	_ =	sdelay $0x1  }
0x11a: {  	v61 =	vunpack.i.l.bf16.f32 v4  }
0x11b: {  	v4 =	vunpack.i.u.bf16.f32 v4;
	[tilespmem:v5+s12+$0x0] =	vst.idx.add.f32.msk $0xffff, v61  }
0x11c: {  	[tilespmem:v59+s12+$0x0] =	vst.idx.add.f32.msk $0xffff, v4  }
0x11d: {  	v4 =	vld.idx.msk [tilespmem:v60+s2+$0x0], $0xffff  }
0x11e: {  	v5 =	vor.u32 $0x200, v2  }
0x11f: {  	v62 =	vor.u32 $0x280, v2  }
0x120: {  	v3 =	vor.u32 $0x180, v3;
	_ =	sdelay $0x1  }
0x121: {  	v7 =	vunpack.i.l.bf16.f32 v4  }
0x122: {  	v4 =	vunpack.i.u.bf16.f32 v4;
	[tilespmem:v5+s12+$0x0] =	vst.idx.add.f32.msk $0xffff, v7  }
0x123: {  	[tilespmem:v62+s12+$0x0] =	vst.idx.add.f32.msk $0xffff, v4  }
0x124: {  	v3 =	vld.idx.msk [tilespmem:v3+s2+$0x0], $0xffff  }
0x125: {  	v5 =	vor.u32 $0x300, v2;
	v4 =	vshll.u32 v1, $0x2  }
0x126: {  	v2 =	vor.u32 $0x380, v2;
	v1 =	vand.u32 $0x7F, v1;
	v4 =	vand.u32 $0xFFFFFE00, v4  }
0x127: {  	v1 =	vor.u32 v1, v4;
	_ =	sdelay $0x1  }
0x128: {  	v4 =	vunpack.i.l.bf16.f32 v3  }
0x129: {  	v3 =	vunpack.i.u.bf16.f32 v3;
	[tilespmem:v5+s12+$0x0] =	vst.idx.add.f32.msk $0xffff, v4  }
0x12a: {  	v4 =	vshll.u32 v0, $0x3;
	[tilespmem:v2+s12+$0x0] =	vst.idx.add.f32.msk $0xffff, v3  }
0x12b: {  	v0 =	vand.u32 $0x7F, v0;
	v2 =	vand.u32 $0xFFFFFC00, v4;
	v3 =	vld.idx.msk [tilespmem:v1+s2+$0x0], $0xffff  }
0x12c: {  	v0 =	vor.u32 v0, v2  }
0x12d: {  	v2 =	vor.u32 $0x80, v0  }
0x12e: {  	v4 =	vor.u32 $0x80, v1;
	_ =	sdelay $0x1  }
0x12f: {  	v5 =	vunpack.i.l.bf16.f32 v3  }
0x130: {  	v3 =	vunpack.i.u.bf16.f32 v3;
	[tilespmem:v0+s12+$0x0] =	vst.idx.add.f32.msk $0xffff, v5  }
0x131: {  	[tilespmem:v2+s12+$0x0] =	vst.idx.add.f32.msk $0xffff, v3  }
0x132: {  	v2 =	vld.idx.msk [tilespmem:v4+s2+$0x0], $0xffff  }
0x133: {  	v3 =	vor.u32 $0x100, v0  }
0x134: {  	v4 =	vor.u32 $0x180, v0  }
0x135: {  	v5 =	vor.u32 $0x100, v1;
	_ =	sdelay $0x1  }
0x136: {  	v63 =	vunpack.i.l.bf16.f32 v2  }
0x137: {  	v2 =	vunpack.i.u.bf16.f32 v2;
	[tilespmem:v3+s12+$0x0] =	vst.idx.add.f32.msk $0xffff, v63  }
0x138: {  	[tilespmem:v4+s12+$0x0] =	vst.idx.add.f32.msk $0xffff, v2  }
0x139: {  	v2 =	vld.idx.msk [tilespmem:v5+s2+$0x0], $0xffff  }
0x13a: {  	v3 =	vor.u32 $0x200, v0  }
0x13b: {  	v4 =	vor.u32 $0x280, v0  }
0x13c: {  	v1 =	vor.u32 $0x180, v1;
	_ =	sdelay $0x1  }
0x13d: {  	v5 =	vunpack.i.l.bf16.f32 v2  }
0x13e: {  	v2 =	vunpack.i.u.bf16.f32 v2;
	[tilespmem:v3+s12+$0x0] =	vst.idx.add.f32.msk $0xffff, v5  }
0x13f: {  	[tilespmem:v4+s12+$0x0] =	vst.idx.add.f32.msk $0xffff, v2  }
0x140: {  	v3 =	vld.idx.msk [tilespmem:v1+s2+$0x0], $0xffff  }
0x141: {  	v1 =	vor.u32 $0x300, v0  }
0x142: {  	v0 =	vor.u32 $0x380, v0;
	_ =	sdelay $0x2  }
0x143: {  	s19 =	simm.s32 $0xA0;
	v2 =	vunpack.i.u.bf16.f32 v3;
	v3 =	vunpack.i.l.bf16.f32 v3  }
.LBB2_3:
0x144: {  	p0 =	sne.s32 s19, $0xF00;
	[tilespmem:v1+s12+$0x0] =	vst.idx.add.f32.msk $0xffff, v3;
	s18 =	sadd.s32 $0xA0, s18;
	s17 =	sadd.s32 $0xA0, s17  }
0x145: {  	s20 =	smov.u32 s19;
	s19 =	sadd.s32 $0xA0, s19;
	[tilespmem:v0+s12+$0x0] =	vst.idx.add.f32.msk $0xffff, v2  }
0x146: {  	v0 =	vld [tilespmem:s17+$0x40]  }
0x147: {  	v2 =	vld [tilespmem:s18+$0xFFFFFFB0]  }
0x148: {  	v4 =	vld [tilespmem:s17+$0x20]  }
0x149: {  	v11 =	vld [tilespmem:s17+$0x10]  }
0x14a: {  	v15 =	vld [tilespmem:s17+$0x0]  }
0x14b: {  	v19 =	vld [tilespmem:s17+$0xFFFFFFF0];
	v1 =	vshll.u32 v0, $0x3  }
0x14c: {  	v23 =	vld [tilespmem:s17+$0xFFFFFFE0];
	v3 =	vshll.u32 v2, $0x2;
	v1 =	vand.u32 $0xFFFFFC00, v1  }
0x14d: {  	v2 =	vand.u32 $0x7F, v2;
	v27 =	vld [tilespmem:s17+$0xFFFFFFD0];
	v3 =	vand.u32 $0xFFFFFE00, v3;
	v5 =	vshll.u32 v4, $0x3  }
0x14e: {  	v6 =	vld [tilespmem:s17+$0xFFFFFFB0];
	v31 =	vor.u32 v2, v3;
	v2 =	vshll.u32 v11, $0x3;
	v7 =	vand.u32 $0xFFFFFC00, v5  }
0x14f: {  	v32 =	vld [tilespmem:s17+$0xFFFFFFC0];
	v3 =	vshll.u32 v15, $0x3;
	v13 =	vand.u32 $0xFFFFFC00, v2  }
0x150: {  	v2 =	vld [tilespmem:s18+$0x40];
	v5 =	vshll.u32 v19, $0x3;
	v17 =	vand.u32 $0xFFFFFC00, v3  }
0x151: {  	v10 =	vld [tilespmem:s18+$0x20];
	v3 =	vshll.u32 v23, $0x3;
	v21 =	vand.u32 $0xFFFFFC00, v5  }
0x152: {  	v14 =	vld [tilespmem:s18+$0x10];
	v5 =	vshll.u32 v27, $0x3;
	v25 =	vand.u32 $0xFFFFFC00, v3  }
0x153: {  	v8 =	vld.idx.msk [tilespmem:v31+s2+$0x0], $0xffff;
	v3 =	vshll.u32 v6, $0x3;
	v29 =	vand.u32 $0xFFFFFC00, v5  }
0x154: {  	v5 =	vand.u32 $0x7F, v6;
	v18 =	vld [tilespmem:s18+$0x0];
	v3 =	vand.u32 $0xFFFFFC00, v3;
	v6 =	vshll.u32 v32, $0x3  }
0x155: {  	v33 =	vld [tilespmem:s18+$0xFFFFFFC0];
	v34 =	vor.u32 v5, v3;
	v35 =	vand.u32 $0xFFFFFC00, v6;
	v3 =	vshll.u32 v2, $0x2  }
0x156: {  	v22 =	vld [tilespmem:s18+$0xFFFFFFF0];
	v9 =	vor.u32 $0x80, v34;
	v5 =	vshll.u32 v10, $0x2;
	v3 =	vand.u32 $0xFFFFFE00, v3  }
0x157: {  	v28 =	vor.u32 $0x80, v31;
	v26 =	vld [tilespmem:s18+$0xFFFFFFE0];
	v6 =	vshll.u32 v14, $0x2;
	v12 =	vand.u32 $0xFFFFFE00, v5  }
0x158: {  	s20 =	sand.u32 $0x1FE0, s20;
	v30 =	vld [tilespmem:s18+$0xFFFFFFD0];
	v16 =	vand.u32 $0xFFFFFE00, v6  }
0x159: {  	v24 =	vunpack.i.l.bf16.f32 v8;
	v6 =	vld [tilespmem:s20+$0x1DA80];
	v20 =	vshll.u32 v18, $0x2  }
0x15a: {  	v8 =	vunpack.i.u.bf16.f32 v8;
	v5 =	vld [tilespmem:s20+$0x1EA80];
	v36 =	vshll.u32 v33, $0x2;
	v20 =	vand.u32 $0xFFFFFE00, v20  }
0x15b: {  	[tilespmem:v34+s12+$0x0] =	vst.idx.add.f32.msk $0xffff, v24;
	v36 =	vand.u32 $0xFFFFFE00, v36;
	v24 =	vshll.u32 v22, $0x2  }
0x15c: {  	[tilespmem:v9+s12+$0x0] =	vst.idx.add.f32.msk $0xffff, v8;
	v8 =	vshll.u32 v26, $0x2;
	v24 =	vand.u32 $0xFFFFFE00, v24  }
0x15d: {  	v37 =	vld.idx.msk [tilespmem:v28+s2+$0x0], $0xffff;
	v9 =	vshll.u32 v30, $0x2;
	v28 =	vand.u32 $0xFFFFFE00, v8  }
0x15e: {  	v38 =	vor.u32 $0x100, v34;
	v39 =	vand.u32 $0xFFFFFE00, v9;
	v8 =	vshll.u32 v6, $0x2  }
0x15f: {  	v40 =	vor.u32 $0x180, v34;
	v9 =	vand.u32 $0xFFFFFE00, v8;
	v8 =	vshll.u32 v5, $0x3  }
0x160: {  	v41 =	vor.u32 $0x100, v31;
	v8 =	vand.u32 $0xFFFFFC00, v8;
	_ =	sdelay $0x2  }
0x161: {  	v42 =	vunpack.i.u.bf16.f32 v37;
	v37 =	vunpack.i.l.bf16.f32 v37  }
0x162: {  	[tilespmem:v38+s12+$0x0] =	vst.idx.add.f32.msk $0xffff, v37  }
0x163: {  	[tilespmem:v40+s12+$0x0] =	vst.idx.add.f32.msk $0xffff, v42  }
0x164: {  	v37 =	vld.idx.msk [tilespmem:v41+s2+$0x0], $0xffff  }
0x165: {  	v38 =	vor.u32 $0x200, v34  }
0x166: {  	v40 =	vor.u32 $0x280, v34  }
0x167: {  	v31 =	vor.u32 $0x180, v31;
	_ =	sdelay $0x2  }
0x168: {  	v41 =	vunpack.i.u.bf16.f32 v37;
	v37 =	vunpack.i.l.bf16.f32 v37  }
0x169: {  	[tilespmem:v38+s12+$0x0] =	vst.idx.add.f32.msk $0xffff, v37  }
0x16a: {  	[tilespmem:v40+s12+$0x0] =	vst.idx.add.f32.msk $0xffff, v41  }
0x16b: {  	v31 =	vld.idx.msk [tilespmem:v31+s2+$0x0], $0xffff  }
0x16c: {  	v37 =	vor.u32 $0x300, v34  }
0x16d: {  	v33 =	vand.u32 $0x7F, v33;
	v34 =	vor.u32 $0x380, v34  }
0x16e: {  	v33 =	vor.u32 v33, v36;
	_ =	sdelay $0x2  }
0x16f: {  	v36 =	vunpack.i.u.bf16.f32 v31;
	v31 =	vunpack.i.l.bf16.f32 v31  }
0x170: {  	[tilespmem:v37+s12+$0x0] =	vst.idx.add.f32.msk $0xffff, v31  }
0x171: {  	[tilespmem:v34+s12+$0x0] =	vst.idx.add.f32.msk $0xffff, v36  }
0x172: {  	v32 =	vand.u32 $0x7F, v32;
	v31 =	vld.idx.msk [tilespmem:v33+s2+$0x0], $0xffff  }
0x173: {  	v32 =	vor.u32 v32, v35  }
0x174: {  	v34 =	vor.u32 $0x80, v32  }
0x175: {  	v35 =	vor.u32 $0x80, v33;
	_ =	sdelay $0x2  }
0x176: {  	v36 =	vunpack.i.u.bf16.f32 v31;
	v31 =	vunpack.i.l.bf16.f32 v31  }
0x177: {  	[tilespmem:v32+s12+$0x0] =	vst.idx.add.f32.msk $0xffff, v31  }
0x178: {  	[tilespmem:v34+s12+$0x0] =	vst.idx.add.f32.msk $0xffff, v36  }
0x179: {  	v31 =	vld.idx.msk [tilespmem:v35+s2+$0x0], $0xffff  }
0x17a: {  	v34 =	vor.u32 $0x100, v32  }
0x17b: {  	v35 =	vor.u32 $0x180, v32  }
0x17c: {  	v36 =	vor.u32 $0x100, v33;
	_ =	sdelay $0x2  }
0x17d: {  	v37 =	vunpack.i.u.bf16.f32 v31;
	v31 =	vunpack.i.l.bf16.f32 v31  }
0x17e: {  	[tilespmem:v34+s12+$0x0] =	vst.idx.add.f32.msk $0xffff, v31  }
0x17f: {  	[tilespmem:v35+s12+$0x0] =	vst.idx.add.f32.msk $0xffff, v37  }
0x180: {  	v31 =	vld.idx.msk [tilespmem:v36+s2+$0x0], $0xffff  }
0x181: {  	v34 =	vor.u32 $0x200, v32  }
0x182: {  	v35 =	vor.u32 $0x280, v32  }
0x183: {  	v33 =	vor.u32 $0x180, v33;
	_ =	sdelay $0x2  }
0x184: {  	v36 =	vunpack.i.u.bf16.f32 v31;
	v31 =	vunpack.i.l.bf16.f32 v31  }
0x185: {  	[tilespmem:v34+s12+$0x0] =	vst.idx.add.f32.msk $0xffff, v31  }
0x186: {  	[tilespmem:v35+s12+$0x0] =	vst.idx.add.f32.msk $0xffff, v36  }
0x187: {  	v31 =	vld.idx.msk [tilespmem:v33+s2+$0x0], $0xffff  }
0x188: {  	v33 =	vor.u32 $0x300, v32  }
0x189: {  	v30 =	vand.u32 $0x7F, v30;
	v32 =	vor.u32 $0x380, v32  }
0x18a: {  	v30 =	vor.u32 v30, v39;
	_ =	sdelay $0x2  }
0x18b: {  	v34 =	vunpack.i.u.bf16.f32 v31;
	v31 =	vunpack.i.l.bf16.f32 v31  }
0x18c: {  	[tilespmem:v33+s12+$0x0] =	vst.idx.add.f32.msk $0xffff, v31  }
0x18d: {  	[tilespmem:v32+s12+$0x0] =	vst.idx.add.f32.msk $0xffff, v34  }
0x18e: {  	v27 =	vand.u32 $0x7F, v27;
	v31 =	vld.idx.msk [tilespmem:v30+s2+$0x0], $0xffff  }
0x18f: {  	v27 =	vor.u32 v27, v29  }
0x190: {  	v29 =	vor.u32 $0x80, v27  }
0x191: {  	v32 =	vor.u32 $0x80, v30;
	_ =	sdelay $0x2  }
0x192: {  	v33 =	vunpack.i.u.bf16.f32 v31;
	v31 =	vunpack.i.l.bf16.f32 v31  }
0x193: {  	[tilespmem:v27+s12+$0x0] =	vst.idx.add.f32.msk $0xffff, v31  }
0x194: {  	[tilespmem:v29+s12+$0x0] =	vst.idx.add.f32.msk $0xffff, v33  }
0x195: {  	v29 =	vld.idx.msk [tilespmem:v32+s2+$0x0], $0xffff  }
0x196: {  	v31 =	vor.u32 $0x100, v27  }
0x197: {  	v32 =	vor.u32 $0x180, v27  }
0x198: {  	v33 =	vor.u32 $0x100, v30;
	_ =	sdelay $0x2  }
0x199: {  	v34 =	vunpack.i.u.bf16.f32 v29;
	v29 =	vunpack.i.l.bf16.f32 v29  }
0x19a: {  	[tilespmem:v31+s12+$0x0] =	vst.idx.add.f32.msk $0xffff, v29  }
0x19b: {  	[tilespmem:v32+s12+$0x0] =	vst.idx.add.f32.msk $0xffff, v34  }
0x19c: {  	v29 =	vld.idx.msk [tilespmem:v33+s2+$0x0], $0xffff  }
0x19d: {  	v31 =	vor.u32 $0x200, v27  }
0x19e: {  	v32 =	vor.u32 $0x280, v27  }
0x19f: {  	v30 =	vor.u32 $0x180, v30;
	_ =	sdelay $0x2  }
0x1a0: {  	v33 =	vunpack.i.u.bf16.f32 v29;
	v29 =	vunpack.i.l.bf16.f32 v29  }
0x1a1: {  	[tilespmem:v31+s12+$0x0] =	vst.idx.add.f32.msk $0xffff, v29  }
0x1a2: {  	[tilespmem:v32+s12+$0x0] =	vst.idx.add.f32.msk $0xffff, v33  }
0x1a3: {  	v29 =	vld.idx.msk [tilespmem:v30+s2+$0x0], $0xffff  }
0x1a4: {  	v30 =	vor.u32 $0x300, v27  }
0x1a5: {  	v26 =	vand.u32 $0x7F, v26;
	v27 =	vor.u32 $0x380, v27  }
0x1a6: {  	v26 =	vor.u32 v26, v28;
	_ =	sdelay $0x2  }
0x1a7: {  	v28 =	vunpack.i.u.bf16.f32 v29;
	v29 =	vunpack.i.l.bf16.f32 v29  }
0x1a8: {  	[tilespmem:v30+s12+$0x0] =	vst.idx.add.f32.msk $0xffff, v29  }
0x1a9: {  	[tilespmem:v27+s12+$0x0] =	vst.idx.add.f32.msk $0xffff, v28  }
0x1aa: {  	v23 =	vand.u32 $0x7F, v23;
	v27 =	vld.idx.msk [tilespmem:v26+s2+$0x0], $0xffff  }
0x1ab: {  	v23 =	vor.u32 v23, v25  }
0x1ac: {  	v25 =	vor.u32 $0x80, v23  }
0x1ad: {  	v28 =	vor.u32 $0x80, v26;
	_ =	sdelay $0x2  }
0x1ae: {  	v29 =	vunpack.i.u.bf16.f32 v27;
	v27 =	vunpack.i.l.bf16.f32 v27  }
0x1af: {  	[tilespmem:v23+s12+$0x0] =	vst.idx.add.f32.msk $0xffff, v27  }
0x1b0: {  	[tilespmem:v25+s12+$0x0] =	vst.idx.add.f32.msk $0xffff, v29  }
0x1b1: {  	v25 =	vld.idx.msk [tilespmem:v28+s2+$0x0], $0xffff  }
0x1b2: {  	v27 =	vor.u32 $0x100, v23  }
0x1b3: {  	v28 =	vor.u32 $0x180, v23  }
0x1b4: {  	v29 =	vor.u32 $0x100, v26;
	_ =	sdelay $0x2  }
0x1b5: {  	v30 =	vunpack.i.u.bf16.f32 v25;
	v25 =	vunpack.i.l.bf16.f32 v25  }
0x1b6: {  	[tilespmem:v27+s12+$0x0] =	vst.idx.add.f32.msk $0xffff, v25  }
0x1b7: {  	[tilespmem:v28+s12+$0x0] =	vst.idx.add.f32.msk $0xffff, v30  }
0x1b8: {  	v25 =	vld.idx.msk [tilespmem:v29+s2+$0x0], $0xffff  }
0x1b9: {  	v27 =	vor.u32 $0x200, v23  }
0x1ba: {  	v28 =	vor.u32 $0x280, v23  }
0x1bb: {  	v26 =	vor.u32 $0x180, v26;
	_ =	sdelay $0x2  }
0x1bc: {  	v29 =	vunpack.i.u.bf16.f32 v25;
	v25 =	vunpack.i.l.bf16.f32 v25  }
0x1bd: {  	[tilespmem:v27+s12+$0x0] =	vst.idx.add.f32.msk $0xffff, v25  }
0x1be: {  	[tilespmem:v28+s12+$0x0] =	vst.idx.add.f32.msk $0xffff, v29  }
0x1bf: {  	v25 =	vld.idx.msk [tilespmem:v26+s2+$0x0], $0xffff  }
0x1c0: {  	v26 =	vor.u32 $0x300, v23  }
0x1c1: {  	v22 =	vand.u32 $0x7F, v22;
	v23 =	vor.u32 $0x380, v23  }
0x1c2: {  	v22 =	vor.u32 v22, v24;
	_ =	sdelay $0x2  }
0x1c3: {  	v24 =	vunpack.i.u.bf16.f32 v25;
	v25 =	vunpack.i.l.bf16.f32 v25  }
0x1c4: {  	[tilespmem:v26+s12+$0x0] =	vst.idx.add.f32.msk $0xffff, v25  }
0x1c5: {  	[tilespmem:v23+s12+$0x0] =	vst.idx.add.f32.msk $0xffff, v24  }
0x1c6: {  	v19 =	vand.u32 $0x7F, v19;
	v23 =	vld.idx.msk [tilespmem:v22+s2+$0x0], $0xffff  }
0x1c7: {  	v19 =	vor.u32 v19, v21  }
0x1c8: {  	v21 =	vor.u32 $0x80, v19  }
0x1c9: {  	v24 =	vor.u32 $0x80, v22;
	_ =	sdelay $0x2  }
0x1ca: {  	v25 =	vunpack.i.u.bf16.f32 v23;
	v23 =	vunpack.i.l.bf16.f32 v23  }
0x1cb: {  	[tilespmem:v19+s12+$0x0] =	vst.idx.add.f32.msk $0xffff, v23  }
0x1cc: {  	[tilespmem:v21+s12+$0x0] =	vst.idx.add.f32.msk $0xffff, v25  }
0x1cd: {  	v21 =	vld.idx.msk [tilespmem:v24+s2+$0x0], $0xffff  }
0x1ce: {  	v23 =	vor.u32 $0x100, v19  }
0x1cf: {  	v24 =	vor.u32 $0x180, v19  }
0x1d0: {  	v25 =	vor.u32 $0x100, v22;
	_ =	sdelay $0x2  }
0x1d1: {  	v26 =	vunpack.i.u.bf16.f32 v21;
	v21 =	vunpack.i.l.bf16.f32 v21  }
0x1d2: {  	[tilespmem:v23+s12+$0x0] =	vst.idx.add.f32.msk $0xffff, v21  }
0x1d3: {  	[tilespmem:v24+s12+$0x0] =	vst.idx.add.f32.msk $0xffff, v26  }
0x1d4: {  	v21 =	vld.idx.msk [tilespmem:v25+s2+$0x0], $0xffff  }
0x1d5: {  	v23 =	vor.u32 $0x200, v19  }
0x1d6: {  	v24 =	vor.u32 $0x280, v19  }
0x1d7: {  	v22 =	vor.u32 $0x180, v22;
	_ =	sdelay $0x2  }
0x1d8: {  	v25 =	vunpack.i.u.bf16.f32 v21;
	v21 =	vunpack.i.l.bf16.f32 v21  }
0x1d9: {  	[tilespmem:v23+s12+$0x0] =	vst.idx.add.f32.msk $0xffff, v21  }
0x1da: {  	[tilespmem:v24+s12+$0x0] =	vst.idx.add.f32.msk $0xffff, v25  }
0x1db: {  	v21 =	vld.idx.msk [tilespmem:v22+s2+$0x0], $0xffff  }
0x1dc: {  	v22 =	vor.u32 $0x300, v19  }
0x1dd: {  	v18 =	vand.u32 $0x7F, v18;
	v19 =	vor.u32 $0x380, v19  }
0x1de: {  	v18 =	vor.u32 v18, v20;
	_ =	sdelay $0x2  }
0x1df: {  	v20 =	vunpack.i.u.bf16.f32 v21;
	v21 =	vunpack.i.l.bf16.f32 v21  }
0x1e0: {  	[tilespmem:v22+s12+$0x0] =	vst.idx.add.f32.msk $0xffff, v21  }
0x1e1: {  	[tilespmem:v19+s12+$0x0] =	vst.idx.add.f32.msk $0xffff, v20  }
0x1e2: {  	v15 =	vand.u32 $0x7F, v15;
	v19 =	vld.idx.msk [tilespmem:v18+s2+$0x0], $0xffff  }
0x1e3: {  	v15 =	vor.u32 v15, v17  }
0x1e4: {  	v17 =	vor.u32 $0x80, v15  }
0x1e5: {  	v20 =	vor.u32 $0x80, v18;
	_ =	sdelay $0x2  }
0x1e6: {  	v21 =	vunpack.i.u.bf16.f32 v19;
	v19 =	vunpack.i.l.bf16.f32 v19  }
0x1e7: {  	[tilespmem:v15+s12+$0x0] =	vst.idx.add.f32.msk $0xffff, v19  }
0x1e8: {  	[tilespmem:v17+s12+$0x0] =	vst.idx.add.f32.msk $0xffff, v21  }
0x1e9: {  	v17 =	vld.idx.msk [tilespmem:v20+s2+$0x0], $0xffff  }
0x1ea: {  	v19 =	vor.u32 $0x100, v15  }
0x1eb: {  	v20 =	vor.u32 $0x180, v15  }
0x1ec: {  	v21 =	vor.u32 $0x100, v18;
	_ =	sdelay $0x2  }
0x1ed: {  	v22 =	vunpack.i.u.bf16.f32 v17;
	v17 =	vunpack.i.l.bf16.f32 v17  }
0x1ee: {  	[tilespmem:v19+s12+$0x0] =	vst.idx.add.f32.msk $0xffff, v17  }
0x1ef: {  	[tilespmem:v20+s12+$0x0] =	vst.idx.add.f32.msk $0xffff, v22  }
0x1f0: {  	v17 =	vld.idx.msk [tilespmem:v21+s2+$0x0], $0xffff  }
0x1f1: {  	v19 =	vor.u32 $0x200, v15  }
0x1f2: {  	v20 =	vor.u32 $0x280, v15  }
0x1f3: {  	v18 =	vor.u32 $0x180, v18;
	_ =	sdelay $0x2  }
0x1f4: {  	v21 =	vunpack.i.u.bf16.f32 v17;
	v17 =	vunpack.i.l.bf16.f32 v17  }
0x1f5: {  	[tilespmem:v19+s12+$0x0] =	vst.idx.add.f32.msk $0xffff, v17  }
0x1f6: {  	[tilespmem:v20+s12+$0x0] =	vst.idx.add.f32.msk $0xffff, v21  }
0x1f7: {  	v17 =	vld.idx.msk [tilespmem:v18+s2+$0x0], $0xffff  }
0x1f8: {  	v18 =	vor.u32 $0x300, v15  }
0x1f9: {  	v14 =	vand.u32 $0x7F, v14;
	v15 =	vor.u32 $0x380, v15  }
0x1fa: {  	v14 =	vor.u32 v14, v16;
	_ =	sdelay $0x2  }
0x1fb: {  	v16 =	vunpack.i.u.bf16.f32 v17;
	v17 =	vunpack.i.l.bf16.f32 v17  }
0x1fc: {  	[tilespmem:v18+s12+$0x0] =	vst.idx.add.f32.msk $0xffff, v17  }
0x1fd: {  	[tilespmem:v15+s12+$0x0] =	vst.idx.add.f32.msk $0xffff, v16  }
0x1fe: {  	v11 =	vand.u32 $0x7F, v11;
	v15 =	vld.idx.msk [tilespmem:v14+s2+$0x0], $0xffff  }
0x1ff: {  	v11 =	vor.u32 v11, v13  }
0x200: {  	v13 =	vor.u32 $0x80, v11  }
0x201: {  	v16 =	vor.u32 $0x80, v14;
	_ =	sdelay $0x2  }
0x202: {  	v17 =	vunpack.i.u.bf16.f32 v15;
	v15 =	vunpack.i.l.bf16.f32 v15  }
0x203: {  	[tilespmem:v11+s12+$0x0] =	vst.idx.add.f32.msk $0xffff, v15  }
0x204: {  	[tilespmem:v13+s12+$0x0] =	vst.idx.add.f32.msk $0xffff, v17  }
0x205: {  	v13 =	vld.idx.msk [tilespmem:v16+s2+$0x0], $0xffff  }
0x206: {  	v15 =	vor.u32 $0x100, v11  }
0x207: {  	v16 =	vor.u32 $0x180, v11  }
0x208: {  	v17 =	vor.u32 $0x100, v14;
	_ =	sdelay $0x2  }
0x209: {  	v18 =	vunpack.i.u.bf16.f32 v13;
	v13 =	vunpack.i.l.bf16.f32 v13  }
0x20a: {  	[tilespmem:v15+s12+$0x0] =	vst.idx.add.f32.msk $0xffff, v13  }
0x20b: {  	[tilespmem:v16+s12+$0x0] =	vst.idx.add.f32.msk $0xffff, v18  }
0x20c: {  	v13 =	vld.idx.msk [tilespmem:v17+s2+$0x0], $0xffff  }
0x20d: {  	v15 =	vor.u32 $0x200, v11  }
0x20e: {  	v16 =	vor.u32 $0x280, v11  }
0x20f: {  	v14 =	vor.u32 $0x180, v14;
	_ =	sdelay $0x2  }
0x210: {  	v17 =	vunpack.i.u.bf16.f32 v13;
	v13 =	vunpack.i.l.bf16.f32 v13  }
0x211: {  	[tilespmem:v15+s12+$0x0] =	vst.idx.add.f32.msk $0xffff, v13  }
0x212: {  	[tilespmem:v16+s12+$0x0] =	vst.idx.add.f32.msk $0xffff, v17  }
0x213: {  	v13 =	vld.idx.msk [tilespmem:v14+s2+$0x0], $0xffff  }
0x214: {  	v14 =	vor.u32 $0x300, v11  }
0x215: {  	v10 =	vand.u32 $0x7F, v10;
	v11 =	vor.u32 $0x380, v11  }
0x216: {  	v10 =	vor.u32 v10, v12;
	_ =	sdelay $0x2  }
0x217: {  	v12 =	vunpack.i.u.bf16.f32 v13;
	v13 =	vunpack.i.l.bf16.f32 v13  }
0x218: {  	[tilespmem:v14+s12+$0x0] =	vst.idx.add.f32.msk $0xffff, v13  }
0x219: {  	[tilespmem:v11+s12+$0x0] =	vst.idx.add.f32.msk $0xffff, v12  }
0x21a: {  	v4 =	vand.u32 $0x7F, v4;
	v11 =	vld.idx.msk [tilespmem:v10+s2+$0x0], $0xffff  }
0x21b: {  	v4 =	vor.u32 v4, v7  }
0x21c: {  	v7 =	vor.u32 $0x80, v4  }
0x21d: {  	v12 =	vor.u32 $0x80, v10;
	_ =	sdelay $0x2  }
0x21e: {  	v13 =	vunpack.i.u.bf16.f32 v11;
	v11 =	vunpack.i.l.bf16.f32 v11  }
0x21f: {  	[tilespmem:v4+s12+$0x0] =	vst.idx.add.f32.msk $0xffff, v11  }
0x220: {  	[tilespmem:v7+s12+$0x0] =	vst.idx.add.f32.msk $0xffff, v13  }
0x221: {  	v7 =	vld.idx.msk [tilespmem:v12+s2+$0x0], $0xffff  }
0x222: {  	v11 =	vor.u32 $0x100, v4  }
0x223: {  	v12 =	vor.u32 $0x180, v4  }
0x224: {  	v13 =	vor.u32 $0x100, v10;
	_ =	sdelay $0x2  }
0x225: {  	v14 =	vunpack.i.u.bf16.f32 v7;
	v7 =	vunpack.i.l.bf16.f32 v7  }
0x226: {  	[tilespmem:v11+s12+$0x0] =	vst.idx.add.f32.msk $0xffff, v7  }
0x227: {  	[tilespmem:v12+s12+$0x0] =	vst.idx.add.f32.msk $0xffff, v14  }
0x228: {  	v7 =	vld.idx.msk [tilespmem:v13+s2+$0x0], $0xffff  }
0x229: {  	v11 =	vor.u32 $0x200, v4  }
0x22a: {  	v12 =	vor.u32 $0x280, v4  }
0x22b: {  	v10 =	vor.u32 $0x180, v10;
	_ =	sdelay $0x2  }
0x22c: {  	v13 =	vunpack.i.u.bf16.f32 v7;
	v7 =	vunpack.i.l.bf16.f32 v7  }
0x22d: {  	[tilespmem:v11+s12+$0x0] =	vst.idx.add.f32.msk $0xffff, v7  }
0x22e: {  	[tilespmem:v12+s12+$0x0] =	vst.idx.add.f32.msk $0xffff, v13  }
0x22f: {  	v7 =	vld.idx.msk [tilespmem:v10+s2+$0x0], $0xffff  }
0x230: {  	v10 =	vor.u32 $0x300, v4  }
0x231: {  	v6 =	vand.u32 $0x7F, v6;
	v4 =	vor.u32 $0x380, v4  }
0x232: {  	v6 =	vor.u32 v6, v9;
	_ =	sdelay $0x2  }
0x233: {  	v9 =	vunpack.i.u.bf16.f32 v7;
	v7 =	vunpack.i.l.bf16.f32 v7  }
0x234: {  	[tilespmem:v10+s12+$0x0] =	vst.idx.add.f32.msk $0xffff, v7  }
0x235: {  	[tilespmem:v4+s12+$0x0] =	vst.idx.add.f32.msk $0xffff, v9  }
0x236: {  	v5 =	vand.u32 $0x7F, v5;
	v4 =	vld.idx.msk [tilespmem:v6+s2+$0x0], $0xffff  }
0x237: {  	v5 =	vor.u32 v5, v8  }
0x238: {  	v7 =	vor.u32 $0x80, v5  }
0x239: {  	v8 =	vor.u32 $0x80, v6;
	_ =	sdelay $0x2  }
0x23a: {  	v9 =	vunpack.i.u.bf16.f32 v4;
	v4 =	vunpack.i.l.bf16.f32 v4  }
0x23b: {  	[tilespmem:v5+s12+$0x0] =	vst.idx.add.f32.msk $0xffff, v4  }
0x23c: {  	[tilespmem:v7+s12+$0x0] =	vst.idx.add.f32.msk $0xffff, v9  }
0x23d: {  	v4 =	vld.idx.msk [tilespmem:v8+s2+$0x0], $0xffff  }
0x23e: {  	v7 =	vor.u32 $0x100, v5  }
0x23f: {  	v8 =	vor.u32 $0x180, v5  }
0x240: {  	v9 =	vor.u32 $0x100, v6;
	_ =	sdelay $0x2  }
0x241: {  	v10 =	vunpack.i.u.bf16.f32 v4;
	v4 =	vunpack.i.l.bf16.f32 v4  }
0x242: {  	[tilespmem:v7+s12+$0x0] =	vst.idx.add.f32.msk $0xffff, v4  }
0x243: {  	[tilespmem:v8+s12+$0x0] =	vst.idx.add.f32.msk $0xffff, v10  }
0x244: {  	v4 =	vld.idx.msk [tilespmem:v9+s2+$0x0], $0xffff  }
0x245: {  	v7 =	vor.u32 $0x200, v5  }
0x246: {  	v8 =	vor.u32 $0x280, v5  }
0x247: {  	v6 =	vor.u32 $0x180, v6;
	_ =	sdelay $0x2  }
0x248: {  	v9 =	vunpack.i.u.bf16.f32 v4;
	v4 =	vunpack.i.l.bf16.f32 v4  }
0x249: {  	[tilespmem:v7+s12+$0x0] =	vst.idx.add.f32.msk $0xffff, v4  }
0x24a: {  	[tilespmem:v8+s12+$0x0] =	vst.idx.add.f32.msk $0xffff, v9  }
0x24b: {  	v4 =	vld.idx.msk [tilespmem:v6+s2+$0x0], $0xffff  }
0x24c: {  	v6 =	vor.u32 $0x300, v5  }
0x24d: {  	v2 =	vand.u32 $0x7F, v2;
	v5 =	vor.u32 $0x380, v5  }
0x24e: {  	v2 =	vor.u32 v2, v3;
	_ =	sdelay $0x2  }
0x24f: {  	v3 =	vunpack.i.u.bf16.f32 v4;
	v4 =	vunpack.i.l.bf16.f32 v4  }
0x250: {  	[tilespmem:v6+s12+$0x0] =	vst.idx.add.f32.msk $0xffff, v4  }
0x251: {  	[tilespmem:v5+s12+$0x0] =	vst.idx.add.f32.msk $0xffff, v3  }
0x252: {  	v0 =	vand.u32 $0x7F, v0;
	v3 =	vld.idx.msk [tilespmem:v2+s2+$0x0], $0xffff  }
0x253: {  	v0 =	vor.u32 v0, v1  }
0x254: {  	v1 =	vor.u32 $0x80, v0  }
0x255: {  	v4 =	vor.u32 $0x80, v2;
	_ =	sdelay $0x2  }
0x256: {  	v5 =	vunpack.i.u.bf16.f32 v3;
	v3 =	vunpack.i.l.bf16.f32 v3  }
0x257: {  	[tilespmem:v0+s12+$0x0] =	vst.idx.add.f32.msk $0xffff, v3  }
0x258: {  	[tilespmem:v1+s12+$0x0] =	vst.idx.add.f32.msk $0xffff, v5  }
0x259: {  	v1 =	vld.idx.msk [tilespmem:v4+s2+$0x0], $0xffff  }
0x25a: {  	v3 =	vor.u32 $0x100, v0  }
0x25b: {  	v4 =	vor.u32 $0x180, v0  }
0x25c: {  	v5 =	vor.u32 $0x100, v2;
	_ =	sdelay $0x2  }
0x25d: {  	v6 =	vunpack.i.u.bf16.f32 v1;
	v1 =	vunpack.i.l.bf16.f32 v1  }
0x25e: {  	[tilespmem:v3+s12+$0x0] =	vst.idx.add.f32.msk $0xffff, v1  }
0x25f: {  	[tilespmem:v4+s12+$0x0] =	vst.idx.add.f32.msk $0xffff, v6  }
0x260: {  	v1 =	vld.idx.msk [tilespmem:v5+s2+$0x0], $0xffff  }
0x261: {  	v3 =	vor.u32 $0x200, v0  }
0x262: {  	v4 =	vor.u32 $0x280, v0  }
0x263: {  	v2 =	vor.u32 $0x180, v2;
	_ =	sdelay $0x2  }
0x264: {  	v5 =	vunpack.i.u.bf16.f32 v1;
	v1 =	vunpack.i.l.bf16.f32 v1  }
0x265: {  	[tilespmem:v3+s12+$0x0] =	vst.idx.add.f32.msk $0xffff, v1  }
0x266: {  	[tilespmem:v4+s12+$0x0] =	vst.idx.add.f32.msk $0xffff, v5  }
0x267: {  	v3 =	vld.idx.msk [tilespmem:v2+s2+$0x0], $0xffff  }
0x268: {  	v1 =	vor.u32 $0x300, v0  }
.Ltmp0:
0x269: {  	v0 =	vor.u32 $0x380, v0;
	(pc) =	sbr.rel @p0 .LBB2_3-.Ltmp0, $2  }
0x26a: {  	_ =	sdelay $0x2  }
0x26b: {  	v2 =	vunpack.i.u.bf16.f32 v3;
	v3 =	vunpack.i.l.bf16.f32 v3  }
0x26c: {  	s16 =	sadd.s32 $0x1, s16  }
0x26d: {  	p0 =	sne.s32 s16, $0x28  }
.Ltmp1:
0x26e: {  	_ = 	snop;
	(pc) =	sbr.rel @p0 .LBB2_2-.Ltmp1, $3  }
0x26f: {  	_ =	sdelay $0x1  }
0x270: {  	[tilespmem:v1+s12+$0x0] =	vst.idx.add.f32.msk $0xffff, v3  }
0x271: {  	[tilespmem:v0+s12+$0x0] =	vst.idx.add.f32.msk $0xffff, v2  }
0x272: {  	s16 =	simm.s32 $0x0  }
0x273: {  	[hbm4b:s7+s16] =	stream.linear.scatter [tilespmem:s12], [sflag:$0x1], $0x13C00, $0x38;
	[tilespmem:$0x1FA00] =	vst v63  }
0x274: {  	_ =	swait.ge [sflag:s11], $0x13C00  }
0x275: {  	[sflag:s11] =	ssyncset.done $0x0  }
0x276: {  	[sflag:s11] =	ssyncadd.s32 $0xFFFEC400  }
0x277: {  	[tilespmem:s16], [sflag:$0x1] =	stream.linear.gather [hbm4b:s8+s16], $0x9E00, $0x38;
	[tilespmem:$0x1FA00] =	vst v63  }
0x278: {  	_ =	swait.ge [sflag:s11], $0x9E00  }
0x279: {  	[sflag:s11] =	ssyncset.done $0x0  }
0x27a: {  	[sflag:s11] =	ssyncadd.s32 $0xFFFF6200  }
0x27b: {  	[tilespmem:s12], [sflag:$0x1] =	stream.linear.gather [hbm4b:s5+s16], $0x13C00, $0x38;
	[tilespmem:$0x1FA00] =	vst v63  }
0x27c: {  	_ =	swait.ge [sflag:s11], $0x13C00  }
0x27d: {  	[sflag:s11] =	ssyncset.done $0x0  }
0x27e: {  	s17 =	simm.s32 $0x0;
	[sflag:s11] =	ssyncadd.s32 $0xFFFEC400  }
.LBB2_6:
0x27f: {  	s18 =	smul.u32 $0x1F4, s17;
	_ =	sdelay $0x1  }
0x280: {  	s19 =	sadd.s32 s3, s18  }
0x281: {  	[tilespmem:s13], [sflag:$0x1] =	stream.linear.gather [hbm4b:s19+s16], $0xFA0, $0x38;
	[tilespmem:$0x1FA00] =	vst v63  }
0x282: {  	_ =	swait.ge [sflag:s11], $0xFA0  }
0x283: {  	[sflag:s11] =	ssyncset.done $0x0  }
0x284: {  	s18 =	sadd.s32 s4, s18;
	[sflag:s11] =	ssyncadd.s32 $0xFFFFF060  }
0x285: {  	[tilespmem:s14], [sflag:$0x1] =	stream.linear.gather [hbm4b:s18+s16], $0xFA0, $0x38;
	[tilespmem:$0x1FA00] =	vst v63  }
0x286: {  	_ =	swait.ge [sflag:s11], $0xFA0  }
0x287: {  	[sflag:s11] =	ssyncset.done $0x0  }
0x288: {  	s18 =	simm.s32 $0x1EA50;
	[sflag:s11] =	ssyncadd.s32 $0xFFFFF060  }
0x289: {  	s19 =	simm.s32 $0x1DA50;
	v0 =	vld [tilespmem:s18+$0x40]  }
0x28a: {  	v1 =	vld [tilespmem:s19+$0xFFFFFFB0]  }
0x28b: {  	v4 =	vld [tilespmem:s18+$0x20]  }
0x28c: {  	v6 =	vld [tilespmem:s18+$0x10]  }
0x28d: {  	v8 =	vld [tilespmem:s18+$0x0]  }
0x28e: {  	v10 =	vld [tilespmem:s18+$0xFFFFFFF0]  }
0x28f: {  	v12 =	vld [tilespmem:s18+$0xFFFFFFE0]  }
0x290: {  	v13 =	vld [tilespmem:s18+$0xFFFFFFD0]  }
0x291: {  	v3 =	vld [tilespmem:s18+$0xFFFFFFB0];
	v2 =	vshll.u32 v1, $0x2  }
0x292: {  	v15 =	vld [tilespmem:s18+$0xFFFFFFC0];
	v1 =	vand.u32 $0x7F, v1;
	v2 =	vand.u32 $0xFFFFFE00, v2  }
0x293: {  	v5 =	vld [tilespmem:s19+$0x20];
	v14 =	vor.u32 v1, v2  }
0x294: {  	v7 =	vld [tilespmem:s19+$0x10]  }
0x295: {  	v9 =	vld [tilespmem:s19+$0x0]  }
0x296: {  	v17 =	vld [tilespmem:s19+$0xFFFFFFC0]  }
0x297: {  	v11 =	vld [tilespmem:s19+$0xFFFFFFF0];
	v2 =	vshll.u32 v3, $0x3  }
0x298: {  	v3 =	vand.u32 $0x7F, v3;
	v2 =	vand.u32 $0xFFFFFC00, v2;
	v16 =	vld.idx.msk [tilespmem:v14+s2+$0x0], $0xffff  }
0x299: {  	v20 =	vld [tilespmem:s19+$0xFFFFFFE0];
	v18 =	vor.u32 v3, v2  }
0x29a: {  	v22 =	vld [tilespmem:s19+$0xFFFFFFD0];
	v19 =	vor.u32 $0x80, v18  }
0x29b: {  	s20 =	sand.u32 $0x1FE0, s16;
	v1 =	vld [tilespmem:s19+$0x40];
	v21 =	vor.u32 $0x80, v14  }
0x29c: {  	v3 =	vld [tilespmem:s20+$0x1DA80]  }
0x29d: {  	v2 =	vld [tilespmem:s20+$0x1EA80];
	v23 =	vunpack.i.l.bf16.f32 v16  }
0x29e: {  	v16 =	vunpack.i.u.bf16.f32 v16;
	[tilespmem:v18+s12+$0x0] =	vst.idx.add.f32.msk $0xffff, v23  }
0x29f: {  	[tilespmem:v19+s12+$0x0] =	vst.idx.add.f32.msk $0xffff, v16  }
0x2a0: {  	v16 =	vld.idx.msk [tilespmem:v21+s2+$0x0], $0xffff  }
0x2a1: {  	v44 =	vor.u32 $0x100, v18  }
0x2a2: {  	v45 =	vor.u32 $0x180, v18  }
0x2a3: {  	v46 =	vor.u32 $0x100, v14;
	_ =	sdelay $0x1  }
0x2a4: {  	v24 =	vunpack.i.l.bf16.f32 v16  }
0x2a5: {  	v16 =	vunpack.i.u.bf16.f32 v16;
	[tilespmem:v44+s12+$0x0] =	vst.idx.add.f32.msk $0xffff, v24  }
0x2a6: {  	[tilespmem:v45+s12+$0x0] =	vst.idx.add.f32.msk $0xffff, v16  }
0x2a7: {  	v16 =	vld.idx.msk [tilespmem:v46+s2+$0x0], $0xffff  }
0x2a8: {  	v47 =	vor.u32 $0x200, v18  }
0x2a9: {  	v48 =	vor.u32 $0x280, v18  }
0x2aa: {  	v14 =	vor.u32 $0x180, v14;
	_ =	sdelay $0x1  }
0x2ab: {  	v23 =	vunpack.i.l.bf16.f32 v16  }
0x2ac: {  	v16 =	vunpack.i.u.bf16.f32 v16;
	[tilespmem:v47+s12+$0x0] =	vst.idx.add.f32.msk $0xffff, v23  }
0x2ad: {  	[tilespmem:v48+s12+$0x0] =	vst.idx.add.f32.msk $0xffff, v16  }
0x2ae: {  	v14 =	vld.idx.msk [tilespmem:v14+s2+$0x0], $0xffff  }
0x2af: {  	v49 =	vshll.u32 v17, $0x2;
	v50 =	vor.u32 $0x300, v18  }
0x2b0: {  	v17 =	vand.u32 $0x7F, v17;
	v18 =	vor.u32 $0x380, v18;
	v16 =	vand.u32 $0xFFFFFE00, v49  }
0x2b1: {  	v16 =	vor.u32 v17, v16;
	_ =	sdelay $0x1  }
0x2b2: {  	v51 =	vunpack.i.l.bf16.f32 v14  }
0x2b3: {  	v14 =	vunpack.i.u.bf16.f32 v14;
	[tilespmem:v50+s12+$0x0] =	vst.idx.add.f32.msk $0xffff, v51  }
0x2b4: {  	v52 =	vshll.u32 v15, $0x3;
	[tilespmem:v18+s12+$0x0] =	vst.idx.add.f32.msk $0xffff, v14  }
0x2b5: {  	v15 =	vand.u32 $0x7F, v15;
	v53 =	vand.u32 $0xFFFFFC00, v52;
	v54 =	vld.idx.msk [tilespmem:v16+s2+$0x0], $0xffff  }
0x2b6: {  	v14 =	vor.u32 v15, v53  }
0x2b7: {  	v15 =	vor.u32 $0x80, v14  }
0x2b8: {  	v55 =	vor.u32 $0x80, v16;
	_ =	sdelay $0x1  }
0x2b9: {  	v56 =	vunpack.i.l.bf16.f32 v54  }
0x2ba: {  	v17 =	vunpack.i.u.bf16.f32 v54;
	[tilespmem:v14+s12+$0x0] =	vst.idx.add.f32.msk $0xffff, v56  }
0x2bb: {  	[tilespmem:v15+s12+$0x0] =	vst.idx.add.f32.msk $0xffff, v17  }
0x2bc: {  	v15 =	vld.idx.msk [tilespmem:v55+s2+$0x0], $0xffff  }
0x2bd: {  	v57 =	vor.u32 $0x100, v14  }
0x2be: {  	v58 =	vor.u32 $0x180, v14  }
0x2bf: {  	v59 =	vor.u32 $0x100, v16;
	_ =	sdelay $0x1  }
0x2c0: {  	v60 =	vunpack.i.l.bf16.f32 v15  }
0x2c1: {  	v15 =	vunpack.i.u.bf16.f32 v15;
	[tilespmem:v57+s12+$0x0] =	vst.idx.add.f32.msk $0xffff, v60  }
0x2c2: {  	[tilespmem:v58+s12+$0x0] =	vst.idx.add.f32.msk $0xffff, v15  }
0x2c3: {  	v15 =	vld.idx.msk [tilespmem:v59+s2+$0x0], $0xffff  }
0x2c4: {  	v61 =	vor.u32 $0x200, v14  }
0x2c5: {  	v62 =	vor.u32 $0x280, v14  }
0x2c6: {  	v16 =	vor.u32 $0x180, v16;
	_ =	sdelay $0x1  }
0x2c7: {  	v19 =	vunpack.i.l.bf16.f32 v15  }
0x2c8: {  	v15 =	vunpack.i.u.bf16.f32 v15;
	[tilespmem:v61+s12+$0x0] =	vst.idx.add.f32.msk $0xffff, v19  }
0x2c9: {  	[tilespmem:v62+s12+$0x0] =	vst.idx.add.f32.msk $0xffff, v15  }
0x2ca: {  	v15 =	vld.idx.msk [tilespmem:v16+s2+$0x0], $0xffff  }
0x2cb: {  	v63 =	vshll.u32 v22, $0x2;
	v21 =	vor.u32 $0x300, v14  }
0x2cc: {  	v23 =	vand.u32 $0x7F, v22;
	v14 =	vor.u32 $0x380, v14;
	v16 =	vand.u32 $0xFFFFFE00, v63  }
0x2cd: {  	v16 =	vor.u32 v23, v16;
	_ =	sdelay $0x1  }
0x2ce: {  	v24 =	vunpack.i.l.bf16.f32 v15  }
0x2cf: {  	v15 =	vunpack.i.u.bf16.f32 v15;
	[tilespmem:v21+s12+$0x0] =	vst.idx.add.f32.msk $0xffff, v24  }
0x2d0: {  	v25 =	vshll.u32 v13, $0x3;
	[tilespmem:v14+s12+$0x0] =	vst.idx.add.f32.msk $0xffff, v15  }
0x2d1: {  	v13 =	vand.u32 $0x7F, v13;
	v26 =	vand.u32 $0xFFFFFC00, v25;
	v15 =	vld.idx.msk [tilespmem:v16+s2+$0x0], $0xffff  }
0x2d2: {  	v13 =	vor.u32 v13, v26  }
0x2d3: {  	v14 =	vor.u32 $0x80, v13  }
0x2d4: {  	v27 =	vor.u32 $0x80, v16;
	_ =	sdelay $0x1  }
0x2d5: {  	v28 =	vunpack.i.l.bf16.f32 v15  }
0x2d6: {  	v15 =	vunpack.i.u.bf16.f32 v15;
	[tilespmem:v13+s12+$0x0] =	vst.idx.add.f32.msk $0xffff, v28  }
0x2d7: {  	[tilespmem:v14+s12+$0x0] =	vst.idx.add.f32.msk $0xffff, v15  }
0x2d8: {  	v14 =	vld.idx.msk [tilespmem:v27+s2+$0x0], $0xffff  }
0x2d9: {  	v29 =	vor.u32 $0x100, v13  }
0x2da: {  	v30 =	vor.u32 $0x180, v13  }
0x2db: {  	v31 =	vor.u32 $0x100, v16;
	_ =	sdelay $0x1  }
0x2dc: {  	v32 =	vunpack.i.l.bf16.f32 v14  }
0x2dd: {  	v14 =	vunpack.i.u.bf16.f32 v14;
	[tilespmem:v29+s12+$0x0] =	vst.idx.add.f32.msk $0xffff, v32  }
0x2de: {  	[tilespmem:v30+s12+$0x0] =	vst.idx.add.f32.msk $0xffff, v14  }
0x2df: {  	v14 =	vld.idx.msk [tilespmem:v31+s2+$0x0], $0xffff  }
0x2e0: {  	v33 =	vor.u32 $0x200, v13  }
0x2e1: {  	v34 =	vor.u32 $0x280, v13  }
0x2e2: {  	v16 =	vor.u32 $0x180, v16;
	_ =	sdelay $0x1  }
0x2e3: {  	v18 =	vunpack.i.l.bf16.f32 v14  }
0x2e4: {  	v14 =	vunpack.i.u.bf16.f32 v14;
	[tilespmem:v33+s12+$0x0] =	vst.idx.add.f32.msk $0xffff, v18  }
0x2e5: {  	[tilespmem:v34+s12+$0x0] =	vst.idx.add.f32.msk $0xffff, v14  }
0x2e6: {  	v14 =	vld.idx.msk [tilespmem:v16+s2+$0x0], $0xffff  }
0x2e7: {  	v35 =	vshll.u32 v20, $0x2;
	v36 =	vor.u32 $0x300, v13  }
0x2e8: {  	v37 =	vand.u32 $0x7F, v20;
	v13 =	vor.u32 $0x380, v13;
	v15 =	vand.u32 $0xFFFFFE00, v35  }
0x2e9: {  	v15 =	vor.u32 v37, v15;
	_ =	sdelay $0x1  }
0x2ea: {  	v38 =	vunpack.i.l.bf16.f32 v14  }
0x2eb: {  	v14 =	vunpack.i.u.bf16.f32 v14;
	[tilespmem:v36+s12+$0x0] =	vst.idx.add.f32.msk $0xffff, v38  }
0x2ec: {  	v39 =	vshll.u32 v12, $0x3;
	[tilespmem:v13+s12+$0x0] =	vst.idx.add.f32.msk $0xffff, v14  }
0x2ed: {  	v12 =	vand.u32 $0x7F, v12;
	v40 =	vand.u32 $0xFFFFFC00, v39;
	v14 =	vld.idx.msk [tilespmem:v15+s2+$0x0], $0xffff  }
0x2ee: {  	v12 =	vor.u32 v12, v40  }
0x2ef: {  	v13 =	vor.u32 $0x80, v12  }
0x2f0: {  	v41 =	vor.u32 $0x80, v15;
	_ =	sdelay $0x1  }
0x2f1: {  	v42 =	vunpack.i.l.bf16.f32 v14  }
0x2f2: {  	v14 =	vunpack.i.u.bf16.f32 v14;
	[tilespmem:v12+s12+$0x0] =	vst.idx.add.f32.msk $0xffff, v42  }
0x2f3: {  	[tilespmem:v13+s12+$0x0] =	vst.idx.add.f32.msk $0xffff, v14  }
0x2f4: {  	v13 =	vld.idx.msk [tilespmem:v41+s2+$0x0], $0xffff  }
0x2f5: {  	v43 =	vor.u32 $0x100, v12  }
0x2f6: {  	v44 =	vor.u32 $0x180, v12  }
0x2f7: {  	v45 =	vor.u32 $0x100, v15;
	_ =	sdelay $0x1  }
0x2f8: {  	v46 =	vunpack.i.l.bf16.f32 v13  }
0x2f9: {  	v13 =	vunpack.i.u.bf16.f32 v13;
	[tilespmem:v43+s12+$0x0] =	vst.idx.add.f32.msk $0xffff, v46  }
0x2fa: {  	[tilespmem:v44+s12+$0x0] =	vst.idx.add.f32.msk $0xffff, v13  }
0x2fb: {  	v13 =	vld.idx.msk [tilespmem:v45+s2+$0x0], $0xffff  }
0x2fc: {  	v47 =	vor.u32 $0x200, v12  }
0x2fd: {  	v48 =	vor.u32 $0x280, v12  }
0x2fe: {  	v15 =	vor.u32 $0x180, v15;
	_ =	sdelay $0x1  }
0x2ff: {  	v17 =	vunpack.i.l.bf16.f32 v13  }
0x300: {  	v13 =	vunpack.i.u.bf16.f32 v13;
	[tilespmem:v47+s12+$0x0] =	vst.idx.add.f32.msk $0xffff, v17  }
0x301: {  	[tilespmem:v48+s12+$0x0] =	vst.idx.add.f32.msk $0xffff, v13  }
0x302: {  	v13 =	vld.idx.msk [tilespmem:v15+s2+$0x0], $0xffff  }
0x303: {  	v49 =	vshll.u32 v11, $0x2;
	v50 =	vor.u32 $0x300, v12  }
0x304: {  	v11 =	vand.u32 $0x7F, v11;
	v12 =	vor.u32 $0x380, v12;
	v14 =	vand.u32 $0xFFFFFE00, v49  }
0x305: {  	v11 =	vor.u32 v11, v14;
	_ =	sdelay $0x1  }
0x306: {  	v51 =	vunpack.i.l.bf16.f32 v13  }
0x307: {  	v13 =	vunpack.i.u.bf16.f32 v13;
	[tilespmem:v50+s12+$0x0] =	vst.idx.add.f32.msk $0xffff, v51  }
0x308: {  	v52 =	vshll.u32 v10, $0x3;
	[tilespmem:v12+s12+$0x0] =	vst.idx.add.f32.msk $0xffff, v13  }
0x309: {  	v10 =	vand.u32 $0x7F, v10;
	v53 =	vand.u32 $0xFFFFFC00, v52;
	v13 =	vld.idx.msk [tilespmem:v11+s2+$0x0], $0xffff  }
0x30a: {  	v10 =	vor.u32 v10, v53  }
0x30b: {  	v12 =	vor.u32 $0x80, v10  }
0x30c: {  	v54 =	vor.u32 $0x80, v11;
	_ =	sdelay $0x1  }
0x30d: {  	v55 =	vunpack.i.l.bf16.f32 v13  }
0x30e: {  	v13 =	vunpack.i.u.bf16.f32 v13;
	[tilespmem:v10+s12+$0x0] =	vst.idx.add.f32.msk $0xffff, v55  }
0x30f: {  	[tilespmem:v12+s12+$0x0] =	vst.idx.add.f32.msk $0xffff, v13  }
0x310: {  	v12 =	vld.idx.msk [tilespmem:v54+s2+$0x0], $0xffff  }
0x311: {  	v56 =	vor.u32 $0x100, v10  }
0x312: {  	v57 =	vor.u32 $0x180, v10  }
0x313: {  	v58 =	vor.u32 $0x100, v11;
	_ =	sdelay $0x1  }
0x314: {  	v59 =	vunpack.i.l.bf16.f32 v12  }
0x315: {  	v12 =	vunpack.i.u.bf16.f32 v12;
	[tilespmem:v56+s12+$0x0] =	vst.idx.add.f32.msk $0xffff, v59  }
0x316: {  	[tilespmem:v57+s12+$0x0] =	vst.idx.add.f32.msk $0xffff, v12  }
0x317: {  	v12 =	vld.idx.msk [tilespmem:v58+s2+$0x0], $0xffff  }
0x318: {  	v60 =	vor.u32 $0x200, v10  }
0x319: {  	v61 =	vor.u32 $0x280, v10  }
0x31a: {  	v11 =	vor.u32 $0x180, v11;
	_ =	sdelay $0x1  }
0x31b: {  	v15 =	vunpack.i.l.bf16.f32 v12  }
0x31c: {  	v12 =	vunpack.i.u.bf16.f32 v12;
	[tilespmem:v60+s12+$0x0] =	vst.idx.add.f32.msk $0xffff, v15  }
0x31d: {  	[tilespmem:v61+s12+$0x0] =	vst.idx.add.f32.msk $0xffff, v12  }
0x31e: {  	v11 =	vld.idx.msk [tilespmem:v11+s2+$0x0], $0xffff  }
0x31f: {  	v62 =	vshll.u32 v9, $0x2;
	v63 =	vor.u32 $0x300, v10  }
0x320: {  	v9 =	vand.u32 $0x7F, v9;
	v10 =	vor.u32 $0x380, v10;
	v12 =	vand.u32 $0xFFFFFE00, v62  }
0x321: {  	v9 =	vor.u32 v9, v12;
	_ =	sdelay $0x1  }
0x322: {  	v16 =	vunpack.i.l.bf16.f32 v11  }
0x323: {  	v11 =	vunpack.i.u.bf16.f32 v11;
	[tilespmem:v63+s12+$0x0] =	vst.idx.add.f32.msk $0xffff, v16  }
0x324: {  	v17 =	vshll.u32 v8, $0x3;
	[tilespmem:v10+s12+$0x0] =	vst.idx.add.f32.msk $0xffff, v11  }
0x325: {  	v8 =	vand.u32 $0x7F, v8;
	v18 =	vand.u32 $0xFFFFFC00, v17;
	v11 =	vld.idx.msk [tilespmem:v9+s2+$0x0], $0xffff  }
0x326: {  	v8 =	vor.u32 v8, v18  }
0x327: {  	v10 =	vor.u32 $0x80, v8  }
0x328: {  	v19 =	vor.u32 $0x80, v9;
	_ =	sdelay $0x1  }
0x329: {  	v20 =	vunpack.i.l.bf16.f32 v11  }
0x32a: {  	v11 =	vunpack.i.u.bf16.f32 v11;
	[tilespmem:v8+s12+$0x0] =	vst.idx.add.f32.msk $0xffff, v20  }
0x32b: {  	[tilespmem:v10+s12+$0x0] =	vst.idx.add.f32.msk $0xffff, v11  }
0x32c: {  	v10 =	vld.idx.msk [tilespmem:v19+s2+$0x0], $0xffff  }
0x32d: {  	v21 =	vor.u32 $0x100, v8  }
0x32e: {  	v22 =	vor.u32 $0x180, v8  }
0x32f: {  	v23 =	vor.u32 $0x100, v9;
	_ =	sdelay $0x1  }
0x330: {  	v24 =	vunpack.i.l.bf16.f32 v10  }
0x331: {  	v10 =	vunpack.i.u.bf16.f32 v10;
	[tilespmem:v21+s12+$0x0] =	vst.idx.add.f32.msk $0xffff, v24  }
0x332: {  	[tilespmem:v22+s12+$0x0] =	vst.idx.add.f32.msk $0xffff, v10  }
0x333: {  	v10 =	vld.idx.msk [tilespmem:v23+s2+$0x0], $0xffff  }
0x334: {  	v25 =	vor.u32 $0x200, v8  }
0x335: {  	v26 =	vor.u32 $0x280, v8  }
0x336: {  	v9 =	vor.u32 $0x180, v9;
	_ =	sdelay $0x1  }
0x337: {  	v13 =	vunpack.i.l.bf16.f32 v10  }
0x338: {  	v10 =	vunpack.i.u.bf16.f32 v10;
	[tilespmem:v25+s12+$0x0] =	vst.idx.add.f32.msk $0xffff, v13  }
0x339: {  	[tilespmem:v26+s12+$0x0] =	vst.idx.add.f32.msk $0xffff, v10  }
0x33a: {  	v9 =	vld.idx.msk [tilespmem:v9+s2+$0x0], $0xffff  }
0x33b: {  	v27 =	vshll.u32 v7, $0x2;
	v28 =	vor.u32 $0x300, v8  }
0x33c: {  	v7 =	vand.u32 $0x7F, v7;
	v8 =	vor.u32 $0x380, v8;
	v10 =	vand.u32 $0xFFFFFE00, v27  }
0x33d: {  	v7 =	vor.u32 v7, v10;
	_ =	sdelay $0x1  }
0x33e: {  	v29 =	vunpack.i.l.bf16.f32 v9  }
0x33f: {  	v9 =	vunpack.i.u.bf16.f32 v9;
	[tilespmem:v28+s12+$0x0] =	vst.idx.add.f32.msk $0xffff, v29  }
0x340: {  	v30 =	vshll.u32 v6, $0x3;
	[tilespmem:v8+s12+$0x0] =	vst.idx.add.f32.msk $0xffff, v9  }
0x341: {  	v6 =	vand.u32 $0x7F, v6;
	v31 =	vand.u32 $0xFFFFFC00, v30;
	v9 =	vld.idx.msk [tilespmem:v7+s2+$0x0], $0xffff  }
0x342: {  	v6 =	vor.u32 v6, v31  }
0x343: {  	v8 =	vor.u32 $0x80, v6  }
0x344: {  	v32 =	vor.u32 $0x80, v7;
	_ =	sdelay $0x1  }
0x345: {  	v33 =	vunpack.i.l.bf16.f32 v9  }
0x346: {  	v9 =	vunpack.i.u.bf16.f32 v9;
	[tilespmem:v6+s12+$0x0] =	vst.idx.add.f32.msk $0xffff, v33  }
0x347: {  	[tilespmem:v8+s12+$0x0] =	vst.idx.add.f32.msk $0xffff, v9  }
0x348: {  	v8 =	vld.idx.msk [tilespmem:v32+s2+$0x0], $0xffff  }
0x349: {  	v34 =	vor.u32 $0x100, v6  }
0x34a: {  	v35 =	vor.u32 $0x180, v6  }
0x34b: {  	v36 =	vor.u32 $0x100, v7;
	_ =	sdelay $0x1  }
0x34c: {  	v37 =	vunpack.i.l.bf16.f32 v8  }
0x34d: {  	v8 =	vunpack.i.u.bf16.f32 v8;
	[tilespmem:v34+s12+$0x0] =	vst.idx.add.f32.msk $0xffff, v37  }
0x34e: {  	[tilespmem:v35+s12+$0x0] =	vst.idx.add.f32.msk $0xffff, v8  }
0x34f: {  	v8 =	vld.idx.msk [tilespmem:v36+s2+$0x0], $0xffff  }
0x350: {  	v38 =	vor.u32 $0x200, v6  }
0x351: {  	v39 =	vor.u32 $0x280, v6  }
0x352: {  	v7 =	vor.u32 $0x180, v7;
	_ =	sdelay $0x1  }
0x353: {  	v11 =	vunpack.i.l.bf16.f32 v8  }
0x354: {  	v8 =	vunpack.i.u.bf16.f32 v8;
	[tilespmem:v38+s12+$0x0] =	vst.idx.add.f32.msk $0xffff, v11  }
0x355: {  	[tilespmem:v39+s12+$0x0] =	vst.idx.add.f32.msk $0xffff, v8  }
0x356: {  	v7 =	vld.idx.msk [tilespmem:v7+s2+$0x0], $0xffff  }
0x357: {  	v40 =	vshll.u32 v5, $0x2;
	v41 =	vor.u32 $0x300, v6  }
0x358: {  	v5 =	vand.u32 $0x7F, v5;
	v6 =	vor.u32 $0x380, v6;
	v8 =	vand.u32 $0xFFFFFE00, v40  }
0x359: {  	v5 =	vor.u32 v5, v8;
	_ =	sdelay $0x1  }
0x35a: {  	v42 =	vunpack.i.l.bf16.f32 v7  }
0x35b: {  	v7 =	vunpack.i.u.bf16.f32 v7;
	[tilespmem:v41+s12+$0x0] =	vst.idx.add.f32.msk $0xffff, v42  }
0x35c: {  	v43 =	vshll.u32 v4, $0x3;
	[tilespmem:v6+s12+$0x0] =	vst.idx.add.f32.msk $0xffff, v7  }
0x35d: {  	v4 =	vand.u32 $0x7F, v4;
	v44 =	vand.u32 $0xFFFFFC00, v43;
	v7 =	vld.idx.msk [tilespmem:v5+s2+$0x0], $0xffff  }
0x35e: {  	v4 =	vor.u32 v4, v44  }
0x35f: {  	v6 =	vor.u32 $0x80, v4  }
0x360: {  	v45 =	vor.u32 $0x80, v5;
	_ =	sdelay $0x1  }
0x361: {  	v46 =	vunpack.i.l.bf16.f32 v7  }
0x362: {  	v7 =	vunpack.i.u.bf16.f32 v7;
	[tilespmem:v4+s12+$0x0] =	vst.idx.add.f32.msk $0xffff, v46  }
0x363: {  	[tilespmem:v6+s12+$0x0] =	vst.idx.add.f32.msk $0xffff, v7  }
0x364: {  	v6 =	vld.idx.msk [tilespmem:v45+s2+$0x0], $0xffff  }
0x365: {  	v47 =	vor.u32 $0x100, v4  }
0x366: {  	v48 =	vor.u32 $0x180, v4  }
0x367: {  	v49 =	vor.u32 $0x100, v5;
	_ =	sdelay $0x1  }
0x368: {  	v50 =	vunpack.i.l.bf16.f32 v6  }
0x369: {  	v6 =	vunpack.i.u.bf16.f32 v6;
	[tilespmem:v47+s12+$0x0] =	vst.idx.add.f32.msk $0xffff, v50  }
0x36a: {  	[tilespmem:v48+s12+$0x0] =	vst.idx.add.f32.msk $0xffff, v6  }
0x36b: {  	v6 =	vld.idx.msk [tilespmem:v49+s2+$0x0], $0xffff  }
0x36c: {  	v51 =	vor.u32 $0x200, v4  }
0x36d: {  	v52 =	vor.u32 $0x280, v4  }
0x36e: {  	v5 =	vor.u32 $0x180, v5;
	_ =	sdelay $0x1  }
0x36f: {  	v9 =	vunpack.i.l.bf16.f32 v6  }
0x370: {  	v6 =	vunpack.i.u.bf16.f32 v6;
	[tilespmem:v51+s12+$0x0] =	vst.idx.add.f32.msk $0xffff, v9  }
0x371: {  	[tilespmem:v52+s12+$0x0] =	vst.idx.add.f32.msk $0xffff, v6  }
0x372: {  	v5 =	vld.idx.msk [tilespmem:v5+s2+$0x0], $0xffff  }
0x373: {  	v53 =	vshll.u32 v3, $0x2;
	v54 =	vor.u32 $0x300, v4  }
0x374: {  	v3 =	vand.u32 $0x7F, v3;
	v4 =	vor.u32 $0x380, v4;
	v6 =	vand.u32 $0xFFFFFE00, v53  }
0x375: {  	v3 =	vor.u32 v3, v6;
	_ =	sdelay $0x1  }
0x376: {  	v55 =	vunpack.i.l.bf16.f32 v5  }
0x377: {  	v5 =	vunpack.i.u.bf16.f32 v5;
	[tilespmem:v54+s12+$0x0] =	vst.idx.add.f32.msk $0xffff, v55  }
0x378: {  	v56 =	vshll.u32 v2, $0x3;
	[tilespmem:v4+s12+$0x0] =	vst.idx.add.f32.msk $0xffff, v5  }
0x379: {  	v2 =	vand.u32 $0x7F, v2;
	v4 =	vand.u32 $0xFFFFFC00, v56;
	v5 =	vld.idx.msk [tilespmem:v3+s2+$0x0], $0xffff  }
0x37a: {  	v2 =	vor.u32 v2, v4  }
0x37b: {  	v4 =	vor.u32 $0x80, v2  }
0x37c: {  	v57 =	vor.u32 $0x80, v3;
	_ =	sdelay $0x1  }
0x37d: {  	v58 =	vunpack.i.l.bf16.f32 v5  }
0x37e: {  	v5 =	vunpack.i.u.bf16.f32 v5;
	[tilespmem:v2+s12+$0x0] =	vst.idx.add.f32.msk $0xffff, v58  }
0x37f: {  	[tilespmem:v4+s12+$0x0] =	vst.idx.add.f32.msk $0xffff, v5  }
0x380: {  	v4 =	vld.idx.msk [tilespmem:v57+s2+$0x0], $0xffff  }
0x381: {  	v5 =	vor.u32 $0x100, v2  }
0x382: {  	v59 =	vor.u32 $0x180, v2  }
0x383: {  	v60 =	vor.u32 $0x100, v3;
	_ =	sdelay $0x1  }
0x384: {  	v61 =	vunpack.i.l.bf16.f32 v4  }
0x385: {  	v4 =	vunpack.i.u.bf16.f32 v4;
	[tilespmem:v5+s12+$0x0] =	vst.idx.add.f32.msk $0xffff, v61  }
0x386: {  	[tilespmem:v59+s12+$0x0] =	vst.idx.add.f32.msk $0xffff, v4  }
0x387: {  	v4 =	vld.idx.msk [tilespmem:v60+s2+$0x0], $0xffff  }
0x388: {  	v5 =	vor.u32 $0x200, v2  }
0x389: {  	v62 =	vor.u32 $0x280, v2  }
0x38a: {  	v3 =	vor.u32 $0x180, v3;
	_ =	sdelay $0x1  }
0x38b: {  	v7 =	vunpack.i.l.bf16.f32 v4  }
0x38c: {  	v4 =	vunpack.i.u.bf16.f32 v4;
	[tilespmem:v5+s12+$0x0] =	vst.idx.add.f32.msk $0xffff, v7  }
0x38d: {  	[tilespmem:v62+s12+$0x0] =	vst.idx.add.f32.msk $0xffff, v4  }
0x38e: {  	v3 =	vld.idx.msk [tilespmem:v3+s2+$0x0], $0xffff  }
0x38f: {  	v5 =	vor.u32 $0x300, v2;
	v4 =	vshll.u32 v1, $0x2  }
0x390: {  	v2 =	vor.u32 $0x380, v2;
	v1 =	vand.u32 $0x7F, v1;
	v4 =	vand.u32 $0xFFFFFE00, v4  }
0x391: {  	v1 =	vor.u32 v1, v4;
	_ =	sdelay $0x1  }
0x392: {  	v4 =	vunpack.i.l.bf16.f32 v3  }
0x393: {  	v3 =	vunpack.i.u.bf16.f32 v3;
	[tilespmem:v5+s12+$0x0] =	vst.idx.add.f32.msk $0xffff, v4  }
0x394: {  	v4 =	vshll.u32 v0, $0x3;
	[tilespmem:v2+s12+$0x0] =	vst.idx.add.f32.msk $0xffff, v3  }
0x395: {  	v0 =	vand.u32 $0x7F, v0;
	v2 =	vand.u32 $0xFFFFFC00, v4;
	v3 =	vld.idx.msk [tilespmem:v1+s2+$0x0], $0xffff  }
0x396: {  	v0 =	vor.u32 v0, v2  }
0x397: {  	v2 =	vor.u32 $0x80, v0  }
0x398: {  	v4 =	vor.u32 $0x80, v1;
	_ =	sdelay $0x1  }
0x399: {  	v5 =	vunpack.i.l.bf16.f32 v3  }
0x39a: {  	v3 =	vunpack.i.u.bf16.f32 v3;
	[tilespmem:v0+s12+$0x0] =	vst.idx.add.f32.msk $0xffff, v5  }
0x39b: {  	[tilespmem:v2+s12+$0x0] =	vst.idx.add.f32.msk $0xffff, v3  }
0x39c: {  	v2 =	vld.idx.msk [tilespmem:v4+s2+$0x0], $0xffff  }
0x39d: {  	v3 =	vor.u32 $0x100, v0  }
0x39e: {  	v4 =	vor.u32 $0x180, v0  }
0x39f: {  	v5 =	vor.u32 $0x100, v1;
	_ =	sdelay $0x1  }
0x3a0: {  	v63 =	vunpack.i.l.bf16.f32 v2  }
0x3a1: {  	v2 =	vunpack.i.u.bf16.f32 v2;
	[tilespmem:v3+s12+$0x0] =	vst.idx.add.f32.msk $0xffff, v63  }
0x3a2: {  	[tilespmem:v4+s12+$0x0] =	vst.idx.add.f32.msk $0xffff, v2  }
0x3a3: {  	v2 =	vld.idx.msk [tilespmem:v5+s2+$0x0], $0xffff  }
0x3a4: {  	v3 =	vor.u32 $0x200, v0  }
0x3a5: {  	v4 =	vor.u32 $0x280, v0  }
0x3a6: {  	v1 =	vor.u32 $0x180, v1;
	_ =	sdelay $0x1  }
0x3a7: {  	v5 =	vunpack.i.l.bf16.f32 v2  }
0x3a8: {  	v2 =	vunpack.i.u.bf16.f32 v2;
	[tilespmem:v3+s12+$0x0] =	vst.idx.add.f32.msk $0xffff, v5  }
0x3a9: {  	[tilespmem:v4+s12+$0x0] =	vst.idx.add.f32.msk $0xffff, v2  }
0x3aa: {  	v3 =	vld.idx.msk [tilespmem:v1+s2+$0x0], $0xffff  }
0x3ab: {  	v1 =	vor.u32 $0x300, v0  }
0x3ac: {  	v0 =	vor.u32 $0x380, v0;
	_ =	sdelay $0x2  }
0x3ad: {  	s20 =	simm.s32 $0xA0;
	v2 =	vunpack.i.u.bf16.f32 v3;
	v3 =	vunpack.i.l.bf16.f32 v3  }
.LBB2_7:
0x3ae: {  	p0 =	sne.s32 s20, $0xF00;
	[tilespmem:v1+s12+$0x0] =	vst.idx.add.f32.msk $0xffff, v3;
	s19 =	sadd.s32 $0xA0, s19;
	s18 =	sadd.s32 $0xA0, s18  }
0x3af: {  	s21 =	smov.u32 s20;
	s20 =	sadd.s32 $0xA0, s20;
	[tilespmem:v0+s12+$0x0] =	vst.idx.add.f32.msk $0xffff, v2  }
0x3b0: {  	v0 =	vld [tilespmem:s18+$0x40]  }
0x3b1: {  	v2 =	vld [tilespmem:s19+$0xFFFFFFB0]  }
0x3b2: {  	v4 =	vld [tilespmem:s18+$0x20]  }
0x3b3: {  	v11 =	vld [tilespmem:s18+$0x10]  }
0x3b4: {  	v15 =	vld [tilespmem:s18+$0x0]  }
0x3b5: {  	v19 =	vld [tilespmem:s18+$0xFFFFFFF0];
	v1 =	vshll.u32 v0, $0x3  }
0x3b6: {  	v23 =	vld [tilespmem:s18+$0xFFFFFFE0];
	v3 =	vshll.u32 v2, $0x2;
	v1 =	vand.u32 $0xFFFFFC00, v1  }
0x3b7: {  	v2 =	vand.u32 $0x7F, v2;
	v27 =	vld [tilespmem:s18+$0xFFFFFFD0];
	v3 =	vand.u32 $0xFFFFFE00, v3;
	v5 =	vshll.u32 v4, $0x3  }
0x3b8: {  	v6 =	vld [tilespmem:s18+$0xFFFFFFB0];
	v31 =	vor.u32 v2, v3;
	v2 =	vshll.u32 v11, $0x3;
	v7 =	vand.u32 $0xFFFFFC00, v5  }
0x3b9: {  	v32 =	vld [tilespmem:s18+$0xFFFFFFC0];
	v3 =	vshll.u32 v15, $0x3;
	v13 =	vand.u32 $0xFFFFFC00, v2  }
0x3ba: {  	v2 =	vld [tilespmem:s19+$0x40];
	v5 =	vshll.u32 v19, $0x3;
	v17 =	vand.u32 $0xFFFFFC00, v3  }
0x3bb: {  	v10 =	vld [tilespmem:s19+$0x20];
	v3 =	vshll.u32 v23, $0x3;
	v21 =	vand.u32 $0xFFFFFC00, v5  }
0x3bc: {  	v14 =	vld [tilespmem:s19+$0x10];
	v5 =	vshll.u32 v27, $0x3;
	v25 =	vand.u32 $0xFFFFFC00, v3  }
0x3bd: {  	v8 =	vld.idx.msk [tilespmem:v31+s2+$0x0], $0xffff;
	v3 =	vshll.u32 v6, $0x3;
	v29 =	vand.u32 $0xFFFFFC00, v5  }
0x3be: {  	v5 =	vand.u32 $0x7F, v6;
	v18 =	vld [tilespmem:s19+$0x0];
	v3 =	vand.u32 $0xFFFFFC00, v3;
	v6 =	vshll.u32 v32, $0x3  }
0x3bf: {  	v33 =	vld [tilespmem:s19+$0xFFFFFFC0];
	v34 =	vor.u32 v5, v3;
	v35 =	vand.u32 $0xFFFFFC00, v6;
	v3 =	vshll.u32 v2, $0x2  }
0x3c0: {  	v22 =	vld [tilespmem:s19+$0xFFFFFFF0];
	v9 =	vor.u32 $0x80, v34;
	v5 =	vshll.u32 v10, $0x2;
	v3 =	vand.u32 $0xFFFFFE00, v3  }
0x3c1: {  	v28 =	vor.u32 $0x80, v31;
	v26 =	vld [tilespmem:s19+$0xFFFFFFE0];
	v6 =	vshll.u32 v14, $0x2;
	v12 =	vand.u32 $0xFFFFFE00, v5  }
0x3c2: {  	s21 =	sand.u32 $0x1FE0, s21;
	v30 =	vld [tilespmem:s19+$0xFFFFFFD0];
	v16 =	vand.u32 $0xFFFFFE00, v6  }
0x3c3: {  	v24 =	vunpack.i.l.bf16.f32 v8;
	v6 =	vld [tilespmem:s21+$0x1DA80];
	v20 =	vshll.u32 v18, $0x2  }
0x3c4: {  	v8 =	vunpack.i.u.bf16.f32 v8;
	v5 =	vld [tilespmem:s21+$0x1EA80];
	v36 =	vshll.u32 v33, $0x2;
	v20 =	vand.u32 $0xFFFFFE00, v20  }
0x3c5: {  	[tilespmem:v34+s12+$0x0] =	vst.idx.add.f32.msk $0xffff, v24;
	v36 =	vand.u32 $0xFFFFFE00, v36;
	v24 =	vshll.u32 v22, $0x2  }
0x3c6: {  	[tilespmem:v9+s12+$0x0] =	vst.idx.add.f32.msk $0xffff, v8;
	v8 =	vshll.u32 v26, $0x2;
	v24 =	vand.u32 $0xFFFFFE00, v24  }
0x3c7: {  	v37 =	vld.idx.msk [tilespmem:v28+s2+$0x0], $0xffff;
	v9 =	vshll.u32 v30, $0x2;
	v28 =	vand.u32 $0xFFFFFE00, v8  }
0x3c8: {  	v38 =	vor.u32 $0x100, v34;
	v39 =	vand.u32 $0xFFFFFE00, v9;
	v8 =	vshll.u32 v6, $0x2  }
0x3c9: {  	v40 =	vor.u32 $0x180, v34;
	v9 =	vand.u32 $0xFFFFFE00, v8;
	v8 =	vshll.u32 v5, $0x3  }
0x3ca: {  	v41 =	vor.u32 $0x100, v31;
	v8 =	vand.u32 $0xFFFFFC00, v8;
	_ =	sdelay $0x2  }
0x3cb: {  	v42 =	vunpack.i.u.bf16.f32 v37;
	v37 =	vunpack.i.l.bf16.f32 v37  }
0x3cc: {  	[tilespmem:v38+s12+$0x0] =	vst.idx.add.f32.msk $0xffff, v37  }
0x3cd: {  	[tilespmem:v40+s12+$0x0] =	vst.idx.add.f32.msk $0xffff, v42  }
0x3ce: {  	v37 =	vld.idx.msk [tilespmem:v41+s2+$0x0], $0xffff  }
0x3cf: {  	v38 =	vor.u32 $0x200, v34  }
0x3d0: {  	v40 =	vor.u32 $0x280, v34  }
0x3d1: {  	v31 =	vor.u32 $0x180, v31;
	_ =	sdelay $0x2  }
0x3d2: {  	v41 =	vunpack.i.u.bf16.f32 v37;
	v37 =	vunpack.i.l.bf16.f32 v37  }
0x3d3: {  	[tilespmem:v38+s12+$0x0] =	vst.idx.add.f32.msk $0xffff, v37  }
0x3d4: {  	[tilespmem:v40+s12+$0x0] =	vst.idx.add.f32.msk $0xffff, v41  }
0x3d5: {  	v31 =	vld.idx.msk [tilespmem:v31+s2+$0x0], $0xffff  }
0x3d6: {  	v37 =	vor.u32 $0x300, v34  }
0x3d7: {  	v33 =	vand.u32 $0x7F, v33;
	v34 =	vor.u32 $0x380, v34  }
0x3d8: {  	v33 =	vor.u32 v33, v36;
	_ =	sdelay $0x2  }
0x3d9: {  	v36 =	vunpack.i.u.bf16.f32 v31;
	v31 =	vunpack.i.l.bf16.f32 v31  }
0x3da: {  	[tilespmem:v37+s12+$0x0] =	vst.idx.add.f32.msk $0xffff, v31  }
0x3db: {  	[tilespmem:v34+s12+$0x0] =	vst.idx.add.f32.msk $0xffff, v36  }
0x3dc: {  	v32 =	vand.u32 $0x7F, v32;
	v31 =	vld.idx.msk [tilespmem:v33+s2+$0x0], $0xffff  }
0x3dd: {  	v32 =	vor.u32 v32, v35  }
0x3de: {  	v34 =	vor.u32 $0x80, v32  }
0x3df: {  	v35 =	vor.u32 $0x80, v33;
	_ =	sdelay $0x2  }
0x3e0: {  	v36 =	vunpack.i.u.bf16.f32 v31;
	v31 =	vunpack.i.l.bf16.f32 v31  }
0x3e1: {  	[tilespmem:v32+s12+$0x0] =	vst.idx.add.f32.msk $0xffff, v31  }
0x3e2: {  	[tilespmem:v34+s12+$0x0] =	vst.idx.add.f32.msk $0xffff, v36  }
0x3e3: {  	v31 =	vld.idx.msk [tilespmem:v35+s2+$0x0], $0xffff  }
0x3e4: {  	v34 =	vor.u32 $0x100, v32  }
0x3e5: {  	v35 =	vor.u32 $0x180, v32  }
0x3e6: {  	v36 =	vor.u32 $0x100, v33;
	_ =	sdelay $0x2  }
0x3e7: {  	v37 =	vunpack.i.u.bf16.f32 v31;
	v31 =	vunpack.i.l.bf16.f32 v31  }
0x3e8: {  	[tilespmem:v34+s12+$0x0] =	vst.idx.add.f32.msk $0xffff, v31  }
0x3e9: {  	[tilespmem:v35+s12+$0x0] =	vst.idx.add.f32.msk $0xffff, v37  }
0x3ea: {  	v31 =	vld.idx.msk [tilespmem:v36+s2+$0x0], $0xffff  }
0x3eb: {  	v34 =	vor.u32 $0x200, v32  }
0x3ec: {  	v35 =	vor.u32 $0x280, v32  }
0x3ed: {  	v33 =	vor.u32 $0x180, v33;
	_ =	sdelay $0x2  }
0x3ee: {  	v36 =	vunpack.i.u.bf16.f32 v31;
	v31 =	vunpack.i.l.bf16.f32 v31  }
0x3ef: {  	[tilespmem:v34+s12+$0x0] =	vst.idx.add.f32.msk $0xffff, v31  }
0x3f0: {  	[tilespmem:v35+s12+$0x0] =	vst.idx.add.f32.msk $0xffff, v36  }
0x3f1: {  	v31 =	vld.idx.msk [tilespmem:v33+s2+$0x0], $0xffff  }
0x3f2: {  	v33 =	vor.u32 $0x300, v32  }
0x3f3: {  	v30 =	vand.u32 $0x7F, v30;
	v32 =	vor.u32 $0x380, v32  }
0x3f4: {  	v30 =	vor.u32 v30, v39;
	_ =	sdelay $0x2  }
0x3f5: {  	v34 =	vunpack.i.u.bf16.f32 v31;
	v31 =	vunpack.i.l.bf16.f32 v31  }
0x3f6: {  	[tilespmem:v33+s12+$0x0] =	vst.idx.add.f32.msk $0xffff, v31  }
0x3f7: {  	[tilespmem:v32+s12+$0x0] =	vst.idx.add.f32.msk $0xffff, v34  }
0x3f8: {  	v27 =	vand.u32 $0x7F, v27;
	v31 =	vld.idx.msk [tilespmem:v30+s2+$0x0], $0xffff  }
0x3f9: {  	v27 =	vor.u32 v27, v29  }
0x3fa: {  	v29 =	vor.u32 $0x80, v27  }
0x3fb: {  	v32 =	vor.u32 $0x80, v30;
	_ =	sdelay $0x2  }
0x3fc: {  	v33 =	vunpack.i.u.bf16.f32 v31;
	v31 =	vunpack.i.l.bf16.f32 v31  }
0x3fd: {  	[tilespmem:v27+s12+$0x0] =	vst.idx.add.f32.msk $0xffff, v31  }
0x3fe: {  	[tilespmem:v29+s12+$0x0] =	vst.idx.add.f32.msk $0xffff, v33  }
0x3ff: {  	v29 =	vld.idx.msk [tilespmem:v32+s2+$0x0], $0xffff  }
0x400: {  	v31 =	vor.u32 $0x100, v27  }
0x401: {  	v32 =	vor.u32 $0x180, v27  }
0x402: {  	v33 =	vor.u32 $0x100, v30;
	_ =	sdelay $0x2  }
0x403: {  	v34 =	vunpack.i.u.bf16.f32 v29;
	v29 =	vunpack.i.l.bf16.f32 v29  }
0x404: {  	[tilespmem:v31+s12+$0x0] =	vst.idx.add.f32.msk $0xffff, v29  }
0x405: {  	[tilespmem:v32+s12+$0x0] =	vst.idx.add.f32.msk $0xffff, v34  }
0x406: {  	v29 =	vld.idx.msk [tilespmem:v33+s2+$0x0], $0xffff  }
0x407: {  	v31 =	vor.u32 $0x200, v27  }
0x408: {  	v32 =	vor.u32 $0x280, v27  }
0x409: {  	v30 =	vor.u32 $0x180, v30;
	_ =	sdelay $0x2  }
0x40a: {  	v33 =	vunpack.i.u.bf16.f32 v29;
	v29 =	vunpack.i.l.bf16.f32 v29  }
0x40b: {  	[tilespmem:v31+s12+$0x0] =	vst.idx.add.f32.msk $0xffff, v29  }
0x40c: {  	[tilespmem:v32+s12+$0x0] =	vst.idx.add.f32.msk $0xffff, v33  }
0x40d: {  	v29 =	vld.idx.msk [tilespmem:v30+s2+$0x0], $0xffff  }
0x40e: {  	v30 =	vor.u32 $0x300, v27  }
0x40f: {  	v26 =	vand.u32 $0x7F, v26;
	v27 =	vor.u32 $0x380, v27  }
0x410: {  	v26 =	vor.u32 v26, v28;
	_ =	sdelay $0x2  }
0x411: {  	v28 =	vunpack.i.u.bf16.f32 v29;
	v29 =	vunpack.i.l.bf16.f32 v29  }
0x412: {  	[tilespmem:v30+s12+$0x0] =	vst.idx.add.f32.msk $0xffff, v29  }
0x413: {  	[tilespmem:v27+s12+$0x0] =	vst.idx.add.f32.msk $0xffff, v28  }
0x414: {  	v23 =	vand.u32 $0x7F, v23;
	v27 =	vld.idx.msk [tilespmem:v26+s2+$0x0], $0xffff  }
0x415: {  	v23 =	vor.u32 v23, v25  }
0x416: {  	v25 =	vor.u32 $0x80, v23  }
0x417: {  	v28 =	vor.u32 $0x80, v26;
	_ =	sdelay $0x2  }
0x418: {  	v29 =	vunpack.i.u.bf16.f32 v27;
	v27 =	vunpack.i.l.bf16.f32 v27  }
0x419: {  	[tilespmem:v23+s12+$0x0] =	vst.idx.add.f32.msk $0xffff, v27  }
0x41a: {  	[tilespmem:v25+s12+$0x0] =	vst.idx.add.f32.msk $0xffff, v29  }
0x41b: {  	v25 =	vld.idx.msk [tilespmem:v28+s2+$0x0], $0xffff  }
0x41c: {  	v27 =	vor.u32 $0x100, v23  }
0x41d: {  	v28 =	vor.u32 $0x180, v23  }
0x41e: {  	v29 =	vor.u32 $0x100, v26;
	_ =	sdelay $0x2  }
0x41f: {  	v30 =	vunpack.i.u.bf16.f32 v25;
	v25 =	vunpack.i.l.bf16.f32 v25  }
0x420: {  	[tilespmem:v27+s12+$0x0] =	vst.idx.add.f32.msk $0xffff, v25  }
0x421: {  	[tilespmem:v28+s12+$0x0] =	vst.idx.add.f32.msk $0xffff, v30  }
0x422: {  	v25 =	vld.idx.msk [tilespmem:v29+s2+$0x0], $0xffff  }
0x423: {  	v27 =	vor.u32 $0x200, v23  }
0x424: {  	v28 =	vor.u32 $0x280, v23  }
0x425: {  	v26 =	vor.u32 $0x180, v26;
	_ =	sdelay $0x2  }
0x426: {  	v29 =	vunpack.i.u.bf16.f32 v25;
	v25 =	vunpack.i.l.bf16.f32 v25  }
0x427: {  	[tilespmem:v27+s12+$0x0] =	vst.idx.add.f32.msk $0xffff, v25  }
0x428: {  	[tilespmem:v28+s12+$0x0] =	vst.idx.add.f32.msk $0xffff, v29  }
0x429: {  	v25 =	vld.idx.msk [tilespmem:v26+s2+$0x0], $0xffff  }
0x42a: {  	v26 =	vor.u32 $0x300, v23  }
0x42b: {  	v22 =	vand.u32 $0x7F, v22;
	v23 =	vor.u32 $0x380, v23  }
0x42c: {  	v22 =	vor.u32 v22, v24;
	_ =	sdelay $0x2  }
0x42d: {  	v24 =	vunpack.i.u.bf16.f32 v25;
	v25 =	vunpack.i.l.bf16.f32 v25  }
0x42e: {  	[tilespmem:v26+s12+$0x0] =	vst.idx.add.f32.msk $0xffff, v25  }
0x42f: {  	[tilespmem:v23+s12+$0x0] =	vst.idx.add.f32.msk $0xffff, v24  }
0x430: {  	v19 =	vand.u32 $0x7F, v19;
	v23 =	vld.idx.msk [tilespmem:v22+s2+$0x0], $0xffff  }
0x431: {  	v19 =	vor.u32 v19, v21  }
0x432: {  	v21 =	vor.u32 $0x80, v19  }
0x433: {  	v24 =	vor.u32 $0x80, v22;
	_ =	sdelay $0x2  }
0x434: {  	v25 =	vunpack.i.u.bf16.f32 v23;
	v23 =	vunpack.i.l.bf16.f32 v23  }
0x435: {  	[tilespmem:v19+s12+$0x0] =	vst.idx.add.f32.msk $0xffff, v23  }
0x436: {  	[tilespmem:v21+s12+$0x0] =	vst.idx.add.f32.msk $0xffff, v25  }
0x437: {  	v21 =	vld.idx.msk [tilespmem:v24+s2+$0x0], $0xffff  }
0x438: {  	v23 =	vor.u32 $0x100, v19  }
0x439: {  	v24 =	vor.u32 $0x180, v19  }
0x43a: {  	v25 =	vor.u32 $0x100, v22;
	_ =	sdelay $0x2  }
0x43b: {  	v26 =	vunpack.i.u.bf16.f32 v21;
	v21 =	vunpack.i.l.bf16.f32 v21  }
0x43c: {  	[tilespmem:v23+s12+$0x0] =	vst.idx.add.f32.msk $0xffff, v21  }
0x43d: {  	[tilespmem:v24+s12+$0x0] =	vst.idx.add.f32.msk $0xffff, v26  }
0x43e: {  	v21 =	vld.idx.msk [tilespmem:v25+s2+$0x0], $0xffff  }
0x43f: {  	v23 =	vor.u32 $0x200, v19  }
0x440: {  	v24 =	vor.u32 $0x280, v19  }
0x441: {  	v22 =	vor.u32 $0x180, v22;
	_ =	sdelay $0x2  }
0x442: {  	v25 =	vunpack.i.u.bf16.f32 v21;
	v21 =	vunpack.i.l.bf16.f32 v21  }
0x443: {  	[tilespmem:v23+s12+$0x0] =	vst.idx.add.f32.msk $0xffff, v21  }
0x444: {  	[tilespmem:v24+s12+$0x0] =	vst.idx.add.f32.msk $0xffff, v25  }
0x445: {  	v21 =	vld.idx.msk [tilespmem:v22+s2+$0x0], $0xffff  }
0x446: {  	v22 =	vor.u32 $0x300, v19  }
0x447: {  	v18 =	vand.u32 $0x7F, v18;
	v19 =	vor.u32 $0x380, v19  }
0x448: {  	v18 =	vor.u32 v18, v20;
	_ =	sdelay $0x2  }
0x449: {  	v20 =	vunpack.i.u.bf16.f32 v21;
	v21 =	vunpack.i.l.bf16.f32 v21  }
0x44a: {  	[tilespmem:v22+s12+$0x0] =	vst.idx.add.f32.msk $0xffff, v21  }
0x44b: {  	[tilespmem:v19+s12+$0x0] =	vst.idx.add.f32.msk $0xffff, v20  }
0x44c: {  	v15 =	vand.u32 $0x7F, v15;
	v19 =	vld.idx.msk [tilespmem:v18+s2+$0x0], $0xffff  }
0x44d: {  	v15 =	vor.u32 v15, v17  }
0x44e: {  	v17 =	vor.u32 $0x80, v15  }
0x44f: {  	v20 =	vor.u32 $0x80, v18;
	_ =	sdelay $0x2  }
0x450: {  	v21 =	vunpack.i.u.bf16.f32 v19;
	v19 =	vunpack.i.l.bf16.f32 v19  }
0x451: {  	[tilespmem:v15+s12+$0x0] =	vst.idx.add.f32.msk $0xffff, v19  }
0x452: {  	[tilespmem:v17+s12+$0x0] =	vst.idx.add.f32.msk $0xffff, v21  }
0x453: {  	v17 =	vld.idx.msk [tilespmem:v20+s2+$0x0], $0xffff  }
0x454: {  	v19 =	vor.u32 $0x100, v15  }
0x455: {  	v20 =	vor.u32 $0x180, v15  }
0x456: {  	v21 =	vor.u32 $0x100, v18;
	_ =	sdelay $0x2  }
0x457: {  	v22 =	vunpack.i.u.bf16.f32 v17;
	v17 =	vunpack.i.l.bf16.f32 v17  }
0x458: {  	[tilespmem:v19+s12+$0x0] =	vst.idx.add.f32.msk $0xffff, v17  }
0x459: {  	[tilespmem:v20+s12+$0x0] =	vst.idx.add.f32.msk $0xffff, v22  }
0x45a: {  	v17 =	vld.idx.msk [tilespmem:v21+s2+$0x0], $0xffff  }
0x45b: {  	v19 =	vor.u32 $0x200, v15  }
0x45c: {  	v20 =	vor.u32 $0x280, v15  }
0x45d: {  	v18 =	vor.u32 $0x180, v18;
	_ =	sdelay $0x2  }
0x45e: {  	v21 =	vunpack.i.u.bf16.f32 v17;
	v17 =	vunpack.i.l.bf16.f32 v17  }
0x45f: {  	[tilespmem:v19+s12+$0x0] =	vst.idx.add.f32.msk $0xffff, v17  }
0x460: {  	[tilespmem:v20+s12+$0x0] =	vst.idx.add.f32.msk $0xffff, v21  }
0x461: {  	v17 =	vld.idx.msk [tilespmem:v18+s2+$0x0], $0xffff  }
0x462: {  	v18 =	vor.u32 $0x300, v15  }
0x463: {  	v14 =	vand.u32 $0x7F, v14;
	v15 =	vor.u32 $0x380, v15  }
0x464: {  	v14 =	vor.u32 v14, v16;
	_ =	sdelay $0x2  }
0x465: {  	v16 =	vunpack.i.u.bf16.f32 v17;
	v17 =	vunpack.i.l.bf16.f32 v17  }
0x466: {  	[tilespmem:v18+s12+$0x0] =	vst.idx.add.f32.msk $0xffff, v17  }
0x467: {  	[tilespmem:v15+s12+$0x0] =	vst.idx.add.f32.msk $0xffff, v16  }
0x468: {  	v11 =	vand.u32 $0x7F, v11;
	v15 =	vld.idx.msk [tilespmem:v14+s2+$0x0], $0xffff  }
0x469: {  	v11 =	vor.u32 v11, v13  }
0x46a: {  	v13 =	vor.u32 $0x80, v11  }
0x46b: {  	v16 =	vor.u32 $0x80, v14;
	_ =	sdelay $0x2  }
0x46c: {  	v17 =	vunpack.i.u.bf16.f32 v15;
	v15 =	vunpack.i.l.bf16.f32 v15  }
0x46d: {  	[tilespmem:v11+s12+$0x0] =	vst.idx.add.f32.msk $0xffff, v15  }
0x46e: {  	[tilespmem:v13+s12+$0x0] =	vst.idx.add.f32.msk $0xffff, v17  }
0x46f: {  	v13 =	vld.idx.msk [tilespmem:v16+s2+$0x0], $0xffff  }
0x470: {  	v15 =	vor.u32 $0x100, v11  }
0x471: {  	v16 =	vor.u32 $0x180, v11  }
0x472: {  	v17 =	vor.u32 $0x100, v14;
	_ =	sdelay $0x2  }
0x473: {  	v18 =	vunpack.i.u.bf16.f32 v13;
	v13 =	vunpack.i.l.bf16.f32 v13  }
0x474: {  	[tilespmem:v15+s12+$0x0] =	vst.idx.add.f32.msk $0xffff, v13  }
0x475: {  	[tilespmem:v16+s12+$0x0] =	vst.idx.add.f32.msk $0xffff, v18  }
0x476: {  	v13 =	vld.idx.msk [tilespmem:v17+s2+$0x0], $0xffff  }
0x477: {  	v15 =	vor.u32 $0x200, v11  }
0x478: {  	v16 =	vor.u32 $0x280, v11  }
0x479: {  	v14 =	vor.u32 $0x180, v14;
	_ =	sdelay $0x2  }
0x47a: {  	v17 =	vunpack.i.u.bf16.f32 v13;
	v13 =	vunpack.i.l.bf16.f32 v13  }
0x47b: {  	[tilespmem:v15+s12+$0x0] =	vst.idx.add.f32.msk $0xffff, v13  }
0x47c: {  	[tilespmem:v16+s12+$0x0] =	vst.idx.add.f32.msk $0xffff, v17  }
0x47d: {  	v13 =	vld.idx.msk [tilespmem:v14+s2+$0x0], $0xffff  }
0x47e: {  	v14 =	vor.u32 $0x300, v11  }
0x47f: {  	v10 =	vand.u32 $0x7F, v10;
	v11 =	vor.u32 $0x380, v11  }
0x480: {  	v10 =	vor.u32 v10, v12;
	_ =	sdelay $0x2  }
0x481: {  	v12 =	vunpack.i.u.bf16.f32 v13;
	v13 =	vunpack.i.l.bf16.f32 v13  }
0x482: {  	[tilespmem:v14+s12+$0x0] =	vst.idx.add.f32.msk $0xffff, v13  }
0x483: {  	[tilespmem:v11+s12+$0x0] =	vst.idx.add.f32.msk $0xffff, v12  }
0x484: {  	v4 =	vand.u32 $0x7F, v4;
	v11 =	vld.idx.msk [tilespmem:v10+s2+$0x0], $0xffff  }
0x485: {  	v4 =	vor.u32 v4, v7  }
0x486: {  	v7 =	vor.u32 $0x80, v4  }
0x487: {  	v12 =	vor.u32 $0x80, v10;
	_ =	sdelay $0x2  }
0x488: {  	v13 =	vunpack.i.u.bf16.f32 v11;
	v11 =	vunpack.i.l.bf16.f32 v11  }
0x489: {  	[tilespmem:v4+s12+$0x0] =	vst.idx.add.f32.msk $0xffff, v11  }
0x48a: {  	[tilespmem:v7+s12+$0x0] =	vst.idx.add.f32.msk $0xffff, v13  }
0x48b: {  	v7 =	vld.idx.msk [tilespmem:v12+s2+$0x0], $0xffff  }
0x48c: {  	v11 =	vor.u32 $0x100, v4  }
0x48d: {  	v12 =	vor.u32 $0x180, v4  }
0x48e: {  	v13 =	vor.u32 $0x100, v10;
	_ =	sdelay $0x2  }
0x48f: {  	v14 =	vunpack.i.u.bf16.f32 v7;
	v7 =	vunpack.i.l.bf16.f32 v7  }
0x490: {  	[tilespmem:v11+s12+$0x0] =	vst.idx.add.f32.msk $0xffff, v7  }
0x491: {  	[tilespmem:v12+s12+$0x0] =	vst.idx.add.f32.msk $0xffff, v14  }
0x492: {  	v7 =	vld.idx.msk [tilespmem:v13+s2+$0x0], $0xffff  }
0x493: {  	v11 =	vor.u32 $0x200, v4  }
0x494: {  	v12 =	vor.u32 $0x280, v4  }
0x495: {  	v10 =	vor.u32 $0x180, v10;
	_ =	sdelay $0x2  }
0x496: {  	v13 =	vunpack.i.u.bf16.f32 v7;
	v7 =	vunpack.i.l.bf16.f32 v7  }
0x497: {  	[tilespmem:v11+s12+$0x0] =	vst.idx.add.f32.msk $0xffff, v7  }
0x498: {  	[tilespmem:v12+s12+$0x0] =	vst.idx.add.f32.msk $0xffff, v13  }
0x499: {  	v7 =	vld.idx.msk [tilespmem:v10+s2+$0x0], $0xffff  }
0x49a: {  	v10 =	vor.u32 $0x300, v4  }
0x49b: {  	v6 =	vand.u32 $0x7F, v6;
	v4 =	vor.u32 $0x380, v4  }
0x49c: {  	v6 =	vor.u32 v6, v9;
	_ =	sdelay $0x2  }
0x49d: {  	v9 =	vunpack.i.u.bf16.f32 v7;
	v7 =	vunpack.i.l.bf16.f32 v7  }
0x49e: {  	[tilespmem:v10+s12+$0x0] =	vst.idx.add.f32.msk $0xffff, v7  }
0x49f: {  	[tilespmem:v4+s12+$0x0] =	vst.idx.add.f32.msk $0xffff, v9  }
0x4a0: {  	v5 =	vand.u32 $0x7F, v5;
	v4 =	vld.idx.msk [tilespmem:v6+s2+$0x0], $0xffff  }
0x4a1: {  	v5 =	vor.u32 v5, v8  }
0x4a2: {  	v7 =	vor.u32 $0x80, v5  }
0x4a3: {  	v8 =	vor.u32 $0x80, v6;
	_ =	sdelay $0x2  }
0x4a4: {  	v9 =	vunpack.i.u.bf16.f32 v4;
	v4 =	vunpack.i.l.bf16.f32 v4  }
0x4a5: {  	[tilespmem:v5+s12+$0x0] =	vst.idx.add.f32.msk $0xffff, v4  }
0x4a6: {  	[tilespmem:v7+s12+$0x0] =	vst.idx.add.f32.msk $0xffff, v9  }
0x4a7: {  	v4 =	vld.idx.msk [tilespmem:v8+s2+$0x0], $0xffff  }
0x4a8: {  	v7 =	vor.u32 $0x100, v5  }
0x4a9: {  	v8 =	vor.u32 $0x180, v5  }
0x4aa: {  	v9 =	vor.u32 $0x100, v6;
	_ =	sdelay $0x2  }
0x4ab: {  	v10 =	vunpack.i.u.bf16.f32 v4;
	v4 =	vunpack.i.l.bf16.f32 v4  }
0x4ac: {  	[tilespmem:v7+s12+$0x0] =	vst.idx.add.f32.msk $0xffff, v4  }
0x4ad: {  	[tilespmem:v8+s12+$0x0] =	vst.idx.add.f32.msk $0xffff, v10  }
0x4ae: {  	v4 =	vld.idx.msk [tilespmem:v9+s2+$0x0], $0xffff  }
0x4af: {  	v7 =	vor.u32 $0x200, v5  }
0x4b0: {  	v8 =	vor.u32 $0x280, v5  }
0x4b1: {  	v6 =	vor.u32 $0x180, v6;
	_ =	sdelay $0x2  }
0x4b2: {  	v9 =	vunpack.i.u.bf16.f32 v4;
	v4 =	vunpack.i.l.bf16.f32 v4  }
0x4b3: {  	[tilespmem:v7+s12+$0x0] =	vst.idx.add.f32.msk $0xffff, v4  }
0x4b4: {  	[tilespmem:v8+s12+$0x0] =	vst.idx.add.f32.msk $0xffff, v9  }
0x4b5: {  	v4 =	vld.idx.msk [tilespmem:v6+s2+$0x0], $0xffff  }
0x4b6: {  	v6 =	vor.u32 $0x300, v5  }
0x4b7: {  	v2 =	vand.u32 $0x7F, v2;
	v5 =	vor.u32 $0x380, v5  }
0x4b8: {  	v2 =	vor.u32 v2, v3;
	_ =	sdelay $0x2  }
0x4b9: {  	v3 =	vunpack.i.u.bf16.f32 v4;
	v4 =	vunpack.i.l.bf16.f32 v4  }
0x4ba: {  	[tilespmem:v6+s12+$0x0] =	vst.idx.add.f32.msk $0xffff, v4  }
0x4bb: {  	[tilespmem:v5+s12+$0x0] =	vst.idx.add.f32.msk $0xffff, v3  }
0x4bc: {  	v0 =	vand.u32 $0x7F, v0;
	v3 =	vld.idx.msk [tilespmem:v2+s2+$0x0], $0xffff  }
0x4bd: {  	v0 =	vor.u32 v0, v1  }
0x4be: {  	v1 =	vor.u32 $0x80, v0  }
0x4bf: {  	v4 =	vor.u32 $0x80, v2;
	_ =	sdelay $0x2  }
0x4c0: {  	v5 =	vunpack.i.u.bf16.f32 v3;
	v3 =	vunpack.i.l.bf16.f32 v3  }
0x4c1: {  	[tilespmem:v0+s12+$0x0] =	vst.idx.add.f32.msk $0xffff, v3  }
0x4c2: {  	[tilespmem:v1+s12+$0x0] =	vst.idx.add.f32.msk $0xffff, v5  }
0x4c3: {  	v1 =	vld.idx.msk [tilespmem:v4+s2+$0x0], $0xffff  }
0x4c4: {  	v3 =	vor.u32 $0x100, v0  }
0x4c5: {  	v4 =	vor.u32 $0x180, v0  }
0x4c6: {  	v5 =	vor.u32 $0x100, v2;
	_ =	sdelay $0x2  }
0x4c7: {  	v6 =	vunpack.i.u.bf16.f32 v1;
	v1 =	vunpack.i.l.bf16.f32 v1  }
0x4c8: {  	[tilespmem:v3+s12+$0x0] =	vst.idx.add.f32.msk $0xffff, v1  }
0x4c9: {  	[tilespmem:v4+s12+$0x0] =	vst.idx.add.f32.msk $0xffff, v6  }
0x4ca: {  	v1 =	vld.idx.msk [tilespmem:v5+s2+$0x0], $0xffff  }
0x4cb: {  	v3 =	vor.u32 $0x200, v0  }
0x4cc: {  	v4 =	vor.u32 $0x280, v0  }
0x4cd: {  	v2 =	vor.u32 $0x180, v2;
	_ =	sdelay $0x2  }
0x4ce: {  	v5 =	vunpack.i.u.bf16.f32 v1;
	v1 =	vunpack.i.l.bf16.f32 v1  }
0x4cf: {  	[tilespmem:v3+s12+$0x0] =	vst.idx.add.f32.msk $0xffff, v1  }
0x4d0: {  	[tilespmem:v4+s12+$0x0] =	vst.idx.add.f32.msk $0xffff, v5  }
0x4d1: {  	v3 =	vld.idx.msk [tilespmem:v2+s2+$0x0], $0xffff  }
0x4d2: {  	v1 =	vor.u32 $0x300, v0  }
.Ltmp2:
0x4d3: {  	v0 =	vor.u32 $0x380, v0;
	(pc) =	sbr.rel @p0 .LBB2_7-.Ltmp2, $2  }
0x4d4: {  	_ =	sdelay $0x2  }
0x4d5: {  	v2 =	vunpack.i.u.bf16.f32 v3;
	v3 =	vunpack.i.l.bf16.f32 v3  }
0x4d6: {  	s17 =	sadd.s32 $0x1, s17  }
0x4d7: {  	p0 =	sne.s32 s17, $0x28  }
.Ltmp3:
0x4d8: {  	_ = 	snop;
	(pc) =	sbr.rel @p0 .LBB2_6-.Ltmp3, $3  }
0x4d9: {  	_ =	sdelay $0x1  }
0x4da: {  	[tilespmem:v1+s12+$0x0] =	vst.idx.add.f32.msk $0xffff, v3  }
0x4db: {  	[tilespmem:v0+s12+$0x0] =	vst.idx.add.f32.msk $0xffff, v2  }
0x4dc: {  	s15 =	sadd.s32 $0x1, s15  }
0x4dd: {  	p0 =	sne.s32 s15, s10  }
.Ltmp4:
0x4de: {  	_ = 	snop;
	(pc) =	sbr.rel @p0 .LBB2_1-.Ltmp4, $4  }
0x4df: {  	[hbm4b:s9+s2] =	stream.linear.scatter [tilespmem:s12], [sflag:$0x1], $0x13C00, $0x38;
	[tilespmem:$0x1FA00] =	vst v63  }
0x4e0: {  	_ =	swait.ge [sflag:s11], $0x13C00  }
0x4e1: {  	[sflag:s11] =	ssyncset.done $0x0  }
0x4e2: {  	[sflag:s11] =	ssyncadd.s32 $0xFFFEC400  }
0x4e3: {  	_ =	sfence.sel $0x180000  }
0x4e4: {  	[bflag:$0x0] =	sbarrier.arrive $0xFFFF  }
0x4e5: {  	p0 =	sne.s32 s1, $0x0;
	_ =	strace $0x9000004A  }
0x4e6: {  	s0 =	sadd.s32 @!p0 $0x100000, s0;
	[bflag:$0x2] =	sbarrier.arrive $0xFFFF  }
0x4e7: {  	[sflag:s0] =	ssyncadd.tile.s32 @!p0 $0x1;
	_ =	shalt  }
.Lfunc_end2:
_tile_overlayer_lowered:
.L_overlay_start_2:
0x4e8: {  	(tag) =	ssettag $0x2  }
0x4e9: {  	s0 =	rddreg [dreg:$0x0];
	s2 =	stileid.u32  }
0x4ea: {  	s1 =	rddreg [dreg:$0x1];
	p0 =	sne.s32 s2, $0x0  }
0x4eb: {  	s3 =	rddreg [dreg:$0x2];
	[bflag:$0x3] =	sbarrier.arrive $0xFFFF;
	s2 =	simm.s32 @!p0 $0x1C01  }
0x4ec: {  	[timem:s3], [sflag:s2] =	dma.local @!p0 [hbm:s0], s1  }
0x4ed: {  	s0 =	simm.s32 @!p0 $0x1  }
0x4ee: {  	_ =	swait.ge @!p0 [sflag:s0], s1  }
0x4ef: {  	s1 =	ssub.s32 @!p0 $0x0, s1;
	[sflag:s0] =	ssyncset.done @!p0 $0x0  }
0x4f0: {  	[sflag:s0] =	ssyncadd.s32 @!p0 s1  }
0x4f1: {  	[bflag:$0x3] =	sbarrier.arrive $0xFFFF  }
0x4f2: {  	_ =	shalt  }

// kernel: kernel.16.cloned.1.call-start
scs
__scs_entry_jumppad:
0x0: {  	(pc) =	sbr.rel $0x88, $3  }
0x1: {  	(tag) =	ssettag $0x0;
	lr =	simm.s32 $0x1  }
0x2: {  	[smem:$0x3F96] =	sst lr;
	_ =	strace $0xD0000000  }
0x3: {  	_ = 	snop  }
0x4: {  	_ = 	snop  }
0x5: {  	_ = 	snop  }
0x6: {  	_ = 	snop  }
0x7: {  	_ = 	snop  }
__scs_overlays_trampoline_lowered:
0x8: {  	[smem:$0x3FA5] =	sst s0  }
0x9: {  	[smem:$0x3FA6] =	sst s1  }
0xa: {  	[smem:$0x3FA7] =	sst s2  }
0xb: {  	[smem:$0x3FA8] =	sst s3  }
0xc: {  	[smem:$0x3FA9] =	sst s4  }
0xd: {  	[smem:$0x3FAA] =	sst s5  }
0xe: {  	[smem:$0x3FAB] =	sst s6  }
0xf: {  	[smem:$0x3FAC] =	sst s7  }
0x10: {  	[smem:$0x3FAD] =	sst s8  }
0x11: {  	[smem:$0x3FAE] =	sst s9;
	s0 =	simm.s32 @!p0 $0x0  }
0x12: {  	s1 =	sld [smem:$0x3F94];
	s0 =	simm.s32 @p0 $0x1  }
0x13: {  	[smem:$0x3FAF] =	sst s0;
	s0 =	simm.s32 @!p1 $0x0  }
0x14: {  	s2 =	sld [smem:$0x3F93];
	s0 =	simm.s32 @p1 $0x1  }
0x15: {  	[smem:$0x3FB0] =	sst s0;
	s0 =	simm.s32 @!p2 $0x0  }
0x16: {  	s3 =	sld [smem:$0x3FDB];
	s0 =	simm.s32 @p2 $0x1  }
0x17: {  	s4 =	simm.s32 $0x1BF5;
	[smem:$0x3FB2] =	sst s0  }
0x18: {  	s0 =	sld [smem:$0x3F95];
	_ =	swait.ge [sflag:s4], $0x0  }
0x19: {  	s7 =	sld [smem:$0x3F96]  }
0x1a: {  	s8 =	sadd.s32 $0xFFFFE003, lr  }
0x1b: {  	s9 =	sadd.s32 $0xFFFFFEF7, lr;
	s5 =	simm.s32 $0xFFFFFFFF;
	p2 =	slt.u32 s8, $0xFFFFF086  }
0x1c: {  	p1 =	slt.u32 s9, $0xF7A;
	s5 =	simm.s32 @!p2 $0x0  }
0x1d: {  	s5 =	simm.s32 @p1 $0x1;
	p0 =	seq.s32 s7, s2  }
0x1e: {  	s7 =	smul.u32 @!p0 $0xF7A, s2;
	p2 =	seq.s32 @!p0 s5, $0x0  }
0x1f: {  	s9 =	smul.u32 $0xF7A, s1;
	s8 =	simm.s32 @!p0 $0x1BF5;
	p2 =	por !p2, p0  }
0x20: {  	[sflag:s8] =	ssyncset.s32 @!p0 $0xFFFFF086;
	s6 =	sadd.s32 @!p0 s3, s7;
	s7 =	simm.s32 @!p0 $0x108  }
0x21: {  	s3 =	sadd.s32 s3, s9;
	s6 =	sadd.s32 @!p0 $0x88, s6;
	s7 =	simm.s32 @p2 $0x1082  }
0x22: {  	[simem:s7], [sflag:s8] =	dma.local @!p0 [hbm:s6], $0xF7A  }
0x23: {  	s9 =	sor.u32 $0xD0000000, s2;
	s6 =	simm.s32 $0x108;
	_ =	swait.ge @!p0 [sflag:s8], $0x0  }
0x24: {  	s3 =	sadd.s32 $0x88, s3;
	s6 =	simm.s32 @!p1 $0x1082;
	[sflag:s4] =	ssyncset.s32 $0xFFFFF086  }
0x25: {  	[simem:s6], [sflag:s4] =	dma.local [hbm:s3], $0xF7A  }
0x26: {  	[smem:$0x3F96] =	sst s1;
	(tag) =	ssettag s2;
	_ =	strace s9  }
0x27: {  	s1 =	sld [smem:$0x3FA6]  }
0x28: {  	s2 =	sld [smem:$0x3FA7]  }
0x29: {  	s4 =	sld [smem:$0x3FA9]  }
0x2a: {  	p0 =	seq.s32 s5, $0x0;
	s5 =	sld [smem:$0x3FAA]  }
0x2b: {  	s6 =	sld [smem:$0x3FAB]  }
0x2c: {  	s7 =	sld [smem:$0x3FAC]  }
0x2d: {  	s3 =	simm.s32 $0x108;
	s8 =	sld [smem:$0x3FAD]  }
0x2e: {  	s3 =	simm.s32 @!p0 $0x1082;
	s9 =	sld [smem:$0x3FAE]  }
0x2f: {  	lr =	sadd.s32 s0, s3;
	s0 =	sld [smem:$0x3FA5]  }
0x30: {  	s3 =	sld [smem:$0x3FA8]  }
0x31: {  	[smem:$0x3FB1] =	sst s10  }
0x32: {  	s10 =	sld [smem:$0x3FAF];
	_ =	sdelay $0x3  }
0x33: {  	p0 =	seq.s32 s10, $0x1;
	s10 =	sld [smem:$0x3FB1];
	_ =	sdelay $0x3  }
0x34: {  	[smem:$0x3FB1] =	sst s10  }
0x35: {  	s10 =	sld [smem:$0x3FB0];
	_ =	sdelay $0x3  }
0x36: {  	p1 =	seq.s32 s10, $0x1;
	s10 =	sld [smem:$0x3FB1];
	_ =	sdelay $0x3  }
0x37: {  	[smem:$0x3FB1] =	sst s10  }
0x38: {  	s10 =	sld [smem:$0x3FB2]  }
0x39: {  	_ = 	snop;
	(pc) =	sbr.ind lr, $3  }
0x3a: {  	_ = 	snop  }
0x3b: {  	_ = 	snop  }
0x3c: {  	p2 =	seq.s32 s10, $0x1;
	s10 =	sld [smem:$0x3FB1]  }
0x3d: {  	_ =	shalt  }
0x3e: {  	_ =	shalt  }
0x3f: {  	_ =	shalt  }
0x40: {  	_ =	shalt  }
0x41: {  	_ =	shalt  }
0x42: {  	_ =	shalt  }
0x43: {  	_ =	shalt  }
0x44: {  	_ =	shalt  }
0x45: {  	_ =	shalt  }
0x46: {  	_ =	shalt  }
0x47: {  	_ =	shalt  }
0x48: {  	_ =	shalt  }
0x49: {  	_ =	shalt  }
0x4a: {  	_ =	shalt  }
0x4b: {  	_ =	shalt  }
0x4c: {  	_ =	shalt  }
0x4d: {  	_ =	shalt  }
0x4e: {  	_ =	shalt  }
0x4f: {  	_ =	shalt  }
0x50: {  	_ =	shalt  }
0x51: {  	_ =	shalt  }
0x52: {  	_ =	shalt  }
0x53: {  	_ =	shalt  }
0x54: {  	_ =	shalt  }
0x55: {  	_ =	shalt  }
0x56: {  	_ =	shalt  }
0x57: {  	_ =	shalt  }
0x58: {  	_ =	shalt  }
0x59: {  	_ =	shalt  }
0x5a: {  	_ =	shalt  }
0x5b: {  	_ =	shalt  }
0x5c: {  	_ =	shalt  }
0x5d: {  	_ =	shalt  }
0x5e: {  	_ =	shalt  }
0x5f: {  	_ =	shalt  }
0x60: {  	_ =	shalt  }
0x61: {  	_ =	shalt  }
0x62: {  	_ =	shalt  }
0x63: {  	_ =	shalt  }
0x64: {  	_ =	shalt  }
0x65: {  	_ =	shalt  }
0x66: {  	_ =	shalt  }
0x67: {  	_ =	shalt  }
0x68: {  	_ =	shalt  }
0x69: {  	_ =	shalt  }
0x6a: {  	_ =	shalt  }
0x6b: {  	_ =	shalt  }
0x6c: {  	_ =	shalt  }
0x6d: {  	_ =	shalt  }
0x6e: {  	_ =	shalt  }
0x6f: {  	_ =	shalt  }
0x70: {  	_ =	shalt  }
0x71: {  	_ =	shalt  }
0x72: {  	_ =	shalt  }
0x73: {  	_ =	shalt  }
0x74: {  	_ =	shalt  }
0x75: {  	_ =	shalt  }
0x76: {  	_ =	shalt  }
0x77: {  	_ =	shalt  }
0x78: {  	_ =	shalt  }
0x79: {  	_ =	shalt  }
0x7a: {  	_ =	shalt  }
0x7b: {  	_ =	shalt  }
0x7c: {  	_ =	shalt  }
0x7d: {  	_ =	shalt  }
0x7e: {  	_ =	shalt  }
0x7f: {  	_ =	shalt  }
0x80: {  	_ =	shalt  }
0x81: {  	_ =	shalt  }
0x82: {  	_ =	shalt  }
0x83: {  	_ =	shalt  }
0x84: {  	_ =	shalt  }
0x85: {  	_ =	shalt  }
0x86: {  	_ =	shalt  }
0x87: {  	_ =	shalt  }
.Lfunc_end0:
.L_simem_size_0:
called_computation.2_lowered:
.L_overlay_start_0:
0x88: {  	s2 =	sld [smem:$0x3FD9]  }
0x89: {  	s3 =	sld [smem:$0x3FFE];
	_ =	sdelay $0x1  }
0x8a: {  	s1 =	srdreg.scid  }
0x8b: {  	s0 =	sand.u32 $0x1, s1  }
0x8c: {  	s16 =	sshll.u32 s0, $0xA;
	s2 =	sadd.s32 s3, s2  }
0x8d: {  	s2 =	sadd.s32 s2, s16  }
0x8e: {  	[smem:$0x3FBD] =	sst s2  }
0x8f: {  	_ = 	snop  }
0x90: {  	(tm) =	ssettm $0x1  }
0x91: {  	s17 =	sld [smem:$0x3FFB];
	_ =	sdelay $0x3  }
0x92: {  	_ =	strace s17  }
0x93: {  	s2 =	sld [smem:$0x3FFC];
	_ =	sdelay $0x3  }
0x94: {  	_ =	strace s2  }
0x95: {  	s2 =	sld [smem:$0x3FFD];
	_ =	sdelay $0x3  }
0x96: {  	_ =	strace s2  }
0x97: {  	_ =	strace $0x8FFFFFFF  }
0x98: {  	s18 =	sld [smem:$0x3FDB];
	_ =	sdelay $0x1  }
0x99: {  	s19 =	simm.s32 $_scs_section_size  }
0x9a: {  	s4 =	simm.s32 $_size__tile_overlayer_lowered;
	s5 =	simm.s32 $_tile_overlayer_lowered  }
0x9b: {  	s22 =	simm.s32 $0x1BFF;
	s21 =	sshll.u32 s5, $0x1;
	s2 =	sadd.s32 s19, s18  }
0x9c: {  	s6 =	simm.s32 $0x0;
	s20 =	sshll.u32 s4, $0x1;
	s4 =	sadd.s32 s21, s2  }
0x9d: {  	[timem:s6], [sflag:s22] =	dma.local [hbm:s4], s20  }
0x9e: {  	_ =	swait.ge [sflag:s22], s20  }
0x9f: {  	s3 =	ssub.s32 $0x0, s20;
	[sflag:s22] =	ssyncset.done $0x0  }
0xa0: {  	[sflag:s22] =	ssyncadd.s32 s3;
	_ =	sdelay $0x1  }
0xa1: {  	s23 =	simm.s32 $0x1B8B  }
0xa2: {  	_ =	swait.ge [sflag:s23], $0x1  }
0xa3: {  	[sflag:s23] =	ssyncset.done $0x0  }
0xa4: {  	s25 =	simm.s32 $0x1B8E;
	s24 =	sld [smem:$0x3FFE];
	[sflag:s23] =	ssyncadd.s32 $0xFFFFFFFF  }
0xa5: {  	s26 =	simm.s32 $execute0_lowered;
	[smem:$0x3FD2] =	sst s25  }
0xa6: {  	s4 =	sshll.u32 s26, $0x1;
	_ =	strace $0x8000004C;
	[dreg:$0x1] =	wrdreg $0xFFFFFFFF  }
0xa7: {  	s28 =	simm.s32 $_size_execute0_lowered;
	s2 =	sadd.s32 s2, s4;
	[dreg:$0x0] =	wrdreg $0x0  }
0xa8: {  	s4 =	sshll.u32 s28, $0x1;
	[dreg:$0x2] =	wrdreg s2  }
0xa9: {  	[dreg:$0x3] =	wrdreg s4  }
0xaa: {  	[dreg:$0x4] =	wrdreg $0xC0  }
0xab: {  	_ =	task [dreg:s6], $0x5FFFF  }
0xac: {  	[dreg:$0x1] =	wrdreg $0xFFFFFFFF  }
0xad: {  	[dreg:$0x0] =	wrdreg $0x60  }
0xae: {  	[dreg:$0x2] =	wrdreg s24  }
0xaf: {  	[dreg:$0x3] =	wrdreg $0x9  }
0xb0: {  	_ =	task.clear_ibuf [dreg:s6], $0x4FFFF;
	_ =	strace $0x9000004C  }
0xb1: {  	s29 =	simm.s32 $0x9;
	_ =	strace $0x8000004E  }
0xb2: {  	_ =	swait.ge [sflag:s29], $0x1  }
0xb3: {  	[sflag:s29] =	ssyncadd.s32 $0xFFFFFFFF  }
0xb4: {  	_ =	strace $0x9000004E  }
0xb5: {  	_ =	sfence  }
0xb6: {  	s30 =	sld [smem:$0x0];
	_ =	sdelay $0x2  }
0xb7: {  	s31 =	sshll.u32 s1, $0xD;
	s1 =	sshrl.u32 s1, $0x2  }
0xb8: {  	s3 =	sand.u32 $0x4000, s31;
	s1 =	sadd.s32 s1, s30  }
0xb9: {  	s0 =	sor.u32 s3, s0;
	s1 =	sshll.u32 s1, $0x11  }
0xba: {  	s0 =	sor.u32 s1, s0  }
0xbb: {  	s0 =	sadd.s32 $0x8F2B, s0  }
0xbc: {  	[sflag:s0] =	ssyncadd.remote.s32 $0x1  }
0xbd: {  	_ =	sfence.sel $0xFFFF  }
0xbe: {  	[dreg:$0x0] =	wrdreg $0xFFFFFFFF;
	(pc) =	sbr.abs _section_cstart, $3  }
0xbf: {  	[dreg:$0x1] =	wrdreg $0xFFFFFFFF  }
0xc0: {  	_ =	task.clear_ibuf [dreg:s6], $0x2FFFF;
	_ =	strace $0x9FFFFFFF  }
0xc1: {  	(tm) =	ssettm $0x7FFFFFFF  }
tec
execute0_lowered:
.L_overlay_start_1:
0x0: {  	(tag) =	ssettag $0x1  }
0x1: {  	s6 =	rddreg [dreg:$0x0]  }
0x2: {  	s0 =	rddreg [dreg:$0x1];
	s3 =	srdreg.scid  }
0x3: {  	s1 =	stileid.u32;
	s2 =	simm.s32 $0x0;
	s5 =	sand.u32 $0x1, s3  }
0x4: {  	s31 =	sshll.u32 s1, $0x1;
	[smem:$0x7FF] =	sst s2;
	s3 =	sadd.s32 $0x6C00, s6  }
0x5: {  	s4 =	sadd.s32 $0x1C00, s6;
	s10 =	sadd.s32 $0xA8000, s6;
	s7 =	sor.u32 s5, s31  }
0x6: {  	s15 =	sadd.s32 $0xF9800, s6;
	_ =	strace $0x8000004D;
	s8 =	smul.u32 $0x13C0, s7  }
0x7: {  	s11 =	ssub.s32 $0x2, s5;
	s9 =	smul.u32 $0x2780, s7;
	s7 =	sor.u32 $0x20, s7  }
0x8: {  	s5 =	sadd.s32 $0xF7000, s6;
	s13 =	sshrl.u32 s11, $0x1;
	s12 =	smul.u32 $0x13C0, s7  }
0x9: {  	s14 =	smul.u32 $0x2780, s7;
	s11 =	ssub.s32 s11, s13;
	s13 =	simm.s32 $0x1DA00  }
0xa: {  	s6 =	sadd.s32 s10, s8;
	s7 =	sadd.s32 s15, s9;
	s8 =	sadd.s32 s10, s12  }
0xb: {  	s9 =	sadd.s32 s15, s14;
	s10 =	smax.u32 s11, $0x1;
	s11 =	simm.s32 $0x1  }
0xc: {  	s12 =	simm.s32 $0x9E00;
	s14 =	simm.s32 $0x1EA00;
	s15 =	simm.s32 $0x0  }
.LBB2_1:
0xd: {  	[tilespmem:s2], [sflag:$0x1] =	stream.linear.gather [hbm4b:s6+s2], $0x9E00, $0x38;
	[tilespmem:$0x1FA00] =	vst v63  }
0xe: {  	_ =	swait.ge [sflag:s11], $0x9E00  }
0xf: {  	[sflag:s11] =	ssyncset.done $0x0  }
0x10: {  	[sflag:s11] =	ssyncadd.s32 $0xFFFF6200  }
0x11: {  	[tilespmem:s12], [sflag:$0x1] =	stream.linear.gather [hbm4b:s5+s2], $0x13C00, $0x38;
	[tilespmem:$0x1FA00] =	vst v63  }
0x12: {  	_ =	swait.ge [sflag:s11], $0x13C00  }
0x13: {  	[sflag:s11] =	ssyncset.done $0x0  }
0x14: {  	s16 =	simm.s32 $0x0;
	[sflag:s11] =	ssyncadd.s32 $0xFFFEC400  }
.LBB2_2:
0x15: {  	s17 =	smul.u32 $0x1F4, s16;
	_ =	sdelay $0x1  }
0x16: {  	s19 =	simm.s32 $0x0;
	s18 =	sadd.s32 s3, s17  }
0x17: {  	[tilespmem:s13], [sflag:$0x1] =	stream.linear.gather [hbm4b:s18+s19], $0xFA0, $0x38;
	[tilespmem:$0x1FA00] =	vst v63  }
0x18: {  	_ =	swait.ge [sflag:s11], $0xFA0  }
0x19: {  	[sflag:s11] =	ssyncset.done $0x0  }
0x1a: {  	s17 =	sadd.s32 s4, s17;
	[sflag:s11] =	ssyncadd.s32 $0xFFFFF060  }
0x1b: {  	[tilespmem:s14], [sflag:$0x1] =	stream.linear.gather [hbm4b:s17+s19], $0xFA0, $0x38;
	[tilespmem:$0x1FA00] =	vst v63  }
0x1c: {  	_ =	swait.ge [sflag:s11], $0xFA0  }
0x1d: {  	[sflag:s11] =	ssyncset.done $0x0  }
0x1e: {  	s17 =	simm.s32 $0x1EA50;
	[sflag:s11] =	ssyncadd.s32 $0xFFFFF060  }
0x1f: {  	s18 =	simm.s32 $0x1DA50;
	v0 =	vld [tilespmem:s17+$0x40]  }
0x20: {  	v1 =	vld [tilespmem:s18+$0xFFFFFFB0]  }
0x21: {  	v4 =	vld [tilespmem:s17+$0x20]  }
0x22: {  	v6 =	vld [tilespmem:s17+$0x10]  }
0x23: {  	v8 =	vld [tilespmem:s17+$0x0]  }
0x24: {  	v10 =	vld [tilespmem:s17+$0xFFFFFFF0]  }
0x25: {  	v12 =	vld [tilespmem:s17+$0xFFFFFFE0]  }
0x26: {  	v13 =	vld [tilespmem:s17+$0xFFFFFFD0]  }
0x27: {  	v3 =	vld [tilespmem:s17+$0xFFFFFFB0];
	v2 =	vshll.u32 v1, $0x2  }
0x28: {  	v15 =	vld [tilespmem:s17+$0xFFFFFFC0];
	v1 =	vand.u32 $0x7F, v1;
	v2 =	vand.u32 $0xFFFFFE00, v2  }
0x29: {  	v5 =	vld [tilespmem:s18+$0x20];
	v14 =	vor.u32 v1, v2  }
0x2a: {  	v7 =	vld [tilespmem:s18+$0x10]  }
0x2b: {  	v9 =	vld [tilespmem:s18+$0x0]  }
0x2c: {  	v17 =	vld [tilespmem:s18+$0xFFFFFFC0]  }
0x2d: {  	v11 =	vld [tilespmem:s18+$0xFFFFFFF0];
	v2 =	vshll.u32 v3, $0x3  }
0x2e: {  	v3 =	vand.u32 $0x7F, v3;
	v2 =	vand.u32 $0xFFFFFC00, v2;
	v16 =	vld.idx.msk [tilespmem:v14+s2+$0x0], $0xffff  }
0x2f: {  	v20 =	vld [tilespmem:s18+$0xFFFFFFE0];
	v18 =	vor.u32 v3, v2  }
0x30: {  	v22 =	vld [tilespmem:s18+$0xFFFFFFD0];
	v19 =	vor.u32 $0x80, v18  }
0x31: {  	s19 =	sand.u32 $0x1FE0, s19;
	v1 =	vld [tilespmem:s18+$0x40];
	v21 =	vor.u32 $0x80, v14  }
0x32: {  	v3 =	vld [tilespmem:s19+$0x1DA80]  }
0x33: {  	v2 =	vld [tilespmem:s19+$0x1EA80];
	v23 =	vunpack.i.l.bf16.f32 v16  }
0x34: {  	v16 =	vunpack.i.u.bf16.f32 v16;
	[tilespmem:v18+s12+$0x0] =	vst.idx.add.f32.msk $0xffff, v23  }
0x35: {  	[tilespmem:v19+s12+$0x0] =	vst.idx.add.f32.msk $0xffff, v16  }
0x36: {  	v16 =	vld.idx.msk [tilespmem:v21+s2+$0x0], $0xffff  }
0x37: {  	v44 =	vor.u32 $0x100, v18  }
0x38: {  	v45 =	vor.u32 $0x180, v18  }
0x39: {  	v46 =	vor.u32 $0x100, v14;
	_ =	sdelay $0x1  }
0x3a: {  	v24 =	vunpack.i.l.bf16.f32 v16  }
0x3b: {  	v16 =	vunpack.i.u.bf16.f32 v16;
	[tilespmem:v44+s12+$0x0] =	vst.idx.add.f32.msk $0xffff, v24  }
0x3c: {  	[tilespmem:v45+s12+$0x0] =	vst.idx.add.f32.msk $0xffff, v16  }
0x3d: {  	v16 =	vld.idx.msk [tilespmem:v46+s2+$0x0], $0xffff  }
0x3e: {  	v47 =	vor.u32 $0x200, v18  }
0x3f: {  	v48 =	vor.u32 $0x280, v18  }
0x40: {  	v14 =	vor.u32 $0x180, v14;
	_ =	sdelay $0x1  }
0x41: {  	v23 =	vunpack.i.l.bf16.f32 v16  }
0x42: {  	v16 =	vunpack.i.u.bf16.f32 v16;
	[tilespmem:v47+s12+$0x0] =	vst.idx.add.f32.msk $0xffff, v23  }
0x43: {  	[tilespmem:v48+s12+$0x0] =	vst.idx.add.f32.msk $0xffff, v16  }
0x44: {  	v14 =	vld.idx.msk [tilespmem:v14+s2+$0x0], $0xffff  }
0x45: {  	v49 =	vshll.u32 v17, $0x2;
	v50 =	vor.u32 $0x300, v18  }
0x46: {  	v17 =	vand.u32 $0x7F, v17;
	v18 =	vor.u32 $0x380, v18;
	v16 =	vand.u32 $0xFFFFFE00, v49  }
0x47: {  	v16 =	vor.u32 v17, v16;
	_ =	sdelay $0x1  }
0x48: {  	v51 =	vunpack.i.l.bf16.f32 v14  }
0x49: {  	v14 =	vunpack.i.u.bf16.f32 v14;
	[tilespmem:v50+s12+$0x0] =	vst.idx.add.f32.msk $0xffff, v51  }
0x4a: {  	v52 =	vshll.u32 v15, $0x3;
	[tilespmem:v18+s12+$0x0] =	vst.idx.add.f32.msk $0xffff, v14  }
0x4b: {  	v15 =	vand.u32 $0x7F, v15;
	v53 =	vand.u32 $0xFFFFFC00, v52;
	v54 =	vld.idx.msk [tilespmem:v16+s2+$0x0], $0xffff  }
0x4c: {  	v14 =	vor.u32 v15, v53  }
0x4d: {  	v15 =	vor.u32 $0x80, v14  }
0x4e: {  	v55 =	vor.u32 $0x80, v16;
	_ =	sdelay $0x1  }
0x4f: {  	v56 =	vunpack.i.l.bf16.f32 v54  }
0x50: {  	v17 =	vunpack.i.u.bf16.f32 v54;
	[tilespmem:v14+s12+$0x0] =	vst.idx.add.f32.msk $0xffff, v56  }
0x51: {  	[tilespmem:v15+s12+$0x0] =	vst.idx.add.f32.msk $0xffff, v17  }
0x52: {  	v15 =	vld.idx.msk [tilespmem:v55+s2+$0x0], $0xffff  }
0x53: {  	v57 =	vor.u32 $0x100, v14  }
0x54: {  	v58 =	vor.u32 $0x180, v14  }
0x55: {  	v59 =	vor.u32 $0x100, v16;
	_ =	sdelay $0x1  }
0x56: {  	v60 =	vunpack.i.l.bf16.f32 v15  }
0x57: {  	v15 =	vunpack.i.u.bf16.f32 v15;
	[tilespmem:v57+s12+$0x0] =	vst.idx.add.f32.msk $0xffff, v60  }
0x58: {  	[tilespmem:v58+s12+$0x0] =	vst.idx.add.f32.msk $0xffff, v15  }
0x59: {  	v15 =	vld.idx.msk [tilespmem:v59+s2+$0x0], $0xffff  }
0x5a: {  	v61 =	vor.u32 $0x200, v14  }
0x5b: {  	v62 =	vor.u32 $0x280, v14  }
0x5c: {  	v16 =	vor.u32 $0x180, v16;
	_ =	sdelay $0x1  }
0x5d: {  	v19 =	vunpack.i.l.bf16.f32 v15  }
0x5e: {  	v15 =	vunpack.i.u.bf16.f32 v15;
	[tilespmem:v61+s12+$0x0] =	vst.idx.add.f32.msk $0xffff, v19  }
0x5f: {  	[tilespmem:v62+s12+$0x0] =	vst.idx.add.f32.msk $0xffff, v15  }
0x60: {  	v15 =	vld.idx.msk [tilespmem:v16+s2+$0x0], $0xffff  }
0x61: {  	v63 =	vshll.u32 v22, $0x2;
	v21 =	vor.u32 $0x300, v14  }
0x62: {  	v23 =	vand.u32 $0x7F, v22;
	v14 =	vor.u32 $0x380, v14;
	v16 =	vand.u32 $0xFFFFFE00, v63  }
0x63: {  	v16 =	vor.u32 v23, v16;
	_ =	sdelay $0x1  }
0x64: {  	v24 =	vunpack.i.l.bf16.f32 v15  }
0x65: {  	v15 =	vunpack.i.u.bf16.f32 v15;
	[tilespmem:v21+s12+$0x0] =	vst.idx.add.f32.msk $0xffff, v24  }
0x66: {  	v25 =	vshll.u32 v13, $0x3;
	[tilespmem:v14+s12+$0x0] =	vst.idx.add.f32.msk $0xffff, v15  }
0x67: {  	v13 =	vand.u32 $0x7F, v13;
	v26 =	vand.u32 $0xFFFFFC00, v25;
	v15 =	vld.idx.msk [tilespmem:v16+s2+$0x0], $0xffff  }
0x68: {  	v13 =	vor.u32 v13, v26  }
0x69: {  	v14 =	vor.u32 $0x80, v13  }
0x6a: {  	v27 =	vor.u32 $0x80, v16;
	_ =	sdelay $0x1  }
0x6b: {  	v28 =	vunpack.i.l.bf16.f32 v15  }
0x6c: {  	v15 =	vunpack.i.u.bf16.f32 v15;
	[tilespmem:v13+s12+$0x0] =	vst.idx.add.f32.msk $0xffff, v28  }
0x6d: {  	[tilespmem:v14+s12+$0x0] =	vst.idx.add.f32.msk $0xffff, v15  }
0x6e: {  	v14 =	vld.idx.msk [tilespmem:v27+s2+$0x0], $0xffff  }
0x6f: {  	v29 =	vor.u32 $0x100, v13  }
0x70: {  	v30 =	vor.u32 $0x180, v13  }
0x71: {  	v31 =	vor.u32 $0x100, v16;
	_ =	sdelay $0x1  }
0x72: {  	v32 =	vunpack.i.l.bf16.f32 v14  }
0x73: {  	v14 =	vunpack.i.u.bf16.f32 v14;
	[tilespmem:v29+s12+$0x0] =	vst.idx.add.f32.msk $0xffff, v32  }
0x74: {  	[tilespmem:v30+s12+$0x0] =	vst.idx.add.f32.msk $0xffff, v14  }
0x75: {  	v14 =	vld.idx.msk [tilespmem:v31+s2+$0x0], $0xffff  }
0x76: {  	v33 =	vor.u32 $0x200, v13  }
0x77: {  	v34 =	vor.u32 $0x280, v13  }
0x78: {  	v16 =	vor.u32 $0x180, v16;
	_ =	sdelay $0x1  }
0x79: {  	v18 =	vunpack.i.l.bf16.f32 v14  }
0x7a: {  	v14 =	vunpack.i.u.bf16.f32 v14;
	[tilespmem:v33+s12+$0x0] =	vst.idx.add.f32.msk $0xffff, v18  }
0x7b: {  	[tilespmem:v34+s12+$0x0] =	vst.idx.add.f32.msk $0xffff, v14  }
0x7c: {  	v14 =	vld.idx.msk [tilespmem:v16+s2+$0x0], $0xffff  }
0x7d: {  	v35 =	vshll.u32 v20, $0x2;
	v36 =	vor.u32 $0x300, v13  }
0x7e: {  	v37 =	vand.u32 $0x7F, v20;
	v13 =	vor.u32 $0x380, v13;
	v15 =	vand.u32 $0xFFFFFE00, v35  }
0x7f: {  	v15 =	vor.u32 v37, v15;
	_ =	sdelay $0x1  }
0x80: {  	v38 =	vunpack.i.l.bf16.f32 v14  }
0x81: {  	v14 =	vunpack.i.u.bf16.f32 v14;
	[tilespmem:v36+s12+$0x0] =	vst.idx.add.f32.msk $0xffff, v38  }
0x82: {  	v39 =	vshll.u32 v12, $0x3;
	[tilespmem:v13+s12+$0x0] =	vst.idx.add.f32.msk $0xffff, v14  }
0x83: {  	v12 =	vand.u32 $0x7F, v12;
	v40 =	vand.u32 $0xFFFFFC00, v39;
	v14 =	vld.idx.msk [tilespmem:v15+s2+$0x0], $0xffff  }
0x84: {  	v12 =	vor.u32 v12, v40  }
0x85: {  	v13 =	vor.u32 $0x80, v12  }
0x86: {  	v41 =	vor.u32 $0x80, v15;
	_ =	sdelay $0x1  }
0x87: {  	v42 =	vunpack.i.l.bf16.f32 v14  }
0x88: {  	v14 =	vunpack.i.u.bf16.f32 v14;
	[tilespmem:v12+s12+$0x0] =	vst.idx.add.f32.msk $0xffff, v42  }
0x89: {  	[tilespmem:v13+s12+$0x0] =	vst.idx.add.f32.msk $0xffff, v14  }
0x8a: {  	v13 =	vld.idx.msk [tilespmem:v41+s2+$0x0], $0xffff  }
0x8b: {  	v43 =	vor.u32 $0x100, v12  }
0x8c: {  	v44 =	vor.u32 $0x180, v12  }
0x8d: {  	v45 =	vor.u32 $0x100, v15;
	_ =	sdelay $0x1  }
0x8e: {  	v46 =	vunpack.i.l.bf16.f32 v13  }
0x8f: {  	v13 =	vunpack.i.u.bf16.f32 v13;
	[tilespmem:v43+s12+$0x0] =	vst.idx.add.f32.msk $0xffff, v46  }
0x90: {  	[tilespmem:v44+s12+$0x0] =	vst.idx.add.f32.msk $0xffff, v13  }
0x91: {  	v13 =	vld.idx.msk [tilespmem:v45+s2+$0x0], $0xffff  }
0x92: {  	v47 =	vor.u32 $0x200, v12  }
0x93: {  	v48 =	vor.u32 $0x280, v12  }
0x94: {  	v15 =	vor.u32 $0x180, v15;
	_ =	sdelay $0x1  }
0x95: {  	v17 =	vunpack.i.l.bf16.f32 v13  }
0x96: {  	v13 =	vunpack.i.u.bf16.f32 v13;
	[tilespmem:v47+s12+$0x0] =	vst.idx.add.f32.msk $0xffff, v17  }
0x97: {  	[tilespmem:v48+s12+$0x0] =	vst.idx.add.f32.msk $0xffff, v13  }
0x98: {  	v13 =	vld.idx.msk [tilespmem:v15+s2+$0x0], $0xffff  }
0x99: {  	v49 =	vshll.u32 v11, $0x2;
	v50 =	vor.u32 $0x300, v12  }
0x9a: {  	v11 =	vand.u32 $0x7F, v11;
	v12 =	vor.u32 $0x380, v12;
	v14 =	vand.u32 $0xFFFFFE00, v49  }
0x9b: {  	v11 =	vor.u32 v11, v14;
	_ =	sdelay $0x1  }
0x9c: {  	v51 =	vunpack.i.l.bf16.f32 v13  }
0x9d: {  	v13 =	vunpack.i.u.bf16.f32 v13;
	[tilespmem:v50+s12+$0x0] =	vst.idx.add.f32.msk $0xffff, v51  }
0x9e: {  	v52 =	vshll.u32 v10, $0x3;
	[tilespmem:v12+s12+$0x0] =	vst.idx.add.f32.msk $0xffff, v13  }
0x9f: {  	v10 =	vand.u32 $0x7F, v10;
	v53 =	vand.u32 $0xFFFFFC00, v52;
	v13 =	vld.idx.msk [tilespmem:v11+s2+$0x0], $0xffff  }
0xa0: {  	v10 =	vor.u32 v10, v53  }
0xa1: {  	v12 =	vor.u32 $0x80, v10  }
0xa2: {  	v54 =	vor.u32 $0x80, v11;
	_ =	sdelay $0x1  }
0xa3: {  	v55 =	vunpack.i.l.bf16.f32 v13  }
0xa4: {  	v13 =	vunpack.i.u.bf16.f32 v13;
	[tilespmem:v10+s12+$0x0] =	vst.idx.add.f32.msk $0xffff, v55  }
0xa5: {  	[tilespmem:v12+s12+$0x0] =	vst.idx.add.f32.msk $0xffff, v13  }
0xa6: {  	v12 =	vld.idx.msk [tilespmem:v54+s2+$0x0], $0xffff  }
0xa7: {  	v56 =	vor.u32 $0x100, v10  }
0xa8: {  	v57 =	vor.u32 $0x180, v10  }
0xa9: {  	v58 =	vor.u32 $0x100, v11;
	_ =	sdelay $0x1  }
0xaa: {  	v59 =	vunpack.i.l.bf16.f32 v12  }
0xab: {  	v12 =	vunpack.i.u.bf16.f32 v12;
	[tilespmem:v56+s12+$0x0] =	vst.idx.add.f32.msk $0xffff, v59  }
0xac: {  	[tilespmem:v57+s12+$0x0] =	vst.idx.add.f32.msk $0xffff, v12  }
0xad: {  	v12 =	vld.idx.msk [tilespmem:v58+s2+$0x0], $0xffff  }
0xae: {  	v60 =	vor.u32 $0x200, v10  }
0xaf: {  	v61 =	vor.u32 $0x280, v10  }
0xb0: {  	v11 =	vor.u32 $0x180, v11;
	_ =	sdelay $0x1  }
0xb1: {  	v15 =	vunpack.i.l.bf16.f32 v12  }
0xb2: {  	v12 =	vunpack.i.u.bf16.f32 v12;
	[tilespmem:v60+s12+$0x0] =	vst.idx.add.f32.msk $0xffff, v15  }
0xb3: {  	[tilespmem:v61+s12+$0x0] =	vst.idx.add.f32.msk $0xffff, v12  }
0xb4: {  	v11 =	vld.idx.msk [tilespmem:v11+s2+$0x0], $0xffff  }
0xb5: {  	v62 =	vshll.u32 v9, $0x2;
	v63 =	vor.u32 $0x300, v10  }
0xb6: {  	v9 =	vand.u32 $0x7F, v9;
	v10 =	vor.u32 $0x380, v10;
	v12 =	vand.u32 $0xFFFFFE00, v62  }
0xb7: {  	v9 =	vor.u32 v9, v12;
	_ =	sdelay $0x1  }
0xb8: {  	v16 =	vunpack.i.l.bf16.f32 v11  }
0xb9: {  	v11 =	vunpack.i.u.bf16.f32 v11;
	[tilespmem:v63+s12+$0x0] =	vst.idx.add.f32.msk $0xffff, v16  }
0xba: {  	v17 =	vshll.u32 v8, $0x3;
	[tilespmem:v10+s12+$0x0] =	vst.idx.add.f32.msk $0xffff, v11  }
0xbb: {  	v8 =	vand.u32 $0x7F, v8;
	v18 =	vand.u32 $0xFFFFFC00, v17;
	v11 =	vld.idx.msk [tilespmem:v9+s2+$0x0], $0xffff  }
0xbc: {  	v8 =	vor.u32 v8, v18  }
0xbd: {  	v10 =	vor.u32 $0x80, v8  }
0xbe: {  	v19 =	vor.u32 $0x80, v9;
	_ =	sdelay $0x1  }
0xbf: {  	v20 =	vunpack.i.l.bf16.f32 v11  }
0xc0: {  	v11 =	vunpack.i.u.bf16.f32 v11;
	[tilespmem:v8+s12+$0x0] =	vst.idx.add.f32.msk $0xffff, v20  }
0xc1: {  	[tilespmem:v10+s12+$0x0] =	vst.idx.add.f32.msk $0xffff, v11  }
0xc2: {  	v10 =	vld.idx.msk [tilespmem:v19+s2+$0x0], $0xffff  }
0xc3: {  	v21 =	vor.u32 $0x100, v8  }
0xc4: {  	v22 =	vor.u32 $0x180, v8  }
0xc5: {  	v23 =	vor.u32 $0x100, v9;
	_ =	sdelay $0x1  }
0xc6: {  	v24 =	vunpack.i.l.bf16.f32 v10  }
0xc7: {  	v10 =	vunpack.i.u.bf16.f32 v10;
	[tilespmem:v21+s12+$0x0] =	vst.idx.add.f32.msk $0xffff, v24  }
0xc8: {  	[tilespmem:v22+s12+$0x0] =	vst.idx.add.f32.msk $0xffff, v10  }
0xc9: {  	v10 =	vld.idx.msk [tilespmem:v23+s2+$0x0], $0xffff  }
0xca: {  	v25 =	vor.u32 $0x200, v8  }
0xcb: {  	v26 =	vor.u32 $0x280, v8  }
0xcc: {  	v9 =	vor.u32 $0x180, v9;
	_ =	sdelay $0x1  }
0xcd: {  	v13 =	vunpack.i.l.bf16.f32 v10  }
0xce: {  	v10 =	vunpack.i.u.bf16.f32 v10;
	[tilespmem:v25+s12+$0x0] =	vst.idx.add.f32.msk $0xffff, v13  }
0xcf: {  	[tilespmem:v26+s12+$0x0] =	vst.idx.add.f32.msk $0xffff, v10  }
0xd0: {  	v9 =	vld.idx.msk [tilespmem:v9+s2+$0x0], $0xffff  }
0xd1: {  	v27 =	vshll.u32 v7, $0x2;
	v28 =	vor.u32 $0x300, v8  }
0xd2: {  	v7 =	vand.u32 $0x7F, v7;
	v8 =	vor.u32 $0x380, v8;
	v10 =	vand.u32 $0xFFFFFE00, v27  }
0xd3: {  	v7 =	vor.u32 v7, v10;
	_ =	sdelay $0x1  }
0xd4: {  	v29 =	vunpack.i.l.bf16.f32 v9  }
0xd5: {  	v9 =	vunpack.i.u.bf16.f32 v9;
	[tilespmem:v28+s12+$0x0] =	vst.idx.add.f32.msk $0xffff, v29  }
0xd6: {  	v30 =	vshll.u32 v6, $0x3;
	[tilespmem:v8+s12+$0x0] =	vst.idx.add.f32.msk $0xffff, v9  }
0xd7: {  	v6 =	vand.u32 $0x7F, v6;
	v31 =	vand.u32 $0xFFFFFC00, v30;
	v9 =	vld.idx.msk [tilespmem:v7+s2+$0x0], $0xffff  }
0xd8: {  	v6 =	vor.u32 v6, v31  }
0xd9: {  	v8 =	vor.u32 $0x80, v6  }
0xda: {  	v32 =	vor.u32 $0x80, v7;
	_ =	sdelay $0x1  }
0xdb: {  	v33 =	vunpack.i.l.bf16.f32 v9  }
0xdc: {  	v9 =	vunpack.i.u.bf16.f32 v9;
	[tilespmem:v6+s12+$0x0] =	vst.idx.add.f32.msk $0xffff, v33  }
0xdd: {  	[tilespmem:v8+s12+$0x0] =	vst.idx.add.f32.msk $0xffff, v9  }
0xde: {  	v8 =	vld.idx.msk [tilespmem:v32+s2+$0x0], $0xffff  }
0xdf: {  	v34 =	vor.u32 $0x100, v6  }
0xe0: {  	v35 =	vor.u32 $0x180, v6  }
0xe1: {  	v36 =	vor.u32 $0x100, v7;
	_ =	sdelay $0x1  }
0xe2: {  	v37 =	vunpack.i.l.bf16.f32 v8  }
0xe3: {  	v8 =	vunpack.i.u.bf16.f32 v8;
	[tilespmem:v34+s12+$0x0] =	vst.idx.add.f32.msk $0xffff, v37  }
0xe4: {  	[tilespmem:v35+s12+$0x0] =	vst.idx.add.f32.msk $0xffff, v8  }
0xe5: {  	v8 =	vld.idx.msk [tilespmem:v36+s2+$0x0], $0xffff  }
0xe6: {  	v38 =	vor.u32 $0x200, v6  }
0xe7: {  	v39 =	vor.u32 $0x280, v6  }
0xe8: {  	v7 =	vor.u32 $0x180, v7;
	_ =	sdelay $0x1  }
0xe9: {  	v11 =	vunpack.i.l.bf16.f32 v8  }
0xea: {  	v8 =	vunpack.i.u.bf16.f32 v8;
	[tilespmem:v38+s12+$0x0] =	vst.idx.add.f32.msk $0xffff, v11  }
0xeb: {  	[tilespmem:v39+s12+$0x0] =	vst.idx.add.f32.msk $0xffff, v8  }
0xec: {  	v7 =	vld.idx.msk [tilespmem:v7+s2+$0x0], $0xffff  }
0xed: {  	v40 =	vshll.u32 v5, $0x2;
	v41 =	vor.u32 $0x300, v6  }
0xee: {  	v5 =	vand.u32 $0x7F, v5;
	v6 =	vor.u32 $0x380, v6;
	v8 =	vand.u32 $0xFFFFFE00, v40  }
0xef: {  	v5 =	vor.u32 v5, v8;
	_ =	sdelay $0x1  }
0xf0: {  	v42 =	vunpack.i.l.bf16.f32 v7  }
0xf1: {  	v7 =	vunpack.i.u.bf16.f32 v7;
	[tilespmem:v41+s12+$0x0] =	vst.idx.add.f32.msk $0xffff, v42  }
0xf2: {  	v43 =	vshll.u32 v4, $0x3;
	[tilespmem:v6+s12+$0x0] =	vst.idx.add.f32.msk $0xffff, v7  }
0xf3: {  	v4 =	vand.u32 $0x7F, v4;
	v44 =	vand.u32 $0xFFFFFC00, v43;
	v7 =	vld.idx.msk [tilespmem:v5+s2+$0x0], $0xffff  }
0xf4: {  	v4 =	vor.u32 v4, v44  }
0xf5: {  	v6 =	vor.u32 $0x80, v4  }
0xf6: {  	v45 =	vor.u32 $0x80, v5;
	_ =	sdelay $0x1  }
0xf7: {  	v46 =	vunpack.i.l.bf16.f32 v7  }
0xf8: {  	v7 =	vunpack.i.u.bf16.f32 v7;
	[tilespmem:v4+s12+$0x0] =	vst.idx.add.f32.msk $0xffff, v46  }
0xf9: {  	[tilespmem:v6+s12+$0x0] =	vst.idx.add.f32.msk $0xffff, v7  }
0xfa: {  	v6 =	vld.idx.msk [tilespmem:v45+s2+$0x0], $0xffff  }
0xfb: {  	v47 =	vor.u32 $0x100, v4  }
0xfc: {  	v48 =	vor.u32 $0x180, v4  }
0xfd: {  	v49 =	vor.u32 $0x100, v5;
	_ =	sdelay $0x1  }
0xfe: {  	v50 =	vunpack.i.l.bf16.f32 v6  }
0xff: {  	v6 =	vunpack.i.u.bf16.f32 v6;
	[tilespmem:v47+s12+$0x0] =	vst.idx.add.f32.msk $0xffff, v50  }
0x100: {  	[tilespmem:v48+s12+$0x0] =	vst.idx.add.f32.msk $0xffff, v6  }
0x101: {  	v6 =	vld.idx.msk [tilespmem:v49+s2+$0x0], $0xffff  }
0x102: {  	v51 =	vor.u32 $0x200, v4  }
0x103: {  	v52 =	vor.u32 $0x280, v4  }
0x104: {  	v5 =	vor.u32 $0x180, v5;
	_ =	sdelay $0x1  }
0x105: {  	v9 =	vunpack.i.l.bf16.f32 v6  }
0x106: {  	v6 =	vunpack.i.u.bf16.f32 v6;
	[tilespmem:v51+s12+$0x0] =	vst.idx.add.f32.msk $0xffff, v9  }
0x107: {  	[tilespmem:v52+s12+$0x0] =	vst.idx.add.f32.msk $0xffff, v6  }
0x108: {  	v5 =	vld.idx.msk [tilespmem:v5+s2+$0x0], $0xffff  }
0x109: {  	v53 =	vshll.u32 v3, $0x2;
	v54 =	vor.u32 $0x300, v4  }
0x10a: {  	v3 =	vand.u32 $0x7F, v3;
	v4 =	vor.u32 $0x380, v4;
	v6 =	vand.u32 $0xFFFFFE00, v53  }
0x10b: {  	v3 =	vor.u32 v3, v6;
	_ =	sdelay $0x1  }
0x10c: {  	v55 =	vunpack.i.l.bf16.f32 v5  }
0x10d: {  	v5 =	vunpack.i.u.bf16.f32 v5;
	[tilespmem:v54+s12+$0x0] =	vst.idx.add.f32.msk $0xffff, v55  }
0x10e: {  	v56 =	vshll.u32 v2, $0x3;
	[tilespmem:v4+s12+$0x0] =	vst.idx.add.f32.msk $0xffff, v5  }
0x10f: {  	v2 =	vand.u32 $0x7F, v2;
	v4 =	vand.u32 $0xFFFFFC00, v56;
	v5 =	vld.idx.msk [tilespmem:v3+s2+$0x0], $0xffff  }
0x110: {  	v2 =	vor.u32 v2, v4  }
0x111: {  	v4 =	vor.u32 $0x80, v2  }
0x112: {  	v57 =	vor.u32 $0x80, v3;
	_ =	sdelay $0x1  }
0x113: {  	v58 =	vunpack.i.l.bf16.f32 v5  }
0x114: {  	v5 =	vunpack.i.u.bf16.f32 v5;
	[tilespmem:v2+s12+$0x0] =	vst.idx.add.f32.msk $0xffff, v58  }
0x115: {  	[tilespmem:v4+s12+$0x0] =	vst.idx.add.f32.msk $0xffff, v5  }
0x116: {  	v4 =	vld.idx.msk [tilespmem:v57+s2+$0x0], $0xffff  }
0x117: {  	v5 =	vor.u32 $0x100, v2  }
0x118: {  	v59 =	vor.u32 $0x180, v2  }
0x119: {  	v60 =	vor.u32 $0x100, v3;
	_ =	sdelay $0x1  }
0x11a: {  	v61 =	vunpack.i.l.bf16.f32 v4  }
0x11b: {  	v4 =	vunpack.i.u.bf16.f32 v4;
	[tilespmem:v5+s12+$0x0] =	vst.idx.add.f32.msk $0xffff, v61  }
0x11c: {  	[tilespmem:v59+s12+$0x0] =	vst.idx.add.f32.msk $0xffff, v4  }
0x11d: {  	v4 =	vld.idx.msk [tilespmem:v60+s2+$0x0], $0xffff  }
0x11e: {  	v5 =	vor.u32 $0x200, v2  }
0x11f: {  	v62 =	vor.u32 $0x280, v2  }
0x120: {  	v3 =	vor.u32 $0x180, v3;
	_ =	sdelay $0x1  }
0x121: {  	v7 =	vunpack.i.l.bf16.f32 v4  }
0x122: {  	v4 =	vunpack.i.u.bf16.f32 v4;
	[tilespmem:v5+s12+$0x0] =	vst.idx.add.f32.msk $0xffff, v7  }
0x123: {  	[tilespmem:v62+s12+$0x0] =	vst.idx.add.f32.msk $0xffff, v4  }
0x124: {  	v3 =	vld.idx.msk [tilespmem:v3+s2+$0x0], $0xffff  }
0x125: {  	v5 =	vor.u32 $0x300, v2;
	v4 =	vshll.u32 v1, $0x2  }
0x126: {  	v2 =	vor.u32 $0x380, v2;
	v1 =	vand.u32 $0x7F, v1;
	v4 =	vand.u32 $0xFFFFFE00, v4  }
0x127: {  	v1 =	vor.u32 v1, v4;
	_ =	sdelay $0x1  }
0x128: {  	v4 =	vunpack.i.l.bf16.f32 v3  }
0x129: {  	v3 =	vunpack.i.u.bf16.f32 v3;
	[tilespmem:v5+s12+$0x0] =	vst.idx.add.f32.msk $0xffff, v4  }
0x12a: {  	v4 =	vshll.u32 v0, $0x3;
	[tilespmem:v2+s12+$0x0] =	vst.idx.add.f32.msk $0xffff, v3  }
0x12b: {  	v0 =	vand.u32 $0x7F, v0;
	v2 =	vand.u32 $0xFFFFFC00, v4;
	v3 =	vld.idx.msk [tilespmem:v1+s2+$0x0], $0xffff  }
0x12c: {  	v0 =	vor.u32 v0, v2  }
0x12d: {  	v2 =	vor.u32 $0x80, v0  }
0x12e: {  	v4 =	vor.u32 $0x80, v1;
	_ =	sdelay $0x1  }
0x12f: {  	v5 =	vunpack.i.l.bf16.f32 v3  }
0x130: {  	v3 =	vunpack.i.u.bf16.f32 v3;
	[tilespmem:v0+s12+$0x0] =	vst.idx.add.f32.msk $0xffff, v5  }
0x131: {  	[tilespmem:v2+s12+$0x0] =	vst.idx.add.f32.msk $0xffff, v3  }
0x132: {  	v2 =	vld.idx.msk [tilespmem:v4+s2+$0x0], $0xffff  }
0x133: {  	v3 =	vor.u32 $0x100, v0  }
0x134: {  	v4 =	vor.u32 $0x180, v0  }
0x135: {  	v5 =	vor.u32 $0x100, v1;
	_ =	sdelay $0x1  }
0x136: {  	v63 =	vunpack.i.l.bf16.f32 v2  }
0x137: {  	v2 =	vunpack.i.u.bf16.f32 v2;
	[tilespmem:v3+s12+$0x0] =	vst.idx.add.f32.msk $0xffff, v63  }
0x138: {  	[tilespmem:v4+s12+$0x0] =	vst.idx.add.f32.msk $0xffff, v2  }
0x139: {  	v2 =	vld.idx.msk [tilespmem:v5+s2+$0x0], $0xffff  }
0x13a: {  	v3 =	vor.u32 $0x200, v0  }
0x13b: {  	v4 =	vor.u32 $0x280, v0  }
0x13c: {  	v1 =	vor.u32 $0x180, v1;
	_ =	sdelay $0x1  }
0x13d: {  	v5 =	vunpack.i.l.bf16.f32 v2  }
0x13e: {  	v2 =	vunpack.i.u.bf16.f32 v2;
	[tilespmem:v3+s12+$0x0] =	vst.idx.add.f32.msk $0xffff, v5  }
0x13f: {  	[tilespmem:v4+s12+$0x0] =	vst.idx.add.f32.msk $0xffff, v2  }
0x140: {  	v3 =	vld.idx.msk [tilespmem:v1+s2+$0x0], $0xffff  }
0x141: {  	v1 =	vor.u32 $0x300, v0  }
0x142: {  	v0 =	vor.u32 $0x380, v0;
	_ =	sdelay $0x2  }
0x143: {  	s19 =	simm.s32 $0xA0;
	v2 =	vunpack.i.u.bf16.f32 v3;
	v3 =	vunpack.i.l.bf16.f32 v3  }
.LBB2_3:
0x144: {  	p0 =	sne.s32 s19, $0xF00;
	[tilespmem:v1+s12+$0x0] =	vst.idx.add.f32.msk $0xffff, v3;
	s18 =	sadd.s32 $0xA0, s18;
	s17 =	sadd.s32 $0xA0, s17  }
0x145: {  	s20 =	smov.u32 s19;
	s19 =	sadd.s32 $0xA0, s19;
	[tilespmem:v0+s12+$0x0] =	vst.idx.add.f32.msk $0xffff, v2  }
0x146: {  	v0 =	vld [tilespmem:s17+$0x40]  }
0x147: {  	v2 =	vld [tilespmem:s18+$0xFFFFFFB0]  }
0x148: {  	v4 =	vld [tilespmem:s17+$0x20]  }
0x149: {  	v11 =	vld [tilespmem:s17+$0x10]  }
0x14a: {  	v15 =	vld [tilespmem:s17+$0x0]  }
0x14b: {  	v19 =	vld [tilespmem:s17+$0xFFFFFFF0];
	v1 =	vshll.u32 v0, $0x3  }
0x14c: {  	v23 =	vld [tilespmem:s17+$0xFFFFFFE0];
	v3 =	vshll.u32 v2, $0x2;
	v1 =	vand.u32 $0xFFFFFC00, v1  }
0x14d: {  	v2 =	vand.u32 $0x7F, v2;
	v27 =	vld [tilespmem:s17+$0xFFFFFFD0];
	v3 =	vand.u32 $0xFFFFFE00, v3;
	v5 =	vshll.u32 v4, $0x3  }
0x14e: {  	v6 =	vld [tilespmem:s17+$0xFFFFFFB0];
	v31 =	vor.u32 v2, v3;
	v2 =	vshll.u32 v11, $0x3;
	v7 =	vand.u32 $0xFFFFFC00, v5  }
0x14f: {  	v32 =	vld [tilespmem:s17+$0xFFFFFFC0];
	v3 =	vshll.u32 v15, $0x3;
	v13 =	vand.u32 $0xFFFFFC00, v2  }
0x150: {  	v2 =	vld [tilespmem:s18+$0x40];
	v5 =	vshll.u32 v19, $0x3;
	v17 =	vand.u32 $0xFFFFFC00, v3  }
0x151: {  	v10 =	vld [tilespmem:s18+$0x20];
	v3 =	vshll.u32 v23, $0x3;
	v21 =	vand.u32 $0xFFFFFC00, v5  }
0x152: {  	v14 =	vld [tilespmem:s18+$0x10];
	v5 =	vshll.u32 v27, $0x3;
	v25 =	vand.u32 $0xFFFFFC00, v3  }
0x153: {  	v8 =	vld.idx.msk [tilespmem:v31+s2+$0x0], $0xffff;
	v3 =	vshll.u32 v6, $0x3;
	v29 =	vand.u32 $0xFFFFFC00, v5  }
0x154: {  	v5 =	vand.u32 $0x7F, v6;
	v18 =	vld [tilespmem:s18+$0x0];
	v3 =	vand.u32 $0xFFFFFC00, v3;
	v6 =	vshll.u32 v32, $0x3  }
0x155: {  	v33 =	vld [tilespmem:s18+$0xFFFFFFC0];
	v34 =	vor.u32 v5, v3;
	v35 =	vand.u32 $0xFFFFFC00, v6;
	v3 =	vshll.u32 v2, $0x2  }
0x156: {  	v22 =	vld [tilespmem:s18+$0xFFFFFFF0];
	v9 =	vor.u32 $0x80, v34;
	v5 =	vshll.u32 v10, $0x2;
	v3 =	vand.u32 $0xFFFFFE00, v3  }
0x157: {  	v28 =	vor.u32 $0x80, v31;
	v26 =	vld [tilespmem:s18+$0xFFFFFFE0];
	v6 =	vshll.u32 v14, $0x2;
	v12 =	vand.u32 $0xFFFFFE00, v5  }
0x158: {  	s20 =	sand.u32 $0x1FE0, s20;
	v30 =	vld [tilespmem:s18+$0xFFFFFFD0];
	v16 =	vand.u32 $0xFFFFFE00, v6  }
0x159: {  	v24 =	vunpack.i.l.bf16.f32 v8;
	v6 =	vld [tilespmem:s20+$0x1DA80];
	v20 =	vshll.u32 v18, $0x2  }
0x15a: {  	v8 =	vunpack.i.u.bf16.f32 v8;
	v5 =	vld [tilespmem:s20+$0x1EA80];
	v36 =	vshll.u32 v33, $0x2;
	v20 =	vand.u32 $0xFFFFFE00, v20  }
0x15b: {  	[tilespmem:v34+s12+$0x0] =	vst.idx.add.f32.msk $0xffff, v24;
	v36 =	vand.u32 $0xFFFFFE00, v36;
	v24 =	vshll.u32 v22, $0x2  }
0x15c: {  	[tilespmem:v9+s12+$0x0] =	vst.idx.add.f32.msk $0xffff, v8;
	v8 =	vshll.u32 v26, $0x2;
	v24 =	vand.u32 $0xFFFFFE00, v24  }
0x15d: {  	v37 =	vld.idx.msk [tilespmem:v28+s2+$0x0], $0xffff;
	v9 =	vshll.u32 v30, $0x2;
	v28 =	vand.u32 $0xFFFFFE00, v8  }
0x15e: {  	v38 =	vor.u32 $0x100, v34;
	v39 =	vand.u32 $0xFFFFFE00, v9;
	v8 =	vshll.u32 v6, $0x2  }
0x15f: {  	v40 =	vor.u32 $0x180, v34;
	v9 =	vand.u32 $0xFFFFFE00, v8;
	v8 =	vshll.u32 v5, $0x3  }
0x160: {  	v41 =	vor.u32 $0x100, v31;
	v8 =	vand.u32 $0xFFFFFC00, v8;
	_ =	sdelay $0x2  }
0x161: {  	v42 =	vunpack.i.u.bf16.f32 v37;
	v37 =	vunpack.i.l.bf16.f32 v37  }
0x162: {  	[tilespmem:v38+s12+$0x0] =	vst.idx.add.f32.msk $0xffff, v37  }
0x163: {  	[tilespmem:v40+s12+$0x0] =	vst.idx.add.f32.msk $0xffff, v42  }
0x164: {  	v37 =	vld.idx.msk [tilespmem:v41+s2+$0x0], $0xffff  }
0x165: {  	v38 =	vor.u32 $0x200, v34  }
0x166: {  	v40 =	vor.u32 $0x280, v34  }
0x167: {  	v31 =	vor.u32 $0x180, v31;
	_ =	sdelay $0x2  }
0x168: {  	v41 =	vunpack.i.u.bf16.f32 v37;
	v37 =	vunpack.i.l.bf16.f32 v37  }
0x169: {  	[tilespmem:v38+s12+$0x0] =	vst.idx.add.f32.msk $0xffff, v37  }
0x16a: {  	[tilespmem:v40+s12+$0x0] =	vst.idx.add.f32.msk $0xffff, v41  }
0x16b: {  	v31 =	vld.idx.msk [tilespmem:v31+s2+$0x0], $0xffff  }
0x16c: {  	v37 =	vor.u32 $0x300, v34  }
0x16d: {  	v33 =	vand.u32 $0x7F, v33;
	v34 =	vor.u32 $0x380, v34  }
0x16e: {  	v33 =	vor.u32 v33, v36;
	_ =	sdelay $0x2  }
0x16f: {  	v36 =	vunpack.i.u.bf16.f32 v31;
	v31 =	vunpack.i.l.bf16.f32 v31  }
0x170: {  	[tilespmem:v37+s12+$0x0] =	vst.idx.add.f32.msk $0xffff, v31  }
0x171: {  	[tilespmem:v34+s12+$0x0] =	vst.idx.add.f32.msk $0xffff, v36  }
0x172: {  	v32 =	vand.u32 $0x7F, v32;
	v31 =	vld.idx.msk [tilespmem:v33+s2+$0x0], $0xffff  }
0x173: {  	v32 =	vor.u32 v32, v35  }
0x174: {  	v34 =	vor.u32 $0x80, v32  }
0x175: {  	v35 =	vor.u32 $0x80, v33;
	_ =	sdelay $0x2  }
0x176: {  	v36 =	vunpack.i.u.bf16.f32 v31;
	v31 =	vunpack.i.l.bf16.f32 v31  }
0x177: {  	[tilespmem:v32+s12+$0x0] =	vst.idx.add.f32.msk $0xffff, v31  }
0x178: {  	[tilespmem:v34+s12+$0x0] =	vst.idx.add.f32.msk $0xffff, v36  }
0x179: {  	v31 =	vld.idx.msk [tilespmem:v35+s2+$0x0], $0xffff  }
0x17a: {  	v34 =	vor.u32 $0x100, v32  }
0x17b: {  	v35 =	vor.u32 $0x180, v32  }
0x17c: {  	v36 =	vor.u32 $0x100, v33;
	_ =	sdelay $0x2  }
0x17d: {  	v37 =	vunpack.i.u.bf16.f32 v31;
	v31 =	vunpack.i.l.bf16.f32 v31  }
0x17e: {  	[tilespmem:v34+s12+$0x0] =	vst.idx.add.f32.msk $0xffff, v31  }
0x17f: {  	[tilespmem:v35+s12+$0x0] =	vst.idx.add.f32.msk $0xffff, v37  }
0x180: {  	v31 =	vld.idx.msk [tilespmem:v36+s2+$0x0], $0xffff  }
0x181: {  	v34 =	vor.u32 $0x200, v32  }
0x182: {  	v35 =	vor.u32 $0x280, v32  }
0x183: {  	v33 =	vor.u32 $0x180, v33;
	_ =	sdelay $0x2  }
0x184: {  	v36 =	vunpack.i.u.bf16.f32 v31;
	v31 =	vunpack.i.l.bf16.f32 v31  }
0x185: {  	[tilespmem:v34+s12+$0x0] =	vst.idx.add.f32.msk $0xffff, v31  }
0x186: {  	[tilespmem:v35+s12+$0x0] =	vst.idx.add.f32.msk $0xffff, v36  }
0x187: {  	v31 =	vld.idx.msk [tilespmem:v33+s2+$0x0], $0xffff  }
0x188: {  	v33 =	vor.u32 $0x300, v32  }
0x189: {  	v30 =	vand.u32 $0x7F, v30;
	v32 =	vor.u32 $0x380, v32  }
0x18a: {  	v30 =	vor.u32 v30, v39;
	_ =	sdelay $0x2  }
0x18b: {  	v34 =	vunpack.i.u.bf16.f32 v31;
	v31 =	vunpack.i.l.bf16.f32 v31  }
0x18c: {  	[tilespmem:v33+s12+$0x0] =	vst.idx.add.f32.msk $0xffff, v31  }
0x18d: {  	[tilespmem:v32+s12+$0x0] =	vst.idx.add.f32.msk $0xffff, v34  }
0x18e: {  	v27 =	vand.u32 $0x7F, v27;
	v31 =	vld.idx.msk [tilespmem:v30+s2+$0x0], $0xffff  }
0x18f: {  	v27 =	vor.u32 v27, v29  }
0x190: {  	v29 =	vor.u32 $0x80, v27  }
0x191: {  	v32 =	vor.u32 $0x80, v30;
	_ =	sdelay $0x2  }
0x192: {  	v33 =	vunpack.i.u.bf16.f32 v31;
	v31 =	vunpack.i.l.bf16.f32 v31  }
0x193: {  	[tilespmem:v27+s12+$0x0] =	vst.idx.add.f32.msk $0xffff, v31  }
0x194: {  	[tilespmem:v29+s12+$0x0] =	vst.idx.add.f32.msk $0xffff, v33  }
0x195: {  	v29 =	vld.idx.msk [tilespmem:v32+s2+$0x0], $0xffff  }
0x196: {  	v31 =	vor.u32 $0x100, v27  }
0x197: {  	v32 =	vor.u32 $0x180, v27  }
0x198: {  	v33 =	vor.u32 $0x100, v30;
	_ =	sdelay $0x2  }
0x199: {  	v34 =	vunpack.i.u.bf16.f32 v29;
	v29 =	vunpack.i.l.bf16.f32 v29  }
0x19a: {  	[tilespmem:v31+s12+$0x0] =	vst.idx.add.f32.msk $0xffff, v29  }
0x19b: {  	[tilespmem:v32+s12+$0x0] =	vst.idx.add.f32.msk $0xffff, v34  }
0x19c: {  	v29 =	vld.idx.msk [tilespmem:v33+s2+$0x0], $0xffff  }
0x19d: {  	v31 =	vor.u32 $0x200, v27  }
0x19e: {  	v32 =	vor.u32 $0x280, v27  }
0x19f: {  	v30 =	vor.u32 $0x180, v30;
	_ =	sdelay $0x2  }
0x1a0: {  	v33 =	vunpack.i.u.bf16.f32 v29;
	v29 =	vunpack.i.l.bf16.f32 v29  }
0x1a1: {  	[tilespmem:v31+s12+$0x0] =	vst.idx.add.f32.msk $0xffff, v29  }
0x1a2: {  	[tilespmem:v32+s12+$0x0] =	vst.idx.add.f32.msk $0xffff, v33  }
0x1a3: {  	v29 =	vld.idx.msk [tilespmem:v30+s2+$0x0], $0xffff  }
0x1a4: {  	v30 =	vor.u32 $0x300, v27  }
0x1a5: {  	v26 =	vand.u32 $0x7F, v26;
	v27 =	vor.u32 $0x380, v27  }
0x1a6: {  	v26 =	vor.u32 v26, v28;
	_ =	sdelay $0x2  }
0x1a7: {  	v28 =	vunpack.i.u.bf16.f32 v29;
	v29 =	vunpack.i.l.bf16.f32 v29  }
0x1a8: {  	[tilespmem:v30+s12+$0x0] =	vst.idx.add.f32.msk $0xffff, v29  }
0x1a9: {  	[tilespmem:v27+s12+$0x0] =	vst.idx.add.f32.msk $0xffff, v28  }
0x1aa: {  	v23 =	vand.u32 $0x7F, v23;
	v27 =	vld.idx.msk [tilespmem:v26+s2+$0x0], $0xffff  }
0x1ab: {  	v23 =	vor.u32 v23, v25  }
0x1ac: {  	v25 =	vor.u32 $0x80, v23  }
0x1ad: {  	v28 =	vor.u32 $0x80, v26;
	_ =	sdelay $0x2  }
0x1ae: {  	v29 =	vunpack.i.u.bf16.f32 v27;
	v27 =	vunpack.i.l.bf16.f32 v27  }
0x1af: {  	[tilespmem:v23+s12+$0x0] =	vst.idx.add.f32.msk $0xffff, v27  }
0x1b0: {  	[tilespmem:v25+s12+$0x0] =	vst.idx.add.f32.msk $0xffff, v29  }
0x1b1: {  	v25 =	vld.idx.msk [tilespmem:v28+s2+$0x0], $0xffff  }
0x1b2: {  	v27 =	vor.u32 $0x100, v23  }
0x1b3: {  	v28 =	vor.u32 $0x180, v23  }
0x1b4: {  	v29 =	vor.u32 $0x100, v26;
	_ =	sdelay $0x2  }
0x1b5: {  	v30 =	vunpack.i.u.bf16.f32 v25;
	v25 =	vunpack.i.l.bf16.f32 v25  }
0x1b6: {  	[tilespmem:v27+s12+$0x0] =	vst.idx.add.f32.msk $0xffff, v25  }
0x1b7: {  	[tilespmem:v28+s12+$0x0] =	vst.idx.add.f32.msk $0xffff, v30  }
0x1b8: {  	v25 =	vld.idx.msk [tilespmem:v29+s2+$0x0], $0xffff  }
0x1b9: {  	v27 =	vor.u32 $0x200, v23  }
0x1ba: {  	v28 =	vor.u32 $0x280, v23  }
0x1bb: {  	v26 =	vor.u32 $0x180, v26;
	_ =	sdelay $0x2  }
0x1bc: {  	v29 =	vunpack.i.u.bf16.f32 v25;
	v25 =	vunpack.i.l.bf16.f32 v25  }
0x1bd: {  	[tilespmem:v27+s12+$0x0] =	vst.idx.add.f32.msk $0xffff, v25  }
0x1be: {  	[tilespmem:v28+s12+$0x0] =	vst.idx.add.f32.msk $0xffff, v29  }
0x1bf: {  	v25 =	vld.idx.msk [tilespmem:v26+s2+$0x0], $0xffff  }
0x1c0: {  	v26 =	vor.u32 $0x300, v23  }
0x1c1: {  	v22 =	vand.u32 $0x7F, v22;
	v23 =	vor.u32 $0x380, v23  }
0x1c2: {  	v22 =	vor.u32 v22, v24;
	_ =	sdelay $0x2  }
0x1c3: {  	v24 =	vunpack.i.u.bf16.f32 v25;
	v25 =	vunpack.i.l.bf16.f32 v25  }
0x1c4: {  	[tilespmem:v26+s12+$0x0] =	vst.idx.add.f32.msk $0xffff, v25  }
0x1c5: {  	[tilespmem:v23+s12+$0x0] =	vst.idx.add.f32.msk $0xffff, v24  }
0x1c6: {  	v19 =	vand.u32 $0x7F, v19;
	v23 =	vld.idx.msk [tilespmem:v22+s2+$0x0], $0xffff  }
0x1c7: {  	v19 =	vor.u32 v19, v21  }
0x1c8: {  	v21 =	vor.u32 $0x80, v19  }
0x1c9: {  	v24 =	vor.u32 $0x80, v22;
	_ =	sdelay $0x2  }
0x1ca: {  	v25 =	vunpack.i.u.bf16.f32 v23;
	v23 =	vunpack.i.l.bf16.f32 v23  }
0x1cb: {  	[tilespmem:v19+s12+$0x0] =	vst.idx.add.f32.msk $0xffff, v23  }
0x1cc: {  	[tilespmem:v21+s12+$0x0] =	vst.idx.add.f32.msk $0xffff, v25  }
0x1cd: {  	v21 =	vld.idx.msk [tilespmem:v24+s2+$0x0], $0xffff  }
0x1ce: {  	v23 =	vor.u32 $0x100, v19  }
0x1cf: {  	v24 =	vor.u32 $0x180, v19  }
0x1d0: {  	v25 =	vor.u32 $0x100, v22;
	_ =	sdelay $0x2  }
0x1d1: {  	v26 =	vunpack.i.u.bf16.f32 v21;
	v21 =	vunpack.i.l.bf16.f32 v21  }
0x1d2: {  	[tilespmem:v23+s12+$0x0] =	vst.idx.add.f32.msk $0xffff, v21  }
0x1d3: {  	[tilespmem:v24+s12+$0x0] =	vst.idx.add.f32.msk $0xffff, v26  }
0x1d4: {  	v21 =	vld.idx.msk [tilespmem:v25+s2+$0x0], $0xffff  }
0x1d5: {  	v23 =	vor.u32 $0x200, v19  }
0x1d6: {  	v24 =	vor.u32 $0x280, v19  }
0x1d7: {  	v22 =	vor.u32 $0x180, v22;
	_ =	sdelay $0x2  }
0x1d8: {  	v25 =	vunpack.i.u.bf16.f32 v21;
	v21 =	vunpack.i.l.bf16.f32 v21  }
0x1d9: {  	[tilespmem:v23+s12+$0x0] =	vst.idx.add.f32.msk $0xffff, v21  }
0x1da: {  	[tilespmem:v24+s12+$0x0] =	vst.idx.add.f32.msk $0xffff, v25  }
0x1db: {  	v21 =	vld.idx.msk [tilespmem:v22+s2+$0x0], $0xffff  }
0x1dc: {  	v22 =	vor.u32 $0x300, v19  }
0x1dd: {  	v18 =	vand.u32 $0x7F, v18;
	v19 =	vor.u32 $0x380, v19  }
0x1de: {  	v18 =	vor.u32 v18, v20;
	_ =	sdelay $0x2  }
0x1df: {  	v20 =	vunpack.i.u.bf16.f32 v21;
	v21 =	vunpack.i.l.bf16.f32 v21  }
0x1e0: {  	[tilespmem:v22+s12+$0x0] =	vst.idx.add.f32.msk $0xffff, v21  }
0x1e1: {  	[tilespmem:v19+s12+$0x0] =	vst.idx.add.f32.msk $0xffff, v20  }
0x1e2: {  	v15 =	vand.u32 $0x7F, v15;
	v19 =	vld.idx.msk [tilespmem:v18+s2+$0x0], $0xffff  }
0x1e3: {  	v15 =	vor.u32 v15, v17  }
0x1e4: {  	v17 =	vor.u32 $0x80, v15  }
0x1e5: {  	v20 =	vor.u32 $0x80, v18;
	_ =	sdelay $0x2  }
0x1e6: {  	v21 =	vunpack.i.u.bf16.f32 v19;
	v19 =	vunpack.i.l.bf16.f32 v19  }
0x1e7: {  	[tilespmem:v15+s12+$0x0] =	vst.idx.add.f32.msk $0xffff, v19  }
0x1e8: {  	[tilespmem:v17+s12+$0x0] =	vst.idx.add.f32.msk $0xffff, v21  }
0x1e9: {  	v17 =	vld.idx.msk [tilespmem:v20+s2+$0x0], $0xffff  }
0x1ea: {  	v19 =	vor.u32 $0x100, v15  }
0x1eb: {  	v20 =	vor.u32 $0x180, v15  }
0x1ec: {  	v21 =	vor.u32 $0x100, v18;
	_ =	sdelay $0x2  }
0x1ed: {  	v22 =	vunpack.i.u.bf16.f32 v17;
	v17 =	vunpack.i.l.bf16.f32 v17  }
0x1ee: {  	[tilespmem:v19+s12+$0x0] =	vst.idx.add.f32.msk $0xffff, v17  }
0x1ef: {  	[tilespmem:v20+s12+$0x0] =	vst.idx.add.f32.msk $0xffff, v22  }
0x1f0: {  	v17 =	vld.idx.msk [tilespmem:v21+s2+$0x0], $0xffff  }
0x1f1: {  	v19 =	vor.u32 $0x200, v15  }
0x1f2: {  	v20 =	vor.u32 $0x280, v15  }
0x1f3: {  	v18 =	vor.u32 $0x180, v18;
	_ =	sdelay $0x2  }
0x1f4: {  	v21 =	vunpack.i.u.bf16.f32 v17;
	v17 =	vunpack.i.l.bf16.f32 v17  }
0x1f5: {  	[tilespmem:v19+s12+$0x0] =	vst.idx.add.f32.msk $0xffff, v17  }
0x1f6: {  	[tilespmem:v20+s12+$0x0] =	vst.idx.add.f32.msk $0xffff, v21  }
0x1f7: {  	v17 =	vld.idx.msk [tilespmem:v18+s2+$0x0], $0xffff  }
0x1f8: {  	v18 =	vor.u32 $0x300, v15  }
0x1f9: {  	v14 =	vand.u32 $0x7F, v14;
	v15 =	vor.u32 $0x380, v15  }
0x1fa: {  	v14 =	vor.u32 v14, v16;
	_ =	sdelay $0x2  }
0x1fb: {  	v16 =	vunpack.i.u.bf16.f32 v17;
	v17 =	vunpack.i.l.bf16.f32 v17  }
0x1fc: {  	[tilespmem:v18+s12+$0x0] =	vst.idx.add.f32.msk $0xffff, v17  }
0x1fd: {  	[tilespmem:v15+s12+$0x0] =	vst.idx.add.f32.msk $0xffff, v16  }
0x1fe: {  	v11 =	vand.u32 $0x7F, v11;
	v15 =	vld.idx.msk [tilespmem:v14+s2+$0x0], $0xffff  }
0x1ff: {  	v11 =	vor.u32 v11, v13  }
0x200: {  	v13 =	vor.u32 $0x80, v11  }
0x201: {  	v16 =	vor.u32 $0x80, v14;
	_ =	sdelay $0x2  }
0x202: {  	v17 =	vunpack.i.u.bf16.f32 v15;
	v15 =	vunpack.i.l.bf16.f32 v15  }
0x203: {  	[tilespmem:v11+s12+$0x0] =	vst.idx.add.f32.msk $0xffff, v15  }
0x204: {  	[tilespmem:v13+s12+$0x0] =	vst.idx.add.f32.msk $0xffff, v17  }
0x205: {  	v13 =	vld.idx.msk [tilespmem:v16+s2+$0x0], $0xffff  }
0x206: {  	v15 =	vor.u32 $0x100, v11  }
0x207: {  	v16 =	vor.u32 $0x180, v11  }
0x208: {  	v17 =	vor.u32 $0x100, v14;
	_ =	sdelay $0x2  }
0x209: {  	v18 =	vunpack.i.u.bf16.f32 v13;
	v13 =	vunpack.i.l.bf16.f32 v13  }
0x20a: {  	[tilespmem:v15+s12+$0x0] =	vst.idx.add.f32.msk $0xffff, v13  }
0x20b: {  	[tilespmem:v16+s12+$0x0] =	vst.idx.add.f32.msk $0xffff, v18  }
0x20c: {  	v13 =	vld.idx.msk [tilespmem:v17+s2+$0x0], $0xffff  }
0x20d: {  	v15 =	vor.u32 $0x200, v11  }
0x20e: {  	v16 =	vor.u32 $0x280, v11  }
0x20f: {  	v14 =	vor.u32 $0x180, v14;
	_ =	sdelay $0x2  }
0x210: {  	v17 =	vunpack.i.u.bf16.f32 v13;
	v13 =	vunpack.i.l.bf16.f32 v13  }
0x211: {  	[tilespmem:v15+s12+$0x0] =	vst.idx.add.f32.msk $0xffff, v13  }
0x212: {  	[tilespmem:v16+s12+$0x0] =	vst.idx.add.f32.msk $0xffff, v17  }
0x213: {  	v13 =	vld.idx.msk [tilespmem:v14+s2+$0x0], $0xffff  }
0x214: {  	v14 =	vor.u32 $0x300, v11  }
0x215: {  	v10 =	vand.u32 $0x7F, v10;
	v11 =	vor.u32 $0x380, v11  }
0x216: {  	v10 =	vor.u32 v10, v12;
	_ =	sdelay $0x2  }
0x217: {  	v12 =	vunpack.i.u.bf16.f32 v13;
	v13 =	vunpack.i.l.bf16.f32 v13  }
0x218: {  	[tilespmem:v14+s12+$0x0] =	vst.idx.add.f32.msk $0xffff, v13  }
0x219: {  	[tilespmem:v11+s12+$0x0] =	vst.idx.add.f32.msk $0xffff, v12  }
0x21a: {  	v4 =	vand.u32 $0x7F, v4;
	v11 =	vld.idx.msk [tilespmem:v10+s2+$0x0], $0xffff  }
0x21b: {  	v4 =	vor.u32 v4, v7  }
0x21c: {  	v7 =	vor.u32 $0x80, v4  }
0x21d: {  	v12 =	vor.u32 $0x80, v10;
	_ =	sdelay $0x2  }
0x21e: {  	v13 =	vunpack.i.u.bf16.f32 v11;
	v11 =	vunpack.i.l.bf16.f32 v11  }
0x21f: {  	[tilespmem:v4+s12+$0x0] =	vst.idx.add.f32.msk $0xffff, v11  }
0x220: {  	[tilespmem:v7+s12+$0x0] =	vst.idx.add.f32.msk $0xffff, v13  }
0x221: {  	v7 =	vld.idx.msk [tilespmem:v12+s2+$0x0], $0xffff  }
0x222: {  	v11 =	vor.u32 $0x100, v4  }
0x223: {  	v12 =	vor.u32 $0x180, v4  }
0x224: {  	v13 =	vor.u32 $0x100, v10;
	_ =	sdelay $0x2  }
0x225: {  	v14 =	vunpack.i.u.bf16.f32 v7;
	v7 =	vunpack.i.l.bf16.f32 v7  }
0x226: {  	[tilespmem:v11+s12+$0x0] =	vst.idx.add.f32.msk $0xffff, v7  }
0x227: {  	[tilespmem:v12+s12+$0x0] =	vst.idx.add.f32.msk $0xffff, v14  }
0x228: {  	v7 =	vld.idx.msk [tilespmem:v13+s2+$0x0], $0xffff  }
0x229: {  	v11 =	vor.u32 $0x200, v4  }
0x22a: {  	v12 =	vor.u32 $0x280, v4  }
0x22b: {  	v10 =	vor.u32 $0x180, v10;
	_ =	sdelay $0x2  }
0x22c: {  	v13 =	vunpack.i.u.bf16.f32 v7;
	v7 =	vunpack.i.l.bf16.f32 v7  }
0x22d: {  	[tilespmem:v11+s12+$0x0] =	vst.idx.add.f32.msk $0xffff, v7  }
0x22e: {  	[tilespmem:v12+s12+$0x0] =	vst.idx.add.f32.msk $0xffff, v13  }
0x22f: {  	v7 =	vld.idx.msk [tilespmem:v10+s2+$0x0], $0xffff  }
0x230: {  	v10 =	vor.u32 $0x300, v4  }
0x231: {  	v6 =	vand.u32 $0x7F, v6;
	v4 =	vor.u32 $0x380, v4  }
0x232: {  	v6 =	vor.u32 v6, v9;
	_ =	sdelay $0x2  }
0x233: {  	v9 =	vunpack.i.u.bf16.f32 v7;
	v7 =	vunpack.i.l.bf16.f32 v7  }
0x234: {  	[tilespmem:v10+s12+$0x0] =	vst.idx.add.f32.msk $0xffff, v7  }
0x235: {  	[tilespmem:v4+s12+$0x0] =	vst.idx.add.f32.msk $0xffff, v9  }
0x236: {  	v5 =	vand.u32 $0x7F, v5;
	v4 =	vld.idx.msk [tilespmem:v6+s2+$0x0], $0xffff  }
0x237: {  	v5 =	vor.u32 v5, v8  }
0x238: {  	v7 =	vor.u32 $0x80, v5  }
0x239: {  	v8 =	vor.u32 $0x80, v6;
	_ =	sdelay $0x2  }
0x23a: {  	v9 =	vunpack.i.u.bf16.f32 v4;
	v4 =	vunpack.i.l.bf16.f32 v4  }
0x23b: {  	[tilespmem:v5+s12+$0x0] =	vst.idx.add.f32.msk $0xffff, v4  }
0x23c: {  	[tilespmem:v7+s12+$0x0] =	vst.idx.add.f32.msk $0xffff, v9  }
0x23d: {  	v4 =	vld.idx.msk [tilespmem:v8+s2+$0x0], $0xffff  }
0x23e: {  	v7 =	vor.u32 $0x100, v5  }
0x23f: {  	v8 =	vor.u32 $0x180, v5  }
0x240: {  	v9 =	vor.u32 $0x100, v6;
	_ =	sdelay $0x2  }
0x241: {  	v10 =	vunpack.i.u.bf16.f32 v4;
	v4 =	vunpack.i.l.bf16.f32 v4  }
0x242: {  	[tilespmem:v7+s12+$0x0] =	vst.idx.add.f32.msk $0xffff, v4  }
0x243: {  	[tilespmem:v8+s12+$0x0] =	vst.idx.add.f32.msk $0xffff, v10  }
0x244: {  	v4 =	vld.idx.msk [tilespmem:v9+s2+$0x0], $0xffff  }
0x245: {  	v7 =	vor.u32 $0x200, v5  }
0x246: {  	v8 =	vor.u32 $0x280, v5  }
0x247: {  	v6 =	vor.u32 $0x180, v6;
	_ =	sdelay $0x2  }
0x248: {  	v9 =	vunpack.i.u.bf16.f32 v4;
	v4 =	vunpack.i.l.bf16.f32 v4  }
0x249: {  	[tilespmem:v7+s12+$0x0] =	vst.idx.add.f32.msk $0xffff, v4  }
0x24a: {  	[tilespmem:v8+s12+$0x0] =	vst.idx.add.f32.msk $0xffff, v9  }
0x24b: {  	v4 =	vld.idx.msk [tilespmem:v6+s2+$0x0], $0xffff  }
0x24c: {  	v6 =	vor.u32 $0x300, v5  }
0x24d: {  	v2 =	vand.u32 $0x7F, v2;
	v5 =	vor.u32 $0x380, v5  }
0x24e: {  	v2 =	vor.u32 v2, v3;
	_ =	sdelay $0x2  }
0x24f: {  	v3 =	vunpack.i.u.bf16.f32 v4;
	v4 =	vunpack.i.l.bf16.f32 v4  }
0x250: {  	[tilespmem:v6+s12+$0x0] =	vst.idx.add.f32.msk $0xffff, v4  }
0x251: {  	[tilespmem:v5+s12+$0x0] =	vst.idx.add.f32.msk $0xffff, v3  }
0x252: {  	v0 =	vand.u32 $0x7F, v0;
	v3 =	vld.idx.msk [tilespmem:v2+s2+$0x0], $0xffff  }
0x253: {  	v0 =	vor.u32 v0, v1  }
0x254: {  	v1 =	vor.u32 $0x80, v0  }
0x255: {  	v4 =	vor.u32 $0x80, v2;
	_ =	sdelay $0x2  }
0x256: {  	v5 =	vunpack.i.u.bf16.f32 v3;
	v3 =	vunpack.i.l.bf16.f32 v3  }
0x257: {  	[tilespmem:v0+s12+$0x0] =	vst.idx.add.f32.msk $0xffff, v3  }
0x258: {  	[tilespmem:v1+s12+$0x0] =	vst.idx.add.f32.msk $0xffff, v5  }
0x259: {  	v1 =	vld.idx.msk [tilespmem:v4+s2+$0x0], $0xffff  }
0x25a: {  	v3 =	vor.u32 $0x100, v0  }
0x25b: {  	v4 =	vor.u32 $0x180, v0  }
0x25c: {  	v5 =	vor.u32 $0x100, v2;
	_ =	sdelay $0x2  }
0x25d: {  	v6 =	vunpack.i.u.bf16.f32 v1;
	v1 =	vunpack.i.l.bf16.f32 v1  }
0x25e: {  	[tilespmem:v3+s12+$0x0] =	vst.idx.add.f32.msk $0xffff, v1  }
0x25f: {  	[tilespmem:v4+s12+$0x0] =	vst.idx.add.f32.msk $0xffff, v6  }
0x260: {  	v1 =	vld.idx.msk [tilespmem:v5+s2+$0x0], $0xffff  }
0x261: {  	v3 =	vor.u32 $0x200, v0  }
0x262: {  	v4 =	vor.u32 $0x280, v0  }
0x263: {  	v2 =	vor.u32 $0x180, v2;
	_ =	sdelay $0x2  }
0x264: {  	v5 =	vunpack.i.u.bf16.f32 v1;
	v1 =	vunpack.i.l.bf16.f32 v1  }
0x265: {  	[tilespmem:v3+s12+$0x0] =	vst.idx.add.f32.msk $0xffff, v1  }
0x266: {  	[tilespmem:v4+s12+$0x0] =	vst.idx.add.f32.msk $0xffff, v5  }
0x267: {  	v3 =	vld.idx.msk [tilespmem:v2+s2+$0x0], $0xffff  }
0x268: {  	v1 =	vor.u32 $0x300, v0  }
.Ltmp0:
0x269: {  	v0 =	vor.u32 $0x380, v0;
	(pc) =	sbr.rel @p0 .LBB2_3-.Ltmp0, $2  }
0x26a: {  	_ =	sdelay $0x2  }
0x26b: {  	v2 =	vunpack.i.u.bf16.f32 v3;
	v3 =	vunpack.i.l.bf16.f32 v3  }
0x26c: {  	s16 =	sadd.s32 $0x1, s16  }
0x26d: {  	p0 =	sne.s32 s16, $0x28  }
.Ltmp1:
0x26e: {  	_ = 	snop;
	(pc) =	sbr.rel @p0 .LBB2_2-.Ltmp1, $3  }
0x26f: {  	_ =	sdelay $0x1  }
0x270: {  	[tilespmem:v1+s12+$0x0] =	vst.idx.add.f32.msk $0xffff, v3  }
0x271: {  	[tilespmem:v0+s12+$0x0] =	vst.idx.add.f32.msk $0xffff, v2  }
0x272: {  	s16 =	simm.s32 $0x0  }
0x273: {  	[hbm4b:s7+s16] =	stream.linear.scatter [tilespmem:s12], [sflag:$0x1], $0x13C00, $0x38;
	[tilespmem:$0x1FA00] =	vst v63  }
0x274: {  	_ =	swait.ge [sflag:s11], $0x13C00  }
0x275: {  	[sflag:s11] =	ssyncset.done $0x0  }
0x276: {  	[sflag:s11] =	ssyncadd.s32 $0xFFFEC400  }
0x277: {  	[tilespmem:s16], [sflag:$0x1] =	stream.linear.gather [hbm4b:s8+s16], $0x9E00, $0x38;
	[tilespmem:$0x1FA00] =	vst v63  }
0x278: {  	_ =	swait.ge [sflag:s11], $0x9E00  }
0x279: {  	[sflag:s11] =	ssyncset.done $0x0  }
0x27a: {  	[sflag:s11] =	ssyncadd.s32 $0xFFFF6200  }
0x27b: {  	[tilespmem:s12], [sflag:$0x1] =	stream.linear.gather [hbm4b:s5+s16], $0x13C00, $0x38;
	[tilespmem:$0x1FA00] =	vst v63  }
0x27c: {  	_ =	swait.ge [sflag:s11], $0x13C00  }
0x27d: {  	[sflag:s11] =	ssyncset.done $0x0  }
0x27e: {  	s17 =	simm.s32 $0x0;
	[sflag:s11] =	ssyncadd.s32 $0xFFFEC400  }
.LBB2_6:
0x27f: {  	s18 =	smul.u32 $0x1F4, s17;
	_ =	sdelay $0x1  }
0x280: {  	s19 =	sadd.s32 s3, s18  }
0x281: {  	[tilespmem:s13], [sflag:$0x1] =	stream.linear.gather [hbm4b:s19+s16], $0xFA0, $0x38;
	[tilespmem:$0x1FA00] =	vst v63  }
0x282: {  	_ =	swait.ge [sflag:s11], $0xFA0  }
0x283: {  	[sflag:s11] =	ssyncset.done $0x0  }
0x284: {  	s18 =	sadd.s32 s4, s18;
	[sflag:s11] =	ssyncadd.s32 $0xFFFFF060  }
0x285: {  	[tilespmem:s14], [sflag:$0x1] =	stream.linear.gather [hbm4b:s18+s16], $0xFA0, $0x38;
	[tilespmem:$0x1FA00] =	vst v63  }
0x286: {  	_ =	swait.ge [sflag:s11], $0xFA0  }
0x287: {  	[sflag:s11] =	ssyncset.done $0x0  }
0x288: {  	s18 =	simm.s32 $0x1EA50;
	[sflag:s11] =	ssyncadd.s32 $0xFFFFF060  }
0x289: {  	s19 =	simm.s32 $0x1DA50;
	v0 =	vld [tilespmem:s18+$0x40]  }
0x28a: {  	v1 =	vld [tilespmem:s19+$0xFFFFFFB0]  }
0x28b: {  	v4 =	vld [tilespmem:s18+$0x20]  }
0x28c: {  	v6 =	vld [tilespmem:s18+$0x10]  }
0x28d: {  	v8 =	vld [tilespmem:s18+$0x0]  }
0x28e: {  	v10 =	vld [tilespmem:s18+$0xFFFFFFF0]  }
0x28f: {  	v12 =	vld [tilespmem:s18+$0xFFFFFFE0]  }
0x290: {  	v13 =	vld [tilespmem:s18+$0xFFFFFFD0]  }
0x291: {  	v3 =	vld [tilespmem:s18+$0xFFFFFFB0];
	v2 =	vshll.u32 v1, $0x2  }
0x292: {  	v15 =	vld [tilespmem:s18+$0xFFFFFFC0];
	v1 =	vand.u32 $0x7F, v1;
	v2 =	vand.u32 $0xFFFFFE00, v2  }
0x293: {  	v5 =	vld [tilespmem:s19+$0x20];
	v14 =	vor.u32 v1, v2  }
0x294: {  	v7 =	vld [tilespmem:s19+$0x10]  }
0x295: {  	v9 =	vld [tilespmem:s19+$0x0]  }
0x296: {  	v17 =	vld [tilespmem:s19+$0xFFFFFFC0]  }
0x297: {  	v11 =	vld [tilespmem:s19+$0xFFFFFFF0];
	v2 =	vshll.u32 v3, $0x3  }
0x298: {  	v3 =	vand.u32 $0x7F, v3;
	v2 =	vand.u32 $0xFFFFFC00, v2;
	v16 =	vld.idx.msk [tilespmem:v14+s2+$0x0], $0xffff  }
0x299: {  	v20 =	vld [tilespmem:s19+$0xFFFFFFE0];
	v18 =	vor.u32 v3, v2  }
0x29a: {  	v22 =	vld [tilespmem:s19+$0xFFFFFFD0];
	v19 =	vor.u32 $0x80, v18  }
0x29b: {  	s20 =	sand.u32 $0x1FE0, s16;
	v1 =	vld [tilespmem:s19+$0x40];
	v21 =	vor.u32 $0x80, v14  }
0x29c: {  	v3 =	vld [tilespmem:s20+$0x1DA80]  }
0x29d: {  	v2 =	vld [tilespmem:s20+$0x1EA80];
	v23 =	vunpack.i.l.bf16.f32 v16  }
0x29e: {  	v16 =	vunpack.i.u.bf16.f32 v16;
	[tilespmem:v18+s12+$0x0] =	vst.idx.add.f32.msk $0xffff, v23  }
0x29f: {  	[tilespmem:v19+s12+$0x0] =	vst.idx.add.f32.msk $0xffff, v16  }
0x2a0: {  	v16 =	vld.idx.msk [tilespmem:v21+s2+$0x0], $0xffff  }
0x2a1: {  	v44 =	vor.u32 $0x100, v18  }
0x2a2: {  	v45 =	vor.u32 $0x180, v18  }
0x2a3: {  	v46 =	vor.u32 $0x100, v14;
	_ =	sdelay $0x1  }
0x2a4: {  	v24 =	vunpack.i.l.bf16.f32 v16  }
0x2a5: {  	v16 =	vunpack.i.u.bf16.f32 v16;
	[tilespmem:v44+s12+$0x0] =	vst.idx.add.f32.msk $0xffff, v24  }
0x2a6: {  	[tilespmem:v45+s12+$0x0] =	vst.idx.add.f32.msk $0xffff, v16  }
0x2a7: {  	v16 =	vld.idx.msk [tilespmem:v46+s2+$0x0], $0xffff  }
0x2a8: {  	v47 =	vor.u32 $0x200, v18  }
0x2a9: {  	v48 =	vor.u32 $0x280, v18  }
0x2aa: {  	v14 =	vor.u32 $0x180, v14;
	_ =	sdelay $0x1  }
0x2ab: {  	v23 =	vunpack.i.l.bf16.f32 v16  }
0x2ac: {  	v16 =	vunpack.i.u.bf16.f32 v16;
	[tilespmem:v47+s12+$0x0] =	vst.idx.add.f32.msk $0xffff, v23  }
0x2ad: {  	[tilespmem:v48+s12+$0x0] =	vst.idx.add.f32.msk $0xffff, v16  }
0x2ae: {  	v14 =	vld.idx.msk [tilespmem:v14+s2+$0x0], $0xffff  }
0x2af: {  	v49 =	vshll.u32 v17, $0x2;
	v50 =	vor.u32 $0x300, v18  }
0x2b0: {  	v17 =	vand.u32 $0x7F, v17;
	v18 =	vor.u32 $0x380, v18;
	v16 =	vand.u32 $0xFFFFFE00, v49  }
0x2b1: {  	v16 =	vor.u32 v17, v16;
	_ =	sdelay $0x1  }
0x2b2: {  	v51 =	vunpack.i.l.bf16.f32 v14  }
0x2b3: {  	v14 =	vunpack.i.u.bf16.f32 v14;
	[tilespmem:v50+s12+$0x0] =	vst.idx.add.f32.msk $0xffff, v51  }
0x2b4: {  	v52 =	vshll.u32 v15, $0x3;
	[tilespmem:v18+s12+$0x0] =	vst.idx.add.f32.msk $0xffff, v14  }
0x2b5: {  	v15 =	vand.u32 $0x7F, v15;
	v53 =	vand.u32 $0xFFFFFC00, v52;
	v54 =	vld.idx.msk [tilespmem:v16+s2+$0x0], $0xffff  }
0x2b6: {  	v14 =	vor.u32 v15, v53  }
0x2b7: {  	v15 =	vor.u32 $0x80, v14  }
0x2b8: {  	v55 =	vor.u32 $0x80, v16;
	_ =	sdelay $0x1  }
0x2b9: {  	v56 =	vunpack.i.l.bf16.f32 v54  }
0x2ba: {  	v17 =	vunpack.i.u.bf16.f32 v54;
	[tilespmem:v14+s12+$0x0] =	vst.idx.add.f32.msk $0xffff, v56  }
0x2bb: {  	[tilespmem:v15+s12+$0x0] =	vst.idx.add.f32.msk $0xffff, v17  }
0x2bc: {  	v15 =	vld.idx.msk [tilespmem:v55+s2+$0x0], $0xffff  }
0x2bd: {  	v57 =	vor.u32 $0x100, v14  }
0x2be: {  	v58 =	vor.u32 $0x180, v14  }
0x2bf: {  	v59 =	vor.u32 $0x100, v16;
	_ =	sdelay $0x1  }
0x2c0: {  	v60 =	vunpack.i.l.bf16.f32 v15  }
0x2c1: {  	v15 =	vunpack.i.u.bf16.f32 v15;
	[tilespmem:v57+s12+$0x0] =	vst.idx.add.f32.msk $0xffff, v60  }
0x2c2: {  	[tilespmem:v58+s12+$0x0] =	vst.idx.add.f32.msk $0xffff, v15  }
0x2c3: {  	v15 =	vld.idx.msk [tilespmem:v59+s2+$0x0], $0xffff  }
0x2c4: {  	v61 =	vor.u32 $0x200, v14  }
0x2c5: {  	v62 =	vor.u32 $0x280, v14  }
0x2c6: {  	v16 =	vor.u32 $0x180, v16;
	_ =	sdelay $0x1  }
0x2c7: {  	v19 =	vunpack.i.l.bf16.f32 v15  }
0x2c8: {  	v15 =	vunpack.i.u.bf16.f32 v15;
	[tilespmem:v61+s12+$0x0] =	vst.idx.add.f32.msk $0xffff, v19  }
0x2c9: {  	[tilespmem:v62+s12+$0x0] =	vst.idx.add.f32.msk $0xffff, v15  }
0x2ca: {  	v15 =	vld.idx.msk [tilespmem:v16+s2+$0x0], $0xffff  }
0x2cb: {  	v63 =	vshll.u32 v22, $0x2;
	v21 =	vor.u32 $0x300, v14  }
0x2cc: {  	v23 =	vand.u32 $0x7F, v22;
	v14 =	vor.u32 $0x380, v14;
	v16 =	vand.u32 $0xFFFFFE00, v63  }
0x2cd: {  	v16 =	vor.u32 v23, v16;
	_ =	sdelay $0x1  }
0x2ce: {  	v24 =	vunpack.i.l.bf16.f32 v15  }
0x2cf: {  	v15 =	vunpack.i.u.bf16.f32 v15;
	[tilespmem:v21+s12+$0x0] =	vst.idx.add.f32.msk $0xffff, v24  }
0x2d0: {  	v25 =	vshll.u32 v13, $0x3;
	[tilespmem:v14+s12+$0x0] =	vst.idx.add.f32.msk $0xffff, v15  }
0x2d1: {  	v13 =	vand.u32 $0x7F, v13;
	v26 =	vand.u32 $0xFFFFFC00, v25;
	v15 =	vld.idx.msk [tilespmem:v16+s2+$0x0], $0xffff  }
0x2d2: {  	v13 =	vor.u32 v13, v26  }
0x2d3: {  	v14 =	vor.u32 $0x80, v13  }
0x2d4: {  	v27 =	vor.u32 $0x80, v16;
	_ =	sdelay $0x1  }
0x2d5: {  	v28 =	vunpack.i.l.bf16.f32 v15  }
0x2d6: {  	v15 =	vunpack.i.u.bf16.f32 v15;
	[tilespmem:v13+s12+$0x0] =	vst.idx.add.f32.msk $0xffff, v28  }
0x2d7: {  	[tilespmem:v14+s12+$0x0] =	vst.idx.add.f32.msk $0xffff, v15  }
0x2d8: {  	v14 =	vld.idx.msk [tilespmem:v27+s2+$0x0], $0xffff  }
0x2d9: {  	v29 =	vor.u32 $0x100, v13  }
0x2da: {  	v30 =	vor.u32 $0x180, v13  }
0x2db: {  	v31 =	vor.u32 $0x100, v16;
	_ =	sdelay $0x1  }
0x2dc: {  	v32 =	vunpack.i.l.bf16.f32 v14  }
0x2dd: {  	v14 =	vunpack.i.u.bf16.f32 v14;
	[tilespmem:v29+s12+$0x0] =	vst.idx.add.f32.msk $0xffff, v32  }
0x2de: {  	[tilespmem:v30+s12+$0x0] =	vst.idx.add.f32.msk $0xffff, v14  }
0x2df: {  	v14 =	vld.idx.msk [tilespmem:v31+s2+$0x0], $0xffff  }
0x2e0: {  	v33 =	vor.u32 $0x200, v13  }
0x2e1: {  	v34 =	vor.u32 $0x280, v13  }
0x2e2: {  	v16 =	vor.u32 $0x180, v16;
	_ =	sdelay $0x1  }
0x2e3: {  	v18 =	vunpack.i.l.bf16.f32 v14  }
0x2e4: {  	v14 =	vunpack.i.u.bf16.f32 v14;
	[tilespmem:v33+s12+$0x0] =	vst.idx.add.f32.msk $0xffff, v18  }
0x2e5: {  	[tilespmem:v34+s12+$0x0] =	vst.idx.add.f32.msk $0xffff, v14  }
0x2e6: {  	v14 =	vld.idx.msk [tilespmem:v16+s2+$0x0], $0xffff  }
0x2e7: {  	v35 =	vshll.u32 v20, $0x2;
	v36 =	vor.u32 $0x300, v13  }
0x2e8: {  	v37 =	vand.u32 $0x7F, v20;
	v13 =	vor.u32 $0x380, v13;
	v15 =	vand.u32 $0xFFFFFE00, v35  }
0x2e9: {  	v15 =	vor.u32 v37, v15;
	_ =	sdelay $0x1  }
0x2ea: {  	v38 =	vunpack.i.l.bf16.f32 v14  }
0x2eb: {  	v14 =	vunpack.i.u.bf16.f32 v14;
	[tilespmem:v36+s12+$0x0] =	vst.idx.add.f32.msk $0xffff, v38  }
0x2ec: {  	v39 =	vshll.u32 v12, $0x3;
	[tilespmem:v13+s12+$0x0] =	vst.idx.add.f32.msk $0xffff, v14  }
0x2ed: {  	v12 =	vand.u32 $0x7F, v12;
	v40 =	vand.u32 $0xFFFFFC00, v39;
	v14 =	vld.idx.msk [tilespmem:v15+s2+$0x0], $0xffff  }
0x2ee: {  	v12 =	vor.u32 v12, v40  }
0x2ef: {  	v13 =	vor.u32 $0x80, v12  }
0x2f0: {  	v41 =	vor.u32 $0x80, v15;
	_ =	sdelay $0x1  }
0x2f1: {  	v42 =	vunpack.i.l.bf16.f32 v14  }
0x2f2: {  	v14 =	vunpack.i.u.bf16.f32 v14;
	[tilespmem:v12+s12+$0x0] =	vst.idx.add.f32.msk $0xffff, v42  }
0x2f3: {  	[tilespmem:v13+s12+$0x0] =	vst.idx.add.f32.msk $0xffff, v14  }
0x2f4: {  	v13 =	vld.idx.msk [tilespmem:v41+s2+$0x0], $0xffff  }
0x2f5: {  	v43 =	vor.u32 $0x100, v12  }
0x2f6: {  	v44 =	vor.u32 $0x180, v12  }
0x2f7: {  	v45 =	vor.u32 $0x100, v15;
	_ =	sdelay $0x1  }
0x2f8: {  	v46 =	vunpack.i.l.bf16.f32 v13  }
0x2f9: {  	v13 =	vunpack.i.u.bf16.f32 v13;
	[tilespmem:v43+s12+$0x0] =	vst.idx.add.f32.msk $0xffff, v46  }
0x2fa: {  	[tilespmem:v44+s12+$0x0] =	vst.idx.add.f32.msk $0xffff, v13  }
0x2fb: {  	v13 =	vld.idx.msk [tilespmem:v45+s2+$0x0], $0xffff  }
0x2fc: {  	v47 =	vor.u32 $0x200, v12  }
0x2fd: {  	v48 =	vor.u32 $0x280, v12  }
0x2fe: {  	v15 =	vor.u32 $0x180, v15;
	_ =	sdelay $0x1  }
0x2ff: {  	v17 =	vunpack.i.l.bf16.f32 v13  }
0x300: {  	v13 =	vunpack.i.u.bf16.f32 v13;
	[tilespmem:v47+s12+$0x0] =	vst.idx.add.f32.msk $0xffff, v17  }
0x301: {  	[tilespmem:v48+s12+$0x0] =	vst.idx.add.f32.msk $0xffff, v13  }
0x302: {  	v13 =	vld.idx.msk [tilespmem:v15+s2+$0x0], $0xffff  }
0x303: {  	v49 =	vshll.u32 v11, $0x2;
	v50 =	vor.u32 $0x300, v12  }
0x304: {  	v11 =	vand.u32 $0x7F, v11;
	v12 =	vor.u32 $0x380, v12;
	v14 =	vand.u32 $0xFFFFFE00, v49  }
0x305: {  	v11 =	vor.u32 v11, v14;
	_ =	sdelay $0x1  }
0x306: {  	v51 =	vunpack.i.l.bf16.f32 v13  }
0x307: {  	v13 =	vunpack.i.u.bf16.f32 v13;
	[tilespmem:v50+s12+$0x0] =	vst.idx.add.f32.msk $0xffff, v51  }
0x308: {  	v52 =	vshll.u32 v10, $0x3;
	[tilespmem:v12+s12+$0x0] =	vst.idx.add.f32.msk $0xffff, v13  }
0x309: {  	v10 =	vand.u32 $0x7F, v10;
	v53 =	vand.u32 $0xFFFFFC00, v52;
	v13 =	vld.idx.msk [tilespmem:v11+s2+$0x0], $0xffff  }
0x30a: {  	v10 =	vor.u32 v10, v53  }
0x30b: {  	v12 =	vor.u32 $0x80, v10  }
0x30c: {  	v54 =	vor.u32 $0x80, v11;
	_ =	sdelay $0x1  }
0x30d: {  	v55 =	vunpack.i.l.bf16.f32 v13  }
0x30e: {  	v13 =	vunpack.i.u.bf16.f32 v13;
	[tilespmem:v10+s12+$0x0] =	vst.idx.add.f32.msk $0xffff, v55  }
0x30f: {  	[tilespmem:v12+s12+$0x0] =	vst.idx.add.f32.msk $0xffff, v13  }
0x310: {  	v12 =	vld.idx.msk [tilespmem:v54+s2+$0x0], $0xffff  }
0x311: {  	v56 =	vor.u32 $0x100, v10  }
0x312: {  	v57 =	vor.u32 $0x180, v10  }
0x313: {  	v58 =	vor.u32 $0x100, v11;
	_ =	sdelay $0x1  }
0x314: {  	v59 =	vunpack.i.l.bf16.f32 v12  }
0x315: {  	v12 =	vunpack.i.u.bf16.f32 v12;
	[tilespmem:v56+s12+$0x0] =	vst.idx.add.f32.msk $0xffff, v59  }
0x316: {  	[tilespmem:v57+s12+$0x0] =	vst.idx.add.f32.msk $0xffff, v12  }
0x317: {  	v12 =	vld.idx.msk [tilespmem:v58+s2+$0x0], $0xffff  }
0x318: {  	v60 =	vor.u32 $0x200, v10  }
0x319: {  	v61 =	vor.u32 $0x280, v10  }
0x31a: {  	v11 =	vor.u32 $0x180, v11;
	_ =	sdelay $0x1  }
0x31b: {  	v15 =	vunpack.i.l.bf16.f32 v12  }
0x31c: {  	v12 =	vunpack.i.u.bf16.f32 v12;
	[tilespmem:v60+s12+$0x0] =	vst.idx.add.f32.msk $0xffff, v15  }
0x31d: {  	[tilespmem:v61+s12+$0x0] =	vst.idx.add.f32.msk $0xffff, v12  }
0x31e: {  	v11 =	vld.idx.msk [tilespmem:v11+s2+$0x0], $0xffff  }
0x31f: {  	v62 =	vshll.u32 v9, $0x2;
	v63 =	vor.u32 $0x300, v10  }
0x320: {  	v9 =	vand.u32 $0x7F, v9;
	v10 =	vor.u32 $0x380, v10;
	v12 =	vand.u32 $0xFFFFFE00, v62  }
0x321: {  	v9 =	vor.u32 v9, v12;
	_ =	sdelay $0x1  }
0x322: {  	v16 =	vunpack.i.l.bf16.f32 v11  }
0x323: {  	v11 =	vunpack.i.u.bf16.f32 v11;
	[tilespmem:v63+s12+$0x0] =	vst.idx.add.f32.msk $0xffff, v16  }
0x324: {  	v17 =	vshll.u32 v8, $0x3;
	[tilespmem:v10+s12+$0x0] =	vst.idx.add.f32.msk $0xffff, v11  }
0x325: {  	v8 =	vand.u32 $0x7F, v8;
	v18 =	vand.u32 $0xFFFFFC00, v17;
	v11 =	vld.idx.msk [tilespmem:v9+s2+$0x0], $0xffff  }
0x326: {  	v8 =	vor.u32 v8, v18  }
0x327: {  	v10 =	vor.u32 $0x80, v8  }
0x328: {  	v19 =	vor.u32 $0x80, v9;
	_ =	sdelay $0x1  }
0x329: {  	v20 =	vunpack.i.l.bf16.f32 v11  }
0x32a: {  	v11 =	vunpack.i.u.bf16.f32 v11;
	[tilespmem:v8+s12+$0x0] =	vst.idx.add.f32.msk $0xffff, v20  }
0x32b: {  	[tilespmem:v10+s12+$0x0] =	vst.idx.add.f32.msk $0xffff, v11  }
0x32c: {  	v10 =	vld.idx.msk [tilespmem:v19+s2+$0x0], $0xffff  }
0x32d: {  	v21 =	vor.u32 $0x100, v8  }
0x32e: {  	v22 =	vor.u32 $0x180, v8  }
0x32f: {  	v23 =	vor.u32 $0x100, v9;
	_ =	sdelay $0x1  }
0x330: {  	v24 =	vunpack.i.l.bf16.f32 v10  }
0x331: {  	v10 =	vunpack.i.u.bf16.f32 v10;
	[tilespmem:v21+s12+$0x0] =	vst.idx.add.f32.msk $0xffff, v24  }
0x332: {  	[tilespmem:v22+s12+$0x0] =	vst.idx.add.f32.msk $0xffff, v10  }
0x333: {  	v10 =	vld.idx.msk [tilespmem:v23+s2+$0x0], $0xffff  }
0x334: {  	v25 =	vor.u32 $0x200, v8  }
0x335: {  	v26 =	vor.u32 $0x280, v8  }
0x336: {  	v9 =	vor.u32 $0x180, v9;
	_ =	sdelay $0x1  }
0x337: {  	v13 =	vunpack.i.l.bf16.f32 v10  }
0x338: {  	v10 =	vunpack.i.u.bf16.f32 v10;
	[tilespmem:v25+s12+$0x0] =	vst.idx.add.f32.msk $0xffff, v13  }
0x339: {  	[tilespmem:v26+s12+$0x0] =	vst.idx.add.f32.msk $0xffff, v10  }
0x33a: {  	v9 =	vld.idx.msk [tilespmem:v9+s2+$0x0], $0xffff  }
0x33b: {  	v27 =	vshll.u32 v7, $0x2;
	v28 =	vor.u32 $0x300, v8  }
0x33c: {  	v7 =	vand.u32 $0x7F, v7;
	v8 =	vor.u32 $0x380, v8;
	v10 =	vand.u32 $0xFFFFFE00, v27  }
0x33d: {  	v7 =	vor.u32 v7, v10;
	_ =	sdelay $0x1  }
0x33e: {  	v29 =	vunpack.i.l.bf16.f32 v9  }
0x33f: {  	v9 =	vunpack.i.u.bf16.f32 v9;
	[tilespmem:v28+s12+$0x0] =	vst.idx.add.f32.msk $0xffff, v29  }
0x340: {  	v30 =	vshll.u32 v6, $0x3;
	[tilespmem:v8+s12+$0x0] =	vst.idx.add.f32.msk $0xffff, v9  }
0x341: {  	v6 =	vand.u32 $0x7F, v6;
	v31 =	vand.u32 $0xFFFFFC00, v30;
	v9 =	vld.idx.msk [tilespmem:v7+s2+$0x0], $0xffff  }
0x342: {  	v6 =	vor.u32 v6, v31  }
0x343: {  	v8 =	vor.u32 $0x80, v6  }
0x344: {  	v32 =	vor.u32 $0x80, v7;
	_ =	sdelay $0x1  }
0x345: {  	v33 =	vunpack.i.l.bf16.f32 v9  }
0x346: {  	v9 =	vunpack.i.u.bf16.f32 v9;
	[tilespmem:v6+s12+$0x0] =	vst.idx.add.f32.msk $0xffff, v33  }
0x347: {  	[tilespmem:v8+s12+$0x0] =	vst.idx.add.f32.msk $0xffff, v9  }
0x348: {  	v8 =	vld.idx.msk [tilespmem:v32+s2+$0x0], $0xffff  }
0x349: {  	v34 =	vor.u32 $0x100, v6  }
0x34a: {  	v35 =	vor.u32 $0x180, v6  }
0x34b: {  	v36 =	vor.u32 $0x100, v7;
	_ =	sdelay $0x1  }
0x34c: {  	v37 =	vunpack.i.l.bf16.f32 v8  }
0x34d: {  	v8 =	vunpack.i.u.bf16.f32 v8;
	[tilespmem:v34+s12+$0x0] =	vst.idx.add.f32.msk $0xffff, v37  }
0x34e: {  	[tilespmem:v35+s12+$0x0] =	vst.idx.add.f32.msk $0xffff, v8  }
0x34f: {  	v8 =	vld.idx.msk [tilespmem:v36+s2+$0x0], $0xffff  }
0x350: {  	v38 =	vor.u32 $0x200, v6  }
0x351: {  	v39 =	vor.u32 $0x280, v6  }
0x352: {  	v7 =	vor.u32 $0x180, v7;
	_ =	sdelay $0x1  }
0x353: {  	v11 =	vunpack.i.l.bf16.f32 v8  }
0x354: {  	v8 =	vunpack.i.u.bf16.f32 v8;
	[tilespmem:v38+s12+$0x0] =	vst.idx.add.f32.msk $0xffff, v11  }
0x355: {  	[tilespmem:v39+s12+$0x0] =	vst.idx.add.f32.msk $0xffff, v8  }
0x356: {  	v7 =	vld.idx.msk [tilespmem:v7+s2+$0x0], $0xffff  }
0x357: {  	v40 =	vshll.u32 v5, $0x2;
	v41 =	vor.u32 $0x300, v6  }
0x358: {  	v5 =	vand.u32 $0x7F, v5;
	v6 =	vor.u32 $0x380, v6;
	v8 =	vand.u32 $0xFFFFFE00, v40  }
0x359: {  	v5 =	vor.u32 v5, v8;
	_ =	sdelay $0x1  }
0x35a: {  	v42 =	vunpack.i.l.bf16.f32 v7  }
0x35b: {  	v7 =	vunpack.i.u.bf16.f32 v7;
	[tilespmem:v41+s12+$0x0] =	vst.idx.add.f32.msk $0xffff, v42  }
0x35c: {  	v43 =	vshll.u32 v4, $0x3;
	[tilespmem:v6+s12+$0x0] =	vst.idx.add.f32.msk $0xffff, v7  }
0x35d: {  	v4 =	vand.u32 $0x7F, v4;
	v44 =	vand.u32 $0xFFFFFC00, v43;
	v7 =	vld.idx.msk [tilespmem:v5+s2+$0x0], $0xffff  }
0x35e: {  	v4 =	vor.u32 v4, v44  }
0x35f: {  	v6 =	vor.u32 $0x80, v4  }
0x360: {  	v45 =	vor.u32 $0x80, v5;
	_ =	sdelay $0x1  }
0x361: {  	v46 =	vunpack.i.l.bf16.f32 v7  }
0x362: {  	v7 =	vunpack.i.u.bf16.f32 v7;
	[tilespmem:v4+s12+$0x0] =	vst.idx.add.f32.msk $0xffff, v46  }
0x363: {  	[tilespmem:v6+s12+$0x0] =	vst.idx.add.f32.msk $0xffff, v7  }
0x364: {  	v6 =	vld.idx.msk [tilespmem:v45+s2+$0x0], $0xffff  }
0x365: {  	v47 =	vor.u32 $0x100, v4  }
0x366: {  	v48 =	vor.u32 $0x180, v4  }
0x367: {  	v49 =	vor.u32 $0x100, v5;
	_ =	sdelay $0x1  }
0x368: {  	v50 =	vunpack.i.l.bf16.f32 v6  }
0x369: {  	v6 =	vunpack.i.u.bf16.f32 v6;
	[tilespmem:v47+s12+$0x0] =	vst.idx.add.f32.msk $0xffff, v50  }
0x36a: {  	[tilespmem:v48+s12+$0x0] =	vst.idx.add.f32.msk $0xffff, v6  }
0x36b: {  	v6 =	vld.idx.msk [tilespmem:v49+s2+$0x0], $0xffff  }
0x36c: {  	v51 =	vor.u32 $0x200, v4  }
0x36d: {  	v52 =	vor.u32 $0x280, v4  }
0x36e: {  	v5 =	vor.u32 $0x180, v5;
	_ =	sdelay $0x1  }
0x36f: {  	v9 =	vunpack.i.l.bf16.f32 v6  }
0x370: {  	v6 =	vunpack.i.u.bf16.f32 v6;
	[tilespmem:v51+s12+$0x0] =	vst.idx.add.f32.msk $0xffff, v9  }
0x371: {  	[tilespmem:v52+s12+$0x0] =	vst.idx.add.f32.msk $0xffff, v6  }
0x372: {  	v5 =	vld.idx.msk [tilespmem:v5+s2+$0x0], $0xffff  }
0x373: {  	v53 =	vshll.u32 v3, $0x2;
	v54 =	vor.u32 $0x300, v4  }
0x374: {  	v3 =	vand.u32 $0x7F, v3;
	v4 =	vor.u32 $0x380, v4;
	v6 =	vand.u32 $0xFFFFFE00, v53  }
0x375: {  	v3 =	vor.u32 v3, v6;
	_ =	sdelay $0x1  }
0x376: {  	v55 =	vunpack.i.l.bf16.f32 v5  }
0x377: {  	v5 =	vunpack.i.u.bf16.f32 v5;
	[tilespmem:v54+s12+$0x0] =	vst.idx.add.f32.msk $0xffff, v55  }
0x378: {  	v56 =	vshll.u32 v2, $0x3;
	[tilespmem:v4+s12+$0x0] =	vst.idx.add.f32.msk $0xffff, v5  }
0x379: {  	v2 =	vand.u32 $0x7F, v2;
	v4 =	vand.u32 $0xFFFFFC00, v56;
	v5 =	vld.idx.msk [tilespmem:v3+s2+$0x0], $0xffff  }
0x37a: {  	v2 =	vor.u32 v2, v4  }
0x37b: {  	v4 =	vor.u32 $0x80, v2  }
0x37c: {  	v57 =	vor.u32 $0x80, v3;
	_ =	sdelay $0x1  }
0x37d: {  	v58 =	vunpack.i.l.bf16.f32 v5  }
0x37e: {  	v5 =	vunpack.i.u.bf16.f32 v5;
	[tilespmem:v2+s12+$0x0] =	vst.idx.add.f32.msk $0xffff, v58  }
0x37f: {  	[tilespmem:v4+s12+$0x0] =	vst.idx.add.f32.msk $0xffff, v5  }
0x380: {  	v4 =	vld.idx.msk [tilespmem:v57+s2+$0x0], $0xffff  }
0x381: {  	v5 =	vor.u32 $0x100, v2  }
0x382: {  	v59 =	vor.u32 $0x180, v2  }
0x383: {  	v60 =	vor.u32 $0x100, v3;
	_ =	sdelay $0x1  }
0x384: {  	v61 =	vunpack.i.l.bf16.f32 v4  }
0x385: {  	v4 =	vunpack.i.u.bf16.f32 v4;
	[tilespmem:v5+s12+$0x0] =	vst.idx.add.f32.msk $0xffff, v61  }
0x386: {  	[tilespmem:v59+s12+$0x0] =	vst.idx.add.f32.msk $0xffff, v4  }
0x387: {  	v4 =	vld.idx.msk [tilespmem:v60+s2+$0x0], $0xffff  }
0x388: {  	v5 =	vor.u32 $0x200, v2  }
0x389: {  	v62 =	vor.u32 $0x280, v2  }
0x38a: {  	v3 =	vor.u32 $0x180, v3;
	_ =	sdelay $0x1  }
0x38b: {  	v7 =	vunpack.i.l.bf16.f32 v4  }
0x38c: {  	v4 =	vunpack.i.u.bf16.f32 v4;
	[tilespmem:v5+s12+$0x0] =	vst.idx.add.f32.msk $0xffff, v7  }
0x38d: {  	[tilespmem:v62+s12+$0x0] =	vst.idx.add.f32.msk $0xffff, v4  }
0x38e: {  	v3 =	vld.idx.msk [tilespmem:v3+s2+$0x0], $0xffff  }
0x38f: {  	v5 =	vor.u32 $0x300, v2;
	v4 =	vshll.u32 v1, $0x2  }
0x390: {  	v2 =	vor.u32 $0x380, v2;
	v1 =	vand.u32 $0x7F, v1;
	v4 =	vand.u32 $0xFFFFFE00, v4  }
0x391: {  	v1 =	vor.u32 v1, v4;
	_ =	sdelay $0x1  }
0x392: {  	v4 =	vunpack.i.l.bf16.f32 v3  }
0x393: {  	v3 =	vunpack.i.u.bf16.f32 v3;
	[tilespmem:v5+s12+$0x0] =	vst.idx.add.f32.msk $0xffff, v4  }
0x394: {  	v4 =	vshll.u32 v0, $0x3;
	[tilespmem:v2+s12+$0x0] =	vst.idx.add.f32.msk $0xffff, v3  }
0x395: {  	v0 =	vand.u32 $0x7F, v0;
	v2 =	vand.u32 $0xFFFFFC00, v4;
	v3 =	vld.idx.msk [tilespmem:v1+s2+$0x0], $0xffff  }
0x396: {  	v0 =	vor.u32 v0, v2  }
0x397: {  	v2 =	vor.u32 $0x80, v0  }
0x398: {  	v4 =	vor.u32 $0x80, v1;
	_ =	sdelay $0x1  }
0x399: {  	v5 =	vunpack.i.l.bf16.f32 v3  }
0x39a: {  	v3 =	vunpack.i.u.bf16.f32 v3;
	[tilespmem:v0+s12+$0x0] =	vst.idx.add.f32.msk $0xffff, v5  }
0x39b: {  	[tilespmem:v2+s12+$0x0] =	vst.idx.add.f32.msk $0xffff, v3  }
0x39c: {  	v2 =	vld.idx.msk [tilespmem:v4+s2+$0x0], $0xffff  }
0x39d: {  	v3 =	vor.u32 $0x100, v0  }
0x39e: {  	v4 =	vor.u32 $0x180, v0  }
0x39f: {  	v5 =	vor.u32 $0x100, v1;
	_ =	sdelay $0x1  }
0x3a0: {  	v63 =	vunpack.i.l.bf16.f32 v2  }
0x3a1: {  	v2 =	vunpack.i.u.bf16.f32 v2;
	[tilespmem:v3+s12+$0x0] =	vst.idx.add.f32.msk $0xffff, v63  }
0x3a2: {  	[tilespmem:v4+s12+$0x0] =	vst.idx.add.f32.msk $0xffff, v2  }
0x3a3: {  	v2 =	vld.idx.msk [tilespmem:v5+s2+$0x0], $0xffff  }
0x3a4: {  	v3 =	vor.u32 $0x200, v0  }
0x3a5: {  	v4 =	vor.u32 $0x280, v0  }
0x3a6: {  	v1 =	vor.u32 $0x180, v1;
	_ =	sdelay $0x1  }
0x3a7: {  	v5 =	vunpack.i.l.bf16.f32 v2  }
0x3a8: {  	v2 =	vunpack.i.u.bf16.f32 v2;
	[tilespmem:v3+s12+$0x0] =	vst.idx.add.f32.msk $0xffff, v5  }
0x3a9: {  	[tilespmem:v4+s12+$0x0] =	vst.idx.add.f32.msk $0xffff, v2  }
0x3aa: {  	v3 =	vld.idx.msk [tilespmem:v1+s2+$0x0], $0xffff  }
0x3ab: {  	v1 =	vor.u32 $0x300, v0  }
0x3ac: {  	v0 =	vor.u32 $0x380, v0;
	_ =	sdelay $0x2  }
0x3ad: {  	s20 =	simm.s32 $0xA0;
	v2 =	vunpack.i.u.bf16.f32 v3;
	v3 =	vunpack.i.l.bf16.f32 v3  }
.LBB2_7:
0x3ae: {  	p0 =	sne.s32 s20, $0xF00;
	[tilespmem:v1+s12+$0x0] =	vst.idx.add.f32.msk $0xffff, v3;
	s19 =	sadd.s32 $0xA0, s19;
	s18 =	sadd.s32 $0xA0, s18  }
0x3af: {  	s21 =	smov.u32 s20;
	s20 =	sadd.s32 $0xA0, s20;
	[tilespmem:v0+s12+$0x0] =	vst.idx.add.f32.msk $0xffff, v2  }
0x3b0: {  	v0 =	vld [tilespmem:s18+$0x40]  }
0x3b1: {  	v2 =	vld [tilespmem:s19+$0xFFFFFFB0]  }
0x3b2: {  	v4 =	vld [tilespmem:s18+$0x20]  }
0x3b3: {  	v11 =	vld [tilespmem:s18+$0x10]  }
0x3b4: {  	v15 =	vld [tilespmem:s18+$0x0]  }
0x3b5: {  	v19 =	vld [tilespmem:s18+$0xFFFFFFF0];
	v1 =	vshll.u32 v0, $0x3  }
0x3b6: {  	v23 =	vld [tilespmem:s18+$0xFFFFFFE0];
	v3 =	vshll.u32 v2, $0x2;
	v1 =	vand.u32 $0xFFFFFC00, v1  }
0x3b7: {  	v2 =	vand.u32 $0x7F, v2;
	v27 =	vld [tilespmem:s18+$0xFFFFFFD0];
	v3 =	vand.u32 $0xFFFFFE00, v3;
	v5 =	vshll.u32 v4, $0x3  }
0x3b8: {  	v6 =	vld [tilespmem:s18+$0xFFFFFFB0];
	v31 =	vor.u32 v2, v3;
	v2 =	vshll.u32 v11, $0x3;
	v7 =	vand.u32 $0xFFFFFC00, v5  }
0x3b9: {  	v32 =	vld [tilespmem:s18+$0xFFFFFFC0];
	v3 =	vshll.u32 v15, $0x3;
	v13 =	vand.u32 $0xFFFFFC00, v2  }
0x3ba: {  	v2 =	vld [tilespmem:s19+$0x40];
	v5 =	vshll.u32 v19, $0x3;
	v17 =	vand.u32 $0xFFFFFC00, v3  }
0x3bb: {  	v10 =	vld [tilespmem:s19+$0x20];
	v3 =	vshll.u32 v23, $0x3;
	v21 =	vand.u32 $0xFFFFFC00, v5  }
0x3bc: {  	v14 =	vld [tilespmem:s19+$0x10];
	v5 =	vshll.u32 v27, $0x3;
	v25 =	vand.u32 $0xFFFFFC00, v3  }
0x3bd: {  	v8 =	vld.idx.msk [tilespmem:v31+s2+$0x0], $0xffff;
	v3 =	vshll.u32 v6, $0x3;
	v29 =	vand.u32 $0xFFFFFC00, v5  }
0x3be: {  	v5 =	vand.u32 $0x7F, v6;
	v18 =	vld [tilespmem:s19+$0x0];
	v3 =	vand.u32 $0xFFFFFC00, v3;
	v6 =	vshll.u32 v32, $0x3  }
0x3bf: {  	v33 =	vld [tilespmem:s19+$0xFFFFFFC0];
	v34 =	vor.u32 v5, v3;
	v35 =	vand.u32 $0xFFFFFC00, v6;
	v3 =	vshll.u32 v2, $0x2  }
0x3c0: {  	v22 =	vld [tilespmem:s19+$0xFFFFFFF0];
	v9 =	vor.u32 $0x80, v34;
	v5 =	vshll.u32 v10, $0x2;
	v3 =	vand.u32 $0xFFFFFE00, v3  }
0x3c1: {  	v28 =	vor.u32 $0x80, v31;
	v26 =	vld [tilespmem:s19+$0xFFFFFFE0];
	v6 =	vshll.u32 v14, $0x2;
	v12 =	vand.u32 $0xFFFFFE00, v5  }
0x3c2: {  	s21 =	sand.u32 $0x1FE0, s21;
	v30 =	vld [tilespmem:s19+$0xFFFFFFD0];
	v16 =	vand.u32 $0xFFFFFE00, v6  }
0x3c3: {  	v24 =	vunpack.i.l.bf16.f32 v8;
	v6 =	vld [tilespmem:s21+$0x1DA80];
	v20 =	vshll.u32 v18, $0x2  }
0x3c4: {  	v8 =	vunpack.i.u.bf16.f32 v8;
	v5 =	vld [tilespmem:s21+$0x1EA80];
	v36 =	vshll.u32 v33, $0x2;
	v20 =	vand.u32 $0xFFFFFE00, v20  }
0x3c5: {  	[tilespmem:v34+s12+$0x0] =	vst.idx.add.f32.msk $0xffff, v24;
	v36 =	vand.u32 $0xFFFFFE00, v36;
	v24 =	vshll.u32 v22, $0x2  }
0x3c6: {  	[tilespmem:v9+s12+$0x0] =	vst.idx.add.f32.msk $0xffff, v8;
	v8 =	vshll.u32 v26, $0x2;
	v24 =	vand.u32 $0xFFFFFE00, v24  }
0x3c7: {  	v37 =	vld.idx.msk [tilespmem:v28+s2+$0x0], $0xffff;
	v9 =	vshll.u32 v30, $0x2;
	v28 =	vand.u32 $0xFFFFFE00, v8  }
0x3c8: {  	v38 =	vor.u32 $0x100, v34;
	v39 =	vand.u32 $0xFFFFFE00, v9;
	v8 =	vshll.u32 v6, $0x2  }
0x3c9: {  	v40 =	vor.u32 $0x180, v34;
	v9 =	vand.u32 $0xFFFFFE00, v8;
	v8 =	vshll.u32 v5, $0x3  }
0x3ca: {  	v41 =	vor.u32 $0x100, v31;
	v8 =	vand.u32 $0xFFFFFC00, v8;
	_ =	sdelay $0x2  }
0x3cb: {  	v42 =	vunpack.i.u.bf16.f32 v37;
	v37 =	vunpack.i.l.bf16.f32 v37  }
0x3cc: {  	[tilespmem:v38+s12+$0x0] =	vst.idx.add.f32.msk $0xffff, v37  }
0x3cd: {  	[tilespmem:v40+s12+$0x0] =	vst.idx.add.f32.msk $0xffff, v42  }
0x3ce: {  	v37 =	vld.idx.msk [tilespmem:v41+s2+$0x0], $0xffff  }
0x3cf: {  	v38 =	vor.u32 $0x200, v34  }
0x3d0: {  	v40 =	vor.u32 $0x280, v34  }
0x3d1: {  	v31 =	vor.u32 $0x180, v31;
	_ =	sdelay $0x2  }
0x3d2: {  	v41 =	vunpack.i.u.bf16.f32 v37;
	v37 =	vunpack.i.l.bf16.f32 v37  }
0x3d3: {  	[tilespmem:v38+s12+$0x0] =	vst.idx.add.f32.msk $0xffff, v37  }
0x3d4: {  	[tilespmem:v40+s12+$0x0] =	vst.idx.add.f32.msk $0xffff, v41  }
0x3d5: {  	v31 =	vld.idx.msk [tilespmem:v31+s2+$0x0], $0xffff  }
0x3d6: {  	v37 =	vor.u32 $0x300, v34  }
0x3d7: {  	v33 =	vand.u32 $0x7F, v33;
	v34 =	vor.u32 $0x380, v34  }
0x3d8: {  	v33 =	vor.u32 v33, v36;
	_ =	sdelay $0x2  }
0x3d9: {  	v36 =	vunpack.i.u.bf16.f32 v31;
	v31 =	vunpack.i.l.bf16.f32 v31  }
0x3da: {  	[tilespmem:v37+s12+$0x0] =	vst.idx.add.f32.msk $0xffff, v31  }
0x3db: {  	[tilespmem:v34+s12+$0x0] =	vst.idx.add.f32.msk $0xffff, v36  }
0x3dc: {  	v32 =	vand.u32 $0x7F, v32;
	v31 =	vld.idx.msk [tilespmem:v33+s2+$0x0], $0xffff  }
0x3dd: {  	v32 =	vor.u32 v32, v35  }
0x3de: {  	v34 =	vor.u32 $0x80, v32  }
0x3df: {  	v35 =	vor.u32 $0x80, v33;
	_ =	sdelay $0x2  }
0x3e0: {  	v36 =	vunpack.i.u.bf16.f32 v31;
	v31 =	vunpack.i.l.bf16.f32 v31  }
0x3e1: {  	[tilespmem:v32+s12+$0x0] =	vst.idx.add.f32.msk $0xffff, v31  }
0x3e2: {  	[tilespmem:v34+s12+$0x0] =	vst.idx.add.f32.msk $0xffff, v36  }
0x3e3: {  	v31 =	vld.idx.msk [tilespmem:v35+s2+$0x0], $0xffff  }
0x3e4: {  	v34 =	vor.u32 $0x100, v32  }
0x3e5: {  	v35 =	vor.u32 $0x180, v32  }
0x3e6: {  	v36 =	vor.u32 $0x100, v33;
	_ =	sdelay $0x2  }
0x3e7: {  	v37 =	vunpack.i.u.bf16.f32 v31;
	v31 =	vunpack.i.l.bf16.f32 v31  }
0x3e8: {  	[tilespmem:v34+s12+$0x0] =	vst.idx.add.f32.msk $0xffff, v31  }
0x3e9: {  	[tilespmem:v35+s12+$0x0] =	vst.idx.add.f32.msk $0xffff, v37  }
0x3ea: {  	v31 =	vld.idx.msk [tilespmem:v36+s2+$0x0], $0xffff  }
0x3eb: {  	v34 =	vor.u32 $0x200, v32  }
0x3ec: {  	v35 =	vor.u32 $0x280, v32  }
0x3ed: {  	v33 =	vor.u32 $0x180, v33;
	_ =	sdelay $0x2  }
0x3ee: {  	v36 =	vunpack.i.u.bf16.f32 v31;
	v31 =	vunpack.i.l.bf16.f32 v31  }
0x3ef: {  	[tilespmem:v34+s12+$0x0] =	vst.idx.add.f32.msk $0xffff, v31  }
0x3f0: {  	[tilespmem:v35+s12+$0x0] =	vst.idx.add.f32.msk $0xffff, v36  }
0x3f1: {  	v31 =	vld.idx.msk [tilespmem:v33+s2+$0x0], $0xffff  }
0x3f2: {  	v33 =	vor.u32 $0x300, v32  }
0x3f3: {  	v30 =	vand.u32 $0x7F, v30;
	v32 =	vor.u32 $0x380, v32  }
0x3f4: {  	v30 =	vor.u32 v30, v39;
	_ =	sdelay $0x2  }
0x3f5: {  	v34 =	vunpack.i.u.bf16.f32 v31;
	v31 =	vunpack.i.l.bf16.f32 v31  }
0x3f6: {  	[tilespmem:v33+s12+$0x0] =	vst.idx.add.f32.msk $0xffff, v31  }
0x3f7: {  	[tilespmem:v32+s12+$0x0] =	vst.idx.add.f32.msk $0xffff, v34  }
0x3f8: {  	v27 =	vand.u32 $0x7F, v27;
	v31 =	vld.idx.msk [tilespmem:v30+s2+$0x0], $0xffff  }
0x3f9: {  	v27 =	vor.u32 v27, v29  }
0x3fa: {  	v29 =	vor.u32 $0x80, v27  }
0x3fb: {  	v32 =	vor.u32 $0x80, v30;
	_ =	sdelay $0x2  }
0x3fc: {  	v33 =	vunpack.i.u.bf16.f32 v31;
	v31 =	vunpack.i.l.bf16.f32 v31  }
0x3fd: {  	[tilespmem:v27+s12+$0x0] =	vst.idx.add.f32.msk $0xffff, v31  }
0x3fe: {  	[tilespmem:v29+s12+$0x0] =	vst.idx.add.f32.msk $0xffff, v33  }
0x3ff: {  	v29 =	vld.idx.msk [tilespmem:v32+s2+$0x0], $0xffff  }
0x400: {  	v31 =	vor.u32 $0x100, v27  }
0x401: {  	v32 =	vor.u32 $0x180, v27  }
0x402: {  	v33 =	vor.u32 $0x100, v30;
	_ =	sdelay $0x2  }
0x403: {  	v34 =	vunpack.i.u.bf16.f32 v29;
	v29 =	vunpack.i.l.bf16.f32 v29  }
0x404: {  	[tilespmem:v31+s12+$0x0] =	vst.idx.add.f32.msk $0xffff, v29  }
0x405: {  	[tilespmem:v32+s12+$0x0] =	vst.idx.add.f32.msk $0xffff, v34  }
0x406: {  	v29 =	vld.idx.msk [tilespmem:v33+s2+$0x0], $0xffff  }
0x407: {  	v31 =	vor.u32 $0x200, v27  }
0x408: {  	v32 =	vor.u32 $0x280, v27  }
0x409: {  	v30 =	vor.u32 $0x180, v30;
	_ =	sdelay $0x2  }
0x40a: {  	v33 =	vunpack.i.u.bf16.f32 v29;
	v29 =	vunpack.i.l.bf16.f32 v29  }
0x40b: {  	[tilespmem:v31+s12+$0x0] =	vst.idx.add.f32.msk $0xffff, v29  }
0x40c: {  	[tilespmem:v32+s12+$0x0] =	vst.idx.add.f32.msk $0xffff, v33  }
0x40d: {  	v29 =	vld.idx.msk [tilespmem:v30+s2+$0x0], $0xffff  }
0x40e: {  	v30 =	vor.u32 $0x300, v27  }
0x40f: {  	v26 =	vand.u32 $0x7F, v26;
	v27 =	vor.u32 $0x380, v27  }
0x410: {  	v26 =	vor.u32 v26, v28;
	_ =	sdelay $0x2  }
0x411: {  	v28 =	vunpack.i.u.bf16.f32 v29;
	v29 =	vunpack.i.l.bf16.f32 v29  }
0x412: {  	[tilespmem:v30+s12+$0x0] =	vst.idx.add.f32.msk $0xffff, v29  }
0x413: {  	[tilespmem:v27+s12+$0x0] =	vst.idx.add.f32.msk $0xffff, v28  }
0x414: {  	v23 =	vand.u32 $0x7F, v23;
	v27 =	vld.idx.msk [tilespmem:v26+s2+$0x0], $0xffff  }
0x415: {  	v23 =	vor.u32 v23, v25  }
0x416: {  	v25 =	vor.u32 $0x80, v23  }
0x417: {  	v28 =	vor.u32 $0x80, v26;
	_ =	sdelay $0x2  }
0x418: {  	v29 =	vunpack.i.u.bf16.f32 v27;
	v27 =	vunpack.i.l.bf16.f32 v27  }
0x419: {  	[tilespmem:v23+s12+$0x0] =	vst.idx.add.f32.msk $0xffff, v27  }
0x41a: {  	[tilespmem:v25+s12+$0x0] =	vst.idx.add.f32.msk $0xffff, v29  }
0x41b: {  	v25 =	vld.idx.msk [tilespmem:v28+s2+$0x0], $0xffff  }
0x41c: {  	v27 =	vor.u32 $0x100, v23  }
0x41d: {  	v28 =	vor.u32 $0x180, v23  }
0x41e: {  	v29 =	vor.u32 $0x100, v26;
	_ =	sdelay $0x2  }
0x41f: {  	v30 =	vunpack.i.u.bf16.f32 v25;
	v25 =	vunpack.i.l.bf16.f32 v25  }
0x420: {  	[tilespmem:v27+s12+$0x0] =	vst.idx.add.f32.msk $0xffff, v25  }
0x421: {  	[tilespmem:v28+s12+$0x0] =	vst.idx.add.f32.msk $0xffff, v30  }
0x422: {  	v25 =	vld.idx.msk [tilespmem:v29+s2+$0x0], $0xffff  }
0x423: {  	v27 =	vor.u32 $0x200, v23  }
0x424: {  	v28 =	vor.u32 $0x280, v23  }
0x425: {  	v26 =	vor.u32 $0x180, v26;
	_ =	sdelay $0x2  }
0x426: {  	v29 =	vunpack.i.u.bf16.f32 v25;
	v25 =	vunpack.i.l.bf16.f32 v25  }
0x427: {  	[tilespmem:v27+s12+$0x0] =	vst.idx.add.f32.msk $0xffff, v25  }
0x428: {  	[tilespmem:v28+s12+$0x0] =	vst.idx.add.f32.msk $0xffff, v29  }
0x429: {  	v25 =	vld.idx.msk [tilespmem:v26+s2+$0x0], $0xffff  }
0x42a: {  	v26 =	vor.u32 $0x300, v23  }
0x42b: {  	v22 =	vand.u32 $0x7F, v22;
	v23 =	vor.u32 $0x380, v23  }
0x42c: {  	v22 =	vor.u32 v22, v24;
	_ =	sdelay $0x2  }
0x42d: {  	v24 =	vunpack.i.u.bf16.f32 v25;
	v25 =	vunpack.i.l.bf16.f32 v25  }
0x42e: {  	[tilespmem:v26+s12+$0x0] =	vst.idx.add.f32.msk $0xffff, v25  }
0x42f: {  	[tilespmem:v23+s12+$0x0] =	vst.idx.add.f32.msk $0xffff, v24  }
0x430: {  	v19 =	vand.u32 $0x7F, v19;
	v23 =	vld.idx.msk [tilespmem:v22+s2+$0x0], $0xffff  }
0x431: {  	v19 =	vor.u32 v19, v21  }
0x432: {  	v21 =	vor.u32 $0x80, v19  }
0x433: {  	v24 =	vor.u32 $0x80, v22;
	_ =	sdelay $0x2  }
0x434: {  	v25 =	vunpack.i.u.bf16.f32 v23;
	v23 =	vunpack.i.l.bf16.f32 v23  }
0x435: {  	[tilespmem:v19+s12+$0x0] =	vst.idx.add.f32.msk $0xffff, v23  }
0x436: {  	[tilespmem:v21+s12+$0x0] =	vst.idx.add.f32.msk $0xffff, v25  }
0x437: {  	v21 =	vld.idx.msk [tilespmem:v24+s2+$0x0], $0xffff  }
0x438: {  	v23 =	vor.u32 $0x100, v19  }
0x439: {  	v24 =	vor.u32 $0x180, v19  }
0x43a: {  	v25 =	vor.u32 $0x100, v22;
	_ =	sdelay $0x2  }
0x43b: {  	v26 =	vunpack.i.u.bf16.f32 v21;
	v21 =	vunpack.i.l.bf16.f32 v21  }
0x43c: {  	[tilespmem:v23+s12+$0x0] =	vst.idx.add.f32.msk $0xffff, v21  }
0x43d: {  	[tilespmem:v24+s12+$0x0] =	vst.idx.add.f32.msk $0xffff, v26  }
0x43e: {  	v21 =	vld.idx.msk [tilespmem:v25+s2+$0x0], $0xffff  }
0x43f: {  	v23 =	vor.u32 $0x200, v19  }
0x440: {  	v24 =	vor.u32 $0x280, v19  }
0x441: {  	v22 =	vor.u32 $0x180, v22;
	_ =	sdelay $0x2  }
0x442: {  	v25 =	vunpack.i.u.bf16.f32 v21;
	v21 =	vunpack.i.l.bf16.f32 v21  }
0x443: {  	[tilespmem:v23+s12+$0x0] =	vst.idx.add.f32.msk $0xffff, v21  }
0x444: {  	[tilespmem:v24+s12+$0x0] =	vst.idx.add.f32.msk $0xffff, v25  }
0x445: {  	v21 =	vld.idx.msk [tilespmem:v22+s2+$0x0], $0xffff  }
0x446: {  	v22 =	vor.u32 $0x300, v19  }
0x447: {  	v18 =	vand.u32 $0x7F, v18;
	v19 =	vor.u32 $0x380, v19  }
0x448: {  	v18 =	vor.u32 v18, v20;
	_ =	sdelay $0x2  }
0x449: {  	v20 =	vunpack.i.u.bf16.f32 v21;
	v21 =	vunpack.i.l.bf16.f32 v21  }
0x44a: {  	[tilespmem:v22+s12+$0x0] =	vst.idx.add.f32.msk $0xffff, v21  }
0x44b: {  	[tilespmem:v19+s12+$0x0] =	vst.idx.add.f32.msk $0xffff, v20  }
0x44c: {  	v15 =	vand.u32 $0x7F, v15;
	v19 =	vld.idx.msk [tilespmem:v18+s2+$0x0], $0xffff  }
0x44d: {  	v15 =	vor.u32 v15, v17  }
0x44e: {  	v17 =	vor.u32 $0x80, v15  }
0x44f: {  	v20 =	vor.u32 $0x80, v18;
	_ =	sdelay $0x2  }
0x450: {  	v21 =	vunpack.i.u.bf16.f32 v19;
	v19 =	vunpack.i.l.bf16.f32 v19  }
0x451: {  	[tilespmem:v15+s12+$0x0] =	vst.idx.add.f32.msk $0xffff, v19  }
0x452: {  	[tilespmem:v17+s12+$0x0] =	vst.idx.add.f32.msk $0xffff, v21  }
0x453: {  	v17 =	vld.idx.msk [tilespmem:v20+s2+$0x0], $0xffff  }
0x454: {  	v19 =	vor.u32 $0x100, v15  }
0x455: {  	v20 =	vor.u32 $0x180, v15  }
0x456: {  	v21 =	vor.u32 $0x100, v18;
	_ =	sdelay $0x2  }
0x457: {  	v22 =	vunpack.i.u.bf16.f32 v17;
	v17 =	vunpack.i.l.bf16.f32 v17  }
0x458: {  	[tilespmem:v19+s12+$0x0] =	vst.idx.add.f32.msk $0xffff, v17  }
0x459: {  	[tilespmem:v20+s12+$0x0] =	vst.idx.add.f32.msk $0xffff, v22  }
0x45a: {  	v17 =	vld.idx.msk [tilespmem:v21+s2+$0x0], $0xffff  }
0x45b: {  	v19 =	vor.u32 $0x200, v15  }
0x45c: {  	v20 =	vor.u32 $0x280, v15  }
0x45d: {  	v18 =	vor.u32 $0x180, v18;
	_ =	sdelay $0x2  }
0x45e: {  	v21 =	vunpack.i.u.bf16.f32 v17;
	v17 =	vunpack.i.l.bf16.f32 v17  }
0x45f: {  	[tilespmem:v19+s12+$0x0] =	vst.idx.add.f32.msk $0xffff, v17  }
0x460: {  	[tilespmem:v20+s12+$0x0] =	vst.idx.add.f32.msk $0xffff, v21  }
0x461: {  	v17 =	vld.idx.msk [tilespmem:v18+s2+$0x0], $0xffff  }
0x462: {  	v18 =	vor.u32 $0x300, v15  }
0x463: {  	v14 =	vand.u32 $0x7F, v14;
	v15 =	vor.u32 $0x380, v15  }
0x464: {  	v14 =	vor.u32 v14, v16;
	_ =	sdelay $0x2  }
0x465: {  	v16 =	vunpack.i.u.bf16.f32 v17;
	v17 =	vunpack.i.l.bf16.f32 v17  }
0x466: {  	[tilespmem:v18+s12+$0x0] =	vst.idx.add.f32.msk $0xffff, v17  }
0x467: {  	[tilespmem:v15+s12+$0x0] =	vst.idx.add.f32.msk $0xffff, v16  }
0x468: {  	v11 =	vand.u32 $0x7F, v11;
	v15 =	vld.idx.msk [tilespmem:v14+s2+$0x0], $0xffff  }
0x469: {  	v11 =	vor.u32 v11, v13  }
0x46a: {  	v13 =	vor.u32 $0x80, v11  }
0x46b: {  	v16 =	vor.u32 $0x80, v14;
	_ =	sdelay $0x2  }
0x46c: {  	v17 =	vunpack.i.u.bf16.f32 v15;
	v15 =	vunpack.i.l.bf16.f32 v15  }
0x46d: {  	[tilespmem:v11+s12+$0x0] =	vst.idx.add.f32.msk $0xffff, v15  }
0x46e: {  	[tilespmem:v13+s12+$0x0] =	vst.idx.add.f32.msk $0xffff, v17  }
0x46f: {  	v13 =	vld.idx.msk [tilespmem:v16+s2+$0x0], $0xffff  }
0x470: {  	v15 =	vor.u32 $0x100, v11  }
0x471: {  	v16 =	vor.u32 $0x180, v11  }
0x472: {  	v17 =	vor.u32 $0x100, v14;
	_ =	sdelay $0x2  }
0x473: {  	v18 =	vunpack.i.u.bf16.f32 v13;
	v13 =	vunpack.i.l.bf16.f32 v13  }
0x474: {  	[tilespmem:v15+s12+$0x0] =	vst.idx.add.f32.msk $0xffff, v13  }
0x475: {  	[tilespmem:v16+s12+$0x0] =	vst.idx.add.f32.msk $0xffff, v18  }
0x476: {  	v13 =	vld.idx.msk [tilespmem:v17+s2+$0x0], $0xffff  }
0x477: {  	v15 =	vor.u32 $0x200, v11  }
0x478: {  	v16 =	vor.u32 $0x280, v11  }
0x479: {  	v14 =	vor.u32 $0x180, v14;
	_ =	sdelay $0x2  }
0x47a: {  	v17 =	vunpack.i.u.bf16.f32 v13;
	v13 =	vunpack.i.l.bf16.f32 v13  }
0x47b: {  	[tilespmem:v15+s12+$0x0] =	vst.idx.add.f32.msk $0xffff, v13  }
0x47c: {  	[tilespmem:v16+s12+$0x0] =	vst.idx.add.f32.msk $0xffff, v17  }
0x47d: {  	v13 =	vld.idx.msk [tilespmem:v14+s2+$0x0], $0xffff  }
0x47e: {  	v14 =	vor.u32 $0x300, v11  }
0x47f: {  	v10 =	vand.u32 $0x7F, v10;
	v11 =	vor.u32 $0x380, v11  }
0x480: {  	v10 =	vor.u32 v10, v12;
	_ =	sdelay $0x2  }
0x481: {  	v12 =	vunpack.i.u.bf16.f32 v13;
	v13 =	vunpack.i.l.bf16.f32 v13  }
0x482: {  	[tilespmem:v14+s12+$0x0] =	vst.idx.add.f32.msk $0xffff, v13  }
0x483: {  	[tilespmem:v11+s12+$0x0] =	vst.idx.add.f32.msk $0xffff, v12  }
0x484: {  	v4 =	vand.u32 $0x7F, v4;
	v11 =	vld.idx.msk [tilespmem:v10+s2+$0x0], $0xffff  }
0x485: {  	v4 =	vor.u32 v4, v7  }
0x486: {  	v7 =	vor.u32 $0x80, v4  }
0x487: {  	v12 =	vor.u32 $0x80, v10;
	_ =	sdelay $0x2  }
0x488: {  	v13 =	vunpack.i.u.bf16.f32 v11;
	v11 =	vunpack.i.l.bf16.f32 v11  }
0x489: {  	[tilespmem:v4+s12+$0x0] =	vst.idx.add.f32.msk $0xffff, v11  }
0x48a: {  	[tilespmem:v7+s12+$0x0] =	vst.idx.add.f32.msk $0xffff, v13  }
0x48b: {  	v7 =	vld.idx.msk [tilespmem:v12+s2+$0x0], $0xffff  }
0x48c: {  	v11 =	vor.u32 $0x100, v4  }
0x48d: {  	v12 =	vor.u32 $0x180, v4  }
0x48e: {  	v13 =	vor.u32 $0x100, v10;
	_ =	sdelay $0x2  }
0x48f: {  	v14 =	vunpack.i.u.bf16.f32 v7;
	v7 =	vunpack.i.l.bf16.f32 v7  }
0x490: {  	[tilespmem:v11+s12+$0x0] =	vst.idx.add.f32.msk $0xffff, v7  }
0x491: {  	[tilespmem:v12+s12+$0x0] =	vst.idx.add.f32.msk $0xffff, v14  }
0x492: {  	v7 =	vld.idx.msk [tilespmem:v13+s2+$0x0], $0xffff  }
0x493: {  	v11 =	vor.u32 $0x200, v4  }
0x494: {  	v12 =	vor.u32 $0x280, v4  }
0x495: {  	v10 =	vor.u32 $0x180, v10;
	_ =	sdelay $0x2  }
0x496: {  	v13 =	vunpack.i.u.bf16.f32 v7;
	v7 =	vunpack.i.l.bf16.f32 v7  }
0x497: {  	[tilespmem:v11+s12+$0x0] =	vst.idx.add.f32.msk $0xffff, v7  }
0x498: {  	[tilespmem:v12+s12+$0x0] =	vst.idx.add.f32.msk $0xffff, v13  }
0x499: {  	v7 =	vld.idx.msk [tilespmem:v10+s2+$0x0], $0xffff  }
0x49a: {  	v10 =	vor.u32 $0x300, v4  }
0x49b: {  	v6 =	vand.u32 $0x7F, v6;
	v4 =	vor.u32 $0x380, v4  }
0x49c: {  	v6 =	vor.u32 v6, v9;
	_ =	sdelay $0x2  }
0x49d: {  	v9 =	vunpack.i.u.bf16.f32 v7;
	v7 =	vunpack.i.l.bf16.f32 v7  }
0x49e: {  	[tilespmem:v10+s12+$0x0] =	vst.idx.add.f32.msk $0xffff, v7  }
0x49f: {  	[tilespmem:v4+s12+$0x0] =	vst.idx.add.f32.msk $0xffff, v9  }
0x4a0: {  	v5 =	vand.u32 $0x7F, v5;
	v4 =	vld.idx.msk [tilespmem:v6+s2+$0x0], $0xffff  }
0x4a1: {  	v5 =	vor.u32 v5, v8  }
0x4a2: {  	v7 =	vor.u32 $0x80, v5  }
0x4a3: {  	v8 =	vor.u32 $0x80, v6;
	_ =	sdelay $0x2  }
0x4a4: {  	v9 =	vunpack.i.u.bf16.f32 v4;
	v4 =	vunpack.i.l.bf16.f32 v4  }
0x4a5: {  	[tilespmem:v5+s12+$0x0] =	vst.idx.add.f32.msk $0xffff, v4  }
0x4a6: {  	[tilespmem:v7+s12+$0x0] =	vst.idx.add.f32.msk $0xffff, v9  }
0x4a7: {  	v4 =	vld.idx.msk [tilespmem:v8+s2+$0x0], $0xffff  }
0x4a8: {  	v7 =	vor.u32 $0x100, v5  }
0x4a9: {  	v8 =	vor.u32 $0x180, v5  }
0x4aa: {  	v9 =	vor.u32 $0x100, v6;
	_ =	sdelay $0x2  }
0x4ab: {  	v10 =	vunpack.i.u.bf16.f32 v4;
	v4 =	vunpack.i.l.bf16.f32 v4  }
0x4ac: {  	[tilespmem:v7+s12+$0x0] =	vst.idx.add.f32.msk $0xffff, v4  }
0x4ad: {  	[tilespmem:v8+s12+$0x0] =	vst.idx.add.f32.msk $0xffff, v10  }
0x4ae: {  	v4 =	vld.idx.msk [tilespmem:v9+s2+$0x0], $0xffff  }
0x4af: {  	v7 =	vor.u32 $0x200, v5  }
0x4b0: {  	v8 =	vor.u32 $0x280, v5  }
0x4b1: {  	v6 =	vor.u32 $0x180, v6;
	_ =	sdelay $0x2  }
0x4b2: {  	v9 =	vunpack.i.u.bf16.f32 v4;
	v4 =	vunpack.i.l.bf16.f32 v4  }
0x4b3: {  	[tilespmem:v7+s12+$0x0] =	vst.idx.add.f32.msk $0xffff, v4  }
0x4b4: {  	[tilespmem:v8+s12+$0x0] =	vst.idx.add.f32.msk $0xffff, v9  }
0x4b5: {  	v4 =	vld.idx.msk [tilespmem:v6+s2+$0x0], $0xffff  }
0x4b6: {  	v6 =	vor.u32 $0x300, v5  }
0x4b7: {  	v2 =	vand.u32 $0x7F, v2;
	v5 =	vor.u32 $0x380, v5  }
0x4b8: {  	v2 =	vor.u32 v2, v3;
	_ =	sdelay $0x2  }
0x4b9: {  	v3 =	vunpack.i.u.bf16.f32 v4;
	v4 =	vunpack.i.l.bf16.f32 v4  }
0x4ba: {  	[tilespmem:v6+s12+$0x0] =	vst.idx.add.f32.msk $0xffff, v4  }
0x4bb: {  	[tilespmem:v5+s12+$0x0] =	vst.idx.add.f32.msk $0xffff, v3  }
0x4bc: {  	v0 =	vand.u32 $0x7F, v0;
	v3 =	vld.idx.msk [tilespmem:v2+s2+$0x0], $0xffff  }
0x4bd: {  	v0 =	vor.u32 v0, v1  }
0x4be: {  	v1 =	vor.u32 $0x80, v0  }
0x4bf: {  	v4 =	vor.u32 $0x80, v2;
	_ =	sdelay $0x2  }
0x4c0: {  	v5 =	vunpack.i.u.bf16.f32 v3;
	v3 =	vunpack.i.l.bf16.f32 v3  }
0x4c1: {  	[tilespmem:v0+s12+$0x0] =	vst.idx.add.f32.msk $0xffff, v3  }
0x4c2: {  	[tilespmem:v1+s12+$0x0] =	vst.idx.add.f32.msk $0xffff, v5  }
0x4c3: {  	v1 =	vld.idx.msk [tilespmem:v4+s2+$0x0], $0xffff  }
0x4c4: {  	v3 =	vor.u32 $0x100, v0  }
0x4c5: {  	v4 =	vor.u32 $0x180, v0  }
0x4c6: {  	v5 =	vor.u32 $0x100, v2;
	_ =	sdelay $0x2  }
0x4c7: {  	v6 =	vunpack.i.u.bf16.f32 v1;
	v1 =	vunpack.i.l.bf16.f32 v1  }
0x4c8: {  	[tilespmem:v3+s12+$0x0] =	vst.idx.add.f32.msk $0xffff, v1  }
0x4c9: {  	[tilespmem:v4+s12+$0x0] =	vst.idx.add.f32.msk $0xffff, v6  }
0x4ca: {  	v1 =	vld.idx.msk [tilespmem:v5+s2+$0x0], $0xffff  }
0x4cb: {  	v3 =	vor.u32 $0x200, v0  }
0x4cc: {  	v4 =	vor.u32 $0x280, v0  }
0x4cd: {  	v2 =	vor.u32 $0x180, v2;
	_ =	sdelay $0x2  }
0x4ce: {  	v5 =	vunpack.i.u.bf16.f32 v1;
	v1 =	vunpack.i.l.bf16.f32 v1  }
0x4cf: {  	[tilespmem:v3+s12+$0x0] =	vst.idx.add.f32.msk $0xffff, v1  }
0x4d0: {  	[tilespmem:v4+s12+$0x0] =	vst.idx.add.f32.msk $0xffff, v5  }
0x4d1: {  	v3 =	vld.idx.msk [tilespmem:v2+s2+$0x0], $0xffff  }
0x4d2: {  	v1 =	vor.u32 $0x300, v0  }
.Ltmp2:
0x4d3: {  	v0 =	vor.u32 $0x380, v0;
	(pc) =	sbr.rel @p0 .LBB2_7-.Ltmp2, $2  }
0x4d4: {  	_ =	sdelay $0x2  }
0x4d5: {  	v2 =	vunpack.i.u.bf16.f32 v3;
	v3 =	vunpack.i.l.bf16.f32 v3  }
0x4d6: {  	s17 =	sadd.s32 $0x1, s17  }
0x4d7: {  	p0 =	sne.s32 s17, $0x28  }
.Ltmp3:
0x4d8: {  	_ = 	snop;
	(pc) =	sbr.rel @p0 .LBB2_6-.Ltmp3, $3  }
0x4d9: {  	_ =	sdelay $0x1  }
0x4da: {  	[tilespmem:v1+s12+$0x0] =	vst.idx.add.f32.msk $0xffff, v3  }
0x4db: {  	[tilespmem:v0+s12+$0x0] =	vst.idx.add.f32.msk $0xffff, v2  }
0x4dc: {  	s15 =	sadd.s32 $0x1, s15  }
0x4dd: {  	p0 =	sne.s32 s15, s10  }
.Ltmp4:
0x4de: {  	_ = 	snop;
	(pc) =	sbr.rel @p0 .LBB2_1-.Ltmp4, $4  }
0x4df: {  	[hbm4b:s9+s2] =	stream.linear.scatter [tilespmem:s12], [sflag:$0x1], $0x13C00, $0x38;
	[tilespmem:$0x1FA00] =	vst v63  }
0x4e0: {  	_ =	swait.ge [sflag:s11], $0x13C00  }
0x4e1: {  	[sflag:s11] =	ssyncset.done $0x0  }
0x4e2: {  	[sflag:s11] =	ssyncadd.s32 $0xFFFEC400  }
0x4e3: {  	_ =	sfence.sel $0x180000  }
0x4e4: {  	[bflag:$0x0] =	sbarrier.arrive $0xFFFF  }
0x4e5: {  	p0 =	sne.s32 s1, $0x0;
	_ =	strace $0x9000004D  }
0x4e6: {  	s0 =	sadd.s32 @!p0 $0x100000, s0;
	[bflag:$0x2] =	sbarrier.arrive $0xFFFF  }
0x4e7: {  	[sflag:s0] =	ssyncadd.tile.s32 @!p0 $0x1;
	_ =	shalt  }
.Lfunc_end2:
_tile_overlayer_lowered:
.L_overlay_start_2:
0x4e8: {  	(tag) =	ssettag $0x2  }
0x4e9: {  	s0 =	rddreg [dreg:$0x0];
	s2 =	stileid.u32  }
0x4ea: {  	s1 =	rddreg [dreg:$0x1];
	p0 =	sne.s32 s2, $0x0  }
0x4eb: {  	s3 =	rddreg [dreg:$0x2];
	[bflag:$0x3] =	sbarrier.arrive $0xFFFF;
	s2 =	simm.s32 @!p0 $0x1C01  }
0x4ec: {  	[timem:s3], [sflag:s2] =	dma.local @!p0 [hbm:s0], s1  }
0x4ed: {  	s0 =	simm.s32 @!p0 $0x1  }
0x4ee: {  	_ =	swait.ge @!p0 [sflag:s0], s1  }
0x4ef: {  	s1 =	ssub.s32 @!p0 $0x0, s1;
	[sflag:s0] =	ssyncset.done @!p0 $0x0  }
0x4f0: {  	[sflag:s0] =	ssyncadd.s32 @!p0 s1  }
0x4f1: {  	[bflag:$0x3] =	sbarrier.arrive $0xFFFF  }
0x4f2: {  	_ =	shalt  }

</sc_bundles>
